<compile_context>
chip_gen: v7x
topology: tpu7x:2x2x1
jax: 0.10.2.dev20260603
libtpu: 0.0.44.dev20260713+nightly
codegen_flags: <defaults>
</compile_context>

<pallas_src>
import functools

import jax
import jax.numpy as jnp
from jax import lax
from jax.experimental import pallas as pl
from jax.experimental.pallas import tpu as pltpu
from jax.experimental.pallas import tpu_sc as plsc

N = 10000
E = 320000
D = 128
D2 = 2 * D

NC = 2
NS = 16
NW = NC * NS
C = 128
NCH = 80
EPT = NCH * C
EP = NW * EPT
NP = 10240
RPT = NP // NS

BN = 400

_mesh = plsc.VectorSubcoreMesh(core_axis_name="c", subcore_axis_name="s")


@functools.partial(
    pl.kernel,
    mesh=_mesh,
    out_type=jax.ShapeDtypeStruct((NC * NP,), jnp.float32),
    scratch_types=[
        pltpu.VMEM((NCH, C), jnp.int32),
        pltpu.VMEM((C,), jnp.float32),
        pltpu.VMEM((RPT,), jnp.float32),
        pltpu.VMEM_SHARED((NP,), jnp.float32),
        pltpu.SemaphoreType.DMA,
    ],
)
def _deg_kernel(dst_hbm, out_hbm, didx_v, ones_v, zbuf_v, deg_sh, sem):
    c = lax.axis_index("c")
    s = lax.axis_index("s")
    w = s * NC + c
    for j in range(C // 16):
        ones_v[pl.ds(j * 16, 16)] = jnp.full((16,), 1.0, jnp.float32)
    for j in range(RPT // 16):
        zbuf_v[pl.ds(j * 16, 16)] = jnp.zeros((16,), jnp.float32)
    pltpu.sync_copy(dst_hbm.at[w], didx_v)
    pltpu.sync_copy(zbuf_v, deg_sh.at[pl.ds(s * RPT, RPT)])
    plsc.subcore_barrier()

    for i in range(NCH):
        pltpu.async_copy(ones_v, deg_sh.at[didx_v.at[i]], sem, add=True)
    for i in range(NCH):
        pltpu.make_async_copy(ones_v, deg_sh.at[didx_v.at[i]], sem).wait()
    plsc.subcore_barrier()
    pltpu.sync_copy(deg_sh.at[pl.ds(s * RPT, RPT)],
                    out_hbm.at[pl.ds(c * NP + s * RPT, RPT)])


@functools.partial(
    pl.kernel,
    mesh=_mesh,
    out_type=jax.ShapeDtypeStruct((NC * NP, D), jnp.float32),
    scratch_types=[
        pltpu.VMEM((NCH, C), jnp.int32),
        pltpu.VMEM((NCH, C), jnp.int32),
        pltpu.VMEM((C, D), jnp.float32),
        pltpu.VMEM_SHARED((NP, D), jnp.float32),
        pltpu.SemaphoreType.DMA,
    ],
)
def _edge_kernel(g_hbm, src_hbm, dst_hbm, zeros_hbm, out_hbm,
                 sidx_v, didx_v, rows_v, acc_sh, sem):
    c = lax.axis_index("c")
    s = lax.axis_index("s")
    w = s * NC + c
    pltpu.sync_copy(src_hbm.at[w], sidx_v)
    pltpu.sync_copy(dst_hbm.at[w], didx_v)
    pltpu.sync_copy(zeros_hbm.at[pl.ds(s * RPT, RPT)],
                    acc_sh.at[pl.ds(s * RPT, RPT)])
    plsc.subcore_barrier()

    def body(i, carry):
        pltpu.async_copy(g_hbm.at[sidx_v.at[i]], rows_v, sem).wait()
        pltpu.sync_copy(rows_v, acc_sh.at[didx_v.at[i]], add=True)
        return carry

    lax.fori_loop(0, NCH, body, 0)
    plsc.subcore_barrier()
    pltpu.sync_copy(acc_sh.at[pl.ds(s * RPT, RPT)],
                    out_hbm.at[pl.ds(c * NP + s * RPT, RPT)])


def _dense_body(xp_ref, xn_ref, deg2_ref, w_ref, gamma_ref, beta_ref, g_ref):
    gamma = gamma_ref[...]
    beta = beta_ref[...]

    def ln(x):
        mu = jnp.mean(x, axis=-1, keepdims=True)
        xc = x - mu
        var = jnp.mean(xc * xc, axis=-1, keepdims=True)
        return xc * lax.rsqrt(var + 1e-5) * gamma + beta

    xp = ln(xp_ref[...])
    xn = ln(xn_ref[...])
    h = (jnp.dot(xp, w_ref[:D, :], preferred_element_type=jnp.float32)
         + jnp.dot(xn, w_ref[D:, :], preferred_element_type=jnp.float32))
    d2 = deg2_ref[...]
    deg = d2[:, 0] + d2[:, 1] + 1.0
    dinv = lax.rsqrt(deg)
    g_ref[...] = h * dinv[:, None]


_dense_call = pl.pallas_call(
    _dense_body,
    grid=(N // BN,),
    in_specs=[
        pl.BlockSpec((BN, D), lambda i: (i, 0)),
        pl.BlockSpec((BN, D), lambda i: (i, 0)),
        pl.BlockSpec((BN, 2), lambda i: (i, 0)),
        pl.BlockSpec((D2, D), lambda i: (0, 0)),
        pl.BlockSpec((D,), lambda i: (0,)),
        pl.BlockSpec((D,), lambda i: (0,)),
    ],
    out_specs=pl.BlockSpec((BN, D), lambda i: (i, 0)),
    out_shape=jax.ShapeDtypeStruct((N, D), jnp.float32),
)


def _final_body(acc2_ref, g_ref, deg2_ref, b_ref, out_ref):
    acc = acc2_ref[0] + acc2_ref[1]
    d2 = deg2_ref[...]
    deg = d2[:, 0] + d2[:, 1] + 1.0
    dinv = lax.rsqrt(deg)
    out_ref[...] = (acc + g_ref[...]) * dinv[:, None] + b_ref[...]


_final_call = pl.pallas_call(
    _final_body,
    grid=(N // BN,),
    in_specs=[
        pl.BlockSpec((2, BN, D), lambda i: (0, i, 0)),
        pl.BlockSpec((BN, D), lambda i: (i, 0)),
        pl.BlockSpec((BN, 2), lambda i: (i, 0)),
        pl.BlockSpec((D,), lambda i: (0,)),
    ],
    out_specs=pl.BlockSpec((BN, D), lambda i: (i, 0)),
    out_shape=jax.ShapeDtypeStruct((N, D), jnp.float32),
)


@jax.jit
def kernel(x_prev, x_same, x_next, edge_index, gamma, beta, W, b):
    del x_same
    pad = EP - E
    pad_src = (jnp.arange(pad, dtype=jnp.int32) * 37) % N
    pad_dst = N + (jnp.arange(pad, dtype=jnp.int32) % (NP - N))
    src = jnp.concatenate([edge_index[0], pad_src]).reshape(NW, NCH, C)
    dst = jnp.concatenate([edge_index[1], pad_dst]).reshape(NW, NCH, C)
    degp = _deg_kernel(dst)
    deg2t = degp.reshape(NC, NP)[:, :N].T
    g = _dense_call(x_prev, x_next, deg2t, W, gamma, beta)
    zeros = jnp.zeros((NP, D), jnp.float32)
    accp = _edge_kernel(g, src, dst, zeros)
    acc2 = accp.reshape(NC, NP, D)[:, :N]
    return _final_call(acc2, g, deg2t, b)

# --- scband reference (transcript-rebuilt; emitter-appended) ---
"""Pipeline reference for scband-gnntow-down-forward-layer-12850542149837 (READ-ONLY COPY).

The authoritative reference and input builder live on the scoring server;
editing this copy changes nothing except your own understanding.
"""

import jax, jax.numpy as jnp
import numpy as np

N = 10000
E = 320000
D = 128
DOUT = 128


def layer_norm(x, gamma, beta, eps=1e-5):
    mu = jnp.mean(x, axis=-1, keepdims=True)
    var = jnp.mean((x - mu) ** 2, axis=-1, keepdims=True)
    return (x - mu) / jnp.sqrt(var + eps) * gamma + beta


def setup_inputs(seed: int = 0) -> dict:
    key = jax.random.key(seed)
    ks = jax.random.split(key, 6)
    x_prev = jax.random.normal(ks[0], (N, D), dtype=jnp.float32)
    x_same = jax.random.normal(ks[1], (N, D), dtype=jnp.float32)
    x_next = jax.random.normal(ks[2], (N, D), dtype=jnp.float32)
    edge_index = jax.random.randint(ks[3], (2, E), 0, N, dtype=jnp.int32)
    gamma = jnp.ones((D,), dtype=jnp.float32)
    beta = jnp.zeros((D,), dtype=jnp.float32)
    W = jax.random.normal(ks[4], (2 * D, DOUT), dtype=jnp.float32) * (1.0 / np.sqrt(2 * D))
    b = jnp.zeros((DOUT,), dtype=jnp.float32)
    return {"x_prev": x_prev, "x_same": x_same, "x_next": x_next,
            "edge_index": edge_index, "gamma": gamma, "beta": beta, "W": W, "b": b}


def gcn_conv(x, edge_index, W, b):
    # GCNConv with added self-loops and symmetric degree normalization
    n = x.shape[0]
    loop = jnp.arange(n, dtype=edge_index.dtype)
    src = jnp.concatenate([edge_index[0], loop])
    dst = jnp.concatenate([edge_index[1], loop])
    ones = jnp.ones_like(dst, dtype=x.dtype)
    deg = jax.ops.segment_sum(ones, dst, num_segments=n)
    deg_inv_sqrt = jnp.where(deg > 0, jax.lax.rsqrt(deg), 0.0)
    norm = deg_inv_sqrt[src] * deg_inv_sqrt[dst]
    h = x @ W
    msg = h[src] * norm[:, None]
    out = jnp.zeros((n, h.shape[1]), dtype=h.dtype).at[dst].add(msg)
    return out + b


def reference(x_prev, x_same, x_next, edge_index, gamma, beta, W, b):
    xp = layer_norm(x_prev, gamma, beta)
    xn = layer_norm(x_next, gamma, beta)
    x = jnp.concatenate([xp, xn], axis=1)
    x = jax.lax.stop_gradient(x)  # .detach() in the torch module
    new_x = gcn_conv(x, edge_index, W, b)
    return new_x

if __name__ == "__main__":
    import jax
    _d = setup_inputs()
    print(jax.jit(kernel)(*tuple(_d.values())))

</pallas_src>

<mosaic_0001>
#map = affine_map<(d0, d1) -> (0, 0, 0)>
#map1 = affine_map<(d0, d1) -> (0)>
module attributes {stable_mosaic.version = 14 : i64} {
  func.func @_deg_kernel(%arg0: i32, %arg1: i32, %arg2: memref<32x80x128xi32, #tpu.memory_space<hbm>>, %arg3: memref<20480xf32, #tpu.memory_space<hbm>>, %arg4: memref<80x128xi32, #tpu.memory_space<vmem>>, %arg5: memref<128xf32, #tpu.memory_space<vmem>>, %arg6: memref<640xf32, #tpu.memory_space<vmem>>, %arg7: memref<10240xf32, #tpu.memory_space<vmem_shared>>, %arg8: memref<!tpu.dma_semaphore, #tpu.memory_space<semaphore_mem>>) attributes {dimension_semantics = [#tpu.dimension_semantics<core_parallel>, #tpu.dimension_semantics<subcore_parallel>], iteration_bounds = array<i64: 2, 16>, scalar_prefetch = 0 : i64, scratch_operands = 5 : i64, tpu.core_type = #tpu.core_type<sc_vector_subcore>, window_params = [{transform_indices = #map}, {transform_indices = #map1}]} {
    %mul3A = arith.constant 2 : i32
    %mul3A_0 = arith.muli %arg1, %mul3A : i32
    %add3A = arith.addi %mul3A_0, %arg0 : i32
    %broadcast_in_dim3A = arith.constant 1.000000e+00 : f32
    %broadcast_in_dim3A_1 = vector.broadcast %broadcast_in_dim3A : f32 to vector<16xf32>
    %swap3A = arith.constant 0 : index
    %swap3A_2 = tpu.vector_load %arg5[%swap3A] {strides = array<i32>} : memref<128xf32, #tpu.memory_space<vmem>>, vector<16xf32>,
    %swap3A_3 = vector.shape_cast %swap3A_2 : vector<16xf32> to vector<16xf32>
    %swap3A_4 = vector.shape_cast %broadcast_in_dim3A_1 : vector<16xf32> to vector<16xf32>
    tpu.vector_store %arg5[%swap3A], %swap3A_4 {strides = array<i32>} : memref<128xf32, #tpu.memory_space<vmem>>, vector<16xf32>,
    %broadcast_in_dim3A_5 = arith.constant 1.000000e+00 : f32
    %broadcast_in_dim3A_6 = vector.broadcast %broadcast_in_dim3A_5 : f32 to vector<16xf32>
    %swap3A_7 = arith.constant 16 : index
    %swap3A_8 = tpu.vector_load %arg5[%swap3A_7] {strides = array<i32>} : memref<128xf32, #tpu.memory_space<vmem>>, vector<16xf32>,
    %swap3A_9 = vector.shape_cast %swap3A_8 : vector<16xf32> to vector<16xf32>
    %swap3A_10 = vector.shape_cast %broadcast_in_dim3A_6 : vector<16xf32> to vector<16xf32>
    tpu.vector_store %arg5[%swap3A_7], %swap3A_10 {strides = array<i32>} : memref<128xf32, #tpu.memory_space<vmem>>, vector<16xf32>,
    %broadcast_in_dim3A_11 = arith.constant 1.000000e+00 : f32
    %broadcast_in_dim3A_12 = vector.broadcast %broadcast_in_dim3A_11 : f32 to vector<16xf32>
    %swap3A_13 = arith.constant 32 : index
    %swap3A_14 = tpu.vector_load %arg5[%swap3A_13] {strides = array<i32>} : memref<128xf32, #tpu.memory_space<vmem>>, vector<16xf32>,
    %swap3A_15 = vector.shape_cast %swap3A_14 : vector<16xf32> to vector<16xf32>
    %swap3A_16 = vector.shape_cast %broadcast_in_dim3A_12 : vector<16xf32> to vector<16xf32>
    tpu.vector_store %arg5[%swap3A_13], %swap3A_16 {strides = array<i32>} : memref<128xf32, #tpu.memory_space<vmem>>, vector<16xf32>,
    %broadcast_in_dim3A_17 = arith.constant 1.000000e+00 : f32
    %broadcast_in_dim3A_18 = vector.broadcast %broadcast_in_dim3A_17 : f32 to vector<16xf32>
    %swap3A_19 = arith.constant 48 : index
    %swap3A_20 = tpu.vector_load %arg5[%swap3A_19] {strides = array<i32>} : memref<128xf32, #tpu.memory_space<vmem>>, vector<16xf32>,
    %swap3A_21 = vector.shape_cast %swap3A_20 : vector<16xf32> to vector<16xf32>
    %swap3A_22 = vector.shape_cast %broadcast_in_dim3A_18 : vector<16xf32> to vector<16xf32>
    tpu.vector_store %arg5[%swap3A_19], %swap3A_22 {strides = array<i32>} : memref<128xf32, #tpu.memory_space<vmem>>, vector<16xf32>,
    %broadcast_in_dim3A_23 = arith.constant 1.000000e+00 : f32
    %broadcast_in_dim3A_24 = vector.broadcast %broadcast_in_dim3A_23 : f32 to vector<16xf32>
    %swap3A_25 = arith.constant 64 : index
    %swap3A_26 = tpu.vector_load %arg5[%swap3A_25] {strides = array<i32>} : memref<128xf32, #tpu.memory_space<vmem>>, vector<16xf32>,
    %swap3A_27 = vector.shape_cast %swap3A_26 : vector<16xf32> to vector<16xf32>
    %swap3A_28 = vector.shape_cast %broadcast_in_dim3A_24 : vector<16xf32> to vector<16xf32>
    tpu.vector_store %arg5[%swap3A_25], %swap3A_28 {strides = array<i32>} : memref<128xf32, #tpu.memory_space<vmem>>, vector<16xf32>,
    %broadcast_in_dim3A_29 = arith.constant 1.000000e+00 : f32
    %broadcast_in_dim3A_30 = vector.broadcast %broadcast_in_dim3A_29 : f32 to vector<16xf32>
    %swap3A_31 = arith.constant 80 : index
    %swap3A_32 = tpu.vector_load %arg5[%swap3A_31] {strides = array<i32>} : memref<128xf32, #tpu.memory_space<vmem>>, vector<16xf32>,
    %swap3A_33 = vector.shape_cast %swap3A_32 : vector<16xf32> to vector<16xf32>
    %swap3A_34 = vector.shape_cast %broadcast_in_dim3A_30 : vector<16xf32> to vector<16xf32>
    tpu.vector_store %arg5[%swap3A_31], %swap3A_34 {strides = array<i32>} : memref<128xf32, #tpu.memory_space<vmem>>, vector<16xf32>,
    %broadcast_in_dim3A_35 = arith.constant 1.000000e+00 : f32
    %broadcast_in_dim3A_36 = vector.broadcast %broadcast_in_dim3A_35 : f32 to vector<16xf32>
    %swap3A_37 = arith.constant 96 : index
    %swap3A_38 = tpu.vector_load %arg5[%swap3A_37] {strides = array<i32>} : memref<128xf32, #tpu.memory_space<vmem>>, vector<16xf32>,
    %swap3A_39 = vector.shape_cast %swap3A_38 : vector<16xf32> to vector<16xf32>
    %swap3A_40 = vector.shape_cast %broadcast_in_dim3A_36 : vector<16xf32> to vector<16xf32>
    tpu.vector_store %arg5[%swap3A_37], %swap3A_40 {strides = array<i32>} : memref<128xf32, #tpu.memory_space<vmem>>, vector<16xf32>,
    %broadcast_in_dim3A_41 = arith.constant 1.000000e+00 : f32
    %broadcast_in_dim3A_42 = vector.broadcast %broadcast_in_dim3A_41 : f32 to vector<16xf32>
    %swap3A_43 = arith.constant 112 : index
    %swap3A_44 = tpu.vector_load %arg5[%swap3A_43] {strides = array<i32>} : memref<128xf32, #tpu.memory_space<vmem>>, vector<16xf32>,
    %swap3A_45 = vector.shape_cast %swap3A_44 : vector<16xf32> to vector<16xf32>
    %swap3A_46 = vector.shape_cast %broadcast_in_dim3A_42 : vector<16xf32> to vector<16xf32>
    tpu.vector_store %arg5[%swap3A_43], %swap3A_46 {strides = array<i32>} : memref<128xf32, #tpu.memory_space<vmem>>, vector<16xf32>,
    %broadcast_in_dim3A_47 = arith.constant 0.000000e+00 : f32
    %broadcast_in_dim3A_48 = vector.broadcast %broadcast_in_dim3A_47 : f32 to vector<16xf32>
    %swap3A_49 = arith.constant 0 : index
    %swap3A_50 = tpu.vector_load %arg6[%swap3A_49] {strides = array<i32>} : memref<640xf32, #tpu.memory_space<vmem>>, vector<16xf32>,
    %swap3A_51 = vector.shape_cast %swap3A_50 : vector<16xf32> to vector<16xf32>
    %swap3A_52 = vector.shape_cast %broadcast_in_dim3A_48 : vector<16xf32> to vector<16xf32>
    tpu.vector_store %arg6[%swap3A_49], %swap3A_52 {strides = array<i32>} : memref<640xf32, #tpu.memory_space<vmem>>, vector<16xf32>,
    %broadcast_in_dim3A_53 = arith.constant 0.000000e+00 : f32
    %broadcast_in_dim3A_54 = vector.broadcast %broadcast_in_dim3A_53 : f32 to vector<16xf32>
    %swap3A_55 = arith.constant 16 : index
    %swap3A_56 = tpu.vector_load %arg6[%swap3A_55] {strides = array<i32>} : memref<640xf32, #tpu.memory_space<vmem>>, vector<16xf32>,
    %swap3A_57 = vector.shape_cast %swap3A_56 : vector<16xf32> to vector<16xf32>
    %swap3A_58 = vector.shape_cast %broadcast_in_dim3A_54 : vector<16xf32> to vector<16xf32>
    tpu.vector_store %arg6[%swap3A_55], %swap3A_58 {strides = array<i32>} : memref<640xf32, #tpu.memory_space<vmem>>, vector<16xf32>,
    %broadcast_in_dim3A_59 = arith.constant 0.000000e+00 : f32
    %broadcast_in_dim3A_60 = vector.broadcast %broadcast_in_dim3A_59 : f32 to vector<16xf32>
    %swap3A_61 = arith.constant 32 : index
    %swap3A_62 = tpu.vector_load %arg6[%swap3A_61] {strides = array<i32>} : memref<640xf32, #tpu.memory_space<vmem>>, vector<16xf32>,
    %swap3A_63 = vector.shape_cast %swap3A_62 : vector<16xf32> to vector<16xf32>
    %swap3A_64 = vector.shape_cast %broadcast_in_dim3A_60 : vector<16xf32> to vector<16xf32>
    tpu.vector_store %arg6[%swap3A_61], %swap3A_64 {strides = array<i32>} : memref<640xf32, #tpu.memory_space<vmem>>, vector<16xf32>,
    %broadcast_in_dim3A_65 = arith.constant 0.000000e+00 : f32
    %broadcast_in_dim3A_66 = vector.broadcast %broadcast_in_dim3A_65 : f32 to vector<16xf32>
    %swap3A_67 = arith.constant 48 : index
    %swap3A_68 = tpu.vector_load %arg6[%swap3A_67] {strides = array<i32>} : memref<640xf32, #tpu.memory_space<vmem>>, vector<16xf32>,
    %swap3A_69 = vector.shape_cast %swap3A_68 : vector<16xf32> to vector<16xf32>
    %swap3A_70 = vector.shape_cast %broadcast_in_dim3A_66 : vector<16xf32> to vector<16xf32>
    tpu.vector_store %arg6[%swap3A_67], %swap3A_70 {strides = array<i32>} : memref<640xf32, #tpu.memory_space<vmem>>, vector<16xf32>,
    %broadcast_in_dim3A_71 = arith.constant 0.000000e+00 : f32
    %broadcast_in_dim3A_72 = vector.broadcast %broadcast_in_dim3A_71 : f32 to vector<16xf32>
    %swap3A_73 = arith.constant 64 : index
    %swap3A_74 = tpu.vector_load %arg6[%swap3A_73] {strides = array<i32>} : memref<640xf32, #tpu.memory_space<vmem>>, vector<16xf32>,
    %swap3A_75 = vector.shape_cast %swap3A_74 : vector<16xf32> to vector<16xf32>
    %swap3A_76 = vector.shape_cast %broadcast_in_dim3A_72 : vector<16xf32> to vector<16xf32>
    tpu.vector_store %arg6[%swap3A_73], %swap3A_76 {strides = array<i32>} : memref<640xf32, #tpu.memory_space<vmem>>, vector<16xf32>,
    %broadcast_in_dim3A_77 = arith.constant 0.000000e+00 : f32
    %broadcast_in_dim3A_78 = vector.broadcast %broadcast_in_dim3A_77 : f32 to vector<16xf32>
    %swap3A_79 = arith.constant 80 : index
    %swap3A_80 = tpu.vector_load %arg6[%swap3A_79] {strides = array<i32>} : memref<640xf32, #tpu.memory_space<vmem>>, vector<16xf32>,
    %swap3A_81 = vector.shape_cast %swap3A_80 : vector<16xf32> to vector<16xf32>
    %swap3A_82 = vector.shape_cast %broadcast_in_dim3A_78 : vector<16xf32> to vector<16xf32>
    tpu.vector_store %arg6[%swap3A_79], %swap3A_82 {strides = array<i32>} : memref<640xf32, #tpu.memory_space<vmem>>, vector<16xf32>,
    %broadcast_in_dim3A_83 = arith.constant 0.000000e+00 : f32
    %broadcast_in_dim3A_84 = vector.broadcast %broadcast_in_dim3A_83 : f32 to vector<16xf32>
    %swap3A_85 = arith.constant 96 : index
    %swap3A_86 = tpu.vector_load %arg6[%swap3A_85] {strides = array<i32>} : memref<640xf32, #tpu.memory_space<vmem>>, vector<16xf32>,
    %swap3A_87 = vector.shape_cast %swap3A_86 : vector<16xf32> to vector<16xf32>
    %swap3A_88 = vector.shape_cast %broadcast_in_dim3A_84 : vector<16xf32> to vector<16xf32>
    tpu.vector_store %arg6[%swap3A_85], %swap3A_88 {strides = array<i32>} : memref<640xf32, #tpu.memory_space<vmem>>, vector<16xf32>,
    %broadcast_in_dim3A_89 = arith.constant 0.000000e+00 : f32
    %broadcast_in_dim3A_90 = vector.broadcast %broadcast_in_dim3A_89 : f32 to vector<16xf32>
    %swap3A_91 = arith.constant 112 : index
    %swap3A_92 = tpu.vector_load %arg6[%swap3A_91] {strides = array<i32>} : memref<640xf32, #tpu.memory_space<vmem>>, vector<16xf32>,
    %swap3A_93 = vector.shape_cast %swap3A_92 : vector<16xf32> to vector<16xf32>
    %swap3A_94 = vector.shape_cast %broadcast_in_dim3A_90 : vector<16xf32> to vector<16xf32>
    tpu.vector_store %arg6[%swap3A_91], %swap3A_94 {strides = array<i32>} : memref<640xf32, #tpu.memory_space<vmem>>, vector<16xf32>,
    %broadcast_in_dim3A_95 = arith.constant 0.000000e+00 : f32
    %broadcast_in_dim3A_96 = vector.broadcast %broadcast_in_dim3A_95 : f32 to vector<16xf32>
    %swap3A_97 = arith.constant 128 : index
    %swap3A_98 = tpu.vector_load %arg6[%swap3A_97] {strides = array<i32>} : memref<640xf32, #tpu.memory_space<vmem>>, vector<16xf32>,
    %swap3A_99 = vector.shape_cast %swap3A_98 : vector<16xf32> to vector<16xf32>
    %swap3A_100 = vector.shape_cast %broadcast_in_dim3A_96 : vector<16xf32> to vector<16xf32>
    tpu.vector_store %arg6[%swap3A_97], %swap3A_100 {strides = array<i32>} : memref<640xf32, #tpu.memory_space<vmem>>, vector<16xf32>,
    %broadcast_in_dim3A_101 = arith.constant 0.000000e+00 : f32
    %broadcast_in_dim3A_102 = vector.broadcast %broadcast_in_dim3A_101 : f32 to vector<16xf32>
    %swap3A_103 = arith.constant 144 : index
    %swap3A_104 = tpu.vector_load %arg6[%swap3A_103] {strides = array<i32>} : memref<640xf32, #tpu.memory_space<vmem>>, vector<16xf32>,
    %swap3A_105 = vector.shape_cast %swap3A_104 : vector<16xf32> to vector<16xf32>
    %swap3A_106 = vector.shape_cast %broadcast_in_dim3A_102 : vector<16xf32> to vector<16xf32>
    tpu.vector_store %arg6[%swap3A_103], %swap3A_106 {strides = array<i32>} : memref<640xf32, #tpu.memory_space<vmem>>, vector<16xf32>,
    %broadcast_in_dim3A_107 = arith.constant 0.000000e+00 : f32
    %broadcast_in_dim3A_108 = vector.broadcast %broadcast_in_dim3A_107 : f32 to vector<16xf32>
    %swap3A_109 = arith.constant 160 : index
    %swap3A_110 = tpu.vector_load %arg6[%swap3A_109] {strides = array<i32>} : memref<640xf32, #tpu.memory_space<vmem>>, vector<16xf32>,
    %swap3A_111 = vector.shape_cast %swap3A_110 : vector<16xf32> to vector<16xf32>
    %swap3A_112 = vector.shape_cast %broadcast_in_dim3A_108 : vector<16xf32> to vector<16xf32>
    tpu.vector_store %arg6[%swap3A_109], %swap3A_112 {strides = array<i32>} : memref<640xf32, #tpu.memory_space<vmem>>, vector<16xf32>,
    %broadcast_in_dim3A_113 = arith.constant 0.000000e+00 : f32
    %broadcast_in_dim3A_114 = vector.broadcast %broadcast_in_dim3A_113 : f32 to vector<16xf32>
    %swap3A_115 = arith.constant 176 : index
    %swap3A_116 = tpu.vector_load %arg6[%swap3A_115] {strides = array<i32>} : memref<640xf32, #tpu.memory_space<vmem>>, vector<16xf32>,
    %swap3A_117 = vector.shape_cast %swap3A_116 : vector<16xf32> to vector<16xf32>
    %swap3A_118 = vector.shape_cast %broadcast_in_dim3A_114 : vector<16xf32> to vector<16xf32>
    tpu.vector_store %arg6[%swap3A_115], %swap3A_118 {strides = array<i32>} : memref<640xf32, #tpu.memory_space<vmem>>, vector<16xf32>,
    %broadcast_in_dim3A_119 = arith.constant 0.000000e+00 : f32
    %broadcast_in_dim3A_120 = vector.broadcast %broadcast_in_dim3A_119 : f32 to vector<16xf32>
    %swap3A_121 = arith.constant 192 : index
    %swap3A_122 = tpu.vector_load %arg6[%swap3A_121] {strides = array<i32>} : memref<640xf32, #tpu.memory_space<vmem>>, vector<16xf32>,
    %swap3A_123 = vector.shape_cast %swap3A_122 : vector<16xf32> to vector<16xf32>
    %swap3A_124 = vector.shape_cast %broadcast_in_dim3A_120 : vector<16xf32> to vector<16xf32>
    tpu.vector_store %arg6[%swap3A_121], %swap3A_124 {strides = array<i32>} : memref<640xf32, #tpu.memory_space<vmem>>, vector<16xf32>,
    %broadcast_in_dim3A_125 = arith.constant 0.000000e+00 : f32
    %broadcast_in_dim3A_126 = vector.broadcast %broadcast_in_dim3A_125 : f32 to vector<16xf32>
    %swap3A_127 = arith.constant 208 : index
    %swap3A_128 = tpu.vector_load %arg6[%swap3A_127] {strides = array<i32>} : memref<640xf32, #tpu.memory_space<vmem>>, vector<16xf32>,
    %swap3A_129 = vector.shape_cast %swap3A_128 : vector<16xf32> to vector<16xf32>
    %swap3A_130 = vector.shape_cast %broadcast_in_dim3A_126 : vector<16xf32> to vector<16xf32>
    tpu.vector_store %arg6[%swap3A_127], %swap3A_130 {strides = array<i32>} : memref<640xf32, #tpu.memory_space<vmem>>, vector<16xf32>,
    %broadcast_in_dim3A_131 = arith.constant 0.000000e+00 : f32
    %broadcast_in_dim3A_132 = vector.broadcast %broadcast_in_dim3A_131 : f32 to vector<16xf32>
    %swap3A_133 = arith.constant 224 : index
    %swap3A_134 = tpu.vector_load %arg6[%swap3A_133] {strides = array<i32>} : memref<640xf32, #tpu.memory_space<vmem>>, vector<16xf32>,
    %swap3A_135 = vector.shape_cast %swap3A_134 : vector<16xf32> to vector<16xf32>
    %swap3A_136 = vector.shape_cast %broadcast_in_dim3A_132 : vector<16xf32> to vector<16xf32>
    tpu.vector_store %arg6[%swap3A_133], %swap3A_136 {strides = array<i32>} : memref<640xf32, #tpu.memory_space<vmem>>, vector<16xf32>,
    %broadcast_in_dim3A_137 = arith.constant 0.000000e+00 : f32
    %broadcast_in_dim3A_138 = vector.broadcast %broadcast_in_dim3A_137 : f32 to vector<16xf32>
    %swap3A_139 = arith.constant 240 : index
    %swap3A_140 = tpu.vector_load %arg6[%swap3A_139] {strides = array<i32>} : memref<640xf32, #tpu.memory_space<vmem>>, vector<16xf32>,
    %swap3A_141 = vector.shape_cast %swap3A_140 : vector<16xf32> to vector<16xf32>
    %swap3A_142 = vector.shape_cast %broadcast_in_dim3A_138 : vector<16xf32> to vector<16xf32>
    tpu.vector_store %arg6[%swap3A_139], %swap3A_142 {strides = array<i32>} : memref<640xf32, #tpu.memory_space<vmem>>, vector<16xf32>,
    %broadcast_in_dim3A_143 = arith.constant 0.000000e+00 : f32
    %broadcast_in_dim3A_144 = vector.broadcast %broadcast_in_dim3A_143 : f32 to vector<16xf32>
    %swap3A_145 = arith.constant 256 : index
    %swap3A_146 = tpu.vector_load %arg6[%swap3A_145] {strides = array<i32>} : memref<640xf32, #tpu.memory_space<vmem>>, vector<16xf32>,
    %swap3A_147 = vector.shape_cast %swap3A_146 : vector<16xf32> to vector<16xf32>
    %swap3A_148 = vector.shape_cast %broadcast_in_dim3A_144 : vector<16xf32> to vector<16xf32>
    tpu.vector_store %arg6[%swap3A_145], %swap3A_148 {strides = array<i32>} : memref<640xf32, #tpu.memory_space<vmem>>, vector<16xf32>,
    %broadcast_in_dim3A_149 = arith.constant 0.000000e+00 : f32
    %broadcast_in_dim3A_150 = vector.broadcast %broadcast_in_dim3A_149 : f32 to vector<16xf32>
    %swap3A_151 = arith.constant 272 : index
    %swap3A_152 = tpu.vector_load %arg6[%swap3A_151] {strides = array<i32>} : memref<640xf32, #tpu.memory_space<vmem>>, vector<16xf32>,
    %swap3A_153 = vector.shape_cast %swap3A_152 : vector<16xf32> to vector<16xf32>
    %swap3A_154 = vector.shape_cast %broadcast_in_dim3A_150 : vector<16xf32> to vector<16xf32>
    tpu.vector_store %arg6[%swap3A_151], %swap3A_154 {strides = array<i32>} : memref<640xf32, #tpu.memory_space<vmem>>, vector<16xf32>,
    %broadcast_in_dim3A_155 = arith.constant 0.000000e+00 : f32
    %broadcast_in_dim3A_156 = vector.broadcast %broadcast_in_dim3A_155 : f32 to vector<16xf32>
    %swap3A_157 = arith.constant 288 : index
    %swap3A_158 = tpu.vector_load %arg6[%swap3A_157] {strides = array<i32>} : memref<640xf32, #tpu.memory_space<vmem>>, vector<16xf32>,
    %swap3A_159 = vector.shape_cast %swap3A_158 : vector<16xf32> to vector<16xf32>
    %swap3A_160 = vector.shape_cast %broadcast_in_dim3A_156 : vector<16xf32> to vector<16xf32>
    tpu.vector_store %arg6[%swap3A_157], %swap3A_160 {strides = array<i32>} : memref<640xf32, #tpu.memory_space<vmem>>, vector<16xf32>,
    %broadcast_in_dim3A_161 = arith.constant 0.000000e+00 : f32
    %broadcast_in_dim3A_162 = vector.broadcast %broadcast_in_dim3A_161 : f32 to vector<16xf32>
    %swap3A_163 = arith.constant 304 : index
    %swap3A_164 = tpu.vector_load %arg6[%swap3A_163] {strides = array<i32>} : memref<640xf32, #tpu.memory_space<vmem>>, vector<16xf32>,
    %swap3A_165 = vector.shape_cast %swap3A_164 : vector<16xf32> to vector<16xf32>
    %swap3A_166 = vector.shape_cast %broadcast_in_dim3A_162 : vector<16xf32> to vector<16xf32>
    tpu.vector_store %arg6[%swap3A_163], %swap3A_166 {strides = array<i32>} : memref<640xf32, #tpu.memory_space<vmem>>, vector<16xf32>,
    %broadcast_in_dim3A_167 = arith.constant 0.000000e+00 : f32
    %broadcast_in_dim3A_168 = vector.broadcast %broadcast_in_dim3A_167 : f32 to vector<16xf32>
    %swap3A_169 = arith.constant 320 : index
    %swap3A_170 = tpu.vector_load %arg6[%swap3A_169] {strides = array<i32>} : memref<640xf32, #tpu.memory_space<vmem>>, vector<16xf32>,
    %swap3A_171 = vector.shape_cast %swap3A_170 : vector<16xf32> to vector<16xf32>
    %swap3A_172 = vector.shape_cast %broadcast_in_dim3A_168 : vector<16xf32> to vector<16xf32>
    tpu.vector_store %arg6[%swap3A_169], %swap3A_172 {strides = array<i32>} : memref<640xf32, #tpu.memory_space<vmem>>, vector<16xf32>,
    %broadcast_in_dim3A_173 = arith.constant 0.000000e+00 : f32
    %broadcast_in_dim3A_174 = vector.broadcast %broadcast_in_dim3A_173 : f32 to vector<16xf32>
    %swap3A_175 = arith.constant 336 : index
    %swap3A_176 = tpu.vector_load %arg6[%swap3A_175] {strides = array<i32>} : memref<640xf32, #tpu.memory_space<vmem>>, vector<16xf32>,
    %swap3A_177 = vector.shape_cast %swap3A_176 : vector<16xf32> to vector<16xf32>
    %swap3A_178 = vector.shape_cast %broadcast_in_dim3A_174 : vector<16xf32> to vector<16xf32>
    tpu.vector_store %arg6[%swap3A_175], %swap3A_178 {strides = array<i32>} : memref<640xf32, #tpu.memory_space<vmem>>, vector<16xf32>,
    %broadcast_in_dim3A_179 = arith.constant 0.000000e+00 : f32
    %broadcast_in_dim3A_180 = vector.broadcast %broadcast_in_dim3A_179 : f32 to vector<16xf32>
    %swap3A_181 = arith.constant 352 : index
    %swap3A_182 = tpu.vector_load %arg6[%swap3A_181] {strides = array<i32>} : memref<640xf32, #tpu.memory_space<vmem>>, vector<16xf32>,
    %swap3A_183 = vector.shape_cast %swap3A_182 : vector<16xf32> to vector<16xf32>
    %swap3A_184 = vector.shape_cast %broadcast_in_dim3A_180 : vector<16xf32> to vector<16xf32>
    tpu.vector_store %arg6[%swap3A_181], %swap3A_184 {strides = array<i32>} : memref<640xf32, #tpu.memory_space<vmem>>, vector<16xf32>,
    %broadcast_in_dim3A_185 = arith.constant 0.000000e+00 : f32
    %broadcast_in_dim3A_186 = vector.broadcast %broadcast_in_dim3A_185 : f32 to vector<16xf32>
    %swap3A_187 = arith.constant 368 : index
    %swap3A_188 = tpu.vector_load %arg6[%swap3A_187] {strides = array<i32>} : memref<640xf32, #tpu.memory_space<vmem>>, vector<16xf32>,
    %swap3A_189 = vector.shape_cast %swap3A_188 : vector<16xf32> to vector<16xf32>
    %swap3A_190 = vector.shape_cast %broadcast_in_dim3A_186 : vector<16xf32> to vector<16xf32>
    tpu.vector_store %arg6[%swap3A_187], %swap3A_190 {strides = array<i32>} : memref<640xf32, #tpu.memory_space<vmem>>, vector<16xf32>,
    %broadcast_in_dim3A_191 = arith.constant 0.000000e+00 : f32
    %broadcast_in_dim3A_192 = vector.broadcast %broadcast_in_dim3A_191 : f32 to vector<16xf32>
    %swap3A_193 = arith.constant 384 : index
    %swap3A_194 = tpu.vector_load %arg6[%swap3A_193] {strides = array<i32>} : memref<640xf32, #tpu.memory_space<vmem>>, vector<16xf32>,
    %swap3A_195 = vector.shape_cast %swap3A_194 : vector<16xf32> to vector<16xf32>
    %swap3A_196 = vector.shape_cast %broadcast_in_dim3A_192 : vector<16xf32> to vector<16xf32>
    tpu.vector_store %arg6[%swap3A_193], %swap3A_196 {strides = array<i32>} : memref<640xf32, #tpu.memory_space<vmem>>, vector<16xf32>,
    %broadcast_in_dim3A_197 = arith.constant 0.000000e+00 : f32
    %broadcast_in_dim3A_198 = vector.broadcast %broadcast_in_dim3A_197 : f32 to vector<16xf32>
    %swap3A_199 = arith.constant 400 : index
    %swap3A_200 = tpu.vector_load %arg6[%swap3A_199] {strides = array<i32>} : memref<640xf32, #tpu.memory_space<vmem>>, vector<16xf32>,
    %swap3A_201 = vector.shape_cast %swap3A_200 : vector<16xf32> to vector<16xf32>
    %swap3A_202 = vector.shape_cast %broadcast_in_dim3A_198 : vector<16xf32> to vector<16xf32>
    tpu.vector_store %arg6[%swap3A_199], %swap3A_202 {strides = array<i32>} : memref<640xf32, #tpu.memory_space<vmem>>, vector<16xf32>,
    %broadcast_in_dim3A_203 = arith.constant 0.000000e+00 : f32
    %broadcast_in_dim3A_204 = vector.broadcast %broadcast_in_dim3A_203 : f32 to vector<16xf32>
    %swap3A_205 = arith.constant 416 : index
    %swap3A_206 = tpu.vector_load %arg6[%swap3A_205] {strides = array<i32>} : memref<640xf32, #tpu.memory_space<vmem>>, vector<16xf32>,
    %swap3A_207 = vector.shape_cast %swap3A_206 : vector<16xf32> to vector<16xf32>
    %swap3A_208 = vector.shape_cast %broadcast_in_dim3A_204 : vector<16xf32> to vector<16xf32>
    tpu.vector_store %arg6[%swap3A_205], %swap3A_208 {strides = array<i32>} : memref<640xf32, #tpu.memory_space<vmem>>, vector<16xf32>,
    %broadcast_in_dim3A_209 = arith.constant 0.000000e+00 : f32
    %broadcast_in_dim3A_210 = vector.broadcast %broadcast_in_dim3A_209 : f32 to vector<16xf32>
    %swap3A_211 = arith.constant 432 : index
    %swap3A_212 = tpu.vector_load %arg6[%swap3A_211] {strides = array<i32>} : memref<640xf32, #tpu.memory_space<vmem>>, vector<16xf32>,
    %swap3A_213 = vector.shape_cast %swap3A_212 : vector<16xf32> to vector<16xf32>
    %swap3A_214 = vector.shape_cast %broadcast_in_dim3A_210 : vector<16xf32> to vector<16xf32>
    tpu.vector_store %arg6[%swap3A_211], %swap3A_214 {strides = array<i32>} : memref<640xf32, #tpu.memory_space<vmem>>, vector<16xf32>,
    %broadcast_in_dim3A_215 = arith.constant 0.000000e+00 : f32
    %broadcast_in_dim3A_216 = vector.broadcast %broadcast_in_dim3A_215 : f32 to vector<16xf32>
    %swap3A_217 = arith.constant 448 : index
    %swap3A_218 = tpu.vector_load %arg6[%swap3A_217] {strides = array<i32>} : memref<640xf32, #tpu.memory_space<vmem>>, vector<16xf32>,
    %swap3A_219 = vector.shape_cast %swap3A_218 : vector<16xf32> to vector<16xf32>
    %swap3A_220 = vector.shape_cast %broadcast_in_dim3A_216 : vector<16xf32> to vector<16xf32>
    tpu.vector_store %arg6[%swap3A_217], %swap3A_220 {strides = array<i32>} : memref<640xf32, #tpu.memory_space<vmem>>, vector<16xf32>,
    %broadcast_in_dim3A_221 = arith.constant 0.000000e+00 : f32
    %broadcast_in_dim3A_222 = vector.broadcast %broadcast_in_dim3A_221 : f32 to vector<16xf32>
    %swap3A_223 = arith.constant 464 : index
    %swap3A_224 = tpu.vector_load %arg6[%swap3A_223] {strides = array<i32>} : memref<640xf32, #tpu.memory_space<vmem>>, vector<16xf32>,
    %swap3A_225 = vector.shape_cast %swap3A_224 : vector<16xf32> to vector<16xf32>
    %swap3A_226 = vector.shape_cast %broadcast_in_dim3A_222 : vector<16xf32> to vector<16xf32>
    tpu.vector_store %arg6[%swap3A_223], %swap3A_226 {strides = array<i32>} : memref<640xf32, #tpu.memory_space<vmem>>, vector<16xf32>,
    %broadcast_in_dim3A_227 = arith.constant 0.000000e+00 : f32
    %broadcast_in_dim3A_228 = vector.broadcast %broadcast_in_dim3A_227 : f32 to vector<16xf32>
    %swap3A_229 = arith.constant 480 : index
    %swap3A_230 = tpu.vector_load %arg6[%swap3A_229] {strides = array<i32>} : memref<640xf32, #tpu.memory_space<vmem>>, vector<16xf32>,
    %swap3A_231 = vector.shape_cast %swap3A_230 : vector<16xf32> to vector<16xf32>
    %swap3A_232 = vector.shape_cast %broadcast_in_dim3A_228 : vector<16xf32> to vector<16xf32>
    tpu.vector_store %arg6[%swap3A_229], %swap3A_232 {strides = array<i32>} : memref<640xf32, #tpu.memory_space<vmem>>, vector<16xf32>,
    %broadcast_in_dim3A_233 = arith.constant 0.000000e+00 : f32
    %broadcast_in_dim3A_234 = vector.broadcast %broadcast_in_dim3A_233 : f32 to vector<16xf32>
    %swap3A_235 = arith.constant 496 : index
    %swap3A_236 = tpu.vector_load %arg6[%swap3A_235] {strides = array<i32>} : memref<640xf32, #tpu.memory_space<vmem>>, vector<16xf32>,
    %swap3A_237 = vector.shape_cast %swap3A_236 : vector<16xf32> to vector<16xf32>
    %swap3A_238 = vector.shape_cast %broadcast_in_dim3A_234 : vector<16xf32> to vector<16xf32>
    tpu.vector_store %arg6[%swap3A_235], %swap3A_238 {strides = array<i32>} : memref<640xf32, #tpu.memory_space<vmem>>, vector<16xf32>,
    %broadcast_in_dim3A_239 = arith.constant 0.000000e+00 : f32
    %broadcast_in_dim3A_240 = vector.broadcast %broadcast_in_dim3A_239 : f32 to vector<16xf32>
    %swap3A_241 = arith.constant 512 : index
    %swap3A_242 = tpu.vector_load %arg6[%swap3A_241] {strides = array<i32>} : memref<640xf32, #tpu.memory_space<vmem>>, vector<16xf32>,
    %swap3A_243 = vector.shape_cast %swap3A_242 : vector<16xf32> to vector<16xf32>
    %swap3A_244 = vector.shape_cast %broadcast_in_dim3A_240 : vector<16xf32> to vector<16xf32>
    tpu.vector_store %arg6[%swap3A_241], %swap3A_244 {strides = array<i32>} : memref<640xf32, #tpu.memory_space<vmem>>, vector<16xf32>,
    %broadcast_in_dim3A_245 = arith.constant 0.000000e+00 : f32
    %broadcast_in_dim3A_246 = vector.broadcast %broadcast_in_dim3A_245 : f32 to vector<16xf32>
    %swap3A_247 = arith.constant 528 : index
    %swap3A_248 = tpu.vector_load %arg6[%swap3A_247] {strides = array<i32>} : memref<640xf32, #tpu.memory_space<vmem>>, vector<16xf32>,
    %swap3A_249 = vector.shape_cast %swap3A_248 : vector<16xf32> to vector<16xf32>
    %swap3A_250 = vector.shape_cast %broadcast_in_dim3A_246 : vector<16xf32> to vector<16xf32>
    tpu.vector_store %arg6[%swap3A_247], %swap3A_250 {strides = array<i32>} : memref<640xf32, #tpu.memory_space<vmem>>, vector<16xf32>,
    %broadcast_in_dim3A_251 = arith.constant 0.000000e+00 : f32
    %broadcast_in_dim3A_252 = vector.broadcast %broadcast_in_dim3A_251 : f32 to vector<16xf32>
    %swap3A_253 = arith.constant 544 : index
    %swap3A_254 = tpu.vector_load %arg6[%swap3A_253] {strides = array<i32>} : memref<640xf32, #tpu.memory_space<vmem>>, vector<16xf32>,
    %swap3A_255 = vector.shape_cast %swap3A_254 : vector<16xf32> to vector<16xf32>
    %swap3A_256 = vector.shape_cast %broadcast_in_dim3A_252 : vector<16xf32> to vector<16xf32>
    tpu.vector_store %arg6[%swap3A_253], %swap3A_256 {strides = array<i32>} : memref<640xf32, #tpu.memory_space<vmem>>, vector<16xf32>,
    %broadcast_in_dim3A_257 = arith.constant 0.000000e+00 : f32
    %broadcast_in_dim3A_258 = vector.broadcast %broadcast_in_dim3A_257 : f32 to vector<16xf32>
    %swap3A_259 = arith.constant 560 : index
    %swap3A_260 = tpu.vector_load %arg6[%swap3A_259] {strides = array<i32>} : memref<640xf32, #tpu.memory_space<vmem>>, vector<16xf32>,
    %swap3A_261 = vector.shape_cast %swap3A_260 : vector<16xf32> to vector<16xf32>
    %swap3A_262 = vector.shape_cast %broadcast_in_dim3A_258 : vector<16xf32> to vector<16xf32>
    tpu.vector_store %arg6[%swap3A_259], %swap3A_262 {strides = array<i32>} : memref<640xf32, #tpu.memory_space<vmem>>, vector<16xf32>,
    %broadcast_in_dim3A_263 = arith.constant 0.000000e+00 : f32
    %broadcast_in_dim3A_264 = vector.broadcast %broadcast_in_dim3A_263 : f32 to vector<16xf32>
    %swap3A_265 = arith.constant 576 : index
    %swap3A_266 = tpu.vector_load %arg6[%swap3A_265] {strides = array<i32>} : memref<640xf32, #tpu.memory_space<vmem>>, vector<16xf32>,
    %swap3A_267 = vector.shape_cast %swap3A_266 : vector<16xf32> to vector<16xf32>
    %swap3A_268 = vector.shape_cast %broadcast_in_dim3A_264 : vector<16xf32> to vector<16xf32>
    tpu.vector_store %arg6[%swap3A_265], %swap3A_268 {strides = array<i32>} : memref<640xf32, #tpu.memory_space<vmem>>, vector<16xf32>,
    %broadcast_in_dim3A_269 = arith.constant 0.000000e+00 : f32
    %broadcast_in_dim3A_270 = vector.broadcast %broadcast_in_dim3A_269 : f32 to vector<16xf32>
    %swap3A_271 = arith.constant 592 : index
    %swap3A_272 = tpu.vector_load %arg6[%swap3A_271] {strides = array<i32>} : memref<640xf32, #tpu.memory_space<vmem>>, vector<16xf32>,
    %swap3A_273 = vector.shape_cast %swap3A_272 : vector<16xf32> to vector<16xf32>
    %swap3A_274 = vector.shape_cast %broadcast_in_dim3A_270 : vector<16xf32> to vector<16xf32>
    tpu.vector_store %arg6[%swap3A_271], %swap3A_274 {strides = array<i32>} : memref<640xf32, #tpu.memory_space<vmem>>, vector<16xf32>,
    %broadcast_in_dim3A_275 = arith.constant 0.000000e+00 : f32
    %broadcast_in_dim3A_276 = vector.broadcast %broadcast_in_dim3A_275 : f32 to vector<16xf32>
    %swap3A_277 = arith.constant 608 : index
    %swap3A_278 = tpu.vector_load %arg6[%swap3A_277] {strides = array<i32>} : memref<640xf32, #tpu.memory_space<vmem>>, vector<16xf32>,
    %swap3A_279 = vector.shape_cast %swap3A_278 : vector<16xf32> to vector<16xf32>
    %swap3A_280 = vector.shape_cast %broadcast_in_dim3A_276 : vector<16xf32> to vector<16xf32>
    tpu.vector_store %arg6[%swap3A_277], %swap3A_280 {strides = array<i32>} : memref<640xf32, #tpu.memory_space<vmem>>, vector<16xf32>,
    %broadcast_in_dim3A_281 = arith.constant 0.000000e+00 : f32
    %broadcast_in_dim3A_282 = vector.broadcast %broadcast_in_dim3A_281 : f32 to vector<16xf32>
    %swap3A_283 = arith.constant 624 : index
    %swap3A_284 = tpu.vector_load %arg6[%swap3A_283] {strides = array<i32>} : memref<640xf32, #tpu.memory_space<vmem>>, vector<16xf32>,
    %swap3A_285 = vector.shape_cast %swap3A_284 : vector<16xf32> to vector<16xf32>
    %swap3A_286 = vector.shape_cast %broadcast_in_dim3A_282 : vector<16xf32> to vector<16xf32>
    tpu.vector_store %arg6[%swap3A_283], %swap3A_286 {strides = array<i32>} : memref<640xf32, #tpu.memory_space<vmem>>, vector<16xf32>,
    "tpu.region"() ({
      %run_scoped3A = tpu.sem_alloc : memref<!tpu.dma_semaphore, #tpu.memory_space<semaphore_mem>>
      %dma_start3A_1255 = arith.constant 0 : i32
      %dma_start3A_1256 = arith.constant 0 : i32
      %dma_start3A_1257 = tpu.memref_slice %arg2[%add3A, %dma_start3A_1255, %dma_start3A_1256] : memref<32x80x128xi32, #tpu.memory_space<hbm>> -> memref<1x80x128xi32, #tpu.memory_space<hbm>>
      %dma_start3A_1258 = tpu.memref_squeeze %dma_start3A_1257 : memref<1x80x128xi32, #tpu.memory_space<hbm>> -> memref<80x128xi32, #tpu.memory_space<hbm>>
      %dma_start3A_1259 = arith.constant 0 : i32
      %dma_start3A_1260 = arith.constant 0 : i32
      %dma_start3A_1261 = tpu.memref_slice %arg2[%add3A, %dma_start3A_1259, %dma_start3A_1260] : memref<32x80x128xi32, #tpu.memory_space<hbm>> -> memref<1x80x128xi32, #tpu.memory_space<hbm>>
      %dma_start3A_1262 = tpu.memref_squeeze %dma_start3A_1261 : memref<1x80x128xi32, #tpu.memory_space<hbm>> -> memref<80x128xi32, #tpu.memory_space<hbm>>
      tpu.enqueue_dma source(%dma_start3A_1262 : memref<80x128xi32, #tpu.memory_space<hbm>>) target(%arg4 : memref<80x128xi32, #tpu.memory_space<vmem>>) target_semaphore(%run_scoped3A : memref<!tpu.dma_semaphore, #tpu.memory_space<semaphore_mem>>)
      %dma_wait3A_1263 = arith.constant 0 : i32
      %dma_wait3A_1264 = arith.constant 0 : i32
      %dma_wait3A_1265 = tpu.memref_slice %arg2[%add3A, %dma_wait3A_1263, %dma_wait3A_1264] : memref<32x80x128xi32, #tpu.memory_space<hbm>> -> memref<1x80x128xi32, #tpu.memory_space<hbm>>
      %dma_wait3A_1266 = tpu.memref_squeeze %dma_wait3A_1265 : memref<1x80x128xi32, #tpu.memory_space<hbm>> -> memref<80x128xi32, #tpu.memory_space<hbm>>
      %dma_wait3A_1267 = arith.constant 0 : i32
      %dma_wait3A_1268 = arith.constant 0 : i32
      %dma_wait3A_1269 = tpu.memref_slice %arg2[%add3A, %dma_wait3A_1267, %dma_wait3A_1268] : memref<32x80x128xi32, #tpu.memory_space<hbm>> -> memref<1x80x128xi32, #tpu.memory_space<hbm>>
      %dma_wait3A_1270 = tpu.memref_squeeze %dma_wait3A_1269 : memref<1x80x128xi32, #tpu.memory_space<hbm>> -> memref<80x128xi32, #tpu.memory_space<hbm>>
      tpu.wait_dma2 semaphore(%run_scoped3A : memref<!tpu.dma_semaphore, #tpu.memory_space<semaphore_mem>>) src(%dma_wait3A_1270 : memref<80x128xi32, #tpu.memory_space<hbm>>) dst(%arg4 : memref<80x128xi32, #tpu.memory_space<vmem>>)
      tpu.yield
    }) : () -> ()
    %mul3A_287 = arith.constant 640 : i32
    %mul3A_288 = arith.muli %arg1, %mul3A_287 : i32
    "tpu.region"() ({
      %run_scoped3A = tpu.sem_alloc : memref<!tpu.dma_semaphore, #tpu.memory_space<semaphore_mem>>
      %dma_start3A_1255 = tpu.memref_slice %arg7[%mul3A_288] : memref<10240xf32, #tpu.memory_space<vmem_shared>> -> memref<640xf32, #tpu.memory_space<vmem_shared>>
      %dma_start3A_1256 = tpu.memref_slice %arg7[%mul3A_288] : memref<10240xf32, #tpu.memory_space<vmem_shared>> -> memref<640xf32, #tpu.memory_space<vmem_shared>>
      tpu.enqueue_dma source(%arg6 : memref<640xf32, #tpu.memory_space<vmem>>) target(%dma_start3A_1256 : memref<640xf32, #tpu.memory_space<vmem_shared>>) target_semaphore(%run_scoped3A : memref<!tpu.dma_semaphore, #tpu.memory_space<semaphore_mem>>)
      %dma_wait3A_1257 = tpu.memref_slice %arg7[%mul3A_288] : memref<10240xf32, #tpu.memory_space<vmem_shared>> -> memref<640xf32, #tpu.memory_space<vmem_shared>>
      %dma_wait3A_1258 = tpu.memref_slice %arg7[%mul3A_288] : memref<10240xf32, #tpu.memory_space<vmem_shared>> -> memref<640xf32, #tpu.memory_space<vmem_shared>>
      tpu.wait_dma2 semaphore(%run_scoped3A : memref<!tpu.dma_semaphore, #tpu.memory_space<semaphore_mem>>) src(%arg6 : memref<640xf32, #tpu.memory_space<vmem>>) dst(%dma_wait3A_1258 : memref<640xf32, #tpu.memory_space<vmem_shared>>)
      tpu.yield
    }) : () -> ()
    %barrier3A = arith.constant 0 : index
    tpu.barrier barrier_id(%barrier3A)
    %dma_start3A = arith.constant 0 : i32
    %dma_start3A_289 = arith.constant 0 : i32
    %dma_start3A_290 = tpu.memref_slice %arg4[%dma_start3A, %dma_start3A_289] : memref<80x128xi32, #tpu.memory_space<vmem>> -> memref<1x128xi32, #tpu.memory_space<vmem>>
    %dma_start3A_291 = tpu.memref_squeeze %dma_start3A_290 : memref<1x128xi32, #tpu.memory_space<vmem>> -> memref<128xi32, #tpu.memory_space<vmem>>
    %dma_start3A_292 = arith.constant 0 : i32
    %dma_start3A_293 = tpu.memref_slice %arg7[%dma_start3A_292] : memref<10240xf32, #tpu.memory_space<vmem_shared>> -> memref<10240xf32, #tpu.memory_space<vmem_shared>>
    tpu.enqueue_indirect_dma source(%arg5 : memref<128xf32, #tpu.memory_space<vmem>>) target(%dma_start3A_293 : memref<10240xf32, #tpu.memory_space<vmem_shared>>) offsets(%dma_start3A_291 : memref<128xi32, #tpu.memory_space<vmem>>) semaphore(%arg8 : memref<!tpu.dma_semaphore, #tpu.memory_space<semaphore_mem>>) {add = true}
    %dma_start3A_294 = arith.constant 1 : i32
    %dma_start3A_295 = arith.constant 0 : i32
    %dma_start3A_296 = tpu.memref_slice %arg4[%dma_start3A_294, %dma_start3A_295] : memref<80x128xi32, #tpu.memory_space<vmem>> -> memref<1x128xi32, #tpu.memory_space<vmem>>
    %dma_start3A_297 = tpu.memref_squeeze %dma_start3A_296 : memref<1x128xi32, #tpu.memory_space<vmem>> -> memref<128xi32, #tpu.memory_space<vmem>>
    %dma_start3A_298 = arith.constant 0 : i32
    %dma_start3A_299 = tpu.memref_slice %arg7[%dma_start3A_298] : memref<10240xf32, #tpu.memory_space<vmem_shared>> -> memref<10240xf32, #tpu.memory_space<vmem_shared>>
    tpu.enqueue_indirect_dma source(%arg5 : memref<128xf32, #tpu.memory_space<vmem>>) target(%dma_start3A_299 : memref<10240xf32, #tpu.memory_space<vmem_shared>>) offsets(%dma_start3A_297 : memref<128xi32, #tpu.memory_space<vmem>>) semaphore(%arg8 : memref<!tpu.dma_semaphore, #tpu.memory_space<semaphore_mem>>) {add = true}
    %dma_start3A_300 = arith.constant 2 : i32
    %dma_start3A_301 = arith.constant 0 : i32
    %dma_start3A_302 = tpu.memref_slice %arg4[%dma_start3A_300, %dma_start3A_301] : memref<80x128xi32, #tpu.memory_space<vmem>> -> memref<1x128xi32, #tpu.memory_space<vmem>>
    %dma_start3A_303 = tpu.memref_squeeze %dma_start3A_302 : memref<1x128xi32, #tpu.memory_space<vmem>> -> memref<128xi32, #tpu.memory_space<vmem>>
    %dma_start3A_304 = arith.constant 0 : i32
    %dma_start3A_305 = tpu.memref_slice %arg7[%dma_start3A_304] : memref<10240xf32, #tpu.memory_space<vmem_shared>> -> memref<10240xf32, #tpu.memory_space<vmem_shared>>
    tpu.enqueue_indirect_dma source(%arg5 : memref<128xf32, #tpu.memory_space<vmem>>) target(%dma_start3A_305 : memref<10240xf32, #tpu.memory_space<vmem_shared>>) offsets(%dma_start3A_303 : memref<128xi32, #tpu.memory_space<vmem>>) semaphore(%arg8 : memref<!tpu.dma_semaphore, #tpu.memory_space<semaphore_mem>>) {add = true}
    %dma_start3A_306 = arith.constant 3 : i32
    %dma_start3A_307 = arith.constant 0 : i32
    %dma_start3A_308 = tpu.memref_slice %arg4[%dma_start3A_306, %dma_start3A_307] : memref<80x128xi32, #tpu.memory_space<vmem>> -> memref<1x128xi32, #tpu.memory_space<vmem>>
    %dma_start3A_309 = tpu.memref_squeeze %dma_start3A_308 : memref<1x128xi32, #tpu.memory_space<vmem>> -> memref<128xi32, #tpu.memory_space<vmem>>
    %dma_start3A_310 = arith.constant 0 : i32
    %dma_start3A_311 = tpu.memref_slice %arg7[%dma_start3A_310] : memref<10240xf32, #tpu.memory_space<vmem_shared>> -> memref<10240xf32, #tpu.memory_space<vmem_shared>>
    tpu.enqueue_indirect_dma source(%arg5 : memref<128xf32, #tpu.memory_space<vmem>>) target(%dma_start3A_311 : memref<10240xf32, #tpu.memory_space<vmem_shared>>) offsets(%dma_start3A_309 : memref<128xi32, #tpu.memory_space<vmem>>) semaphore(%arg8 : memref<!tpu.dma_semaphore, #tpu.memory_space<semaphore_mem>>) {add = true}
    %dma_start3A_312 = arith.constant 4 : i32
    %dma_start3A_313 = arith.constant 0 : i32
    %dma_start3A_314 = tpu.memref_slice %arg4[%dma_start3A_312, %dma_start3A_313] : memref<80x128xi32, #tpu.memory_space<vmem>> -> memref<1x128xi32, #tpu.memory_space<vmem>>
    %dma_start3A_315 = tpu.memref_squeeze %dma_start3A_314 : memref<1x128xi32, #tpu.memory_space<vmem>> -> memref<128xi32, #tpu.memory_space<vmem>>
    %dma_start3A_316 = arith.constant 0 : i32
    %dma_start3A_317 = tpu.memref_slice %arg7[%dma_start3A_316] : memref<10240xf32, #tpu.memory_space<vmem_shared>> -> memref<10240xf32, #tpu.memory_space<vmem_shared>>
    tpu.enqueue_indirect_dma source(%arg5 : memref<128xf32, #tpu.memory_space<vmem>>) target(%dma_start3A_317 : memref<10240xf32, #tpu.memory_space<vmem_shared>>) offsets(%dma_start3A_315 : memref<128xi32, #tpu.memory_space<vmem>>) semaphore(%arg8 : memref<!tpu.dma_semaphore, #tpu.memory_space<semaphore_mem>>) {add = true}
    %dma_start3A_318 = arith.constant 5 : i32
    %dma_start3A_319 = arith.constant 0 : i32
    %dma_start3A_320 = tpu.memref_slice %arg4[%dma_start3A_318, %dma_start3A_319] : memref<80x128xi32, #tpu.memory_space<vmem>> -> memref<1x128xi32, #tpu.memory_space<vmem>>
    %dma_start3A_321 = tpu.memref_squeeze %dma_start3A_320 : memref<1x128xi32, #tpu.memory_space<vmem>> -> memref<128xi32, #tpu.memory_space<vmem>>
    %dma_start3A_322 = arith.constant 0 : i32
    %dma_start3A_323 = tpu.memref_slice %arg7[%dma_start3A_322] : memref<10240xf32, #tpu.memory_space<vmem_shared>> -> memref<10240xf32, #tpu.memory_space<vmem_shared>>
    tpu.enqueue_indirect_dma source(%arg5 : memref<128xf32, #tpu.memory_space<vmem>>) target(%dma_start3A_323 : memref<10240xf32, #tpu.memory_space<vmem_shared>>) offsets(%dma_start3A_321 : memref<128xi32, #tpu.memory_space<vmem>>) semaphore(%arg8 : memref<!tpu.dma_semaphore, #tpu.memory_space<semaphore_mem>>) {add = true}
    %dma_start3A_324 = arith.constant 6 : i32
    %dma_start3A_325 = arith.constant 0 : i32
    %dma_start3A_326 = tpu.memref_slice %arg4[%dma_start3A_324, %dma_start3A_325] : memref<80x128xi32, #tpu.memory_space<vmem>> -> memref<1x128xi32, #tpu.memory_space<vmem>>
    %dma_start3A_327 = tpu.memref_squeeze %dma_start3A_326 : memref<1x128xi32, #tpu.memory_space<vmem>> -> memref<128xi32, #tpu.memory_space<vmem>>
    %dma_start3A_328 = arith.constant 0 : i32
    %dma_start3A_329 = tpu.memref_slice %arg7[%dma_start3A_328] : memref<10240xf32, #tpu.memory_space<vmem_shared>> -> memref<10240xf32, #tpu.memory_space<vmem_shared>>
    tpu.enqueue_indirect_dma source(%arg5 : memref<128xf32, #tpu.memory_space<vmem>>) target(%dma_start3A_329 : memref<10240xf32, #tpu.memory_space<vmem_shared>>) offsets(%dma_start3A_327 : memref<128xi32, #tpu.memory_space<vmem>>) semaphore(%arg8 : memref<!tpu.dma_semaphore, #tpu.memory_space<semaphore_mem>>) {add = true}
    %dma_start3A_330 = arith.constant 7 : i32
    %dma_start3A_331 = arith.constant 0 : i32
    %dma_start3A_332 = tpu.memref_slice %arg4[%dma_start3A_330, %dma_start3A_331] : memref<80x128xi32, #tpu.memory_space<vmem>> -> memref<1x128xi32, #tpu.memory_space<vmem>>
    %dma_start3A_333 = tpu.memref_squeeze %dma_start3A_332 : memref<1x128xi32, #tpu.memory_space<vmem>> -> memref<128xi32, #tpu.memory_space<vmem>>
    %dma_start3A_334 = arith.constant 0 : i32
    %dma_start3A_335 = tpu.memref_slice %arg7[%dma_start3A_334] : memref<10240xf32, #tpu.memory_space<vmem_shared>> -> memref<10240xf32, #tpu.memory_space<vmem_shared>>
    tpu.enqueue_indirect_dma source(%arg5 : memref<128xf32, #tpu.memory_space<vmem>>) target(%dma_start3A_335 : memref<10240xf32, #tpu.memory_space<vmem_shared>>) offsets(%dma_start3A_333 : memref<128xi32, #tpu.memory_space<vmem>>) semaphore(%arg8 : memref<!tpu.dma_semaphore, #tpu.memory_space<semaphore_mem>>) {add = true}
    %dma_start3A_336 = arith.constant 8 : i32
    %dma_start3A_337 = arith.constant 0 : i32
    %dma_start3A_338 = tpu.memref_slice %arg4[%dma_start3A_336, %dma_start3A_337] : memref<80x128xi32, #tpu.memory_space<vmem>> -> memref<1x128xi32, #tpu.memory_space<vmem>>
    %dma_start3A_339 = tpu.memref_squeeze %dma_start3A_338 : memref<1x128xi32, #tpu.memory_space<vmem>> -> memref<128xi32, #tpu.memory_space<vmem>>
    %dma_start3A_340 = arith.constant 0 : i32
    %dma_start3A_341 = tpu.memref_slice %arg7[%dma_start3A_340] : memref<10240xf32, #tpu.memory_space<vmem_shared>> -> memref<10240xf32, #tpu.memory_space<vmem_shared>>
    tpu.enqueue_indirect_dma source(%arg5 : memref<128xf32, #tpu.memory_space<vmem>>) target(%dma_start3A_341 : memref<10240xf32, #tpu.memory_space<vmem_shared>>) offsets(%dma_start3A_339 : memref<128xi32, #tpu.memory_space<vmem>>) semaphore(%arg8 : memref<!tpu.dma_semaphore, #tpu.memory_space<semaphore_mem>>) {add = true}
    %dma_start3A_342 = arith.constant 9 : i32
    %dma_start3A_343 = arith.constant 0 : i32
    %dma_start3A_344 = tpu.memref_slice %arg4[%dma_start3A_342, %dma_start3A_343] : memref<80x128xi32, #tpu.memory_space<vmem>> -> memref<1x128xi32, #tpu.memory_space<vmem>>
    %dma_start3A_345 = tpu.memref_squeeze %dma_start3A_344 : memref<1x128xi32, #tpu.memory_space<vmem>> -> memref<128xi32, #tpu.memory_space<vmem>>
    %dma_start3A_346 = arith.constant 0 : i32
    %dma_start3A_347 = tpu.memref_slice %arg7[%dma_start3A_346] : memref<10240xf32, #tpu.memory_space<vmem_shared>> -> memref<10240xf32, #tpu.memory_space<vmem_shared>>
    tpu.enqueue_indirect_dma source(%arg5 : memref<128xf32, #tpu.memory_space<vmem>>) target(%dma_start3A_347 : memref<10240xf32, #tpu.memory_space<vmem_shared>>) offsets(%dma_start3A_345 : memref<128xi32, #tpu.memory_space<vmem>>) semaphore(%arg8 : memref<!tpu.dma_semaphore, #tpu.memory_space<semaphore_mem>>) {add = true}
    %dma_start3A_348 = arith.constant 10 : i32
    %dma_start3A_349 = arith.constant 0 : i32
    %dma_start3A_350 = tpu.memref_slice %arg4[%dma_start3A_348, %dma_start3A_349] : memref<80x128xi32, #tpu.memory_space<vmem>> -> memref<1x128xi32, #tpu.memory_space<vmem>>
    %dma_start3A_351 = tpu.memref_squeeze %dma_start3A_350 : memref<1x128xi32, #tpu.memory_space<vmem>> -> memref<128xi32, #tpu.memory_space<vmem>>
    %dma_start3A_352 = arith.constant 0 : i32
    %dma_start3A_353 = tpu.memref_slice %arg7[%dma_start3A_352] : memref<10240xf32, #tpu.memory_space<vmem_shared>> -> memref<10240xf32, #tpu.memory_space<vmem_shared>>
    tpu.enqueue_indirect_dma source(%arg5 : memref<128xf32, #tpu.memory_space<vmem>>) target(%dma_start3A_353 : memref<10240xf32, #tpu.memory_space<vmem_shared>>) offsets(%dma_start3A_351 : memref<128xi32, #tpu.memory_space<vmem>>) semaphore(%arg8 : memref<!tpu.dma_semaphore, #tpu.memory_space<semaphore_mem>>) {add = true}
    %dma_start3A_354 = arith.constant 11 : i32
    %dma_start3A_355 = arith.constant 0 : i32
    %dma_start3A_356 = tpu.memref_slice %arg4[%dma_start3A_354, %dma_start3A_355] : memref<80x128xi32, #tpu.memory_space<vmem>> -> memref<1x128xi32, #tpu.memory_space<vmem>>
    %dma_start3A_357 = tpu.memref_squeeze %dma_start3A_356 : memref<1x128xi32, #tpu.memory_space<vmem>> -> memref<128xi32, #tpu.memory_space<vmem>>
    %dma_start3A_358 = arith.constant 0 : i32
    %dma_start3A_359 = tpu.memref_slice %arg7[%dma_start3A_358] : memref<10240xf32, #tpu.memory_space<vmem_shared>> -> memref<10240xf32, #tpu.memory_space<vmem_shared>>
    tpu.enqueue_indirect_dma source(%arg5 : memref<128xf32, #tpu.memory_space<vmem>>) target(%dma_start3A_359 : memref<10240xf32, #tpu.memory_space<vmem_shared>>) offsets(%dma_start3A_357 : memref<128xi32, #tpu.memory_space<vmem>>) semaphore(%arg8 : memref<!tpu.dma_semaphore, #tpu.memory_space<semaphore_mem>>) {add = true}
    %dma_start3A_360 = arith.constant 12 : i32
    %dma_start3A_361 = arith.constant 0 : i32
    %dma_start3A_362 = tpu.memref_slice %arg4[%dma_start3A_360, %dma_start3A_361] : memref<80x128xi32, #tpu.memory_space<vmem>> -> memref<1x128xi32, #tpu.memory_space<vmem>>
    %dma_start3A_363 = tpu.memref_squeeze %dma_start3A_362 : memref<1x128xi32, #tpu.memory_space<vmem>> -> memref<128xi32, #tpu.memory_space<vmem>>
    %dma_start3A_364 = arith.constant 0 : i32
    %dma_start3A_365 = tpu.memref_slice %arg7[%dma_start3A_364] : memref<10240xf32, #tpu.memory_space<vmem_shared>> -> memref<10240xf32, #tpu.memory_space<vmem_shared>>
    tpu.enqueue_indirect_dma source(%arg5 : memref<128xf32, #tpu.memory_space<vmem>>) target(%dma_start3A_365 : memref<10240xf32, #tpu.memory_space<vmem_shared>>) offsets(%dma_start3A_363 : memref<128xi32, #tpu.memory_space<vmem>>) semaphore(%arg8 : memref<!tpu.dma_semaphore, #tpu.memory_space<semaphore_mem>>) {add = true}
    %dma_start3A_366 = arith.constant 13 : i32
    %dma_start3A_367 = arith.constant 0 : i32
    %dma_start3A_368 = tpu.memref_slice %arg4[%dma_start3A_366, %dma_start3A_367] : memref<80x128xi32, #tpu.memory_space<vmem>> -> memref<1x128xi32, #tpu.memory_space<vmem>>
    %dma_start3A_369 = tpu.memref_squeeze %dma_start3A_368 : memref<1x128xi32, #tpu.memory_space<vmem>> -> memref<128xi32, #tpu.memory_space<vmem>>
    %dma_start3A_370 = arith.constant 0 : i32
    %dma_start3A_371 = tpu.memref_slice %arg7[%dma_start3A_370] : memref<10240xf32, #tpu.memory_space<vmem_shared>> -> memref<10240xf32, #tpu.memory_space<vmem_shared>>
    tpu.enqueue_indirect_dma source(%arg5 : memref<128xf32, #tpu.memory_space<vmem>>) target(%dma_start3A_371 : memref<10240xf32, #tpu.memory_space<vmem_shared>>) offsets(%dma_start3A_369 : memref<128xi32, #tpu.memory_space<vmem>>) semaphore(%arg8 : memref<!tpu.dma_semaphore, #tpu.memory_space<semaphore_mem>>) {add = true}
    %dma_start3A_372 = arith.constant 14 : i32
    %dma_start3A_373 = arith.constant 0 : i32
    %dma_start3A_374 = tpu.memref_slice %arg4[%dma_start3A_372, %dma_start3A_373] : memref<80x128xi32, #tpu.memory_space<vmem>> -> memref<1x128xi32, #tpu.memory_space<vmem>>
    %dma_start3A_375 = tpu.memref_squeeze %dma_start3A_374 : memref<1x128xi32, #tpu.memory_space<vmem>> -> memref<128xi32, #tpu.memory_space<vmem>>
    %dma_start3A_376 = arith.constant 0 : i32
    %dma_start3A_377 = tpu.memref_slice %arg7[%dma_start3A_376] : memref<10240xf32, #tpu.memory_space<vmem_shared>> -> memref<10240xf32, #tpu.memory_space<vmem_shared>>
    tpu.enqueue_indirect_dma source(%arg5 : memref<128xf32, #tpu.memory_space<vmem>>) target(%dma_start3A_377 : memref<10240xf32, #tpu.memory_space<vmem_shared>>) offsets(%dma_start3A_375 : memref<128xi32, #tpu.memory_space<vmem>>) semaphore(%arg8 : memref<!tpu.dma_semaphore, #tpu.memory_space<semaphore_mem>>) {add = true}
    %dma_start3A_378 = arith.constant 15 : i32
    %dma_start3A_379 = arith.constant 0 : i32
    %dma_start3A_380 = tpu.memref_slice %arg4[%dma_start3A_378, %dma_start3A_379] : memref<80x128xi32, #tpu.memory_space<vmem>> -> memref<1x128xi32, #tpu.memory_space<vmem>>
    %dma_start3A_381 = tpu.memref_squeeze %dma_start3A_380 : memref<1x128xi32, #tpu.memory_space<vmem>> -> memref<128xi32, #tpu.memory_space<vmem>>
    %dma_start3A_382 = arith.constant 0 : i32
    %dma_start3A_383 = tpu.memref_slice %arg7[%dma_start3A_382] : memref<10240xf32, #tpu.memory_space<vmem_shared>> -> memref<10240xf32, #tpu.memory_space<vmem_shared>>
    tpu.enqueue_indirect_dma source(%arg5 : memref<128xf32, #tpu.memory_space<vmem>>) target(%dma_start3A_383 : memref<10240xf32, #tpu.memory_space<vmem_shared>>) offsets(%dma_start3A_381 : memref<128xi32, #tpu.memory_space<vmem>>) semaphore(%arg8 : memref<!tpu.dma_semaphore, #tpu.memory_space<semaphore_mem>>) {add = true}
    %dma_start3A_384 = arith.constant 16 : i32
    %dma_start3A_385 = arith.constant 0 : i32
    %dma_start3A_386 = tpu.memref_slice %arg4[%dma_start3A_384, %dma_start3A_385] : memref<80x128xi32, #tpu.memory_space<vmem>> -> memref<1x128xi32, #tpu.memory_space<vmem>>
    %dma_start3A_387 = tpu.memref_squeeze %dma_start3A_386 : memref<1x128xi32, #tpu.memory_space<vmem>> -> memref<128xi32, #tpu.memory_space<vmem>>
    %dma_start3A_388 = arith.constant 0 : i32
    %dma_start3A_389 = tpu.memref_slice %arg7[%dma_start3A_388] : memref<10240xf32, #tpu.memory_space<vmem_shared>> -> memref<10240xf32, #tpu.memory_space<vmem_shared>>
    tpu.enqueue_indirect_dma source(%arg5 : memref<128xf32, #tpu.memory_space<vmem>>) target(%dma_start3A_389 : memref<10240xf32, #tpu.memory_space<vmem_shared>>) offsets(%dma_start3A_387 : memref<128xi32, #tpu.memory_space<vmem>>) semaphore(%arg8 : memref<!tpu.dma_semaphore, #tpu.memory_space<semaphore_mem>>) {add = true}
    %dma_start3A_390 = arith.constant 17 : i32
    %dma_start3A_391 = arith.constant 0 : i32
    %dma_start3A_392 = tpu.memref_slice %arg4[%dma_start3A_390, %dma_start3A_391] : memref<80x128xi32, #tpu.memory_space<vmem>> -> memref<1x128xi32, #tpu.memory_space<vmem>>
    %dma_start3A_393 = tpu.memref_squeeze %dma_start3A_392 : memref<1x128xi32, #tpu.memory_space<vmem>> -> memref<128xi32, #tpu.memory_space<vmem>>
    %dma_start3A_394 = arith.constant 0 : i32
    %dma_start3A_395 = tpu.memref_slice %arg7[%dma_start3A_394] : memref<10240xf32, #tpu.memory_space<vmem_shared>> -> memref<10240xf32, #tpu.memory_space<vmem_shared>>
    tpu.enqueue_indirect_dma source(%arg5 : memref<128xf32, #tpu.memory_space<vmem>>) target(%dma_start3A_395 : memref<10240xf32, #tpu.memory_space<vmem_shared>>) offsets(%dma_start3A_393 : memref<128xi32, #tpu.memory_space<vmem>>) semaphore(%arg8 : memref<!tpu.dma_semaphore, #tpu.memory_space<semaphore_mem>>) {add = true}
    %dma_start3A_396 = arith.constant 18 : i32
    %dma_start3A_397 = arith.constant 0 : i32
    %dma_start3A_398 = tpu.memref_slice %arg4[%dma_start3A_396, %dma_start3A_397] : memref<80x128xi32, #tpu.memory_space<vmem>> -> memref<1x128xi32, #tpu.memory_space<vmem>>
    %dma_start3A_399 = tpu.memref_squeeze %dma_start3A_398 : memref<1x128xi32, #tpu.memory_space<vmem>> -> memref<128xi32, #tpu.memory_space<vmem>>
    %dma_start3A_400 = arith.constant 0 : i32
    %dma_start3A_401 = tpu.memref_slice %arg7[%dma_start3A_400] : memref<10240xf32, #tpu.memory_space<vmem_shared>> -> memref<10240xf32, #tpu.memory_space<vmem_shared>>
    tpu.enqueue_indirect_dma source(%arg5 : memref<128xf32, #tpu.memory_space<vmem>>) target(%dma_start3A_401 : memref<10240xf32, #tpu.memory_space<vmem_shared>>) offsets(%dma_start3A_399 : memref<128xi32, #tpu.memory_space<vmem>>) semaphore(%arg8 : memref<!tpu.dma_semaphore, #tpu.memory_space<semaphore_mem>>) {add = true}
    %dma_start3A_402 = arith.constant 19 : i32
    %dma_start3A_403 = arith.constant 0 : i32
    %dma_start3A_404 = tpu.memref_slice %arg4[%dma_start3A_402, %dma_start3A_403] : memref<80x128xi32, #tpu.memory_space<vmem>> -> memref<1x128xi32, #tpu.memory_space<vmem>>
    %dma_start3A_405 = tpu.memref_squeeze %dma_start3A_404 : memref<1x128xi32, #tpu.memory_space<vmem>> -> memref<128xi32, #tpu.memory_space<vmem>>
    %dma_start3A_406 = arith.constant 0 : i32
    %dma_start3A_407 = tpu.memref_slice %arg7[%dma_start3A_406] : memref<10240xf32, #tpu.memory_space<vmem_shared>> -> memref<10240xf32, #tpu.memory_space<vmem_shared>>
    tpu.enqueue_indirect_dma source(%arg5 : memref<128xf32, #tpu.memory_space<vmem>>) target(%dma_start3A_407 : memref<10240xf32, #tpu.memory_space<vmem_shared>>) offsets(%dma_start3A_405 : memref<128xi32, #tpu.memory_space<vmem>>) semaphore(%arg8 : memref<!tpu.dma_semaphore, #tpu.memory_space<semaphore_mem>>) {add = true}
    %dma_start3A_408 = arith.constant 20 : i32
    %dma_start3A_409 = arith.constant 0 : i32
    %dma_start3A_410 = tpu.memref_slice %arg4[%dma_start3A_408, %dma_start3A_409] : memref<80x128xi32, #tpu.memory_space<vmem>> -> memref<1x128xi32, #tpu.memory_space<vmem>>
    %dma_start3A_411 = tpu.memref_squeeze %dma_start3A_410 : memref<1x128xi32, #tpu.memory_space<vmem>> -> memref<128xi32, #tpu.memory_space<vmem>>
    %dma_start3A_412 = arith.constant 0 : i32
    %dma_start3A_413 = tpu.memref_slice %arg7[%dma_start3A_412] : memref<10240xf32, #tpu.memory_space<vmem_shared>> -> memref<10240xf32, #tpu.memory_space<vmem_shared>>
    tpu.enqueue_indirect_dma source(%arg5 : memref<128xf32, #tpu.memory_space<vmem>>) target(%dma_start3A_413 : memref<10240xf32, #tpu.memory_space<vmem_shared>>) offsets(%dma_start3A_411 : memref<128xi32, #tpu.memory_space<vmem>>) semaphore(%arg8 : memref<!tpu.dma_semaphore, #tpu.memory_space<semaphore_mem>>) {add = true}
    %dma_start3A_414 = arith.constant 21 : i32
    %dma_start3A_415 = arith.constant 0 : i32
    %dma_start3A_416 = tpu.memref_slice %arg4[%dma_start3A_414, %dma_start3A_415] : memref<80x128xi32, #tpu.memory_space<vmem>> -> memref<1x128xi32, #tpu.memory_space<vmem>>
    %dma_start3A_417 = tpu.memref_squeeze %dma_start3A_416 : memref<1x128xi32, #tpu.memory_space<vmem>> -> memref<128xi32, #tpu.memory_space<vmem>>
    %dma_start3A_418 = arith.constant 0 : i32
    %dma_start3A_419 = tpu.memref_slice %arg7[%dma_start3A_418] : memref<10240xf32, #tpu.memory_space<vmem_shared>> -> memref<10240xf32, #tpu.memory_space<vmem_shared>>
    tpu.enqueue_indirect_dma source(%arg5 : memref<128xf32, #tpu.memory_space<vmem>>) target(%dma_start3A_419 : memref<10240xf32, #tpu.memory_space<vmem_shared>>) offsets(%dma_start3A_417 : memref<128xi32, #tpu.memory_space<vmem>>) semaphore(%arg8 : memref<!tpu.dma_semaphore, #tpu.memory_space<semaphore_mem>>) {add = true}
    %dma_start3A_420 = arith.constant 22 : i32
    %dma_start3A_421 = arith.constant 0 : i32
    %dma_start3A_422 = tpu.memref_slice %arg4[%dma_start3A_420, %dma_start3A_421] : memref<80x128xi32, #tpu.memory_space<vmem>> -> memref<1x128xi32, #tpu.memory_space<vmem>>
    %dma_start3A_423 = tpu.memref_squeeze %dma_start3A_422 : memref<1x128xi32, #tpu.memory_space<vmem>> -> memref<128xi32, #tpu.memory_space<vmem>>
    %dma_start3A_424 = arith.constant 0 : i32
    %dma_start3A_425 = tpu.memref_slice %arg7[%dma_start3A_424] : memref<10240xf32, #tpu.memory_space<vmem_shared>> -> memref<10240xf32, #tpu.memory_space<vmem_shared>>
    tpu.enqueue_indirect_dma source(%arg5 : memref<128xf32, #tpu.memory_space<vmem>>) target(%dma_start3A_425 : memref<10240xf32, #tpu.memory_space<vmem_shared>>) offsets(%dma_start3A_423 : memref<128xi32, #tpu.memory_space<vmem>>) semaphore(%arg8 : memref<!tpu.dma_semaphore, #tpu.memory_space<semaphore_mem>>) {add = true}
    %dma_start3A_426 = arith.constant 23 : i32
    %dma_start3A_427 = arith.constant 0 : i32
    %dma_start3A_428 = tpu.memref_slice %arg4[%dma_start3A_426, %dma_start3A_427] : memref<80x128xi32, #tpu.memory_space<vmem>> -> memref<1x128xi32, #tpu.memory_space<vmem>>
    %dma_start3A_429 = tpu.memref_squeeze %dma_start3A_428 : memref<1x128xi32, #tpu.memory_space<vmem>> -> memref<128xi32, #tpu.memory_space<vmem>>
    %dma_start3A_430 = arith.constant 0 : i32
    %dma_start3A_431 = tpu.memref_slice %arg7[%dma_start3A_430] : memref<10240xf32, #tpu.memory_space<vmem_shared>> -> memref<10240xf32, #tpu.memory_space<vmem_shared>>
    tpu.enqueue_indirect_dma source(%arg5 : memref<128xf32, #tpu.memory_space<vmem>>) target(%dma_start3A_431 : memref<10240xf32, #tpu.memory_space<vmem_shared>>) offsets(%dma_start3A_429 : memref<128xi32, #tpu.memory_space<vmem>>) semaphore(%arg8 : memref<!tpu.dma_semaphore, #tpu.memory_space<semaphore_mem>>) {add = true}
    %dma_start3A_432 = arith.constant 24 : i32
    %dma_start3A_433 = arith.constant 0 : i32
    %dma_start3A_434 = tpu.memref_slice %arg4[%dma_start3A_432, %dma_start3A_433] : memref<80x128xi32, #tpu.memory_space<vmem>> -> memref<1x128xi32, #tpu.memory_space<vmem>>
    %dma_start3A_435 = tpu.memref_squeeze %dma_start3A_434 : memref<1x128xi32, #tpu.memory_space<vmem>> -> memref<128xi32, #tpu.memory_space<vmem>>
    %dma_start3A_436 = arith.constant 0 : i32
    %dma_start3A_437 = tpu.memref_slice %arg7[%dma_start3A_436] : memref<10240xf32, #tpu.memory_space<vmem_shared>> -> memref<10240xf32, #tpu.memory_space<vmem_shared>>
    tpu.enqueue_indirect_dma source(%arg5 : memref<128xf32, #tpu.memory_space<vmem>>) target(%dma_start3A_437 : memref<10240xf32, #tpu.memory_space<vmem_shared>>) offsets(%dma_start3A_435 : memref<128xi32, #tpu.memory_space<vmem>>) semaphore(%arg8 : memref<!tpu.dma_semaphore, #tpu.memory_space<semaphore_mem>>) {add = true}
    %dma_start3A_438 = arith.constant 25 : i32
    %dma_start3A_439 = arith.constant 0 : i32
    %dma_start3A_440 = tpu.memref_slice %arg4[%dma_start3A_438, %dma_start3A_439] : memref<80x128xi32, #tpu.memory_space<vmem>> -> memref<1x128xi32, #tpu.memory_space<vmem>>
    %dma_start3A_441 = tpu.memref_squeeze %dma_start3A_440 : memref<1x128xi32, #tpu.memory_space<vmem>> -> memref<128xi32, #tpu.memory_space<vmem>>
    %dma_start3A_442 = arith.constant 0 : i32
    %dma_start3A_443 = tpu.memref_slice %arg7[%dma_start3A_442] : memref<10240xf32, #tpu.memory_space<vmem_shared>> -> memref<10240xf32, #tpu.memory_space<vmem_shared>>
    tpu.enqueue_indirect_dma source(%arg5 : memref<128xf32, #tpu.memory_space<vmem>>) target(%dma_start3A_443 : memref<10240xf32, #tpu.memory_space<vmem_shared>>) offsets(%dma_start3A_441 : memref<128xi32, #tpu.memory_space<vmem>>) semaphore(%arg8 : memref<!tpu.dma_semaphore, #tpu.memory_space<semaphore_mem>>) {add = true}
    %dma_start3A_444 = arith.constant 26 : i32
    %dma_start3A_445 = arith.constant 0 : i32
    %dma_start3A_446 = tpu.memref_slice %arg4[%dma_start3A_444, %dma_start3A_445] : memref<80x128xi32, #tpu.memory_space<vmem>> -> memref<1x128xi32, #tpu.memory_space<vmem>>
    %dma_start3A_447 = tpu.memref_squeeze %dma_start3A_446 : memref<1x128xi32, #tpu.memory_space<vmem>> -> memref<128xi32, #tpu.memory_space<vmem>>
    %dma_start3A_448 = arith.constant 0 : i32
    %dma_start3A_449 = tpu.memref_slice %arg7[%dma_start3A_448] : memref<10240xf32, #tpu.memory_space<vmem_shared>> -> memref<10240xf32, #tpu.memory_space<vmem_shared>>
    tpu.enqueue_indirect_dma source(%arg5 : memref<128xf32, #tpu.memory_space<vmem>>) target(%dma_start3A_449 : memref<10240xf32, #tpu.memory_space<vmem_shared>>) offsets(%dma_start3A_447 : memref<128xi32, #tpu.memory_space<vmem>>) semaphore(%arg8 : memref<!tpu.dma_semaphore, #tpu.memory_space<semaphore_mem>>) {add = true}
    %dma_start3A_450 = arith.constant 27 : i32
    %dma_start3A_451 = arith.constant 0 : i32
    %dma_start3A_452 = tpu.memref_slice %arg4[%dma_start3A_450, %dma_start3A_451] : memref<80x128xi32, #tpu.memory_space<vmem>> -> memref<1x128xi32, #tpu.memory_space<vmem>>
    %dma_start3A_453 = tpu.memref_squeeze %dma_start3A_452 : memref<1x128xi32, #tpu.memory_space<vmem>> -> memref<128xi32, #tpu.memory_space<vmem>>
    %dma_start3A_454 = arith.constant 0 : i32
    %dma_start3A_455 = tpu.memref_slice %arg7[%dma_start3A_454] : memref<10240xf32, #tpu.memory_space<vmem_shared>> -> memref<10240xf32, #tpu.memory_space<vmem_shared>>
    tpu.enqueue_indirect_dma source(%arg5 : memref<128xf32, #tpu.memory_space<vmem>>) target(%dma_start3A_455 : memref<10240xf32, #tpu.memory_space<vmem_shared>>) offsets(%dma_start3A_453 : memref<128xi32, #tpu.memory_space<vmem>>) semaphore(%arg8 : memref<!tpu.dma_semaphore, #tpu.memory_space<semaphore_mem>>) {add = true}
    %dma_start3A_456 = arith.constant 28 : i32
    %dma_start3A_457 = arith.constant 0 : i32
    %dma_start3A_458 = tpu.memref_slice %arg4[%dma_start3A_456, %dma_start3A_457] : memref<80x128xi32, #tpu.memory_space<vmem>> -> memref<1x128xi32, #tpu.memory_space<vmem>>
    %dma_start3A_459 = tpu.memref_squeeze %dma_start3A_458 : memref<1x128xi32, #tpu.memory_space<vmem>> -> memref<128xi32, #tpu.memory_space<vmem>>
    %dma_start3A_460 = arith.constant 0 : i32
    %dma_start3A_461 = tpu.memref_slice %arg7[%dma_start3A_460] : memref<10240xf32, #tpu.memory_space<vmem_shared>> -> memref<10240xf32, #tpu.memory_space<vmem_shared>>
    tpu.enqueue_indirect_dma source(%arg5 : memref<128xf32, #tpu.memory_space<vmem>>) target(%dma_start3A_461 : memref<10240xf32, #tpu.memory_space<vmem_shared>>) offsets(%dma_start3A_459 : memref<128xi32, #tpu.memory_space<vmem>>) semaphore(%arg8 : memref<!tpu.dma_semaphore, #tpu.memory_space<semaphore_mem>>) {add = true}
    %dma_start3A_462 = arith.constant 29 : i32
    %dma_start3A_463 = arith.constant 0 : i32
    %dma_start3A_464 = tpu.memref_slice %arg4[%dma_start3A_462, %dma_start3A_463] : memref<80x128xi32, #tpu.memory_space<vmem>> -> memref<1x128xi32, #tpu.memory_space<vmem>>
    %dma_start3A_465 = tpu.memref_squeeze %dma_start3A_464 : memref<1x128xi32, #tpu.memory_space<vmem>> -> memref<128xi32, #tpu.memory_space<vmem>>
    %dma_start3A_466 = arith.constant 0 : i32
    %dma_start3A_467 = tpu.memref_slice %arg7[%dma_start3A_466] : memref<10240xf32, #tpu.memory_space<vmem_shared>> -> memref<10240xf32, #tpu.memory_space<vmem_shared>>
    tpu.enqueue_indirect_dma source(%arg5 : memref<128xf32, #tpu.memory_space<vmem>>) target(%dma_start3A_467 : memref<10240xf32, #tpu.memory_space<vmem_shared>>) offsets(%dma_start3A_465 : memref<128xi32, #tpu.memory_space<vmem>>) semaphore(%arg8 : memref<!tpu.dma_semaphore, #tpu.memory_space<semaphore_mem>>) {add = true}
    %dma_start3A_468 = arith.constant 30 : i32
    %dma_start3A_469 = arith.constant 0 : i32
    %dma_start3A_470 = tpu.memref_slice %arg4[%dma_start3A_468, %dma_start3A_469] : memref<80x128xi32, #tpu.memory_space<vmem>> -> memref<1x128xi32, #tpu.memory_space<vmem>>
    %dma_start3A_471 = tpu.memref_squeeze %dma_start3A_470 : memref<1x128xi32, #tpu.memory_space<vmem>> -> memref<128xi32, #tpu.memory_space<vmem>>
    %dma_start3A_472 = arith.constant 0 : i32
    %dma_start3A_473 = tpu.memref_slice %arg7[%dma_start3A_472] : memref<10240xf32, #tpu.memory_space<vmem_shared>> -> memref<10240xf32, #tpu.memory_space<vmem_shared>>
    tpu.enqueue_indirect_dma source(%arg5 : memref<128xf32, #tpu.memory_space<vmem>>) target(%dma_start3A_473 : memref<10240xf32, #tpu.memory_space<vmem_shared>>) offsets(%dma_start3A_471 : memref<128xi32, #tpu.memory_space<vmem>>) semaphore(%arg8 : memref<!tpu.dma_semaphore, #tpu.memory_space<semaphore_mem>>) {add = true}
    %dma_start3A_474 = arith.constant 31 : i32
    %dma_start3A_475 = arith.constant 0 : i32
    %dma_start3A_476 = tpu.memref_slice %arg4[%dma_start3A_474, %dma_start3A_475] : memref<80x128xi32, #tpu.memory_space<vmem>> -> memref<1x128xi32, #tpu.memory_space<vmem>>
    %dma_start3A_477 = tpu.memref_squeeze %dma_start3A_476 : memref<1x128xi32, #tpu.memory_space<vmem>> -> memref<128xi32, #tpu.memory_space<vmem>>
    %dma_start3A_478 = arith.constant 0 : i32
    %dma_start3A_479 = tpu.memref_slice %arg7[%dma_start3A_478] : memref<10240xf32, #tpu.memory_space<vmem_shared>> -> memref<10240xf32, #tpu.memory_space<vmem_shared>>
    tpu.enqueue_indirect_dma source(%arg5 : memref<128xf32, #tpu.memory_space<vmem>>) target(%dma_start3A_479 : memref<10240xf32, #tpu.memory_space<vmem_shared>>) offsets(%dma_start3A_477 : memref<128xi32, #tpu.memory_space<vmem>>) semaphore(%arg8 : memref<!tpu.dma_semaphore, #tpu.memory_space<semaphore_mem>>) {add = true}
    %dma_start3A_480 = arith.constant 32 : i32
    %dma_start3A_481 = arith.constant 0 : i32
    %dma_start3A_482 = tpu.memref_slice %arg4[%dma_start3A_480, %dma_start3A_481] : memref<80x128xi32, #tpu.memory_space<vmem>> -> memref<1x128xi32, #tpu.memory_space<vmem>>
    %dma_start3A_483 = tpu.memref_squeeze %dma_start3A_482 : memref<1x128xi32, #tpu.memory_space<vmem>> -> memref<128xi32, #tpu.memory_space<vmem>>
    %dma_start3A_484 = arith.constant 0 : i32
    %dma_start3A_485 = tpu.memref_slice %arg7[%dma_start3A_484] : memref<10240xf32, #tpu.memory_space<vmem_shared>> -> memref<10240xf32, #tpu.memory_space<vmem_shared>>
    tpu.enqueue_indirect_dma source(%arg5 : memref<128xf32, #tpu.memory_space<vmem>>) target(%dma_start3A_485 : memref<10240xf32, #tpu.memory_space<vmem_shared>>) offsets(%dma_start3A_483 : memref<128xi32, #tpu.memory_space<vmem>>) semaphore(%arg8 : memref<!tpu.dma_semaphore, #tpu.memory_space<semaphore_mem>>) {add = true}
    %dma_start3A_486 = arith.constant 33 : i32
    %dma_start3A_487 = arith.constant 0 : i32
    %dma_start3A_488 = tpu.memref_slice %arg4[%dma_start3A_486, %dma_start3A_487] : memref<80x128xi32, #tpu.memory_space<vmem>> -> memref<1x128xi32, #tpu.memory_space<vmem>>
    %dma_start3A_489 = tpu.memref_squeeze %dma_start3A_488 : memref<1x128xi32, #tpu.memory_space<vmem>> -> memref<128xi32, #tpu.memory_space<vmem>>
    %dma_start3A_490 = arith.constant 0 : i32
    %dma_start3A_491 = tpu.memref_slice %arg7[%dma_start3A_490] : memref<10240xf32, #tpu.memory_space<vmem_shared>> -> memref<10240xf32, #tpu.memory_space<vmem_shared>>
    tpu.enqueue_indirect_dma source(%arg5 : memref<128xf32, #tpu.memory_space<vmem>>) target(%dma_start3A_491 : memref<10240xf32, #tpu.memory_space<vmem_shared>>) offsets(%dma_start3A_489 : memref<128xi32, #tpu.memory_space<vmem>>) semaphore(%arg8 : memref<!tpu.dma_semaphore, #tpu.memory_space<semaphore_mem>>) {add = true}
    %dma_start3A_492 = arith.constant 34 : i32
    %dma_start3A_493 = arith.constant 0 : i32
    %dma_start3A_494 = tpu.memref_slice %arg4[%dma_start3A_492, %dma_start3A_493] : memref<80x128xi32, #tpu.memory_space<vmem>> -> memref<1x128xi32, #tpu.memory_space<vmem>>
    %dma_start3A_495 = tpu.memref_squeeze %dma_start3A_494 : memref<1x128xi32, #tpu.memory_space<vmem>> -> memref<128xi32, #tpu.memory_space<vmem>>
    %dma_start3A_496 = arith.constant 0 : i32
    %dma_start3A_497 = tpu.memref_slice %arg7[%dma_start3A_496] : memref<10240xf32, #tpu.memory_space<vmem_shared>> -> memref<10240xf32, #tpu.memory_space<vmem_shared>>
    tpu.enqueue_indirect_dma source(%arg5 : memref<128xf32, #tpu.memory_space<vmem>>) target(%dma_start3A_497 : memref<10240xf32, #tpu.memory_space<vmem_shared>>) offsets(%dma_start3A_495 : memref<128xi32, #tpu.memory_space<vmem>>) semaphore(%arg8 : memref<!tpu.dma_semaphore, #tpu.memory_space<semaphore_mem>>) {add = true}
    %dma_start3A_498 = arith.constant 35 : i32
    %dma_start3A_499 = arith.constant 0 : i32
    %dma_start3A_500 = tpu.memref_slice %arg4[%dma_start3A_498, %dma_start3A_499] : memref<80x128xi32, #tpu.memory_space<vmem>> -> memref<1x128xi32, #tpu.memory_space<vmem>>
    %dma_start3A_501 = tpu.memref_squeeze %dma_start3A_500 : memref<1x128xi32, #tpu.memory_space<vmem>> -> memref<128xi32, #tpu.memory_space<vmem>>
    %dma_start3A_502 = arith.constant 0 : i32
    %dma_start3A_503 = tpu.memref_slice %arg7[%dma_start3A_502] : memref<10240xf32, #tpu.memory_space<vmem_shared>> -> memref<10240xf32, #tpu.memory_space<vmem_shared>>
    tpu.enqueue_indirect_dma source(%arg5 : memref<128xf32, #tpu.memory_space<vmem>>) target(%dma_start3A_503 : memref<10240xf32, #tpu.memory_space<vmem_shared>>) offsets(%dma_start3A_501 : memref<128xi32, #tpu.memory_space<vmem>>) semaphore(%arg8 : memref<!tpu.dma_semaphore, #tpu.memory_space<semaphore_mem>>) {add = true}
    %dma_start3A_504 = arith.constant 36 : i32
    %dma_start3A_505 = arith.constant 0 : i32
    %dma_start3A_506 = tpu.memref_slice %arg4[%dma_start3A_504, %dma_start3A_505] : memref<80x128xi32, #tpu.memory_space<vmem>> -> memref<1x128xi32, #tpu.memory_space<vmem>>
    %dma_start3A_507 = tpu.memref_squeeze %dma_start3A_506 : memref<1x128xi32, #tpu.memory_space<vmem>> -> memref<128xi32, #tpu.memory_space<vmem>>
    %dma_start3A_508 = arith.constant 0 : i32
    %dma_start3A_509 = tpu.memref_slice %arg7[%dma_start3A_508] : memref<10240xf32, #tpu.memory_space<vmem_shared>> -> memref<10240xf32, #tpu.memory_space<vmem_shared>>
    tpu.enqueue_indirect_dma source(%arg5 : memref<128xf32, #tpu.memory_space<vmem>>) target(%dma_start3A_509 : memref<10240xf32, #tpu.memory_space<vmem_shared>>) offsets(%dma_start3A_507 : memref<128xi32, #tpu.memory_space<vmem>>) semaphore(%arg8 : memref<!tpu.dma_semaphore, #tpu.memory_space<semaphore_mem>>) {add = true}
    %dma_start3A_510 = arith.constant 37 : i32
    %dma_start3A_511 = arith.constant 0 : i32
    %dma_start3A_512 = tpu.memref_slice %arg4[%dma_start3A_510, %dma_start3A_511] : memref<80x128xi32, #tpu.memory_space<vmem>> -> memref<1x128xi32, #tpu.memory_space<vmem>>
    %dma_start3A_513 = tpu.memref_squeeze %dma_start3A_512 : memref<1x128xi32, #tpu.memory_space<vmem>> -> memref<128xi32, #tpu.memory_space<vmem>>
    %dma_start3A_514 = arith.constant 0 : i32
    %dma_start3A_515 = tpu.memref_slice %arg7[%dma_start3A_514] : memref<10240xf32, #tpu.memory_space<vmem_shared>> -> memref<10240xf32, #tpu.memory_space<vmem_shared>>
    tpu.enqueue_indirect_dma source(%arg5 : memref<128xf32, #tpu.memory_space<vmem>>) target(%dma_start3A_515 : memref<10240xf32, #tpu.memory_space<vmem_shared>>) offsets(%dma_start3A_513 : memref<128xi32, #tpu.memory_space<vmem>>) semaphore(%arg8 : memref<!tpu.dma_semaphore, #tpu.memory_space<semaphore_mem>>) {add = true}
    %dma_start3A_516 = arith.constant 38 : i32
    %dma_start3A_517 = arith.constant 0 : i32
    %dma_start3A_518 = tpu.memref_slice %arg4[%dma_start3A_516, %dma_start3A_517] : memref<80x128xi32, #tpu.memory_space<vmem>> -> memref<1x128xi32, #tpu.memory_space<vmem>>
    %dma_start3A_519 = tpu.memref_squeeze %dma_start3A_518 : memref<1x128xi32, #tpu.memory_space<vmem>> -> memref<128xi32, #tpu.memory_space<vmem>>
    %dma_start3A_520 = arith.constant 0 : i32
    %dma_start3A_521 = tpu.memref_slice %arg7[%dma_start3A_520] : memref<10240xf32, #tpu.memory_space<vmem_shared>> -> memref<10240xf32, #tpu.memory_space<vmem_shared>>
    tpu.enqueue_indirect_dma source(%arg5 : memref<128xf32, #tpu.memory_space<vmem>>) target(%dma_start3A_521 : memref<10240xf32, #tpu.memory_space<vmem_shared>>) offsets(%dma_start3A_519 : memref<128xi32, #tpu.memory_space<vmem>>) semaphore(%arg8 : memref<!tpu.dma_semaphore, #tpu.memory_space<semaphore_mem>>) {add = true}
    %dma_start3A_522 = arith.constant 39 : i32
    %dma_start3A_523 = arith.constant 0 : i32
    %dma_start3A_524 = tpu.memref_slice %arg4[%dma_start3A_522, %dma_start3A_523] : memref<80x128xi32, #tpu.memory_space<vmem>> -> memref<1x128xi32, #tpu.memory_space<vmem>>
    %dma_start3A_525 = tpu.memref_squeeze %dma_start3A_524 : memref<1x128xi32, #tpu.memory_space<vmem>> -> memref<128xi32, #tpu.memory_space<vmem>>
    %dma_start3A_526 = arith.constant 0 : i32
    %dma_start3A_527 = tpu.memref_slice %arg7[%dma_start3A_526] : memref<10240xf32, #tpu.memory_space<vmem_shared>> -> memref<10240xf32, #tpu.memory_space<vmem_shared>>
    tpu.enqueue_indirect_dma source(%arg5 : memref<128xf32, #tpu.memory_space<vmem>>) target(%dma_start3A_527 : memref<10240xf32, #tpu.memory_space<vmem_shared>>) offsets(%dma_start3A_525 : memref<128xi32, #tpu.memory_space<vmem>>) semaphore(%arg8 : memref<!tpu.dma_semaphore, #tpu.memory_space<semaphore_mem>>) {add = true}
    %dma_start3A_528 = arith.constant 40 : i32
    %dma_start3A_529 = arith.constant 0 : i32
    %dma_start3A_530 = tpu.memref_slice %arg4[%dma_start3A_528, %dma_start3A_529] : memref<80x128xi32, #tpu.memory_space<vmem>> -> memref<1x128xi32, #tpu.memory_space<vmem>>
    %dma_start3A_531 = tpu.memref_squeeze %dma_start3A_530 : memref<1x128xi32, #tpu.memory_space<vmem>> -> memref<128xi32, #tpu.memory_space<vmem>>
    %dma_start3A_532 = arith.constant 0 : i32
    %dma_start3A_533 = tpu.memref_slice %arg7[%dma_start3A_532] : memref<10240xf32, #tpu.memory_space<vmem_shared>> -> memref<10240xf32, #tpu.memory_space<vmem_shared>>
    tpu.enqueue_indirect_dma source(%arg5 : memref<128xf32, #tpu.memory_space<vmem>>) target(%dma_start3A_533 : memref<10240xf32, #tpu.memory_space<vmem_shared>>) offsets(%dma_start3A_531 : memref<128xi32, #tpu.memory_space<vmem>>) semaphore(%arg8 : memref<!tpu.dma_semaphore, #tpu.memory_space<semaphore_mem>>) {add = true}
    %dma_start3A_534 = arith.constant 41 : i32
    %dma_start3A_535 = arith.constant 0 : i32
    %dma_start3A_536 = tpu.memref_slice %arg4[%dma_start3A_534, %dma_start3A_535] : memref<80x128xi32, #tpu.memory_space<vmem>> -> memref<1x128xi32, #tpu.memory_space<vmem>>
    %dma_start3A_537 = tpu.memref_squeeze %dma_start3A_536 : memref<1x128xi32, #tpu.memory_space<vmem>> -> memref<128xi32, #tpu.memory_space<vmem>>
    %dma_start3A_538 = arith.constant 0 : i32
    %dma_start3A_539 = tpu.memref_slice %arg7[%dma_start3A_538] : memref<10240xf32, #tpu.memory_space<vmem_shared>> -> memref<10240xf32, #tpu.memory_space<vmem_shared>>
    tpu.enqueue_indirect_dma source(%arg5 : memref<128xf32, #tpu.memory_space<vmem>>) target(%dma_start3A_539 : memref<10240xf32, #tpu.memory_space<vmem_shared>>) offsets(%dma_start3A_537 : memref<128xi32, #tpu.memory_space<vmem>>) semaphore(%arg8 : memref<!tpu.dma_semaphore, #tpu.memory_space<semaphore_mem>>) {add = true}
    %dma_start3A_540 = arith.constant 42 : i32
    %dma_start3A_541 = arith.constant 0 : i32
    %dma_start3A_542 = tpu.memref_slice %arg4[%dma_start3A_540, %dma_start3A_541] : memref<80x128xi32, #tpu.memory_space<vmem>> -> memref<1x128xi32, #tpu.memory_space<vmem>>
    %dma_start3A_543 = tpu.memref_squeeze %dma_start3A_542 : memref<1x128xi32, #tpu.memory_space<vmem>> -> memref<128xi32, #tpu.memory_space<vmem>>
    %dma_start3A_544 = arith.constant 0 : i32
    %dma_start3A_545 = tpu.memref_slice %arg7[%dma_start3A_544] : memref<10240xf32, #tpu.memory_space<vmem_shared>> -> memref<10240xf32, #tpu.memory_space<vmem_shared>>
    tpu.enqueue_indirect_dma source(%arg5 : memref<128xf32, #tpu.memory_space<vmem>>) target(%dma_start3A_545 : memref<10240xf32, #tpu.memory_space<vmem_shared>>) offsets(%dma_start3A_543 : memref<128xi32, #tpu.memory_space<vmem>>) semaphore(%arg8 : memref<!tpu.dma_semaphore, #tpu.memory_space<semaphore_mem>>) {add = true}
    %dma_start3A_546 = arith.constant 43 : i32
    %dma_start3A_547 = arith.constant 0 : i32
    %dma_start3A_548 = tpu.memref_slice %arg4[%dma_start3A_546, %dma_start3A_547] : memref<80x128xi32, #tpu.memory_space<vmem>> -> memref<1x128xi32, #tpu.memory_space<vmem>>
    %dma_start3A_549 = tpu.memref_squeeze %dma_start3A_548 : memref<1x128xi32, #tpu.memory_space<vmem>> -> memref<128xi32, #tpu.memory_space<vmem>>
    %dma_start3A_550 = arith.constant 0 : i32
    %dma_start3A_551 = tpu.memref_slice %arg7[%dma_start3A_550] : memref<10240xf32, #tpu.memory_space<vmem_shared>> -> memref<10240xf32, #tpu.memory_space<vmem_shared>>
    tpu.enqueue_indirect_dma source(%arg5 : memref<128xf32, #tpu.memory_space<vmem>>) target(%dma_start3A_551 : memref<10240xf32, #tpu.memory_space<vmem_shared>>) offsets(%dma_start3A_549 : memref<128xi32, #tpu.memory_space<vmem>>) semaphore(%arg8 : memref<!tpu.dma_semaphore, #tpu.memory_space<semaphore_mem>>) {add = true}
    %dma_start3A_552 = arith.constant 44 : i32
    %dma_start3A_553 = arith.constant 0 : i32
    %dma_start3A_554 = tpu.memref_slice %arg4[%dma_start3A_552, %dma_start3A_553] : memref<80x128xi32, #tpu.memory_space<vmem>> -> memref<1x128xi32, #tpu.memory_space<vmem>>
    %dma_start3A_555 = tpu.memref_squeeze %dma_start3A_554 : memref<1x128xi32, #tpu.memory_space<vmem>> -> memref<128xi32, #tpu.memory_space<vmem>>
    %dma_start3A_556 = arith.constant 0 : i32
    %dma_start3A_557 = tpu.memref_slice %arg7[%dma_start3A_556] : memref<10240xf32, #tpu.memory_space<vmem_shared>> -> memref<10240xf32, #tpu.memory_space<vmem_shared>>
    tpu.enqueue_indirect_dma source(%arg5 : memref<128xf32, #tpu.memory_space<vmem>>) target(%dma_start3A_557 : memref<10240xf32, #tpu.memory_space<vmem_shared>>) offsets(%dma_start3A_555 : memref<128xi32, #tpu.memory_space<vmem>>) semaphore(%arg8 : memref<!tpu.dma_semaphore, #tpu.memory_space<semaphore_mem>>) {add = true}
    %dma_start3A_558 = arith.constant 45 : i32
    %dma_start3A_559 = arith.constant 0 : i32
    %dma_start3A_560 = tpu.memref_slice %arg4[%dma_start3A_558, %dma_start3A_559] : memref<80x128xi32, #tpu.memory_space<vmem>> -> memref<1x128xi32, #tpu.memory_space<vmem>>
    %dma_start3A_561 = tpu.memref_squeeze %dma_start3A_560 : memref<1x128xi32, #tpu.memory_space<vmem>> -> memref<128xi32, #tpu.memory_space<vmem>>
    %dma_start3A_562 = arith.constant 0 : i32
    %dma_start3A_563 = tpu.memref_slice %arg7[%dma_start3A_562] : memref<10240xf32, #tpu.memory_space<vmem_shared>> -> memref<10240xf32, #tpu.memory_space<vmem_shared>>
    tpu.enqueue_indirect_dma source(%arg5 : memref<128xf32, #tpu.memory_space<vmem>>) target(%dma_start3A_563 : memref<10240xf32, #tpu.memory_space<vmem_shared>>) offsets(%dma_start3A_561 : memref<128xi32, #tpu.memory_space<vmem>>) semaphore(%arg8 : memref<!tpu.dma_semaphore, #tpu.memory_space<semaphore_mem>>) {add = true}
    %dma_start3A_564 = arith.constant 46 : i32
    %dma_start3A_565 = arith.constant 0 : i32
    %dma_start3A_566 = tpu.memref_slice %arg4[%dma_start3A_564, %dma_start3A_565] : memref<80x128xi32, #tpu.memory_space<vmem>> -> memref<1x128xi32, #tpu.memory_space<vmem>>
    %dma_start3A_567 = tpu.memref_squeeze %dma_start3A_566 : memref<1x128xi32, #tpu.memory_space<vmem>> -> memref<128xi32, #tpu.memory_space<vmem>>
    %dma_start3A_568 = arith.constant 0 : i32
    %dma_start3A_569 = tpu.memref_slice %arg7[%dma_start3A_568] : memref<10240xf32, #tpu.memory_space<vmem_shared>> -> memref<10240xf32, #tpu.memory_space<vmem_shared>>
    tpu.enqueue_indirect_dma source(%arg5 : memref<128xf32, #tpu.memory_space<vmem>>) target(%dma_start3A_569 : memref<10240xf32, #tpu.memory_space<vmem_shared>>) offsets(%dma_start3A_567 : memref<128xi32, #tpu.memory_space<vmem>>) semaphore(%arg8 : memref<!tpu.dma_semaphore, #tpu.memory_space<semaphore_mem>>) {add = true}
    %dma_start3A_570 = arith.constant 47 : i32
    %dma_start3A_571 = arith.constant 0 : i32
    %dma_start3A_572 = tpu.memref_slice %arg4[%dma_start3A_570, %dma_start3A_571] : memref<80x128xi32, #tpu.memory_space<vmem>> -> memref<1x128xi32, #tpu.memory_space<vmem>>
    %dma_start3A_573 = tpu.memref_squeeze %dma_start3A_572 : memref<1x128xi32, #tpu.memory_space<vmem>> -> memref<128xi32, #tpu.memory_space<vmem>>
    %dma_start3A_574 = arith.constant 0 : i32
    %dma_start3A_575 = tpu.memref_slice %arg7[%dma_start3A_574] : memref<10240xf32, #tpu.memory_space<vmem_shared>> -> memref<10240xf32, #tpu.memory_space<vmem_shared>>
    tpu.enqueue_indirect_dma source(%arg5 : memref<128xf32, #tpu.memory_space<vmem>>) target(%dma_start3A_575 : memref<10240xf32, #tpu.memory_space<vmem_shared>>) offsets(%dma_start3A_573 : memref<128xi32, #tpu.memory_space<vmem>>) semaphore(%arg8 : memref<!tpu.dma_semaphore, #tpu.memory_space<semaphore_mem>>) {add = true}
    %dma_start3A_576 = arith.constant 48 : i32
    %dma_start3A_577 = arith.constant 0 : i32
    %dma_start3A_578 = tpu.memref_slice %arg4[%dma_start3A_576, %dma_start3A_577] : memref<80x128xi32, #tpu.memory_space<vmem>> -> memref<1x128xi32, #tpu.memory_space<vmem>>
    %dma_start3A_579 = tpu.memref_squeeze %dma_start3A_578 : memref<1x128xi32, #tpu.memory_space<vmem>> -> memref<128xi32, #tpu.memory_space<vmem>>
    %dma_start3A_580 = arith.constant 0 : i32
    %dma_start3A_581 = tpu.memref_slice %arg7[%dma_start3A_580] : memref<10240xf32, #tpu.memory_space<vmem_shared>> -> memref<10240xf32, #tpu.memory_space<vmem_shared>>
    tpu.enqueue_indirect_dma source(%arg5 : memref<128xf32, #tpu.memory_space<vmem>>) target(%dma_start3A_581 : memref<10240xf32, #tpu.memory_space<vmem_shared>>) offsets(%dma_start3A_579 : memref<128xi32, #tpu.memory_space<vmem>>) semaphore(%arg8 : memref<!tpu.dma_semaphore, #tpu.memory_space<semaphore_mem>>) {add = true}
    %dma_start3A_582 = arith.constant 49 : i32
    %dma_start3A_583 = arith.constant 0 : i32
    %dma_start3A_584 = tpu.memref_slice %arg4[%dma_start3A_582, %dma_start3A_583] : memref<80x128xi32, #tpu.memory_space<vmem>> -> memref<1x128xi32, #tpu.memory_space<vmem>>
    %dma_start3A_585 = tpu.memref_squeeze %dma_start3A_584 : memref<1x128xi32, #tpu.memory_space<vmem>> -> memref<128xi32, #tpu.memory_space<vmem>>
    %dma_start3A_586 = arith.constant 0 : i32
    %dma_start3A_587 = tpu.memref_slice %arg7[%dma_start3A_586] : memref<10240xf32, #tpu.memory_space<vmem_shared>> -> memref<10240xf32, #tpu.memory_space<vmem_shared>>
    tpu.enqueue_indirect_dma source(%arg5 : memref<128xf32, #tpu.memory_space<vmem>>) target(%dma_start3A_587 : memref<10240xf32, #tpu.memory_space<vmem_shared>>) offsets(%dma_start3A_585 : memref<128xi32, #tpu.memory_space<vmem>>) semaphore(%arg8 : memref<!tpu.dma_semaphore, #tpu.memory_space<semaphore_mem>>) {add = true}
    %dma_start3A_588 = arith.constant 50 : i32
    %dma_start3A_589 = arith.constant 0 : i32
    %dma_start3A_590 = tpu.memref_slice %arg4[%dma_start3A_588, %dma_start3A_589] : memref<80x128xi32, #tpu.memory_space<vmem>> -> memref<1x128xi32, #tpu.memory_space<vmem>>
    %dma_start3A_591 = tpu.memref_squeeze %dma_start3A_590 : memref<1x128xi32, #tpu.memory_space<vmem>> -> memref<128xi32, #tpu.memory_space<vmem>>
    %dma_start3A_592 = arith.constant 0 : i32
    %dma_start3A_593 = tpu.memref_slice %arg7[%dma_start3A_592] : memref<10240xf32, #tpu.memory_space<vmem_shared>> -> memref<10240xf32, #tpu.memory_space<vmem_shared>>
    tpu.enqueue_indirect_dma source(%arg5 : memref<128xf32, #tpu.memory_space<vmem>>) target(%dma_start3A_593 : memref<10240xf32, #tpu.memory_space<vmem_shared>>) offsets(%dma_start3A_591 : memref<128xi32, #tpu.memory_space<vmem>>) semaphore(%arg8 : memref<!tpu.dma_semaphore, #tpu.memory_space<semaphore_mem>>) {add = true}
    %dma_start3A_594 = arith.constant 51 : i32
    %dma_start3A_595 = arith.constant 0 : i32
    %dma_start3A_596 = tpu.memref_slice %arg4[%dma_start3A_594, %dma_start3A_595] : memref<80x128xi32, #tpu.memory_space<vmem>> -> memref<1x128xi32, #tpu.memory_space<vmem>>
    %dma_start3A_597 = tpu.memref_squeeze %dma_start3A_596 : memref<1x128xi32, #tpu.memory_space<vmem>> -> memref<128xi32, #tpu.memory_space<vmem>>
    %dma_start3A_598 = arith.constant 0 : i32
    %dma_start3A_599 = tpu.memref_slice %arg7[%dma_start3A_598] : memref<10240xf32, #tpu.memory_space<vmem_shared>> -> memref<10240xf32, #tpu.memory_space<vmem_shared>>
    tpu.enqueue_indirect_dma source(%arg5 : memref<128xf32, #tpu.memory_space<vmem>>) target(%dma_start3A_599 : memref<10240xf32, #tpu.memory_space<vmem_shared>>) offsets(%dma_start3A_597 : memref<128xi32, #tpu.memory_space<vmem>>) semaphore(%arg8 : memref<!tpu.dma_semaphore, #tpu.memory_space<semaphore_mem>>) {add = true}
    %dma_start3A_600 = arith.constant 52 : i32
    %dma_start3A_601 = arith.constant 0 : i32
    %dma_start3A_602 = tpu.memref_slice %arg4[%dma_start3A_600, %dma_start3A_601] : memref<80x128xi32, #tpu.memory_space<vmem>> -> memref<1x128xi32, #tpu.memory_space<vmem>>
    %dma_start3A_603 = tpu.memref_squeeze %dma_start3A_602 : memref<1x128xi32, #tpu.memory_space<vmem>> -> memref<128xi32, #tpu.memory_space<vmem>>
    %dma_start3A_604 = arith.constant 0 : i32
    %dma_start3A_605 = tpu.memref_slice %arg7[%dma_start3A_604] : memref<10240xf32, #tpu.memory_space<vmem_shared>> -> memref<10240xf32, #tpu.memory_space<vmem_shared>>
    tpu.enqueue_indirect_dma source(%arg5 : memref<128xf32, #tpu.memory_space<vmem>>) target(%dma_start3A_605 : memref<10240xf32, #tpu.memory_space<vmem_shared>>) offsets(%dma_start3A_603 : memref<128xi32, #tpu.memory_space<vmem>>) semaphore(%arg8 : memref<!tpu.dma_semaphore, #tpu.memory_space<semaphore_mem>>) {add = true}
    %dma_start3A_606 = arith.constant 53 : i32
    %dma_start3A_607 = arith.constant 0 : i32
    %dma_start3A_608 = tpu.memref_slice %arg4[%dma_start3A_606, %dma_start3A_607] : memref<80x128xi32, #tpu.memory_space<vmem>> -> memref<1x128xi32, #tpu.memory_space<vmem>>
    %dma_start3A_609 = tpu.memref_squeeze %dma_start3A_608 : memref<1x128xi32, #tpu.memory_space<vmem>> -> memref<128xi32, #tpu.memory_space<vmem>>
    %dma_start3A_610 = arith.constant 0 : i32
    %dma_start3A_611 = tpu.memref_slice %arg7[%dma_start3A_610] : memref<10240xf32, #tpu.memory_space<vmem_shared>> -> memref<10240xf32, #tpu.memory_space<vmem_shared>>
    tpu.enqueue_indirect_dma source(%arg5 : memref<128xf32, #tpu.memory_space<vmem>>) target(%dma_start3A_611 : memref<10240xf32, #tpu.memory_space<vmem_shared>>) offsets(%dma_start3A_609 : memref<128xi32, #tpu.memory_space<vmem>>) semaphore(%arg8 : memref<!tpu.dma_semaphore, #tpu.memory_space<semaphore_mem>>) {add = true}
    %dma_start3A_612 = arith.constant 54 : i32
    %dma_start3A_613 = arith.constant 0 : i32
    %dma_start3A_614 = tpu.memref_slice %arg4[%dma_start3A_612, %dma_start3A_613] : memref<80x128xi32, #tpu.memory_space<vmem>> -> memref<1x128xi32, #tpu.memory_space<vmem>>
    %dma_start3A_615 = tpu.memref_squeeze %dma_start3A_614 : memref<1x128xi32, #tpu.memory_space<vmem>> -> memref<128xi32, #tpu.memory_space<vmem>>
    %dma_start3A_616 = arith.constant 0 : i32
    %dma_start3A_617 = tpu.memref_slice %arg7[%dma_start3A_616] : memref<10240xf32, #tpu.memory_space<vmem_shared>> -> memref<10240xf32, #tpu.memory_space<vmem_shared>>
    tpu.enqueue_indirect_dma source(%arg5 : memref<128xf32, #tpu.memory_space<vmem>>) target(%dma_start3A_617 : memref<10240xf32, #tpu.memory_space<vmem_shared>>) offsets(%dma_start3A_615 : memref<128xi32, #tpu.memory_space<vmem>>) semaphore(%arg8 : memref<!tpu.dma_semaphore, #tpu.memory_space<semaphore_mem>>) {add = true}
    %dma_start3A_618 = arith.constant 55 : i32
    %dma_start3A_619 = arith.constant 0 : i32
    %dma_start3A_620 = tpu.memref_slice %arg4[%dma_start3A_618, %dma_start3A_619] : memref<80x128xi32, #tpu.memory_space<vmem>> -> memref<1x128xi32, #tpu.memory_space<vmem>>
    %dma_start3A_621 = tpu.memref_squeeze %dma_start3A_620 : memref<1x128xi32, #tpu.memory_space<vmem>> -> memref<128xi32, #tpu.memory_space<vmem>>
    %dma_start3A_622 = arith.constant 0 : i32
    %dma_start3A_623 = tpu.memref_slice %arg7[%dma_start3A_622] : memref<10240xf32, #tpu.memory_space<vmem_shared>> -> memref<10240xf32, #tpu.memory_space<vmem_shared>>
    tpu.enqueue_indirect_dma source(%arg5 : memref<128xf32, #tpu.memory_space<vmem>>) target(%dma_start3A_623 : memref<10240xf32, #tpu.memory_space<vmem_shared>>) offsets(%dma_start3A_621 : memref<128xi32, #tpu.memory_space<vmem>>) semaphore(%arg8 : memref<!tpu.dma_semaphore, #tpu.memory_space<semaphore_mem>>) {add = true}
    %dma_start3A_624 = arith.constant 56 : i32
    %dma_start3A_625 = arith.constant 0 : i32
    %dma_start3A_626 = tpu.memref_slice %arg4[%dma_start3A_624, %dma_start3A_625] : memref<80x128xi32, #tpu.memory_space<vmem>> -> memref<1x128xi32, #tpu.memory_space<vmem>>
    %dma_start3A_627 = tpu.memref_squeeze %dma_start3A_626 : memref<1x128xi32, #tpu.memory_space<vmem>> -> memref<128xi32, #tpu.memory_space<vmem>>
    %dma_start3A_628 = arith.constant 0 : i32
    %dma_start3A_629 = tpu.memref_slice %arg7[%dma_start3A_628] : memref<10240xf32, #tpu.memory_space<vmem_shared>> -> memref<10240xf32, #tpu.memory_space<vmem_shared>>
    tpu.enqueue_indirect_dma source(%arg5 : memref<128xf32, #tpu.memory_space<vmem>>) target(%dma_start3A_629 : memref<10240xf32, #tpu.memory_space<vmem_shared>>) offsets(%dma_start3A_627 : memref<128xi32, #tpu.memory_space<vmem>>) semaphore(%arg8 : memref<!tpu.dma_semaphore, #tpu.memory_space<semaphore_mem>>) {add = true}
    %dma_start3A_630 = arith.constant 57 : i32
    %dma_start3A_631 = arith.constant 0 : i32
    %dma_start3A_632 = tpu.memref_slice %arg4[%dma_start3A_630, %dma_start3A_631] : memref<80x128xi32, #tpu.memory_space<vmem>> -> memref<1x128xi32, #tpu.memory_space<vmem>>
    %dma_start3A_633 = tpu.memref_squeeze %dma_start3A_632 : memref<1x128xi32, #tpu.memory_space<vmem>> -> memref<128xi32, #tpu.memory_space<vmem>>
    %dma_start3A_634 = arith.constant 0 : i32
    %dma_start3A_635 = tpu.memref_slice %arg7[%dma_start3A_634] : memref<10240xf32, #tpu.memory_space<vmem_shared>> -> memref<10240xf32, #tpu.memory_space<vmem_shared>>
    tpu.enqueue_indirect_dma source(%arg5 : memref<128xf32, #tpu.memory_space<vmem>>) target(%dma_start3A_635 : memref<10240xf32, #tpu.memory_space<vmem_shared>>) offsets(%dma_start3A_633 : memref<128xi32, #tpu.memory_space<vmem>>) semaphore(%arg8 : memref<!tpu.dma_semaphore, #tpu.memory_space<semaphore_mem>>) {add = true}
    %dma_start3A_636 = arith.constant 58 : i32
    %dma_start3A_637 = arith.constant 0 : i32
    %dma_start3A_638 = tpu.memref_slice %arg4[%dma_start3A_636, %dma_start3A_637] : memref<80x128xi32, #tpu.memory_space<vmem>> -> memref<1x128xi32, #tpu.memory_space<vmem>>
    %dma_start3A_639 = tpu.memref_squeeze %dma_start3A_638 : memref<1x128xi32, #tpu.memory_space<vmem>> -> memref<128xi32, #tpu.memory_space<vmem>>
    %dma_start3A_640 = arith.constant 0 : i32
    %dma_start3A_641 = tpu.memref_slice %arg7[%dma_start3A_640] : memref<10240xf32, #tpu.memory_space<vmem_shared>> -> memref<10240xf32, #tpu.memory_space<vmem_shared>>
    tpu.enqueue_indirect_dma source(%arg5 : memref<128xf32, #tpu.memory_space<vmem>>) target(%dma_start3A_641 : memref<10240xf32, #tpu.memory_space<vmem_shared>>) offsets(%dma_start3A_639 : memref<128xi32, #tpu.memory_space<vmem>>) semaphore(%arg8 : memref<!tpu.dma_semaphore, #tpu.memory_space<semaphore_mem>>) {add = true}
    %dma_start3A_642 = arith.constant 59 : i32
    %dma_start3A_643 = arith.constant 0 : i32
    %dma_start3A_644 = tpu.memref_slice %arg4[%dma_start3A_642, %dma_start3A_643] : memref<80x128xi32, #tpu.memory_space<vmem>> -> memref<1x128xi32, #tpu.memory_space<vmem>>
    %dma_start3A_645 = tpu.memref_squeeze %dma_start3A_644 : memref<1x128xi32, #tpu.memory_space<vmem>> -> memref<128xi32, #tpu.memory_space<vmem>>
    %dma_start3A_646 = arith.constant 0 : i32
    %dma_start3A_647 = tpu.memref_slice %arg7[%dma_start3A_646] : memref<10240xf32, #tpu.memory_space<vmem_shared>> -> memref<10240xf32, #tpu.memory_space<vmem_shared>>
    tpu.enqueue_indirect_dma source(%arg5 : memref<128xf32, #tpu.memory_space<vmem>>) target(%dma_start3A_647 : memref<10240xf32, #tpu.memory_space<vmem_shared>>) offsets(%dma_start3A_645 : memref<128xi32, #tpu.memory_space<vmem>>) semaphore(%arg8 : memref<!tpu.dma_semaphore, #tpu.memory_space<semaphore_mem>>) {add = true}
    %dma_start3A_648 = arith.constant 60 : i32
    %dma_start3A_649 = arith.constant 0 : i32
    %dma_start3A_650 = tpu.memref_slice %arg4[%dma_start3A_648, %dma_start3A_649] : memref<80x128xi32, #tpu.memory_space<vmem>> -> memref<1x128xi32, #tpu.memory_space<vmem>>
    %dma_start3A_651 = tpu.memref_squeeze %dma_start3A_650 : memref<1x128xi32, #tpu.memory_space<vmem>> -> memref<128xi32, #tpu.memory_space<vmem>>
    %dma_start3A_652 = arith.constant 0 : i32
    %dma_start3A_653 = tpu.memref_slice %arg7[%dma_start3A_652] : memref<10240xf32, #tpu.memory_space<vmem_shared>> -> memref<10240xf32, #tpu.memory_space<vmem_shared>>
    tpu.enqueue_indirect_dma source(%arg5 : memref<128xf32, #tpu.memory_space<vmem>>) target(%dma_start3A_653 : memref<10240xf32, #tpu.memory_space<vmem_shared>>) offsets(%dma_start3A_651 : memref<128xi32, #tpu.memory_space<vmem>>) semaphore(%arg8 : memref<!tpu.dma_semaphore, #tpu.memory_space<semaphore_mem>>) {add = true}
    %dma_start3A_654 = arith.constant 61 : i32
    %dma_start3A_655 = arith.constant 0 : i32
    %dma_start3A_656 = tpu.memref_slice %arg4[%dma_start3A_654, %dma_start3A_655] : memref<80x128xi32, #tpu.memory_space<vmem>> -> memref<1x128xi32, #tpu.memory_space<vmem>>
    %dma_start3A_657 = tpu.memref_squeeze %dma_start3A_656 : memref<1x128xi32, #tpu.memory_space<vmem>> -> memref<128xi32, #tpu.memory_space<vmem>>
    %dma_start3A_658 = arith.constant 0 : i32
    %dma_start3A_659 = tpu.memref_slice %arg7[%dma_start3A_658] : memref<10240xf32, #tpu.memory_space<vmem_shared>> -> memref<10240xf32, #tpu.memory_space<vmem_shared>>
    tpu.enqueue_indirect_dma source(%arg5 : memref<128xf32, #tpu.memory_space<vmem>>) target(%dma_start3A_659 : memref<10240xf32, #tpu.memory_space<vmem_shared>>) offsets(%dma_start3A_657 : memref<128xi32, #tpu.memory_space<vmem>>) semaphore(%arg8 : memref<!tpu.dma_semaphore, #tpu.memory_space<semaphore_mem>>) {add = true}
    %dma_start3A_660 = arith.constant 62 : i32
    %dma_start3A_661 = arith.constant 0 : i32
    %dma_start3A_662 = tpu.memref_slice %arg4[%dma_start3A_660, %dma_start3A_661] : memref<80x128xi32, #tpu.memory_space<vmem>> -> memref<1x128xi32, #tpu.memory_space<vmem>>
    %dma_start3A_663 = tpu.memref_squeeze %dma_start3A_662 : memref<1x128xi32, #tpu.memory_space<vmem>> -> memref<128xi32, #tpu.memory_space<vmem>>
    %dma_start3A_664 = arith.constant 0 : i32
    %dma_start3A_665 = tpu.memref_slice %arg7[%dma_start3A_664] : memref<10240xf32, #tpu.memory_space<vmem_shared>> -> memref<10240xf32, #tpu.memory_space<vmem_shared>>
    tpu.enqueue_indirect_dma source(%arg5 : memref<128xf32, #tpu.memory_space<vmem>>) target(%dma_start3A_665 : memref<10240xf32, #tpu.memory_space<vmem_shared>>) offsets(%dma_start3A_663 : memref<128xi32, #tpu.memory_space<vmem>>) semaphore(%arg8 : memref<!tpu.dma_semaphore, #tpu.memory_space<semaphore_mem>>) {add = true}
    %dma_start3A_666 = arith.constant 63 : i32
    %dma_start3A_667 = arith.constant 0 : i32
    %dma_start3A_668 = tpu.memref_slice %arg4[%dma_start3A_666, %dma_start3A_667] : memref<80x128xi32, #tpu.memory_space<vmem>> -> memref<1x128xi32, #tpu.memory_space<vmem>>
    %dma_start3A_669 = tpu.memref_squeeze %dma_start3A_668 : memref<1x128xi32, #tpu.memory_space<vmem>> -> memref<128xi32, #tpu.memory_space<vmem>>
    %dma_start3A_670 = arith.constant 0 : i32
    %dma_start3A_671 = tpu.memref_slice %arg7[%dma_start3A_670] : memref<10240xf32, #tpu.memory_space<vmem_shared>> -> memref<10240xf32, #tpu.memory_space<vmem_shared>>
    tpu.enqueue_indirect_dma source(%arg5 : memref<128xf32, #tpu.memory_space<vmem>>) target(%dma_start3A_671 : memref<10240xf32, #tpu.memory_space<vmem_shared>>) offsets(%dma_start3A_669 : memref<128xi32, #tpu.memory_space<vmem>>) semaphore(%arg8 : memref<!tpu.dma_semaphore, #tpu.memory_space<semaphore_mem>>) {add = true}
    %dma_start3A_672 = arith.constant 64 : i32
    %dma_start3A_673 = arith.constant 0 : i32
    %dma_start3A_674 = tpu.memref_slice %arg4[%dma_start3A_672, %dma_start3A_673] : memref<80x128xi32, #tpu.memory_space<vmem>> -> memref<1x128xi32, #tpu.memory_space<vmem>>
    %dma_start3A_675 = tpu.memref_squeeze %dma_start3A_674 : memref<1x128xi32, #tpu.memory_space<vmem>> -> memref<128xi32, #tpu.memory_space<vmem>>
    %dma_start3A_676 = arith.constant 0 : i32
    %dma_start3A_677 = tpu.memref_slice %arg7[%dma_start3A_676] : memref<10240xf32, #tpu.memory_space<vmem_shared>> -> memref<10240xf32, #tpu.memory_space<vmem_shared>>
    tpu.enqueue_indirect_dma source(%arg5 : memref<128xf32, #tpu.memory_space<vmem>>) target(%dma_start3A_677 : memref<10240xf32, #tpu.memory_space<vmem_shared>>) offsets(%dma_start3A_675 : memref<128xi32, #tpu.memory_space<vmem>>) semaphore(%arg8 : memref<!tpu.dma_semaphore, #tpu.memory_space<semaphore_mem>>) {add = true}
    %dma_start3A_678 = arith.constant 65 : i32
    %dma_start3A_679 = arith.constant 0 : i32
    %dma_start3A_680 = tpu.memref_slice %arg4[%dma_start3A_678, %dma_start3A_679] : memref<80x128xi32, #tpu.memory_space<vmem>> -> memref<1x128xi32, #tpu.memory_space<vmem>>
    %dma_start3A_681 = tpu.memref_squeeze %dma_start3A_680 : memref<1x128xi32, #tpu.memory_space<vmem>> -> memref<128xi32, #tpu.memory_space<vmem>>
    %dma_start3A_682 = arith.constant 0 : i32
    %dma_start3A_683 = tpu.memref_slice %arg7[%dma_start3A_682] : memref<10240xf32, #tpu.memory_space<vmem_shared>> -> memref<10240xf32, #tpu.memory_space<vmem_shared>>
    tpu.enqueue_indirect_dma source(%arg5 : memref<128xf32, #tpu.memory_space<vmem>>) target(%dma_start3A_683 : memref<10240xf32, #tpu.memory_space<vmem_shared>>) offsets(%dma_start3A_681 : memref<128xi32, #tpu.memory_space<vmem>>) semaphore(%arg8 : memref<!tpu.dma_semaphore, #tpu.memory_space<semaphore_mem>>) {add = true}
    %dma_start3A_684 = arith.constant 66 : i32
    %dma_start3A_685 = arith.constant 0 : i32
    %dma_start3A_686 = tpu.memref_slice %arg4[%dma_start3A_684, %dma_start3A_685] : memref<80x128xi32, #tpu.memory_space<vmem>> -> memref<1x128xi32, #tpu.memory_space<vmem>>
    %dma_start3A_687 = tpu.memref_squeeze %dma_start3A_686 : memref<1x128xi32, #tpu.memory_space<vmem>> -> memref<128xi32, #tpu.memory_space<vmem>>
    %dma_start3A_688 = arith.constant 0 : i32
    %dma_start3A_689 = tpu.memref_slice %arg7[%dma_start3A_688] : memref<10240xf32, #tpu.memory_space<vmem_shared>> -> memref<10240xf32, #tpu.memory_space<vmem_shared>>
    tpu.enqueue_indirect_dma source(%arg5 : memref<128xf32, #tpu.memory_space<vmem>>) target(%dma_start3A_689 : memref<10240xf32, #tpu.memory_space<vmem_shared>>) offsets(%dma_start3A_687 : memref<128xi32, #tpu.memory_space<vmem>>) semaphore(%arg8 : memref<!tpu.dma_semaphore, #tpu.memory_space<semaphore_mem>>) {add = true}
    %dma_start3A_690 = arith.constant 67 : i32
    %dma_start3A_691 = arith.constant 0 : i32
    %dma_start3A_692 = tpu.memref_slice %arg4[%dma_start3A_690, %dma_start3A_691] : memref<80x128xi32, #tpu.memory_space<vmem>> -> memref<1x128xi32, #tpu.memory_space<vmem>>
    %dma_start3A_693 = tpu.memref_squeeze %dma_start3A_692 : memref<1x128xi32, #tpu.memory_space<vmem>> -> memref<128xi32, #tpu.memory_space<vmem>>
    %dma_start3A_694 = arith.constant 0 : i32
    %dma_start3A_695 = tpu.memref_slice %arg7[%dma_start3A_694] : memref<10240xf32, #tpu.memory_space<vmem_shared>> -> memref<10240xf32, #tpu.memory_space<vmem_shared>>
    tpu.enqueue_indirect_dma source(%arg5 : memref<128xf32, #tpu.memory_space<vmem>>) target(%dma_start3A_695 : memref<10240xf32, #tpu.memory_space<vmem_shared>>) offsets(%dma_start3A_693 : memref<128xi32, #tpu.memory_space<vmem>>) semaphore(%arg8 : memref<!tpu.dma_semaphore, #tpu.memory_space<semaphore_mem>>) {add = true}
    %dma_start3A_696 = arith.constant 68 : i32
    %dma_start3A_697 = arith.constant 0 : i32
    %dma_start3A_698 = tpu.memref_slice %arg4[%dma_start3A_696, %dma_start3A_697] : memref<80x128xi32, #tpu.memory_space<vmem>> -> memref<1x128xi32, #tpu.memory_space<vmem>>
    %dma_start3A_699 = tpu.memref_squeeze %dma_start3A_698 : memref<1x128xi32, #tpu.memory_space<vmem>> -> memref<128xi32, #tpu.memory_space<vmem>>
    %dma_start3A_700 = arith.constant 0 : i32
    %dma_start3A_701 = tpu.memref_slice %arg7[%dma_start3A_700] : memref<10240xf32, #tpu.memory_space<vmem_shared>> -> memref<10240xf32, #tpu.memory_space<vmem_shared>>
    tpu.enqueue_indirect_dma source(%arg5 : memref<128xf32, #tpu.memory_space<vmem>>) target(%dma_start3A_701 : memref<10240xf32, #tpu.memory_space<vmem_shared>>) offsets(%dma_start3A_699 : memref<128xi32, #tpu.memory_space<vmem>>) semaphore(%arg8 : memref<!tpu.dma_semaphore, #tpu.memory_space<semaphore_mem>>) {add = true}
    %dma_start3A_702 = arith.constant 69 : i32
    %dma_start3A_703 = arith.constant 0 : i32
    %dma_start3A_704 = tpu.memref_slice %arg4[%dma_start3A_702, %dma_start3A_703] : memref<80x128xi32, #tpu.memory_space<vmem>> -> memref<1x128xi32, #tpu.memory_space<vmem>>
    %dma_start3A_705 = tpu.memref_squeeze %dma_start3A_704 : memref<1x128xi32, #tpu.memory_space<vmem>> -> memref<128xi32, #tpu.memory_space<vmem>>
    %dma_start3A_706 = arith.constant 0 : i32
    %dma_start3A_707 = tpu.memref_slice %arg7[%dma_start3A_706] : memref<10240xf32, #tpu.memory_space<vmem_shared>> -> memref<10240xf32, #tpu.memory_space<vmem_shared>>
    tpu.enqueue_indirect_dma source(%arg5 : memref<128xf32, #tpu.memory_space<vmem>>) target(%dma_start3A_707 : memref<10240xf32, #tpu.memory_space<vmem_shared>>) offsets(%dma_start3A_705 : memref<128xi32, #tpu.memory_space<vmem>>) semaphore(%arg8 : memref<!tpu.dma_semaphore, #tpu.memory_space<semaphore_mem>>) {add = true}
    %dma_start3A_708 = arith.constant 70 : i32
    %dma_start3A_709 = arith.constant 0 : i32
    %dma_start3A_710 = tpu.memref_slice %arg4[%dma_start3A_708, %dma_start3A_709] : memref<80x128xi32, #tpu.memory_space<vmem>> -> memref<1x128xi32, #tpu.memory_space<vmem>>
    %dma_start3A_711 = tpu.memref_squeeze %dma_start3A_710 : memref<1x128xi32, #tpu.memory_space<vmem>> -> memref<128xi32, #tpu.memory_space<vmem>>
    %dma_start3A_712 = arith.constant 0 : i32
    %dma_start3A_713 = tpu.memref_slice %arg7[%dma_start3A_712] : memref<10240xf32, #tpu.memory_space<vmem_shared>> -> memref<10240xf32, #tpu.memory_space<vmem_shared>>
    tpu.enqueue_indirect_dma source(%arg5 : memref<128xf32, #tpu.memory_space<vmem>>) target(%dma_start3A_713 : memref<10240xf32, #tpu.memory_space<vmem_shared>>) offsets(%dma_start3A_711 : memref<128xi32, #tpu.memory_space<vmem>>) semaphore(%arg8 : memref<!tpu.dma_semaphore, #tpu.memory_space<semaphore_mem>>) {add = true}
    %dma_start3A_714 = arith.constant 71 : i32
    %dma_start3A_715 = arith.constant 0 : i32
    %dma_start3A_716 = tpu.memref_slice %arg4[%dma_start3A_714, %dma_start3A_715] : memref<80x128xi32, #tpu.memory_space<vmem>> -> memref<1x128xi32, #tpu.memory_space<vmem>>
    %dma_start3A_717 = tpu.memref_squeeze %dma_start3A_716 : memref<1x128xi32, #tpu.memory_space<vmem>> -> memref<128xi32, #tpu.memory_space<vmem>>
    %dma_start3A_718 = arith.constant 0 : i32
    %dma_start3A_719 = tpu.memref_slice %arg7[%dma_start3A_718] : memref<10240xf32, #tpu.memory_space<vmem_shared>> -> memref<10240xf32, #tpu.memory_space<vmem_shared>>
    tpu.enqueue_indirect_dma source(%arg5 : memref<128xf32, #tpu.memory_space<vmem>>) target(%dma_start3A_719 : memref<10240xf32, #tpu.memory_space<vmem_shared>>) offsets(%dma_start3A_717 : memref<128xi32, #tpu.memory_space<vmem>>) semaphore(%arg8 : memref<!tpu.dma_semaphore, #tpu.memory_space<semaphore_mem>>) {add = true}
    %dma_start3A_720 = arith.constant 72 : i32
    %dma_start3A_721 = arith.constant 0 : i32
    %dma_start3A_722 = tpu.memref_slice %arg4[%dma_start3A_720, %dma_start3A_721] : memref<80x128xi32, #tpu.memory_space<vmem>> -> memref<1x128xi32, #tpu.memory_space<vmem>>
    %dma_start3A_723 = tpu.memref_squeeze %dma_start3A_722 : memref<1x128xi32, #tpu.memory_space<vmem>> -> memref<128xi32, #tpu.memory_space<vmem>>
    %dma_start3A_724 = arith.constant 0 : i32
    %dma_start3A_725 = tpu.memref_slice %arg7[%dma_start3A_724] : memref<10240xf32, #tpu.memory_space<vmem_shared>> -> memref<10240xf32, #tpu.memory_space<vmem_shared>>
    tpu.enqueue_indirect_dma source(%arg5 : memref<128xf32, #tpu.memory_space<vmem>>) target(%dma_start3A_725 : memref<10240xf32, #tpu.memory_space<vmem_shared>>) offsets(%dma_start3A_723 : memref<128xi32, #tpu.memory_space<vmem>>) semaphore(%arg8 : memref<!tpu.dma_semaphore, #tpu.memory_space<semaphore_mem>>) {add = true}
    %dma_start3A_726 = arith.constant 73 : i32
    %dma_start3A_727 = arith.constant 0 : i32
    %dma_start3A_728 = tpu.memref_slice %arg4[%dma_start3A_726, %dma_start3A_727] : memref<80x128xi32, #tpu.memory_space<vmem>> -> memref<1x128xi32, #tpu.memory_space<vmem>>
    %dma_start3A_729 = tpu.memref_squeeze %dma_start3A_728 : memref<1x128xi32, #tpu.memory_space<vmem>> -> memref<128xi32, #tpu.memory_space<vmem>>
    %dma_start3A_730 = arith.constant 0 : i32
    %dma_start3A_731 = tpu.memref_slice %arg7[%dma_start3A_730] : memref<10240xf32, #tpu.memory_space<vmem_shared>> -> memref<10240xf32, #tpu.memory_space<vmem_shared>>
    tpu.enqueue_indirect_dma source(%arg5 : memref<128xf32, #tpu.memory_space<vmem>>) target(%dma_start3A_731 : memref<10240xf32, #tpu.memory_space<vmem_shared>>) offsets(%dma_start3A_729 : memref<128xi32, #tpu.memory_space<vmem>>) semaphore(%arg8 : memref<!tpu.dma_semaphore, #tpu.memory_space<semaphore_mem>>) {add = true}
    %dma_start3A_732 = arith.constant 74 : i32
    %dma_start3A_733 = arith.constant 0 : i32
    %dma_start3A_734 = tpu.memref_slice %arg4[%dma_start3A_732, %dma_start3A_733] : memref<80x128xi32, #tpu.memory_space<vmem>> -> memref<1x128xi32, #tpu.memory_space<vmem>>
    %dma_start3A_735 = tpu.memref_squeeze %dma_start3A_734 : memref<1x128xi32, #tpu.memory_space<vmem>> -> memref<128xi32, #tpu.memory_space<vmem>>
    %dma_start3A_736 = arith.constant 0 : i32
    %dma_start3A_737 = tpu.memref_slice %arg7[%dma_start3A_736] : memref<10240xf32, #tpu.memory_space<vmem_shared>> -> memref<10240xf32, #tpu.memory_space<vmem_shared>>
    tpu.enqueue_indirect_dma source(%arg5 : memref<128xf32, #tpu.memory_space<vmem>>) target(%dma_start3A_737 : memref<10240xf32, #tpu.memory_space<vmem_shared>>) offsets(%dma_start3A_735 : memref<128xi32, #tpu.memory_space<vmem>>) semaphore(%arg8 : memref<!tpu.dma_semaphore, #tpu.memory_space<semaphore_mem>>) {add = true}
    %dma_start3A_738 = arith.constant 75 : i32
    %dma_start3A_739 = arith.constant 0 : i32
    %dma_start3A_740 = tpu.memref_slice %arg4[%dma_start3A_738, %dma_start3A_739] : memref<80x128xi32, #tpu.memory_space<vmem>> -> memref<1x128xi32, #tpu.memory_space<vmem>>
    %dma_start3A_741 = tpu.memref_squeeze %dma_start3A_740 : memref<1x128xi32, #tpu.memory_space<vmem>> -> memref<128xi32, #tpu.memory_space<vmem>>
    %dma_start3A_742 = arith.constant 0 : i32
    %dma_start3A_743 = tpu.memref_slice %arg7[%dma_start3A_742] : memref<10240xf32, #tpu.memory_space<vmem_shared>> -> memref<10240xf32, #tpu.memory_space<vmem_shared>>
    tpu.enqueue_indirect_dma source(%arg5 : memref<128xf32, #tpu.memory_space<vmem>>) target(%dma_start3A_743 : memref<10240xf32, #tpu.memory_space<vmem_shared>>) offsets(%dma_start3A_741 : memref<128xi32, #tpu.memory_space<vmem>>) semaphore(%arg8 : memref<!tpu.dma_semaphore, #tpu.memory_space<semaphore_mem>>) {add = true}
    %dma_start3A_744 = arith.constant 76 : i32
    %dma_start3A_745 = arith.constant 0 : i32
    %dma_start3A_746 = tpu.memref_slice %arg4[%dma_start3A_744, %dma_start3A_745] : memref<80x128xi32, #tpu.memory_space<vmem>> -> memref<1x128xi32, #tpu.memory_space<vmem>>
    %dma_start3A_747 = tpu.memref_squeeze %dma_start3A_746 : memref<1x128xi32, #tpu.memory_space<vmem>> -> memref<128xi32, #tpu.memory_space<vmem>>
    %dma_start3A_748 = arith.constant 0 : i32
    %dma_start3A_749 = tpu.memref_slice %arg7[%dma_start3A_748] : memref<10240xf32, #tpu.memory_space<vmem_shared>> -> memref<10240xf32, #tpu.memory_space<vmem_shared>>
    tpu.enqueue_indirect_dma source(%arg5 : memref<128xf32, #tpu.memory_space<vmem>>) target(%dma_start3A_749 : memref<10240xf32, #tpu.memory_space<vmem_shared>>) offsets(%dma_start3A_747 : memref<128xi32, #tpu.memory_space<vmem>>) semaphore(%arg8 : memref<!tpu.dma_semaphore, #tpu.memory_space<semaphore_mem>>) {add = true}
    %dma_start3A_750 = arith.constant 77 : i32
    %dma_start3A_751 = arith.constant 0 : i32
    %dma_start3A_752 = tpu.memref_slice %arg4[%dma_start3A_750, %dma_start3A_751] : memref<80x128xi32, #tpu.memory_space<vmem>> -> memref<1x128xi32, #tpu.memory_space<vmem>>
    %dma_start3A_753 = tpu.memref_squeeze %dma_start3A_752 : memref<1x128xi32, #tpu.memory_space<vmem>> -> memref<128xi32, #tpu.memory_space<vmem>>
    %dma_start3A_754 = arith.constant 0 : i32
    %dma_start3A_755 = tpu.memref_slice %arg7[%dma_start3A_754] : memref<10240xf32, #tpu.memory_space<vmem_shared>> -> memref<10240xf32, #tpu.memory_space<vmem_shared>>
    tpu.enqueue_indirect_dma source(%arg5 : memref<128xf32, #tpu.memory_space<vmem>>) target(%dma_start3A_755 : memref<10240xf32, #tpu.memory_space<vmem_shared>>) offsets(%dma_start3A_753 : memref<128xi32, #tpu.memory_space<vmem>>) semaphore(%arg8 : memref<!tpu.dma_semaphore, #tpu.memory_space<semaphore_mem>>) {add = true}
    %dma_start3A_756 = arith.constant 78 : i32
    %dma_start3A_757 = arith.constant 0 : i32
    %dma_start3A_758 = tpu.memref_slice %arg4[%dma_start3A_756, %dma_start3A_757] : memref<80x128xi32, #tpu.memory_space<vmem>> -> memref<1x128xi32, #tpu.memory_space<vmem>>
    %dma_start3A_759 = tpu.memref_squeeze %dma_start3A_758 : memref<1x128xi32, #tpu.memory_space<vmem>> -> memref<128xi32, #tpu.memory_space<vmem>>
    %dma_start3A_760 = arith.constant 0 : i32
    %dma_start3A_761 = tpu.memref_slice %arg7[%dma_start3A_760] : memref<10240xf32, #tpu.memory_space<vmem_shared>> -> memref<10240xf32, #tpu.memory_space<vmem_shared>>
    tpu.enqueue_indirect_dma source(%arg5 : memref<128xf32, #tpu.memory_space<vmem>>) target(%dma_start3A_761 : memref<10240xf32, #tpu.memory_space<vmem_shared>>) offsets(%dma_start3A_759 : memref<128xi32, #tpu.memory_space<vmem>>) semaphore(%arg8 : memref<!tpu.dma_semaphore, #tpu.memory_space<semaphore_mem>>) {add = true}
    %dma_start3A_762 = arith.constant 79 : i32
    %dma_start3A_763 = arith.constant 0 : i32
    %dma_start3A_764 = tpu.memref_slice %arg4[%dma_start3A_762, %dma_start3A_763] : memref<80x128xi32, #tpu.memory_space<vmem>> -> memref<1x128xi32, #tpu.memory_space<vmem>>
    %dma_start3A_765 = tpu.memref_squeeze %dma_start3A_764 : memref<1x128xi32, #tpu.memory_space<vmem>> -> memref<128xi32, #tpu.memory_space<vmem>>
    %dma_start3A_766 = arith.constant 0 : i32
    %dma_start3A_767 = tpu.memref_slice %arg7[%dma_start3A_766] : memref<10240xf32, #tpu.memory_space<vmem_shared>> -> memref<10240xf32, #tpu.memory_space<vmem_shared>>
    tpu.enqueue_indirect_dma source(%arg5 : memref<128xf32, #tpu.memory_space<vmem>>) target(%dma_start3A_767 : memref<10240xf32, #tpu.memory_space<vmem_shared>>) offsets(%dma_start3A_765 : memref<128xi32, #tpu.memory_space<vmem>>) semaphore(%arg8 : memref<!tpu.dma_semaphore, #tpu.memory_space<semaphore_mem>>) {add = true}
    %dma_wait3A = arith.constant 0 : i32
    %dma_wait3A_768 = arith.constant 0 : i32
    %dma_wait3A_769 = tpu.memref_slice %arg4[%dma_wait3A, %dma_wait3A_768] : memref<80x128xi32, #tpu.memory_space<vmem>> -> memref<1x128xi32, #tpu.memory_space<vmem>>
    %dma_wait3A_770 = tpu.memref_squeeze %dma_wait3A_769 : memref<1x128xi32, #tpu.memory_space<vmem>> -> memref<128xi32, #tpu.memory_space<vmem>>
    %dma_wait3A_771 = arith.constant 0 : i32
    %dma_wait3A_772 = tpu.memref_slice %arg7[%dma_wait3A_771] : memref<10240xf32, #tpu.memory_space<vmem_shared>> -> memref<10240xf32, #tpu.memory_space<vmem_shared>>
    tpu.wait_indirect_dma semaphore(%arg8 : memref<!tpu.dma_semaphore, #tpu.memory_space<semaphore_mem>>) src(%arg5 : memref<128xf32, #tpu.memory_space<vmem>>) dst(%dma_wait3A_772 : memref<10240xf32, #tpu.memory_space<vmem_shared>>)
    %dma_wait3A_773 = arith.constant 1 : i32
    %dma_wait3A_774 = arith.constant 0 : i32
    %dma_wait3A_775 = tpu.memref_slice %arg4[%dma_wait3A_773, %dma_wait3A_774] : memref<80x128xi32, #tpu.memory_space<vmem>> -> memref<1x128xi32, #tpu.memory_space<vmem>>
    %dma_wait3A_776 = tpu.memref_squeeze %dma_wait3A_775 : memref<1x128xi32, #tpu.memory_space<vmem>> -> memref<128xi32, #tpu.memory_space<vmem>>
    %dma_wait3A_777 = arith.constant 0 : i32
    %dma_wait3A_778 = tpu.memref_slice %arg7[%dma_wait3A_777] : memref<10240xf32, #tpu.memory_space<vmem_shared>> -> memref<10240xf32, #tpu.memory_space<vmem_shared>>
    tpu.wait_indirect_dma semaphore(%arg8 : memref<!tpu.dma_semaphore, #tpu.memory_space<semaphore_mem>>) src(%arg5 : memref<128xf32, #tpu.memory_space<vmem>>) dst(%dma_wait3A_778 : memref<10240xf32, #tpu.memory_space<vmem_shared>>)
    %dma_wait3A_779 = arith.constant 2 : i32
    %dma_wait3A_780 = arith.constant 0 : i32
    %dma_wait3A_781 = tpu.memref_slice %arg4[%dma_wait3A_779, %dma_wait3A_780] : memref<80x128xi32, #tpu.memory_space<vmem>> -> memref<1x128xi32, #tpu.memory_space<vmem>>
    %dma_wait3A_782 = tpu.memref_squeeze %dma_wait3A_781 : memref<1x128xi32, #tpu.memory_space<vmem>> -> memref<128xi32, #tpu.memory_space<vmem>>
    %dma_wait3A_783 = arith.constant 0 : i32
    %dma_wait3A_784 = tpu.memref_slice %arg7[%dma_wait3A_783] : memref<10240xf32, #tpu.memory_space<vmem_shared>> -> memref<10240xf32, #tpu.memory_space<vmem_shared>>
    tpu.wait_indirect_dma semaphore(%arg8 : memref<!tpu.dma_semaphore, #tpu.memory_space<semaphore_mem>>) src(%arg5 : memref<128xf32, #tpu.memory_space<vmem>>) dst(%dma_wait3A_784 : memref<10240xf32, #tpu.memory_space<vmem_shared>>)
    %dma_wait3A_785 = arith.constant 3 : i32
    %dma_wait3A_786 = arith.constant 0 : i32
    %dma_wait3A_787 = tpu.memref_slice %arg4[%dma_wait3A_785, %dma_wait3A_786] : memref<80x128xi32, #tpu.memory_space<vmem>> -> memref<1x128xi32, #tpu.memory_space<vmem>>
    %dma_wait3A_788 = tpu.memref_squeeze %dma_wait3A_787 : memref<1x128xi32, #tpu.memory_space<vmem>> -> memref<128xi32, #tpu.memory_space<vmem>>
    %dma_wait3A_789 = arith.constant 0 : i32
    %dma_wait3A_790 = tpu.memref_slice %arg7[%dma_wait3A_789] : memref<10240xf32, #tpu.memory_space<vmem_shared>> -> memref<10240xf32, #tpu.memory_space<vmem_shared>>
    tpu.wait_indirect_dma semaphore(%arg8 : memref<!tpu.dma_semaphore, #tpu.memory_space<semaphore_mem>>) src(%arg5 : memref<128xf32, #tpu.memory_space<vmem>>) dst(%dma_wait3A_790 : memref<10240xf32, #tpu.memory_space<vmem_shared>>)
    %dma_wait3A_791 = arith.constant 4 : i32
    %dma_wait3A_792 = arith.constant 0 : i32
    %dma_wait3A_793 = tpu.memref_slice %arg4[%dma_wait3A_791, %dma_wait3A_792] : memref<80x128xi32, #tpu.memory_space<vmem>> -> memref<1x128xi32, #tpu.memory_space<vmem>>
    %dma_wait3A_794 = tpu.memref_squeeze %dma_wait3A_793 : memref<1x128xi32, #tpu.memory_space<vmem>> -> memref<128xi32, #tpu.memory_space<vmem>>
    %dma_wait3A_795 = arith.constant 0 : i32
    %dma_wait3A_796 = tpu.memref_slice %arg7[%dma_wait3A_795] : memref<10240xf32, #tpu.memory_space<vmem_shared>> -> memref<10240xf32, #tpu.memory_space<vmem_shared>>
    tpu.wait_indirect_dma semaphore(%arg8 : memref<!tpu.dma_semaphore, #tpu.memory_space<semaphore_mem>>) src(%arg5 : memref<128xf32, #tpu.memory_space<vmem>>) dst(%dma_wait3A_796 : memref<10240xf32, #tpu.memory_space<vmem_shared>>)
    %dma_wait3A_797 = arith.constant 5 : i32
    %dma_wait3A_798 = arith.constant 0 : i32
    %dma_wait3A_799 = tpu.memref_slice %arg4[%dma_wait3A_797, %dma_wait3A_798] : memref<80x128xi32, #tpu.memory_space<vmem>> -> memref<1x128xi32, #tpu.memory_space<vmem>>
    %dma_wait3A_800 = tpu.memref_squeeze %dma_wait3A_799 : memref<1x128xi32, #tpu.memory_space<vmem>> -> memref<128xi32, #tpu.memory_space<vmem>>
    %dma_wait3A_801 = arith.constant 0 : i32
    %dma_wait3A_802 = tpu.memref_slice %arg7[%dma_wait3A_801] : memref<10240xf32, #tpu.memory_space<vmem_shared>> -> memref<10240xf32, #tpu.memory_space<vmem_shared>>
    tpu.wait_indirect_dma semaphore(%arg8 : memref<!tpu.dma_semaphore, #tpu.memory_space<semaphore_mem>>) src(%arg5 : memref<128xf32, #tpu.memory_space<vmem>>) dst(%dma_wait3A_802 : memref<10240xf32, #tpu.memory_space<vmem_shared>>)
    %dma_wait3A_803 = arith.constant 6 : i32
    %dma_wait3A_804 = arith.constant 0 : i32
    %dma_wait3A_805 = tpu.memref_slice %arg4[%dma_wait3A_803, %dma_wait3A_804] : memref<80x128xi32, #tpu.memory_space<vmem>> -> memref<1x128xi32, #tpu.memory_space<vmem>>
    %dma_wait3A_806 = tpu.memref_squeeze %dma_wait3A_805 : memref<1x128xi32, #tpu.memory_space<vmem>> -> memref<128xi32, #tpu.memory_space<vmem>>
    %dma_wait3A_807 = arith.constant 0 : i32
    %dma_wait3A_808 = tpu.memref_slice %arg7[%dma_wait3A_807] : memref<10240xf32, #tpu.memory_space<vmem_shared>> -> memref<10240xf32, #tpu.memory_space<vmem_shared>>
    tpu.wait_indirect_dma semaphore(%arg8 : memref<!tpu.dma_semaphore, #tpu.memory_space<semaphore_mem>>) src(%arg5 : memref<128xf32, #tpu.memory_space<vmem>>) dst(%dma_wait3A_808 : memref<10240xf32, #tpu.memory_space<vmem_shared>>)
    %dma_wait3A_809 = arith.constant 7 : i32
    %dma_wait3A_810 = arith.constant 0 : i32
    %dma_wait3A_811 = tpu.memref_slice %arg4[%dma_wait3A_809, %dma_wait3A_810] : memref<80x128xi32, #tpu.memory_space<vmem>> -> memref<1x128xi32, #tpu.memory_space<vmem>>
    %dma_wait3A_812 = tpu.memref_squeeze %dma_wait3A_811 : memref<1x128xi32, #tpu.memory_space<vmem>> -> memref<128xi32, #tpu.memory_space<vmem>>
    %dma_wait3A_813 = arith.constant 0 : i32
    %dma_wait3A_814 = tpu.memref_slice %arg7[%dma_wait3A_813] : memref<10240xf32, #tpu.memory_space<vmem_shared>> -> memref<10240xf32, #tpu.memory_space<vmem_shared>>
    tpu.wait_indirect_dma semaphore(%arg8 : memref<!tpu.dma_semaphore, #tpu.memory_space<semaphore_mem>>) src(%arg5 : memref<128xf32, #tpu.memory_space<vmem>>) dst(%dma_wait3A_814 : memref<10240xf32, #tpu.memory_space<vmem_shared>>)
    %dma_wait3A_815 = arith.constant 8 : i32
    %dma_wait3A_816 = arith.constant 0 : i32
    %dma_wait3A_817 = tpu.memref_slice %arg4[%dma_wait3A_815, %dma_wait3A_816] : memref<80x128xi32, #tpu.memory_space<vmem>> -> memref<1x128xi32, #tpu.memory_space<vmem>>
    %dma_wait3A_818 = tpu.memref_squeeze %dma_wait3A_817 : memref<1x128xi32, #tpu.memory_space<vmem>> -> memref<128xi32, #tpu.memory_space<vmem>>
    %dma_wait3A_819 = arith.constant 0 : i32
    %dma_wait3A_820 = tpu.memref_slice %arg7[%dma_wait3A_819] : memref<10240xf32, #tpu.memory_space<vmem_shared>> -> memref<10240xf32, #tpu.memory_space<vmem_shared>>
    tpu.wait_indirect_dma semaphore(%arg8 : memref<!tpu.dma_semaphore, #tpu.memory_space<semaphore_mem>>) src(%arg5 : memref<128xf32, #tpu.memory_space<vmem>>) dst(%dma_wait3A_820 : memref<10240xf32, #tpu.memory_space<vmem_shared>>)
    %dma_wait3A_821 = arith.constant 9 : i32
    %dma_wait3A_822 = arith.constant 0 : i32
    %dma_wait3A_823 = tpu.memref_slice %arg4[%dma_wait3A_821, %dma_wait3A_822] : memref<80x128xi32, #tpu.memory_space<vmem>> -> memref<1x128xi32, #tpu.memory_space<vmem>>
    %dma_wait3A_824 = tpu.memref_squeeze %dma_wait3A_823 : memref<1x128xi32, #tpu.memory_space<vmem>> -> memref<128xi32, #tpu.memory_space<vmem>>
    %dma_wait3A_825 = arith.constant 0 : i32
    %dma_wait3A_826 = tpu.memref_slice %arg7[%dma_wait3A_825] : memref<10240xf32, #tpu.memory_space<vmem_shared>> -> memref<10240xf32, #tpu.memory_space<vmem_shared>>
    tpu.wait_indirect_dma semaphore(%arg8 : memref<!tpu.dma_semaphore, #tpu.memory_space<semaphore_mem>>) src(%arg5 : memref<128xf32, #tpu.memory_space<vmem>>) dst(%dma_wait3A_826 : memref<10240xf32, #tpu.memory_space<vmem_shared>>)
    %dma_wait3A_827 = arith.constant 10 : i32
    %dma_wait3A_828 = arith.constant 0 : i32
    %dma_wait3A_829 = tpu.memref_slice %arg4[%dma_wait3A_827, %dma_wait3A_828] : memref<80x128xi32, #tpu.memory_space<vmem>> -> memref<1x128xi32, #tpu.memory_space<vmem>>
    %dma_wait3A_830 = tpu.memref_squeeze %dma_wait3A_829 : memref<1x128xi32, #tpu.memory_space<vmem>> -> memref<128xi32, #tpu.memory_space<vmem>>
    %dma_wait3A_831 = arith.constant 0 : i32
    %dma_wait3A_832 = tpu.memref_slice %arg7[%dma_wait3A_831] : memref<10240xf32, #tpu.memory_space<vmem_shared>> -> memref<10240xf32, #tpu.memory_space<vmem_shared>>
    tpu.wait_indirect_dma semaphore(%arg8 : memref<!tpu.dma_semaphore, #tpu.memory_space<semaphore_mem>>) src(%arg5 : memref<128xf32, #tpu.memory_space<vmem>>) dst(%dma_wait3A_832 : memref<10240xf32, #tpu.memory_space<vmem_shared>>)
    %dma_wait3A_833 = arith.constant 11 : i32
    %dma_wait3A_834 = arith.constant 0 : i32
    %dma_wait3A_835 = tpu.memref_slice %arg4[%dma_wait3A_833, %dma_wait3A_834] : memref<80x128xi32, #tpu.memory_space<vmem>> -> memref<1x128xi32, #tpu.memory_space<vmem>>
    %dma_wait3A_836 = tpu.memref_squeeze %dma_wait3A_835 : memref<1x128xi32, #tpu.memory_space<vmem>> -> memref<128xi32, #tpu.memory_space<vmem>>
    %dma_wait3A_837 = arith.constant 0 : i32
    %dma_wait3A_838 = tpu.memref_slice %arg7[%dma_wait3A_837] : memref<10240xf32, #tpu.memory_space<vmem_shared>> -> memref<10240xf32, #tpu.memory_space<vmem_shared>>
    tpu.wait_indirect_dma semaphore(%arg8 : memref<!tpu.dma_semaphore, #tpu.memory_space<semaphore_mem>>) src(%arg5 : memref<128xf32, #tpu.memory_space<vmem>>) dst(%dma_wait3A_838 : memref<10240xf32, #tpu.memory_space<vmem_shared>>)
    %dma_wait3A_839 = arith.constant 12 : i32
    %dma_wait3A_840 = arith.constant 0 : i32
    %dma_wait3A_841 = tpu.memref_slice %arg4[%dma_wait3A_839, %dma_wait3A_840] : memref<80x128xi32, #tpu.memory_space<vmem>> -> memref<1x128xi32, #tpu.memory_space<vmem>>
    %dma_wait3A_842 = tpu.memref_squeeze %dma_wait3A_841 : memref<1x128xi32, #tpu.memory_space<vmem>> -> memref<128xi32, #tpu.memory_space<vmem>>
    %dma_wait3A_843 = arith.constant 0 : i32
    %dma_wait3A_844 = tpu.memref_slice %arg7[%dma_wait3A_843] : memref<10240xf32, #tpu.memory_space<vmem_shared>> -> memref<10240xf32, #tpu.memory_space<vmem_shared>>
    tpu.wait_indirect_dma semaphore(%arg8 : memref<!tpu.dma_semaphore, #tpu.memory_space<semaphore_mem>>) src(%arg5 : memref<128xf32, #tpu.memory_space<vmem>>) dst(%dma_wait3A_844 : memref<10240xf32, #tpu.memory_space<vmem_shared>>)
    %dma_wait3A_845 = arith.constant 13 : i32
    %dma_wait3A_846 = arith.constant 0 : i32
    %dma_wait3A_847 = tpu.memref_slice %arg4[%dma_wait3A_845, %dma_wait3A_846] : memref<80x128xi32, #tpu.memory_space<vmem>> -> memref<1x128xi32, #tpu.memory_space<vmem>>
    %dma_wait3A_848 = tpu.memref_squeeze %dma_wait3A_847 : memref<1x128xi32, #tpu.memory_space<vmem>> -> memref<128xi32, #tpu.memory_space<vmem>>
    %dma_wait3A_849 = arith.constant 0 : i32
    %dma_wait3A_850 = tpu.memref_slice %arg7[%dma_wait3A_849] : memref<10240xf32, #tpu.memory_space<vmem_shared>> -> memref<10240xf32, #tpu.memory_space<vmem_shared>>
    tpu.wait_indirect_dma semaphore(%arg8 : memref<!tpu.dma_semaphore, #tpu.memory_space<semaphore_mem>>) src(%arg5 : memref<128xf32, #tpu.memory_space<vmem>>) dst(%dma_wait3A_850 : memref<10240xf32, #tpu.memory_space<vmem_shared>>)
    %dma_wait3A_851 = arith.constant 14 : i32
    %dma_wait3A_852 = arith.constant 0 : i32
    %dma_wait3A_853 = tpu.memref_slice %arg4[%dma_wait3A_851, %dma_wait3A_852] : memref<80x128xi32, #tpu.memory_space<vmem>> -> memref<1x128xi32, #tpu.memory_space<vmem>>
    %dma_wait3A_854 = tpu.memref_squeeze %dma_wait3A_853 : memref<1x128xi32, #tpu.memory_space<vmem>> -> memref<128xi32, #tpu.memory_space<vmem>>
    %dma_wait3A_855 = arith.constant 0 : i32
    %dma_wait3A_856 = tpu.memref_slice %arg7[%dma_wait3A_855] : memref<10240xf32, #tpu.memory_space<vmem_shared>> -> memref<10240xf32, #tpu.memory_space<vmem_shared>>
    tpu.wait_indirect_dma semaphore(%arg8 : memref<!tpu.dma_semaphore, #tpu.memory_space<semaphore_mem>>) src(%arg5 : memref<128xf32, #tpu.memory_space<vmem>>) dst(%dma_wait3A_856 : memref<10240xf32, #tpu.memory_space<vmem_shared>>)
    %dma_wait3A_857 = arith.constant 15 : i32
    %dma_wait3A_858 = arith.constant 0 : i32
    %dma_wait3A_859 = tpu.memref_slice %arg4[%dma_wait3A_857, %dma_wait3A_858] : memref<80x128xi32, #tpu.memory_space<vmem>> -> memref<1x128xi32, #tpu.memory_space<vmem>>
    %dma_wait3A_860 = tpu.memref_squeeze %dma_wait3A_859 : memref<1x128xi32, #tpu.memory_space<vmem>> -> memref<128xi32, #tpu.memory_space<vmem>>
    %dma_wait3A_861 = arith.constant 0 : i32
    %dma_wait3A_862 = tpu.memref_slice %arg7[%dma_wait3A_861] : memref<10240xf32, #tpu.memory_space<vmem_shared>> -> memref<10240xf32, #tpu.memory_space<vmem_shared>>
    tpu.wait_indirect_dma semaphore(%arg8 : memref<!tpu.dma_semaphore, #tpu.memory_space<semaphore_mem>>) src(%arg5 : memref<128xf32, #tpu.memory_space<vmem>>) dst(%dma_wait3A_862 : memref<10240xf32, #tpu.memory_space<vmem_shared>>)
    %dma_wait3A_863 = arith.constant 16 : i32
    %dma_wait3A_864 = arith.constant 0 : i32
    %dma_wait3A_865 = tpu.memref_slice %arg4[%dma_wait3A_863, %dma_wait3A_864] : memref<80x128xi32, #tpu.memory_space<vmem>> -> memref<1x128xi32, #tpu.memory_space<vmem>>
    %dma_wait3A_866 = tpu.memref_squeeze %dma_wait3A_865 : memref<1x128xi32, #tpu.memory_space<vmem>> -> memref<128xi32, #tpu.memory_space<vmem>>
    %dma_wait3A_867 = arith.constant 0 : i32
    %dma_wait3A_868 = tpu.memref_slice %arg7[%dma_wait3A_867] : memref<10240xf32, #tpu.memory_space<vmem_shared>> -> memref<10240xf32, #tpu.memory_space<vmem_shared>>
    tpu.wait_indirect_dma semaphore(%arg8 : memref<!tpu.dma_semaphore, #tpu.memory_space<semaphore_mem>>) src(%arg5 : memref<128xf32, #tpu.memory_space<vmem>>) dst(%dma_wait3A_868 : memref<10240xf32, #tpu.memory_space<vmem_shared>>)
    %dma_wait3A_869 = arith.constant 17 : i32
    %dma_wait3A_870 = arith.constant 0 : i32
    %dma_wait3A_871 = tpu.memref_slice %arg4[%dma_wait3A_869, %dma_wait3A_870] : memref<80x128xi32, #tpu.memory_space<vmem>> -> memref<1x128xi32, #tpu.memory_space<vmem>>
    %dma_wait3A_872 = tpu.memref_squeeze %dma_wait3A_871 : memref<1x128xi32, #tpu.memory_space<vmem>> -> memref<128xi32, #tpu.memory_space<vmem>>
    %dma_wait3A_873 = arith.constant 0 : i32
    %dma_wait3A_874 = tpu.memref_slice %arg7[%dma_wait3A_873] : memref<10240xf32, #tpu.memory_space<vmem_shared>> -> memref<10240xf32, #tpu.memory_space<vmem_shared>>
    tpu.wait_indirect_dma semaphore(%arg8 : memref<!tpu.dma_semaphore, #tpu.memory_space<semaphore_mem>>) src(%arg5 : memref<128xf32, #tpu.memory_space<vmem>>) dst(%dma_wait3A_874 : memref<10240xf32, #tpu.memory_space<vmem_shared>>)
    %dma_wait3A_875 = arith.constant 18 : i32
    %dma_wait3A_876 = arith.constant 0 : i32
    %dma_wait3A_877 = tpu.memref_slice %arg4[%dma_wait3A_875, %dma_wait3A_876] : memref<80x128xi32, #tpu.memory_space<vmem>> -> memref<1x128xi32, #tpu.memory_space<vmem>>
    %dma_wait3A_878 = tpu.memref_squeeze %dma_wait3A_877 : memref<1x128xi32, #tpu.memory_space<vmem>> -> memref<128xi32, #tpu.memory_space<vmem>>
    %dma_wait3A_879 = arith.constant 0 : i32
    %dma_wait3A_880 = tpu.memref_slice %arg7[%dma_wait3A_879] : memref<10240xf32, #tpu.memory_space<vmem_shared>> -> memref<10240xf32, #tpu.memory_space<vmem_shared>>
    tpu.wait_indirect_dma semaphore(%arg8 : memref<!tpu.dma_semaphore, #tpu.memory_space<semaphore_mem>>) src(%arg5 : memref<128xf32, #tpu.memory_space<vmem>>) dst(%dma_wait3A_880 : memref<10240xf32, #tpu.memory_space<vmem_shared>>)
    %dma_wait3A_881 = arith.constant 19 : i32
    %dma_wait3A_882 = arith.constant 0 : i32
    %dma_wait3A_883 = tpu.memref_slice %arg4[%dma_wait3A_881, %dma_wait3A_882] : memref<80x128xi32, #tpu.memory_space<vmem>> -> memref<1x128xi32, #tpu.memory_space<vmem>>
    %dma_wait3A_884 = tpu.memref_squeeze %dma_wait3A_883 : memref<1x128xi32, #tpu.memory_space<vmem>> -> memref<128xi32, #tpu.memory_space<vmem>>
    %dma_wait3A_885 = arith.constant 0 : i32
    %dma_wait3A_886 = tpu.memref_slice %arg7[%dma_wait3A_885] : memref<10240xf32, #tpu.memory_space<vmem_shared>> -> memref<10240xf32, #tpu.memory_space<vmem_shared>>
    tpu.wait_indirect_dma semaphore(%arg8 : memref<!tpu.dma_semaphore, #tpu.memory_space<semaphore_mem>>) src(%arg5 : memref<128xf32, #tpu.memory_space<vmem>>) dst(%dma_wait3A_886 : memref<10240xf32, #tpu.memory_space<vmem_shared>>)
    %dma_wait3A_887 = arith.constant 20 : i32
    %dma_wait3A_888 = arith.constant 0 : i32
    %dma_wait3A_889 = tpu.memref_slice %arg4[%dma_wait3A_887, %dma_wait3A_888] : memref<80x128xi32, #tpu.memory_space<vmem>> -> memref<1x128xi32, #tpu.memory_space<vmem>>
    %dma_wait3A_890 = tpu.memref_squeeze %dma_wait3A_889 : memref<1x128xi32, #tpu.memory_space<vmem>> -> memref<128xi32, #tpu.memory_space<vmem>>
    %dma_wait3A_891 = arith.constant 0 : i32
    %dma_wait3A_892 = tpu.memref_slice %arg7[%dma_wait3A_891] : memref<10240xf32, #tpu.memory_space<vmem_shared>> -> memref<10240xf32, #tpu.memory_space<vmem_shared>>
    tpu.wait_indirect_dma semaphore(%arg8 : memref<!tpu.dma_semaphore, #tpu.memory_space<semaphore_mem>>) src(%arg5 : memref<128xf32, #tpu.memory_space<vmem>>) dst(%dma_wait3A_892 : memref<10240xf32, #tpu.memory_space<vmem_shared>>)
    %dma_wait3A_893 = arith.constant 21 : i32
    %dma_wait3A_894 = arith.constant 0 : i32
    %dma_wait3A_895 = tpu.memref_slice %arg4[%dma_wait3A_893, %dma_wait3A_894] : memref<80x128xi32, #tpu.memory_space<vmem>> -> memref<1x128xi32, #tpu.memory_space<vmem>>
    %dma_wait3A_896 = tpu.memref_squeeze %dma_wait3A_895 : memref<1x128xi32, #tpu.memory_space<vmem>> -> memref<128xi32, #tpu.memory_space<vmem>>
    %dma_wait3A_897 = arith.constant 0 : i32
    %dma_wait3A_898 = tpu.memref_slice %arg7[%dma_wait3A_897] : memref<10240xf32, #tpu.memory_space<vmem_shared>> -> memref<10240xf32, #tpu.memory_space<vmem_shared>>
    tpu.wait_indirect_dma semaphore(%arg8 : memref<!tpu.dma_semaphore, #tpu.memory_space<semaphore_mem>>) src(%arg5 : memref<128xf32, #tpu.memory_space<vmem>>) dst(%dma_wait3A_898 : memref<10240xf32, #tpu.memory_space<vmem_shared>>)
    %dma_wait3A_899 = arith.constant 22 : i32
    %dma_wait3A_900 = arith.constant 0 : i32
    %dma_wait3A_901 = tpu.memref_slice %arg4[%dma_wait3A_899, %dma_wait3A_900] : memref<80x128xi32, #tpu.memory_space<vmem>> -> memref<1x128xi32, #tpu.memory_space<vmem>>
    %dma_wait3A_902 = tpu.memref_squeeze %dma_wait3A_901 : memref<1x128xi32, #tpu.memory_space<vmem>> -> memref<128xi32, #tpu.memory_space<vmem>>
    %dma_wait3A_903 = arith.constant 0 : i32
    %dma_wait3A_904 = tpu.memref_slice %arg7[%dma_wait3A_903] : memref<10240xf32, #tpu.memory_space<vmem_shared>> -> memref<10240xf32, #tpu.memory_space<vmem_shared>>
    tpu.wait_indirect_dma semaphore(%arg8 : memref<!tpu.dma_semaphore, #tpu.memory_space<semaphore_mem>>) src(%arg5 : memref<128xf32, #tpu.memory_space<vmem>>) dst(%dma_wait3A_904 : memref<10240xf32, #tpu.memory_space<vmem_shared>>)
    %dma_wait3A_905 = arith.constant 23 : i32
    %dma_wait3A_906 = arith.constant 0 : i32
    %dma_wait3A_907 = tpu.memref_slice %arg4[%dma_wait3A_905, %dma_wait3A_906] : memref<80x128xi32, #tpu.memory_space<vmem>> -> memref<1x128xi32, #tpu.memory_space<vmem>>
    %dma_wait3A_908 = tpu.memref_squeeze %dma_wait3A_907 : memref<1x128xi32, #tpu.memory_space<vmem>> -> memref<128xi32, #tpu.memory_space<vmem>>
    %dma_wait3A_909 = arith.constant 0 : i32
    %dma_wait3A_910 = tpu.memref_slice %arg7[%dma_wait3A_909] : memref<10240xf32, #tpu.memory_space<vmem_shared>> -> memref<10240xf32, #tpu.memory_space<vmem_shared>>
    tpu.wait_indirect_dma semaphore(%arg8 : memref<!tpu.dma_semaphore, #tpu.memory_space<semaphore_mem>>) src(%arg5 : memref<128xf32, #tpu.memory_space<vmem>>) dst(%dma_wait3A_910 : memref<10240xf32, #tpu.memory_space<vmem_shared>>)
    %dma_wait3A_911 = arith.constant 24 : i32
    %dma_wait3A_912 = arith.constant 0 : i32
    %dma_wait3A_913 = tpu.memref_slice %arg4[%dma_wait3A_911, %dma_wait3A_912] : memref<80x128xi32, #tpu.memory_space<vmem>> -> memref<1x128xi32, #tpu.memory_space<vmem>>
    %dma_wait3A_914 = tpu.memref_squeeze %dma_wait3A_913 : memref<1x128xi32, #tpu.memory_space<vmem>> -> memref<128xi32, #tpu.memory_space<vmem>>
    %dma_wait3A_915 = arith.constant 0 : i32
    %dma_wait3A_916 = tpu.memref_slice %arg7[%dma_wait3A_915] : memref<10240xf32, #tpu.memory_space<vmem_shared>> -> memref<10240xf32, #tpu.memory_space<vmem_shared>>
    tpu.wait_indirect_dma semaphore(%arg8 : memref<!tpu.dma_semaphore, #tpu.memory_space<semaphore_mem>>) src(%arg5 : memref<128xf32, #tpu.memory_space<vmem>>) dst(%dma_wait3A_916 : memref<10240xf32, #tpu.memory_space<vmem_shared>>)
    %dma_wait3A_917 = arith.constant 25 : i32
    %dma_wait3A_918 = arith.constant 0 : i32
    %dma_wait3A_919 = tpu.memref_slice %arg4[%dma_wait3A_917, %dma_wait3A_918] : memref<80x128xi32, #tpu.memory_space<vmem>> -> memref<1x128xi32, #tpu.memory_space<vmem>>
    %dma_wait3A_920 = tpu.memref_squeeze %dma_wait3A_919 : memref<1x128xi32, #tpu.memory_space<vmem>> -> memref<128xi32, #tpu.memory_space<vmem>>
    %dma_wait3A_921 = arith.constant 0 : i32
    %dma_wait3A_922 = tpu.memref_slice %arg7[%dma_wait3A_921] : memref<10240xf32, #tpu.memory_space<vmem_shared>> -> memref<10240xf32, #tpu.memory_space<vmem_shared>>
    tpu.wait_indirect_dma semaphore(%arg8 : memref<!tpu.dma_semaphore, #tpu.memory_space<semaphore_mem>>) src(%arg5 : memref<128xf32, #tpu.memory_space<vmem>>) dst(%dma_wait3A_922 : memref<10240xf32, #tpu.memory_space<vmem_shared>>)
    %dma_wait3A_923 = arith.constant 26 : i32
    %dma_wait3A_924 = arith.constant 0 : i32
    %dma_wait3A_925 = tpu.memref_slice %arg4[%dma_wait3A_923, %dma_wait3A_924] : memref<80x128xi32, #tpu.memory_space<vmem>> -> memref<1x128xi32, #tpu.memory_space<vmem>>
    %dma_wait3A_926 = tpu.memref_squeeze %dma_wait3A_925 : memref<1x128xi32, #tpu.memory_space<vmem>> -> memref<128xi32, #tpu.memory_space<vmem>>
    %dma_wait3A_927 = arith.constant 0 : i32
    %dma_wait3A_928 = tpu.memref_slice %arg7[%dma_wait3A_927] : memref<10240xf32, #tpu.memory_space<vmem_shared>> -> memref<10240xf32, #tpu.memory_space<vmem_shared>>
    tpu.wait_indirect_dma semaphore(%arg8 : memref<!tpu.dma_semaphore, #tpu.memory_space<semaphore_mem>>) src(%arg5 : memref<128xf32, #tpu.memory_space<vmem>>) dst(%dma_wait3A_928 : memref<10240xf32, #tpu.memory_space<vmem_shared>>)
    %dma_wait3A_929 = arith.constant 27 : i32
    %dma_wait3A_930 = arith.constant 0 : i32
    %dma_wait3A_931 = tpu.memref_slice %arg4[%dma_wait3A_929, %dma_wait3A_930] : memref<80x128xi32, #tpu.memory_space<vmem>> -> memref<1x128xi32, #tpu.memory_space<vmem>>
    %dma_wait3A_932 = tpu.memref_squeeze %dma_wait3A_931 : memref<1x128xi32, #tpu.memory_space<vmem>> -> memref<128xi32, #tpu.memory_space<vmem>>
    %dma_wait3A_933 = arith.constant 0 : i32
    %dma_wait3A_934 = tpu.memref_slice %arg7[%dma_wait3A_933] : memref<10240xf32, #tpu.memory_space<vmem_shared>> -> memref<10240xf32, #tpu.memory_space<vmem_shared>>
    tpu.wait_indirect_dma semaphore(%arg8 : memref<!tpu.dma_semaphore, #tpu.memory_space<semaphore_mem>>) src(%arg5 : memref<128xf32, #tpu.memory_space<vmem>>) dst(%dma_wait3A_934 : memref<10240xf32, #tpu.memory_space<vmem_shared>>)
    %dma_wait3A_935 = arith.constant 28 : i32
    %dma_wait3A_936 = arith.constant 0 : i32
    %dma_wait3A_937 = tpu.memref_slice %arg4[%dma_wait3A_935, %dma_wait3A_936] : memref<80x128xi32, #tpu.memory_space<vmem>> -> memref<1x128xi32, #tpu.memory_space<vmem>>
    %dma_wait3A_938 = tpu.memref_squeeze %dma_wait3A_937 : memref<1x128xi32, #tpu.memory_space<vmem>> -> memref<128xi32, #tpu.memory_space<vmem>>
    %dma_wait3A_939 = arith.constant 0 : i32
    %dma_wait3A_940 = tpu.memref_slice %arg7[%dma_wait3A_939] : memref<10240xf32, #tpu.memory_space<vmem_shared>> -> memref<10240xf32, #tpu.memory_space<vmem_shared>>
    tpu.wait_indirect_dma semaphore(%arg8 : memref<!tpu.dma_semaphore, #tpu.memory_space<semaphore_mem>>) src(%arg5 : memref<128xf32, #tpu.memory_space<vmem>>) dst(%dma_wait3A_940 : memref<10240xf32, #tpu.memory_space<vmem_shared>>)
    %dma_wait3A_941 = arith.constant 29 : i32
    %dma_wait3A_942 = arith.constant 0 : i32
    %dma_wait3A_943 = tpu.memref_slice %arg4[%dma_wait3A_941, %dma_wait3A_942] : memref<80x128xi32, #tpu.memory_space<vmem>> -> memref<1x128xi32, #tpu.memory_space<vmem>>
    %dma_wait3A_944 = tpu.memref_squeeze %dma_wait3A_943 : memref<1x128xi32, #tpu.memory_space<vmem>> -> memref<128xi32, #tpu.memory_space<vmem>>
    %dma_wait3A_945 = arith.constant 0 : i32
    %dma_wait3A_946 = tpu.memref_slice %arg7[%dma_wait3A_945] : memref<10240xf32, #tpu.memory_space<vmem_shared>> -> memref<10240xf32, #tpu.memory_space<vmem_shared>>
    tpu.wait_indirect_dma semaphore(%arg8 : memref<!tpu.dma_semaphore, #tpu.memory_space<semaphore_mem>>) src(%arg5 : memref<128xf32, #tpu.memory_space<vmem>>) dst(%dma_wait3A_946 : memref<10240xf32, #tpu.memory_space<vmem_shared>>)
    %dma_wait3A_947 = arith.constant 30 : i32
    %dma_wait3A_948 = arith.constant 0 : i32
    %dma_wait3A_949 = tpu.memref_slice %arg4[%dma_wait3A_947, %dma_wait3A_948] : memref<80x128xi32, #tpu.memory_space<vmem>> -> memref<1x128xi32, #tpu.memory_space<vmem>>
    %dma_wait3A_950 = tpu.memref_squeeze %dma_wait3A_949 : memref<1x128xi32, #tpu.memory_space<vmem>> -> memref<128xi32, #tpu.memory_space<vmem>>
    %dma_wait3A_951 = arith.constant 0 : i32
    %dma_wait3A_952 = tpu.memref_slice %arg7[%dma_wait3A_951] : memref<10240xf32, #tpu.memory_space<vmem_shared>> -> memref<10240xf32, #tpu.memory_space<vmem_shared>>
    tpu.wait_indirect_dma semaphore(%arg8 : memref<!tpu.dma_semaphore, #tpu.memory_space<semaphore_mem>>) src(%arg5 : memref<128xf32, #tpu.memory_space<vmem>>) dst(%dma_wait3A_952 : memref<10240xf32, #tpu.memory_space<vmem_shared>>)
    %dma_wait3A_953 = arith.constant 31 : i32
    %dma_wait3A_954 = arith.constant 0 : i32
    %dma_wait3A_955 = tpu.memref_slice %arg4[%dma_wait3A_953, %dma_wait3A_954] : memref<80x128xi32, #tpu.memory_space<vmem>> -> memref<1x128xi32, #tpu.memory_space<vmem>>
    %dma_wait3A_956 = tpu.memref_squeeze %dma_wait3A_955 : memref<1x128xi32, #tpu.memory_space<vmem>> -> memref<128xi32, #tpu.memory_space<vmem>>
    %dma_wait3A_957 = arith.constant 0 : i32
    %dma_wait3A_958 = tpu.memref_slice %arg7[%dma_wait3A_957] : memref<10240xf32, #tpu.memory_space<vmem_shared>> -> memref<10240xf32, #tpu.memory_space<vmem_shared>>
    tpu.wait_indirect_dma semaphore(%arg8 : memref<!tpu.dma_semaphore, #tpu.memory_space<semaphore_mem>>) src(%arg5 : memref<128xf32, #tpu.memory_space<vmem>>) dst(%dma_wait3A_958 : memref<10240xf32, #tpu.memory_space<vmem_shared>>)
    %dma_wait3A_959 = arith.constant 32 : i32
    %dma_wait3A_960 = arith.constant 0 : i32
    %dma_wait3A_961 = tpu.memref_slice %arg4[%dma_wait3A_959, %dma_wait3A_960] : memref<80x128xi32, #tpu.memory_space<vmem>> -> memref<1x128xi32, #tpu.memory_space<vmem>>
    %dma_wait3A_962 = tpu.memref_squeeze %dma_wait3A_961 : memref<1x128xi32, #tpu.memory_space<vmem>> -> memref<128xi32, #tpu.memory_space<vmem>>
    %dma_wait3A_963 = arith.constant 0 : i32
    %dma_wait3A_964 = tpu.memref_slice %arg7[%dma_wait3A_963] : memref<10240xf32, #tpu.memory_space<vmem_shared>> -> memref<10240xf32, #tpu.memory_space<vmem_shared>>
    tpu.wait_indirect_dma semaphore(%arg8 : memref<!tpu.dma_semaphore, #tpu.memory_space<semaphore_mem>>) src(%arg5 : memref<128xf32, #tpu.memory_space<vmem>>) dst(%dma_wait3A_964 : memref<10240xf32, #tpu.memory_space<vmem_shared>>)
    %dma_wait3A_965 = arith.constant 33 : i32
    %dma_wait3A_966 = arith.constant 0 : i32
    %dma_wait3A_967 = tpu.memref_slice %arg4[%dma_wait3A_965, %dma_wait3A_966] : memref<80x128xi32, #tpu.memory_space<vmem>> -> memref<1x128xi32, #tpu.memory_space<vmem>>
    %dma_wait3A_968 = tpu.memref_squeeze %dma_wait3A_967 : memref<1x128xi32, #tpu.memory_space<vmem>> -> memref<128xi32, #tpu.memory_space<vmem>>
    %dma_wait3A_969 = arith.constant 0 : i32
    %dma_wait3A_970 = tpu.memref_slice %arg7[%dma_wait3A_969] : memref<10240xf32, #tpu.memory_space<vmem_shared>> -> memref<10240xf32, #tpu.memory_space<vmem_shared>>
    tpu.wait_indirect_dma semaphore(%arg8 : memref<!tpu.dma_semaphore, #tpu.memory_space<semaphore_mem>>) src(%arg5 : memref<128xf32, #tpu.memory_space<vmem>>) dst(%dma_wait3A_970 : memref<10240xf32, #tpu.memory_space<vmem_shared>>)
    %dma_wait3A_971 = arith.constant 34 : i32
    %dma_wait3A_972 = arith.constant 0 : i32
    %dma_wait3A_973 = tpu.memref_slice %arg4[%dma_wait3A_971, %dma_wait3A_972] : memref<80x128xi32, #tpu.memory_space<vmem>> -> memref<1x128xi32, #tpu.memory_space<vmem>>
    %dma_wait3A_974 = tpu.memref_squeeze %dma_wait3A_973 : memref<1x128xi32, #tpu.memory_space<vmem>> -> memref<128xi32, #tpu.memory_space<vmem>>
    %dma_wait3A_975 = arith.constant 0 : i32
    %dma_wait3A_976 = tpu.memref_slice %arg7[%dma_wait3A_975] : memref<10240xf32, #tpu.memory_space<vmem_shared>> -> memref<10240xf32, #tpu.memory_space<vmem_shared>>
    tpu.wait_indirect_dma semaphore(%arg8 : memref<!tpu.dma_semaphore, #tpu.memory_space<semaphore_mem>>) src(%arg5 : memref<128xf32, #tpu.memory_space<vmem>>) dst(%dma_wait3A_976 : memref<10240xf32, #tpu.memory_space<vmem_shared>>)
    %dma_wait3A_977 = arith.constant 35 : i32
    %dma_wait3A_978 = arith.constant 0 : i32
    %dma_wait3A_979 = tpu.memref_slice %arg4[%dma_wait3A_977, %dma_wait3A_978] : memref<80x128xi32, #tpu.memory_space<vmem>> -> memref<1x128xi32, #tpu.memory_space<vmem>>
    %dma_wait3A_980 = tpu.memref_squeeze %dma_wait3A_979 : memref<1x128xi32, #tpu.memory_space<vmem>> -> memref<128xi32, #tpu.memory_space<vmem>>
    %dma_wait3A_981 = arith.constant 0 : i32
    %dma_wait3A_982 = tpu.memref_slice %arg7[%dma_wait3A_981] : memref<10240xf32, #tpu.memory_space<vmem_shared>> -> memref<10240xf32, #tpu.memory_space<vmem_shared>>
    tpu.wait_indirect_dma semaphore(%arg8 : memref<!tpu.dma_semaphore, #tpu.memory_space<semaphore_mem>>) src(%arg5 : memref<128xf32, #tpu.memory_space<vmem>>) dst(%dma_wait3A_982 : memref<10240xf32, #tpu.memory_space<vmem_shared>>)
    %dma_wait3A_983 = arith.constant 36 : i32
    %dma_wait3A_984 = arith.constant 0 : i32
    %dma_wait3A_985 = tpu.memref_slice %arg4[%dma_wait3A_983, %dma_wait3A_984] : memref<80x128xi32, #tpu.memory_space<vmem>> -> memref<1x128xi32, #tpu.memory_space<vmem>>
    %dma_wait3A_986 = tpu.memref_squeeze %dma_wait3A_985 : memref<1x128xi32, #tpu.memory_space<vmem>> -> memref<128xi32, #tpu.memory_space<vmem>>
    %dma_wait3A_987 = arith.constant 0 : i32
    %dma_wait3A_988 = tpu.memref_slice %arg7[%dma_wait3A_987] : memref<10240xf32, #tpu.memory_space<vmem_shared>> -> memref<10240xf32, #tpu.memory_space<vmem_shared>>
    tpu.wait_indirect_dma semaphore(%arg8 : memref<!tpu.dma_semaphore, #tpu.memory_space<semaphore_mem>>) src(%arg5 : memref<128xf32, #tpu.memory_space<vmem>>) dst(%dma_wait3A_988 : memref<10240xf32, #tpu.memory_space<vmem_shared>>)
    %dma_wait3A_989 = arith.constant 37 : i32
    %dma_wait3A_990 = arith.constant 0 : i32
    %dma_wait3A_991 = tpu.memref_slice %arg4[%dma_wait3A_989, %dma_wait3A_990] : memref<80x128xi32, #tpu.memory_space<vmem>> -> memref<1x128xi32, #tpu.memory_space<vmem>>
    %dma_wait3A_992 = tpu.memref_squeeze %dma_wait3A_991 : memref<1x128xi32, #tpu.memory_space<vmem>> -> memref<128xi32, #tpu.memory_space<vmem>>
    %dma_wait3A_993 = arith.constant 0 : i32
    %dma_wait3A_994 = tpu.memref_slice %arg7[%dma_wait3A_993] : memref<10240xf32, #tpu.memory_space<vmem_shared>> -> memref<10240xf32, #tpu.memory_space<vmem_shared>>
    tpu.wait_indirect_dma semaphore(%arg8 : memref<!tpu.dma_semaphore, #tpu.memory_space<semaphore_mem>>) src(%arg5 : memref<128xf32, #tpu.memory_space<vmem>>) dst(%dma_wait3A_994 : memref<10240xf32, #tpu.memory_space<vmem_shared>>)
    %dma_wait3A_995 = arith.constant 38 : i32
    %dma_wait3A_996 = arith.constant 0 : i32
    %dma_wait3A_997 = tpu.memref_slice %arg4[%dma_wait3A_995, %dma_wait3A_996] : memref<80x128xi32, #tpu.memory_space<vmem>> -> memref<1x128xi32, #tpu.memory_space<vmem>>
    %dma_wait3A_998 = tpu.memref_squeeze %dma_wait3A_997 : memref<1x128xi32, #tpu.memory_space<vmem>> -> memref<128xi32, #tpu.memory_space<vmem>>
    %dma_wait3A_999 = arith.constant 0 : i32
    %dma_wait3A_1000 = tpu.memref_slice %arg7[%dma_wait3A_999] : memref<10240xf32, #tpu.memory_space<vmem_shared>> -> memref<10240xf32, #tpu.memory_space<vmem_shared>>
    tpu.wait_indirect_dma semaphore(%arg8 : memref<!tpu.dma_semaphore, #tpu.memory_space<semaphore_mem>>) src(%arg5 : memref<128xf32, #tpu.memory_space<vmem>>) dst(%dma_wait3A_1000 : memref<10240xf32, #tpu.memory_space<vmem_shared>>)
    %dma_wait3A_1001 = arith.constant 39 : i32
    %dma_wait3A_1002 = arith.constant 0 : i32
    %dma_wait3A_1003 = tpu.memref_slice %arg4[%dma_wait3A_1001, %dma_wait3A_1002] : memref<80x128xi32, #tpu.memory_space<vmem>> -> memref<1x128xi32, #tpu.memory_space<vmem>>
    %dma_wait3A_1004 = tpu.memref_squeeze %dma_wait3A_1003 : memref<1x128xi32, #tpu.memory_space<vmem>> -> memref<128xi32, #tpu.memory_space<vmem>>
    %dma_wait3A_1005 = arith.constant 0 : i32
    %dma_wait3A_1006 = tpu.memref_slice %arg7[%dma_wait3A_1005] : memref<10240xf32, #tpu.memory_space<vmem_shared>> -> memref<10240xf32, #tpu.memory_space<vmem_shared>>
    tpu.wait_indirect_dma semaphore(%arg8 : memref<!tpu.dma_semaphore, #tpu.memory_space<semaphore_mem>>) src(%arg5 : memref<128xf32, #tpu.memory_space<vmem>>) dst(%dma_wait3A_1006 : memref<10240xf32, #tpu.memory_space<vmem_shared>>)
    %dma_wait3A_1007 = arith.constant 40 : i32
    %dma_wait3A_1008 = arith.constant 0 : i32
    %dma_wait3A_1009 = tpu.memref_slice %arg4[%dma_wait3A_1007, %dma_wait3A_1008] : memref<80x128xi32, #tpu.memory_space<vmem>> -> memref<1x128xi32, #tpu.memory_space<vmem>>
    %dma_wait3A_1010 = tpu.memref_squeeze %dma_wait3A_1009 : memref<1x128xi32, #tpu.memory_space<vmem>> -> memref<128xi32, #tpu.memory_space<vmem>>
    %dma_wait3A_1011 = arith.constant 0 : i32
    %dma_wait3A_1012 = tpu.memref_slice %arg7[%dma_wait3A_1011] : memref<10240xf32, #tpu.memory_space<vmem_shared>> -> memref<10240xf32, #tpu.memory_space<vmem_shared>>
    tpu.wait_indirect_dma semaphore(%arg8 : memref<!tpu.dma_semaphore, #tpu.memory_space<semaphore_mem>>) src(%arg5 : memref<128xf32, #tpu.memory_space<vmem>>) dst(%dma_wait3A_1012 : memref<10240xf32, #tpu.memory_space<vmem_shared>>)
    %dma_wait3A_1013 = arith.constant 41 : i32
    %dma_wait3A_1014 = arith.constant 0 : i32
    %dma_wait3A_1015 = tpu.memref_slice %arg4[%dma_wait3A_1013, %dma_wait3A_1014] : memref<80x128xi32, #tpu.memory_space<vmem>> -> memref<1x128xi32, #tpu.memory_space<vmem>>
    %dma_wait3A_1016 = tpu.memref_squeeze %dma_wait3A_1015 : memref<1x128xi32, #tpu.memory_space<vmem>> -> memref<128xi32, #tpu.memory_space<vmem>>
    %dma_wait3A_1017 = arith.constant 0 : i32
    %dma_wait3A_1018 = tpu.memref_slice %arg7[%dma_wait3A_1017] : memref<10240xf32, #tpu.memory_space<vmem_shared>> -> memref<10240xf32, #tpu.memory_space<vmem_shared>>
    tpu.wait_indirect_dma semaphore(%arg8 : memref<!tpu.dma_semaphore, #tpu.memory_space<semaphore_mem>>) src(%arg5 : memref<128xf32, #tpu.memory_space<vmem>>) dst(%dma_wait3A_1018 : memref<10240xf32, #tpu.memory_space<vmem_shared>>)
    %dma_wait3A_1019 = arith.constant 42 : i32
    %dma_wait3A_1020 = arith.constant 0 : i32
    %dma_wait3A_1021 = tpu.memref_slice %arg4[%dma_wait3A_1019, %dma_wait3A_1020] : memref<80x128xi32, #tpu.memory_space<vmem>> -> memref<1x128xi32, #tpu.memory_space<vmem>>
    %dma_wait3A_1022 = tpu.memref_squeeze %dma_wait3A_1021 : memref<1x128xi32, #tpu.memory_space<vmem>> -> memref<128xi32, #tpu.memory_space<vmem>>
    %dma_wait3A_1023 = arith.constant 0 : i32
    %dma_wait3A_1024 = tpu.memref_slice %arg7[%dma_wait3A_1023] : memref<10240xf32, #tpu.memory_space<vmem_shared>> -> memref<10240xf32, #tpu.memory_space<vmem_shared>>
    tpu.wait_indirect_dma semaphore(%arg8 : memref<!tpu.dma_semaphore, #tpu.memory_space<semaphore_mem>>) src(%arg5 : memref<128xf32, #tpu.memory_space<vmem>>) dst(%dma_wait3A_1024 : memref<10240xf32, #tpu.memory_space<vmem_shared>>)
    %dma_wait3A_1025 = arith.constant 43 : i32
    %dma_wait3A_1026 = arith.constant 0 : i32
    %dma_wait3A_1027 = tpu.memref_slice %arg4[%dma_wait3A_1025, %dma_wait3A_1026] : memref<80x128xi32, #tpu.memory_space<vmem>> -> memref<1x128xi32, #tpu.memory_space<vmem>>
    %dma_wait3A_1028 = tpu.memref_squeeze %dma_wait3A_1027 : memref<1x128xi32, #tpu.memory_space<vmem>> -> memref<128xi32, #tpu.memory_space<vmem>>
    %dma_wait3A_1029 = arith.constant 0 : i32
    %dma_wait3A_1030 = tpu.memref_slice %arg7[%dma_wait3A_1029] : memref<10240xf32, #tpu.memory_space<vmem_shared>> -> memref<10240xf32, #tpu.memory_space<vmem_shared>>
    tpu.wait_indirect_dma semaphore(%arg8 : memref<!tpu.dma_semaphore, #tpu.memory_space<semaphore_mem>>) src(%arg5 : memref<128xf32, #tpu.memory_space<vmem>>) dst(%dma_wait3A_1030 : memref<10240xf32, #tpu.memory_space<vmem_shared>>)
    %dma_wait3A_1031 = arith.constant 44 : i32
    %dma_wait3A_1032 = arith.constant 0 : i32
    %dma_wait3A_1033 = tpu.memref_slice %arg4[%dma_wait3A_1031, %dma_wait3A_1032] : memref<80x128xi32, #tpu.memory_space<vmem>> -> memref<1x128xi32, #tpu.memory_space<vmem>>
    %dma_wait3A_1034 = tpu.memref_squeeze %dma_wait3A_1033 : memref<1x128xi32, #tpu.memory_space<vmem>> -> memref<128xi32, #tpu.memory_space<vmem>>
    %dma_wait3A_1035 = arith.constant 0 : i32
    %dma_wait3A_1036 = tpu.memref_slice %arg7[%dma_wait3A_1035] : memref<10240xf32, #tpu.memory_space<vmem_shared>> -> memref<10240xf32, #tpu.memory_space<vmem_shared>>
    tpu.wait_indirect_dma semaphore(%arg8 : memref<!tpu.dma_semaphore, #tpu.memory_space<semaphore_mem>>) src(%arg5 : memref<128xf32, #tpu.memory_space<vmem>>) dst(%dma_wait3A_1036 : memref<10240xf32, #tpu.memory_space<vmem_shared>>)
    %dma_wait3A_1037 = arith.constant 45 : i32
    %dma_wait3A_1038 = arith.constant 0 : i32
    %dma_wait3A_1039 = tpu.memref_slice %arg4[%dma_wait3A_1037, %dma_wait3A_1038] : memref<80x128xi32, #tpu.memory_space<vmem>> -> memref<1x128xi32, #tpu.memory_space<vmem>>
    %dma_wait3A_1040 = tpu.memref_squeeze %dma_wait3A_1039 : memref<1x128xi32, #tpu.memory_space<vmem>> -> memref<128xi32, #tpu.memory_space<vmem>>
    %dma_wait3A_1041 = arith.constant 0 : i32
    %dma_wait3A_1042 = tpu.memref_slice %arg7[%dma_wait3A_1041] : memref<10240xf32, #tpu.memory_space<vmem_shared>> -> memref<10240xf32, #tpu.memory_space<vmem_shared>>
    tpu.wait_indirect_dma semaphore(%arg8 : memref<!tpu.dma_semaphore, #tpu.memory_space<semaphore_mem>>) src(%arg5 : memref<128xf32, #tpu.memory_space<vmem>>) dst(%dma_wait3A_1042 : memref<10240xf32, #tpu.memory_space<vmem_shared>>)
    %dma_wait3A_1043 = arith.constant 46 : i32
    %dma_wait3A_1044 = arith.constant 0 : i32
    %dma_wait3A_1045 = tpu.memref_slice %arg4[%dma_wait3A_1043, %dma_wait3A_1044] : memref<80x128xi32, #tpu.memory_space<vmem>> -> memref<1x128xi32, #tpu.memory_space<vmem>>
    %dma_wait3A_1046 = tpu.memref_squeeze %dma_wait3A_1045 : memref<1x128xi32, #tpu.memory_space<vmem>> -> memref<128xi32, #tpu.memory_space<vmem>>
    %dma_wait3A_1047 = arith.constant 0 : i32
    %dma_wait3A_1048 = tpu.memref_slice %arg7[%dma_wait3A_1047] : memref<10240xf32, #tpu.memory_space<vmem_shared>> -> memref<10240xf32, #tpu.memory_space<vmem_shared>>
    tpu.wait_indirect_dma semaphore(%arg8 : memref<!tpu.dma_semaphore, #tpu.memory_space<semaphore_mem>>) src(%arg5 : memref<128xf32, #tpu.memory_space<vmem>>) dst(%dma_wait3A_1048 : memref<10240xf32, #tpu.memory_space<vmem_shared>>)
    %dma_wait3A_1049 = arith.constant 47 : i32
    %dma_wait3A_1050 = arith.constant 0 : i32
    %dma_wait3A_1051 = tpu.memref_slice %arg4[%dma_wait3A_1049, %dma_wait3A_1050] : memref<80x128xi32, #tpu.memory_space<vmem>> -> memref<1x128xi32, #tpu.memory_space<vmem>>
    %dma_wait3A_1052 = tpu.memref_squeeze %dma_wait3A_1051 : memref<1x128xi32, #tpu.memory_space<vmem>> -> memref<128xi32, #tpu.memory_space<vmem>>
    %dma_wait3A_1053 = arith.constant 0 : i32
    %dma_wait3A_1054 = tpu.memref_slice %arg7[%dma_wait3A_1053] : memref<10240xf32, #tpu.memory_space<vmem_shared>> -> memref<10240xf32, #tpu.memory_space<vmem_shared>>
    tpu.wait_indirect_dma semaphore(%arg8 : memref<!tpu.dma_semaphore, #tpu.memory_space<semaphore_mem>>) src(%arg5 : memref<128xf32, #tpu.memory_space<vmem>>) dst(%dma_wait3A_1054 : memref<10240xf32, #tpu.memory_space<vmem_shared>>)
    %dma_wait3A_1055 = arith.constant 48 : i32
    %dma_wait3A_1056 = arith.constant 0 : i32
    %dma_wait3A_1057 = tpu.memref_slice %arg4[%dma_wait3A_1055, %dma_wait3A_1056] : memref<80x128xi32, #tpu.memory_space<vmem>> -> memref<1x128xi32, #tpu.memory_space<vmem>>
    %dma_wait3A_1058 = tpu.memref_squeeze %dma_wait3A_1057 : memref<1x128xi32, #tpu.memory_space<vmem>> -> memref<128xi32, #tpu.memory_space<vmem>>
    %dma_wait3A_1059 = arith.constant 0 : i32
    %dma_wait3A_1060 = tpu.memref_slice %arg7[%dma_wait3A_1059] : memref<10240xf32, #tpu.memory_space<vmem_shared>> -> memref<10240xf32, #tpu.memory_space<vmem_shared>>
    tpu.wait_indirect_dma semaphore(%arg8 : memref<!tpu.dma_semaphore, #tpu.memory_space<semaphore_mem>>) src(%arg5 : memref<128xf32, #tpu.memory_space<vmem>>) dst(%dma_wait3A_1060 : memref<10240xf32, #tpu.memory_space<vmem_shared>>)
    %dma_wait3A_1061 = arith.constant 49 : i32
    %dma_wait3A_1062 = arith.constant 0 : i32
    %dma_wait3A_1063 = tpu.memref_slice %arg4[%dma_wait3A_1061, %dma_wait3A_1062] : memref<80x128xi32, #tpu.memory_space<vmem>> -> memref<1x128xi32, #tpu.memory_space<vmem>>
    %dma_wait3A_1064 = tpu.memref_squeeze %dma_wait3A_1063 : memref<1x128xi32, #tpu.memory_space<vmem>> -> memref<128xi32, #tpu.memory_space<vmem>>
    %dma_wait3A_1065 = arith.constant 0 : i32
    %dma_wait3A_1066 = tpu.memref_slice %arg7[%dma_wait3A_1065] : memref<10240xf32, #tpu.memory_space<vmem_shared>> -> memref<10240xf32, #tpu.memory_space<vmem_shared>>
    tpu.wait_indirect_dma semaphore(%arg8 : memref<!tpu.dma_semaphore, #tpu.memory_space<semaphore_mem>>) src(%arg5 : memref<128xf32, #tpu.memory_space<vmem>>) dst(%dma_wait3A_1066 : memref<10240xf32, #tpu.memory_space<vmem_shared>>)
    %dma_wait3A_1067 = arith.constant 50 : i32
    %dma_wait3A_1068 = arith.constant 0 : i32
    %dma_wait3A_1069 = tpu.memref_slice %arg4[%dma_wait3A_1067, %dma_wait3A_1068] : memref<80x128xi32, #tpu.memory_space<vmem>> -> memref<1x128xi32, #tpu.memory_space<vmem>>
    %dma_wait3A_1070 = tpu.memref_squeeze %dma_wait3A_1069 : memref<1x128xi32, #tpu.memory_space<vmem>> -> memref<128xi32, #tpu.memory_space<vmem>>
    %dma_wait3A_1071 = arith.constant 0 : i32
    %dma_wait3A_1072 = tpu.memref_slice %arg7[%dma_wait3A_1071] : memref<10240xf32, #tpu.memory_space<vmem_shared>> -> memref<10240xf32, #tpu.memory_space<vmem_shared>>
    tpu.wait_indirect_dma semaphore(%arg8 : memref<!tpu.dma_semaphore, #tpu.memory_space<semaphore_mem>>) src(%arg5 : memref<128xf32, #tpu.memory_space<vmem>>) dst(%dma_wait3A_1072 : memref<10240xf32, #tpu.memory_space<vmem_shared>>)
    %dma_wait3A_1073 = arith.constant 51 : i32
    %dma_wait3A_1074 = arith.constant 0 : i32
    %dma_wait3A_1075 = tpu.memref_slice %arg4[%dma_wait3A_1073, %dma_wait3A_1074] : memref<80x128xi32, #tpu.memory_space<vmem>> -> memref<1x128xi32, #tpu.memory_space<vmem>>
    %dma_wait3A_1076 = tpu.memref_squeeze %dma_wait3A_1075 : memref<1x128xi32, #tpu.memory_space<vmem>> -> memref<128xi32, #tpu.memory_space<vmem>>
    %dma_wait3A_1077 = arith.constant 0 : i32
    %dma_wait3A_1078 = tpu.memref_slice %arg7[%dma_wait3A_1077] : memref<10240xf32, #tpu.memory_space<vmem_shared>> -> memref<10240xf32, #tpu.memory_space<vmem_shared>>
    tpu.wait_indirect_dma semaphore(%arg8 : memref<!tpu.dma_semaphore, #tpu.memory_space<semaphore_mem>>) src(%arg5 : memref<128xf32, #tpu.memory_space<vmem>>) dst(%dma_wait3A_1078 : memref<10240xf32, #tpu.memory_space<vmem_shared>>)
    %dma_wait3A_1079 = arith.constant 52 : i32
    %dma_wait3A_1080 = arith.constant 0 : i32
    %dma_wait3A_1081 = tpu.memref_slice %arg4[%dma_wait3A_1079, %dma_wait3A_1080] : memref<80x128xi32, #tpu.memory_space<vmem>> -> memref<1x128xi32, #tpu.memory_space<vmem>>
    %dma_wait3A_1082 = tpu.memref_squeeze %dma_wait3A_1081 : memref<1x128xi32, #tpu.memory_space<vmem>> -> memref<128xi32, #tpu.memory_space<vmem>>
    %dma_wait3A_1083 = arith.constant 0 : i32
    %dma_wait3A_1084 = tpu.memref_slice %arg7[%dma_wait3A_1083] : memref<10240xf32, #tpu.memory_space<vmem_shared>> -> memref<10240xf32, #tpu.memory_space<vmem_shared>>
    tpu.wait_indirect_dma semaphore(%arg8 : memref<!tpu.dma_semaphore, #tpu.memory_space<semaphore_mem>>) src(%arg5 : memref<128xf32, #tpu.memory_space<vmem>>) dst(%dma_wait3A_1084 : memref<10240xf32, #tpu.memory_space<vmem_shared>>)
    %dma_wait3A_1085 = arith.constant 53 : i32
    %dma_wait3A_1086 = arith.constant 0 : i32
    %dma_wait3A_1087 = tpu.memref_slice %arg4[%dma_wait3A_1085, %dma_wait3A_1086] : memref<80x128xi32, #tpu.memory_space<vmem>> -> memref<1x128xi32, #tpu.memory_space<vmem>>
    %dma_wait3A_1088 = tpu.memref_squeeze %dma_wait3A_1087 : memref<1x128xi32, #tpu.memory_space<vmem>> -> memref<128xi32, #tpu.memory_space<vmem>>
    %dma_wait3A_1089 = arith.constant 0 : i32
    %dma_wait3A_1090 = tpu.memref_slice %arg7[%dma_wait3A_1089] : memref<10240xf32, #tpu.memory_space<vmem_shared>> -> memref<10240xf32, #tpu.memory_space<vmem_shared>>
    tpu.wait_indirect_dma semaphore(%arg8 : memref<!tpu.dma_semaphore, #tpu.memory_space<semaphore_mem>>) src(%arg5 : memref<128xf32, #tpu.memory_space<vmem>>) dst(%dma_wait3A_1090 : memref<10240xf32, #tpu.memory_space<vmem_shared>>)
    %dma_wait3A_1091 = arith.constant 54 : i32
    %dma_wait3A_1092 = arith.constant 0 : i32
    %dma_wait3A_1093 = tpu.memref_slice %arg4[%dma_wait3A_1091, %dma_wait3A_1092] : memref<80x128xi32, #tpu.memory_space<vmem>> -> memref<1x128xi32, #tpu.memory_space<vmem>>
    %dma_wait3A_1094 = tpu.memref_squeeze %dma_wait3A_1093 : memref<1x128xi32, #tpu.memory_space<vmem>> -> memref<128xi32, #tpu.memory_space<vmem>>
    %dma_wait3A_1095 = arith.constant 0 : i32
    %dma_wait3A_1096 = tpu.memref_slice %arg7[%dma_wait3A_1095] : memref<10240xf32, #tpu.memory_space<vmem_shared>> -> memref<10240xf32, #tpu.memory_space<vmem_shared>>
    tpu.wait_indirect_dma semaphore(%arg8 : memref<!tpu.dma_semaphore, #tpu.memory_space<semaphore_mem>>) src(%arg5 : memref<128xf32, #tpu.memory_space<vmem>>) dst(%dma_wait3A_1096 : memref<10240xf32, #tpu.memory_space<vmem_shared>>)
    %dma_wait3A_1097 = arith.constant 55 : i32
    %dma_wait3A_1098 = arith.constant 0 : i32
    %dma_wait3A_1099 = tpu.memref_slice %arg4[%dma_wait3A_1097, %dma_wait3A_1098] : memref<80x128xi32, #tpu.memory_space<vmem>> -> memref<1x128xi32, #tpu.memory_space<vmem>>
    %dma_wait3A_1100 = tpu.memref_squeeze %dma_wait3A_1099 : memref<1x128xi32, #tpu.memory_space<vmem>> -> memref<128xi32, #tpu.memory_space<vmem>>
    %dma_wait3A_1101 = arith.constant 0 : i32
    %dma_wait3A_1102 = tpu.memref_slice %arg7[%dma_wait3A_1101] : memref<10240xf32, #tpu.memory_space<vmem_shared>> -> memref<10240xf32, #tpu.memory_space<vmem_shared>>
    tpu.wait_indirect_dma semaphore(%arg8 : memref<!tpu.dma_semaphore, #tpu.memory_space<semaphore_mem>>) src(%arg5 : memref<128xf32, #tpu.memory_space<vmem>>) dst(%dma_wait3A_1102 : memref<10240xf32, #tpu.memory_space<vmem_shared>>)
    %dma_wait3A_1103 = arith.constant 56 : i32
    %dma_wait3A_1104 = arith.constant 0 : i32
    %dma_wait3A_1105 = tpu.memref_slice %arg4[%dma_wait3A_1103, %dma_wait3A_1104] : memref<80x128xi32, #tpu.memory_space<vmem>> -> memref<1x128xi32, #tpu.memory_space<vmem>>
    %dma_wait3A_1106 = tpu.memref_squeeze %dma_wait3A_1105 : memref<1x128xi32, #tpu.memory_space<vmem>> -> memref<128xi32, #tpu.memory_space<vmem>>
    %dma_wait3A_1107 = arith.constant 0 : i32
    %dma_wait3A_1108 = tpu.memref_slice %arg7[%dma_wait3A_1107] : memref<10240xf32, #tpu.memory_space<vmem_shared>> -> memref<10240xf32, #tpu.memory_space<vmem_shared>>
    tpu.wait_indirect_dma semaphore(%arg8 : memref<!tpu.dma_semaphore, #tpu.memory_space<semaphore_mem>>) src(%arg5 : memref<128xf32, #tpu.memory_space<vmem>>) dst(%dma_wait3A_1108 : memref<10240xf32, #tpu.memory_space<vmem_shared>>)
    %dma_wait3A_1109 = arith.constant 57 : i32
    %dma_wait3A_1110 = arith.constant 0 : i32
    %dma_wait3A_1111 = tpu.memref_slice %arg4[%dma_wait3A_1109, %dma_wait3A_1110] : memref<80x128xi32, #tpu.memory_space<vmem>> -> memref<1x128xi32, #tpu.memory_space<vmem>>
    %dma_wait3A_1112 = tpu.memref_squeeze %dma_wait3A_1111 : memref<1x128xi32, #tpu.memory_space<vmem>> -> memref<128xi32, #tpu.memory_space<vmem>>
    %dma_wait3A_1113 = arith.constant 0 : i32
    %dma_wait3A_1114 = tpu.memref_slice %arg7[%dma_wait3A_1113] : memref<10240xf32, #tpu.memory_space<vmem_shared>> -> memref<10240xf32, #tpu.memory_space<vmem_shared>>
    tpu.wait_indirect_dma semaphore(%arg8 : memref<!tpu.dma_semaphore, #tpu.memory_space<semaphore_mem>>) src(%arg5 : memref<128xf32, #tpu.memory_space<vmem>>) dst(%dma_wait3A_1114 : memref<10240xf32, #tpu.memory_space<vmem_shared>>)
    %dma_wait3A_1115 = arith.constant 58 : i32
    %dma_wait3A_1116 = arith.constant 0 : i32
    %dma_wait3A_1117 = tpu.memref_slice %arg4[%dma_wait3A_1115, %dma_wait3A_1116] : memref<80x128xi32, #tpu.memory_space<vmem>> -> memref<1x128xi32, #tpu.memory_space<vmem>>
    %dma_wait3A_1118 = tpu.memref_squeeze %dma_wait3A_1117 : memref<1x128xi32, #tpu.memory_space<vmem>> -> memref<128xi32, #tpu.memory_space<vmem>>
    %dma_wait3A_1119 = arith.constant 0 : i32
    %dma_wait3A_1120 = tpu.memref_slice %arg7[%dma_wait3A_1119] : memref<10240xf32, #tpu.memory_space<vmem_shared>> -> memref<10240xf32, #tpu.memory_space<vmem_shared>>
    tpu.wait_indirect_dma semaphore(%arg8 : memref<!tpu.dma_semaphore, #tpu.memory_space<semaphore_mem>>) src(%arg5 : memref<128xf32, #tpu.memory_space<vmem>>) dst(%dma_wait3A_1120 : memref<10240xf32, #tpu.memory_space<vmem_shared>>)
    %dma_wait3A_1121 = arith.constant 59 : i32
    %dma_wait3A_1122 = arith.constant 0 : i32
    %dma_wait3A_1123 = tpu.memref_slice %arg4[%dma_wait3A_1121, %dma_wait3A_1122] : memref<80x128xi32, #tpu.memory_space<vmem>> -> memref<1x128xi32, #tpu.memory_space<vmem>>
    %dma_wait3A_1124 = tpu.memref_squeeze %dma_wait3A_1123 : memref<1x128xi32, #tpu.memory_space<vmem>> -> memref<128xi32, #tpu.memory_space<vmem>>
    %dma_wait3A_1125 = arith.constant 0 : i32
    %dma_wait3A_1126 = tpu.memref_slice %arg7[%dma_wait3A_1125] : memref<10240xf32, #tpu.memory_space<vmem_shared>> -> memref<10240xf32, #tpu.memory_space<vmem_shared>>
    tpu.wait_indirect_dma semaphore(%arg8 : memref<!tpu.dma_semaphore, #tpu.memory_space<semaphore_mem>>) src(%arg5 : memref<128xf32, #tpu.memory_space<vmem>>) dst(%dma_wait3A_1126 : memref<10240xf32, #tpu.memory_space<vmem_shared>>)
    %dma_wait3A_1127 = arith.constant 60 : i32
    %dma_wait3A_1128 = arith.constant 0 : i32
    %dma_wait3A_1129 = tpu.memref_slice %arg4[%dma_wait3A_1127, %dma_wait3A_1128] : memref<80x128xi32, #tpu.memory_space<vmem>> -> memref<1x128xi32, #tpu.memory_space<vmem>>
    %dma_wait3A_1130 = tpu.memref_squeeze %dma_wait3A_1129 : memref<1x128xi32, #tpu.memory_space<vmem>> -> memref<128xi32, #tpu.memory_space<vmem>>
    %dma_wait3A_1131 = arith.constant 0 : i32
    %dma_wait3A_1132 = tpu.memref_slice %arg7[%dma_wait3A_1131] : memref<10240xf32, #tpu.memory_space<vmem_shared>> -> memref<10240xf32, #tpu.memory_space<vmem_shared>>
    tpu.wait_indirect_dma semaphore(%arg8 : memref<!tpu.dma_semaphore, #tpu.memory_space<semaphore_mem>>) src(%arg5 : memref<128xf32, #tpu.memory_space<vmem>>) dst(%dma_wait3A_1132 : memref<10240xf32, #tpu.memory_space<vmem_shared>>)
    %dma_wait3A_1133 = arith.constant 61 : i32
    %dma_wait3A_1134 = arith.constant 0 : i32
    %dma_wait3A_1135 = tpu.memref_slice %arg4[%dma_wait3A_1133, %dma_wait3A_1134] : memref<80x128xi32, #tpu.memory_space<vmem>> -> memref<1x128xi32, #tpu.memory_space<vmem>>
    %dma_wait3A_1136 = tpu.memref_squeeze %dma_wait3A_1135 : memref<1x128xi32, #tpu.memory_space<vmem>> -> memref<128xi32, #tpu.memory_space<vmem>>
    %dma_wait3A_1137 = arith.constant 0 : i32
    %dma_wait3A_1138 = tpu.memref_slice %arg7[%dma_wait3A_1137] : memref<10240xf32, #tpu.memory_space<vmem_shared>> -> memref<10240xf32, #tpu.memory_space<vmem_shared>>
    tpu.wait_indirect_dma semaphore(%arg8 : memref<!tpu.dma_semaphore, #tpu.memory_space<semaphore_mem>>) src(%arg5 : memref<128xf32, #tpu.memory_space<vmem>>) dst(%dma_wait3A_1138 : memref<10240xf32, #tpu.memory_space<vmem_shared>>)
    %dma_wait3A_1139 = arith.constant 62 : i32
    %dma_wait3A_1140 = arith.constant 0 : i32
    %dma_wait3A_1141 = tpu.memref_slice %arg4[%dma_wait3A_1139, %dma_wait3A_1140] : memref<80x128xi32, #tpu.memory_space<vmem>> -> memref<1x128xi32, #tpu.memory_space<vmem>>
    %dma_wait3A_1142 = tpu.memref_squeeze %dma_wait3A_1141 : memref<1x128xi32, #tpu.memory_space<vmem>> -> memref<128xi32, #tpu.memory_space<vmem>>
    %dma_wait3A_1143 = arith.constant 0 : i32
    %dma_wait3A_1144 = tpu.memref_slice %arg7[%dma_wait3A_1143] : memref<10240xf32, #tpu.memory_space<vmem_shared>> -> memref<10240xf32, #tpu.memory_space<vmem_shared>>
    tpu.wait_indirect_dma semaphore(%arg8 : memref<!tpu.dma_semaphore, #tpu.memory_space<semaphore_mem>>) src(%arg5 : memref<128xf32, #tpu.memory_space<vmem>>) dst(%dma_wait3A_1144 : memref<10240xf32, #tpu.memory_space<vmem_shared>>)
    %dma_wait3A_1145 = arith.constant 63 : i32
    %dma_wait3A_1146 = arith.constant 0 : i32
    %dma_wait3A_1147 = tpu.memref_slice %arg4[%dma_wait3A_1145, %dma_wait3A_1146] : memref<80x128xi32, #tpu.memory_space<vmem>> -> memref<1x128xi32, #tpu.memory_space<vmem>>
    %dma_wait3A_1148 = tpu.memref_squeeze %dma_wait3A_1147 : memref<1x128xi32, #tpu.memory_space<vmem>> -> memref<128xi32, #tpu.memory_space<vmem>>
    %dma_wait3A_1149 = arith.constant 0 : i32
    %dma_wait3A_1150 = tpu.memref_slice %arg7[%dma_wait3A_1149] : memref<10240xf32, #tpu.memory_space<vmem_shared>> -> memref<10240xf32, #tpu.memory_space<vmem_shared>>
    tpu.wait_indirect_dma semaphore(%arg8 : memref<!tpu.dma_semaphore, #tpu.memory_space<semaphore_mem>>) src(%arg5 : memref<128xf32, #tpu.memory_space<vmem>>) dst(%dma_wait3A_1150 : memref<10240xf32, #tpu.memory_space<vmem_shared>>)
    %dma_wait3A_1151 = arith.constant 64 : i32
    %dma_wait3A_1152 = arith.constant 0 : i32
    %dma_wait3A_1153 = tpu.memref_slice %arg4[%dma_wait3A_1151, %dma_wait3A_1152] : memref<80x128xi32, #tpu.memory_space<vmem>> -> memref<1x128xi32, #tpu.memory_space<vmem>>
    %dma_wait3A_1154 = tpu.memref_squeeze %dma_wait3A_1153 : memref<1x128xi32, #tpu.memory_space<vmem>> -> memref<128xi32, #tpu.memory_space<vmem>>
    %dma_wait3A_1155 = arith.constant 0 : i32
    %dma_wait3A_1156 = tpu.memref_slice %arg7[%dma_wait3A_1155] : memref<10240xf32, #tpu.memory_space<vmem_shared>> -> memref<10240xf32, #tpu.memory_space<vmem_shared>>
    tpu.wait_indirect_dma semaphore(%arg8 : memref<!tpu.dma_semaphore, #tpu.memory_space<semaphore_mem>>) src(%arg5 : memref<128xf32, #tpu.memory_space<vmem>>) dst(%dma_wait3A_1156 : memref<10240xf32, #tpu.memory_space<vmem_shared>>)
    %dma_wait3A_1157 = arith.constant 65 : i32
    %dma_wait3A_1158 = arith.constant 0 : i32
    %dma_wait3A_1159 = tpu.memref_slice %arg4[%dma_wait3A_1157, %dma_wait3A_1158] : memref<80x128xi32, #tpu.memory_space<vmem>> -> memref<1x128xi32, #tpu.memory_space<vmem>>
    %dma_wait3A_1160 = tpu.memref_squeeze %dma_wait3A_1159 : memref<1x128xi32, #tpu.memory_space<vmem>> -> memref<128xi32, #tpu.memory_space<vmem>>
    %dma_wait3A_1161 = arith.constant 0 : i32
    %dma_wait3A_1162 = tpu.memref_slice %arg7[%dma_wait3A_1161] : memref<10240xf32, #tpu.memory_space<vmem_shared>> -> memref<10240xf32, #tpu.memory_space<vmem_shared>>
    tpu.wait_indirect_dma semaphore(%arg8 : memref<!tpu.dma_semaphore, #tpu.memory_space<semaphore_mem>>) src(%arg5 : memref<128xf32, #tpu.memory_space<vmem>>) dst(%dma_wait3A_1162 : memref<10240xf32, #tpu.memory_space<vmem_shared>>)
    %dma_wait3A_1163 = arith.constant 66 : i32
    %dma_wait3A_1164 = arith.constant 0 : i32
    %dma_wait3A_1165 = tpu.memref_slice %arg4[%dma_wait3A_1163, %dma_wait3A_1164] : memref<80x128xi32, #tpu.memory_space<vmem>> -> memref<1x128xi32, #tpu.memory_space<vmem>>
    %dma_wait3A_1166 = tpu.memref_squeeze %dma_wait3A_1165 : memref<1x128xi32, #tpu.memory_space<vmem>> -> memref<128xi32, #tpu.memory_space<vmem>>
    %dma_wait3A_1167 = arith.constant 0 : i32
    %dma_wait3A_1168 = tpu.memref_slice %arg7[%dma_wait3A_1167] : memref<10240xf32, #tpu.memory_space<vmem_shared>> -> memref<10240xf32, #tpu.memory_space<vmem_shared>>
    tpu.wait_indirect_dma semaphore(%arg8 : memref<!tpu.dma_semaphore, #tpu.memory_space<semaphore_mem>>) src(%arg5 : memref<128xf32, #tpu.memory_space<vmem>>) dst(%dma_wait3A_1168 : memref<10240xf32, #tpu.memory_space<vmem_shared>>)
    %dma_wait3A_1169 = arith.constant 67 : i32
    %dma_wait3A_1170 = arith.constant 0 : i32
    %dma_wait3A_1171 = tpu.memref_slice %arg4[%dma_wait3A_1169, %dma_wait3A_1170] : memref<80x128xi32, #tpu.memory_space<vmem>> -> memref<1x128xi32, #tpu.memory_space<vmem>>
    %dma_wait3A_1172 = tpu.memref_squeeze %dma_wait3A_1171 : memref<1x128xi32, #tpu.memory_space<vmem>> -> memref<128xi32, #tpu.memory_space<vmem>>
    %dma_wait3A_1173 = arith.constant 0 : i32
    %dma_wait3A_1174 = tpu.memref_slice %arg7[%dma_wait3A_1173] : memref<10240xf32, #tpu.memory_space<vmem_shared>> -> memref<10240xf32, #tpu.memory_space<vmem_shared>>
    tpu.wait_indirect_dma semaphore(%arg8 : memref<!tpu.dma_semaphore, #tpu.memory_space<semaphore_mem>>) src(%arg5 : memref<128xf32, #tpu.memory_space<vmem>>) dst(%dma_wait3A_1174 : memref<10240xf32, #tpu.memory_space<vmem_shared>>)
    %dma_wait3A_1175 = arith.constant 68 : i32
    %dma_wait3A_1176 = arith.constant 0 : i32
    %dma_wait3A_1177 = tpu.memref_slice %arg4[%dma_wait3A_1175, %dma_wait3A_1176] : memref<80x128xi32, #tpu.memory_space<vmem>> -> memref<1x128xi32, #tpu.memory_space<vmem>>
    %dma_wait3A_1178 = tpu.memref_squeeze %dma_wait3A_1177 : memref<1x128xi32, #tpu.memory_space<vmem>> -> memref<128xi32, #tpu.memory_space<vmem>>
    %dma_wait3A_1179 = arith.constant 0 : i32
    %dma_wait3A_1180 = tpu.memref_slice %arg7[%dma_wait3A_1179] : memref<10240xf32, #tpu.memory_space<vmem_shared>> -> memref<10240xf32, #tpu.memory_space<vmem_shared>>
    tpu.wait_indirect_dma semaphore(%arg8 : memref<!tpu.dma_semaphore, #tpu.memory_space<semaphore_mem>>) src(%arg5 : memref<128xf32, #tpu.memory_space<vmem>>) dst(%dma_wait3A_1180 : memref<10240xf32, #tpu.memory_space<vmem_shared>>)
    %dma_wait3A_1181 = arith.constant 69 : i32
    %dma_wait3A_1182 = arith.constant 0 : i32
    %dma_wait3A_1183 = tpu.memref_slice %arg4[%dma_wait3A_1181, %dma_wait3A_1182] : memref<80x128xi32, #tpu.memory_space<vmem>> -> memref<1x128xi32, #tpu.memory_space<vmem>>
    %dma_wait3A_1184 = tpu.memref_squeeze %dma_wait3A_1183 : memref<1x128xi32, #tpu.memory_space<vmem>> -> memref<128xi32, #tpu.memory_space<vmem>>
    %dma_wait3A_1185 = arith.constant 0 : i32
    %dma_wait3A_1186 = tpu.memref_slice %arg7[%dma_wait3A_1185] : memref<10240xf32, #tpu.memory_space<vmem_shared>> -> memref<10240xf32, #tpu.memory_space<vmem_shared>>
    tpu.wait_indirect_dma semaphore(%arg8 : memref<!tpu.dma_semaphore, #tpu.memory_space<semaphore_mem>>) src(%arg5 : memref<128xf32, #tpu.memory_space<vmem>>) dst(%dma_wait3A_1186 : memref<10240xf32, #tpu.memory_space<vmem_shared>>)
    %dma_wait3A_1187 = arith.constant 70 : i32
    %dma_wait3A_1188 = arith.constant 0 : i32
    %dma_wait3A_1189 = tpu.memref_slice %arg4[%dma_wait3A_1187, %dma_wait3A_1188] : memref<80x128xi32, #tpu.memory_space<vmem>> -> memref<1x128xi32, #tpu.memory_space<vmem>>
    %dma_wait3A_1190 = tpu.memref_squeeze %dma_wait3A_1189 : memref<1x128xi32, #tpu.memory_space<vmem>> -> memref<128xi32, #tpu.memory_space<vmem>>
    %dma_wait3A_1191 = arith.constant 0 : i32
    %dma_wait3A_1192 = tpu.memref_slice %arg7[%dma_wait3A_1191] : memref<10240xf32, #tpu.memory_space<vmem_shared>> -> memref<10240xf32, #tpu.memory_space<vmem_shared>>
    tpu.wait_indirect_dma semaphore(%arg8 : memref<!tpu.dma_semaphore, #tpu.memory_space<semaphore_mem>>) src(%arg5 : memref<128xf32, #tpu.memory_space<vmem>>) dst(%dma_wait3A_1192 : memref<10240xf32, #tpu.memory_space<vmem_shared>>)
    %dma_wait3A_1193 = arith.constant 71 : i32
    %dma_wait3A_1194 = arith.constant 0 : i32
    %dma_wait3A_1195 = tpu.memref_slice %arg4[%dma_wait3A_1193, %dma_wait3A_1194] : memref<80x128xi32, #tpu.memory_space<vmem>> -> memref<1x128xi32, #tpu.memory_space<vmem>>
    %dma_wait3A_1196 = tpu.memref_squeeze %dma_wait3A_1195 : memref<1x128xi32, #tpu.memory_space<vmem>> -> memref<128xi32, #tpu.memory_space<vmem>>
    %dma_wait3A_1197 = arith.constant 0 : i32
    %dma_wait3A_1198 = tpu.memref_slice %arg7[%dma_wait3A_1197] : memref<10240xf32, #tpu.memory_space<vmem_shared>> -> memref<10240xf32, #tpu.memory_space<vmem_shared>>
    tpu.wait_indirect_dma semaphore(%arg8 : memref<!tpu.dma_semaphore, #tpu.memory_space<semaphore_mem>>) src(%arg5 : memref<128xf32, #tpu.memory_space<vmem>>) dst(%dma_wait3A_1198 : memref<10240xf32, #tpu.memory_space<vmem_shared>>)
    %dma_wait3A_1199 = arith.constant 72 : i32
    %dma_wait3A_1200 = arith.constant 0 : i32
    %dma_wait3A_1201 = tpu.memref_slice %arg4[%dma_wait3A_1199, %dma_wait3A_1200] : memref<80x128xi32, #tpu.memory_space<vmem>> -> memref<1x128xi32, #tpu.memory_space<vmem>>
    %dma_wait3A_1202 = tpu.memref_squeeze %dma_wait3A_1201 : memref<1x128xi32, #tpu.memory_space<vmem>> -> memref<128xi32, #tpu.memory_space<vmem>>
    %dma_wait3A_1203 = arith.constant 0 : i32
    %dma_wait3A_1204 = tpu.memref_slice %arg7[%dma_wait3A_1203] : memref<10240xf32, #tpu.memory_space<vmem_shared>> -> memref<10240xf32, #tpu.memory_space<vmem_shared>>
    tpu.wait_indirect_dma semaphore(%arg8 : memref<!tpu.dma_semaphore, #tpu.memory_space<semaphore_mem>>) src(%arg5 : memref<128xf32, #tpu.memory_space<vmem>>) dst(%dma_wait3A_1204 : memref<10240xf32, #tpu.memory_space<vmem_shared>>)
    %dma_wait3A_1205 = arith.constant 73 : i32
    %dma_wait3A_1206 = arith.constant 0 : i32
    %dma_wait3A_1207 = tpu.memref_slice %arg4[%dma_wait3A_1205, %dma_wait3A_1206] : memref<80x128xi32, #tpu.memory_space<vmem>> -> memref<1x128xi32, #tpu.memory_space<vmem>>
    %dma_wait3A_1208 = tpu.memref_squeeze %dma_wait3A_1207 : memref<1x128xi32, #tpu.memory_space<vmem>> -> memref<128xi32, #tpu.memory_space<vmem>>
    %dma_wait3A_1209 = arith.constant 0 : i32
    %dma_wait3A_1210 = tpu.memref_slice %arg7[%dma_wait3A_1209] : memref<10240xf32, #tpu.memory_space<vmem_shared>> -> memref<10240xf32, #tpu.memory_space<vmem_shared>>
    tpu.wait_indirect_dma semaphore(%arg8 : memref<!tpu.dma_semaphore, #tpu.memory_space<semaphore_mem>>) src(%arg5 : memref<128xf32, #tpu.memory_space<vmem>>) dst(%dma_wait3A_1210 : memref<10240xf32, #tpu.memory_space<vmem_shared>>)
    %dma_wait3A_1211 = arith.constant 74 : i32
    %dma_wait3A_1212 = arith.constant 0 : i32
    %dma_wait3A_1213 = tpu.memref_slice %arg4[%dma_wait3A_1211, %dma_wait3A_1212] : memref<80x128xi32, #tpu.memory_space<vmem>> -> memref<1x128xi32, #tpu.memory_space<vmem>>
    %dma_wait3A_1214 = tpu.memref_squeeze %dma_wait3A_1213 : memref<1x128xi32, #tpu.memory_space<vmem>> -> memref<128xi32, #tpu.memory_space<vmem>>
    %dma_wait3A_1215 = arith.constant 0 : i32
    %dma_wait3A_1216 = tpu.memref_slice %arg7[%dma_wait3A_1215] : memref<10240xf32, #tpu.memory_space<vmem_shared>> -> memref<10240xf32, #tpu.memory_space<vmem_shared>>
    tpu.wait_indirect_dma semaphore(%arg8 : memref<!tpu.dma_semaphore, #tpu.memory_space<semaphore_mem>>) src(%arg5 : memref<128xf32, #tpu.memory_space<vmem>>) dst(%dma_wait3A_1216 : memref<10240xf32, #tpu.memory_space<vmem_shared>>)
    %dma_wait3A_1217 = arith.constant 75 : i32
    %dma_wait3A_1218 = arith.constant 0 : i32
    %dma_wait3A_1219 = tpu.memref_slice %arg4[%dma_wait3A_1217, %dma_wait3A_1218] : memref<80x128xi32, #tpu.memory_space<vmem>> -> memref<1x128xi32, #tpu.memory_space<vmem>>
    %dma_wait3A_1220 = tpu.memref_squeeze %dma_wait3A_1219 : memref<1x128xi32, #tpu.memory_space<vmem>> -> memref<128xi32, #tpu.memory_space<vmem>>
    %dma_wait3A_1221 = arith.constant 0 : i32
    %dma_wait3A_1222 = tpu.memref_slice %arg7[%dma_wait3A_1221] : memref<10240xf32, #tpu.memory_space<vmem_shared>> -> memref<10240xf32, #tpu.memory_space<vmem_shared>>
    tpu.wait_indirect_dma semaphore(%arg8 : memref<!tpu.dma_semaphore, #tpu.memory_space<semaphore_mem>>) src(%arg5 : memref<128xf32, #tpu.memory_space<vmem>>) dst(%dma_wait3A_1222 : memref<10240xf32, #tpu.memory_space<vmem_shared>>)
    %dma_wait3A_1223 = arith.constant 76 : i32
    %dma_wait3A_1224 = arith.constant 0 : i32
    %dma_wait3A_1225 = tpu.memref_slice %arg4[%dma_wait3A_1223, %dma_wait3A_1224] : memref<80x128xi32, #tpu.memory_space<vmem>> -> memref<1x128xi32, #tpu.memory_space<vmem>>
    %dma_wait3A_1226 = tpu.memref_squeeze %dma_wait3A_1225 : memref<1x128xi32, #tpu.memory_space<vmem>> -> memref<128xi32, #tpu.memory_space<vmem>>
    %dma_wait3A_1227 = arith.constant 0 : i32
    %dma_wait3A_1228 = tpu.memref_slice %arg7[%dma_wait3A_1227] : memref<10240xf32, #tpu.memory_space<vmem_shared>> -> memref<10240xf32, #tpu.memory_space<vmem_shared>>
    tpu.wait_indirect_dma semaphore(%arg8 : memref<!tpu.dma_semaphore, #tpu.memory_space<semaphore_mem>>) src(%arg5 : memref<128xf32, #tpu.memory_space<vmem>>) dst(%dma_wait3A_1228 : memref<10240xf32, #tpu.memory_space<vmem_shared>>)
    %dma_wait3A_1229 = arith.constant 77 : i32
    %dma_wait3A_1230 = arith.constant 0 : i32
    %dma_wait3A_1231 = tpu.memref_slice %arg4[%dma_wait3A_1229, %dma_wait3A_1230] : memref<80x128xi32, #tpu.memory_space<vmem>> -> memref<1x128xi32, #tpu.memory_space<vmem>>
    %dma_wait3A_1232 = tpu.memref_squeeze %dma_wait3A_1231 : memref<1x128xi32, #tpu.memory_space<vmem>> -> memref<128xi32, #tpu.memory_space<vmem>>
    %dma_wait3A_1233 = arith.constant 0 : i32
    %dma_wait3A_1234 = tpu.memref_slice %arg7[%dma_wait3A_1233] : memref<10240xf32, #tpu.memory_space<vmem_shared>> -> memref<10240xf32, #tpu.memory_space<vmem_shared>>
    tpu.wait_indirect_dma semaphore(%arg8 : memref<!tpu.dma_semaphore, #tpu.memory_space<semaphore_mem>>) src(%arg5 : memref<128xf32, #tpu.memory_space<vmem>>) dst(%dma_wait3A_1234 : memref<10240xf32, #tpu.memory_space<vmem_shared>>)
    %dma_wait3A_1235 = arith.constant 78 : i32
    %dma_wait3A_1236 = arith.constant 0 : i32
    %dma_wait3A_1237 = tpu.memref_slice %arg4[%dma_wait3A_1235, %dma_wait3A_1236] : memref<80x128xi32, #tpu.memory_space<vmem>> -> memref<1x128xi32, #tpu.memory_space<vmem>>
    %dma_wait3A_1238 = tpu.memref_squeeze %dma_wait3A_1237 : memref<1x128xi32, #tpu.memory_space<vmem>> -> memref<128xi32, #tpu.memory_space<vmem>>
    %dma_wait3A_1239 = arith.constant 0 : i32
    %dma_wait3A_1240 = tpu.memref_slice %arg7[%dma_wait3A_1239] : memref<10240xf32, #tpu.memory_space<vmem_shared>> -> memref<10240xf32, #tpu.memory_space<vmem_shared>>
    tpu.wait_indirect_dma semaphore(%arg8 : memref<!tpu.dma_semaphore, #tpu.memory_space<semaphore_mem>>) src(%arg5 : memref<128xf32, #tpu.memory_space<vmem>>) dst(%dma_wait3A_1240 : memref<10240xf32, #tpu.memory_space<vmem_shared>>)
    %dma_wait3A_1241 = arith.constant 79 : i32
    %dma_wait3A_1242 = arith.constant 0 : i32
    %dma_wait3A_1243 = tpu.memref_slice %arg4[%dma_wait3A_1241, %dma_wait3A_1242] : memref<80x128xi32, #tpu.memory_space<vmem>> -> memref<1x128xi32, #tpu.memory_space<vmem>>
    %dma_wait3A_1244 = tpu.memref_squeeze %dma_wait3A_1243 : memref<1x128xi32, #tpu.memory_space<vmem>> -> memref<128xi32, #tpu.memory_space<vmem>>
    %dma_wait3A_1245 = arith.constant 0 : i32
    %dma_wait3A_1246 = tpu.memref_slice %arg7[%dma_wait3A_1245] : memref<10240xf32, #tpu.memory_space<vmem_shared>> -> memref<10240xf32, #tpu.memory_space<vmem_shared>>
    tpu.wait_indirect_dma semaphore(%arg8 : memref<!tpu.dma_semaphore, #tpu.memory_space<semaphore_mem>>) src(%arg5 : memref<128xf32, #tpu.memory_space<vmem>>) dst(%dma_wait3A_1246 : memref<10240xf32, #tpu.memory_space<vmem_shared>>)
    %barrier3A_1247 = arith.constant 0 : index
    tpu.barrier barrier_id(%barrier3A_1247)
    %mul3A_1248 = arith.constant 640 : i32
    %mul3A_1249 = arith.muli %arg1, %mul3A_1248 : i32
    %mul3A_1250 = arith.constant 10240 : i32
    %mul3A_1251 = arith.muli %arg0, %mul3A_1250 : i32
    %mul3A_1252 = arith.constant 640 : i32
    %mul3A_1253 = arith.muli %arg1, %mul3A_1252 : i32
    %add3A_1254 = arith.addi %mul3A_1251, %mul3A_1253 : i32
    "tpu.region"() ({
      %run_scoped3A = tpu.sem_alloc : memref<!tpu.dma_semaphore, #tpu.memory_space<semaphore_mem>>
      %dma_start3A_1255 = tpu.memref_slice %arg3[%add3A_1254] : memref<20480xf32, #tpu.memory_space<hbm>> -> memref<640xf32, #tpu.memory_space<hbm>>
      %dma_start3A_1256 = tpu.memref_slice %arg7[%mul3A_1249] : memref<10240xf32, #tpu.memory_space<vmem_shared>> -> memref<640xf32, #tpu.memory_space<vmem_shared>>
      tpu.enqueue_dma source(%dma_start3A_1256 : memref<640xf32, #tpu.memory_space<vmem_shared>>) target(%dma_start3A_1255 : memref<640xf32, #tpu.memory_space<hbm>>) target_semaphore(%run_scoped3A : memref<!tpu.dma_semaphore, #tpu.memory_space<semaphore_mem>>)
      %dma_wait3A_1257 = tpu.memref_slice %arg3[%add3A_1254] : memref<20480xf32, #tpu.memory_space<hbm>> -> memref<640xf32, #tpu.memory_space<hbm>>
      %dma_wait3A_1258 = tpu.memref_slice %arg7[%mul3A_1249] : memref<10240xf32, #tpu.memory_space<vmem_shared>> -> memref<640xf32, #tpu.memory_space<vmem_shared>>
      tpu.wait_dma2 semaphore(%run_scoped3A : memref<!tpu.dma_semaphore, #tpu.memory_space<semaphore_mem>>) src(%dma_wait3A_1258 : memref<640xf32, #tpu.memory_space<vmem_shared>>) dst(%dma_wait3A_1257 : memref<640xf32, #tpu.memory_space<hbm>>)
      tpu.yield
    }) : () -> ()
    return
  }
}

#map = affine_map<(d0, d1) -> (0, 0)>
#map1 = affine_map<(d0, d1) -> (0, 0, 0)>
module attributes {stable_mosaic.version = 14 : i64} {
  func.func @_edge_kernel(%arg0: i32, %arg1: i32, %arg2: memref<10000x128xf32, #tpu.memory_space<hbm>>, %arg3: memref<32x80x128xi32, #tpu.memory_space<hbm>>, %arg4: memref<32x80x128xi32, #tpu.memory_space<hbm>>, %arg5: memref<10240x128xf32, #tpu.memory_space<hbm>>, %arg6: memref<20480x128xf32, #tpu.memory_space<hbm>>, %arg7: memref<80x128xi32, #tpu.memory_space<vmem>>, %arg8: memref<80x128xi32, #tpu.memory_space<vmem>>, %arg9: memref<128x128xf32, #tpu.memory_space<vmem>>, %arg10: memref<10240x128xf32, #tpu.memory_space<vmem_shared>>, %arg11: memref<!tpu.dma_semaphore, #tpu.memory_space<semaphore_mem>>) attributes {dimension_semantics = [#tpu.dimension_semantics<core_parallel>, #tpu.dimension_semantics<subcore_parallel>], iteration_bounds = array<i64: 2, 16>, scalar_prefetch = 0 : i64, scratch_operands = 5 : i64, tpu.core_type = #tpu.core_type<sc_vector_subcore>, window_params = [{transform_indices = #map}, {transform_indices = #map1}, {transform_indices = #map1}, {transform_indices = #map}, {transform_indices = #map}]} {
    %mul3A = arith.constant 2 : i32
    %mul3A_0 = arith.muli %arg1, %mul3A : i32
    %add3A = arith.addi %mul3A_0, %arg0 : i32
    "tpu.region"() ({
      %run_scoped3A = tpu.sem_alloc : memref<!tpu.dma_semaphore, #tpu.memory_space<semaphore_mem>>
      %dma_start3A = arith.constant 0 : i32
      %dma_start3A_18 = arith.constant 0 : i32
      %dma_start3A_19 = tpu.memref_slice %arg3[%add3A, %dma_start3A, %dma_start3A_18] : memref<32x80x128xi32, #tpu.memory_space<hbm>> -> memref<1x80x128xi32, #tpu.memory_space<hbm>>
      %dma_start3A_20 = tpu.memref_squeeze %dma_start3A_19 : memref<1x80x128xi32, #tpu.memory_space<hbm>> -> memref<80x128xi32, #tpu.memory_space<hbm>>
      %dma_start3A_21 = arith.constant 0 : i32
      %dma_start3A_22 = arith.constant 0 : i32
      %dma_start3A_23 = tpu.memref_slice %arg3[%add3A, %dma_start3A_21, %dma_start3A_22] : memref<32x80x128xi32, #tpu.memory_space<hbm>> -> memref<1x80x128xi32, #tpu.memory_space<hbm>>
      %dma_start3A_24 = tpu.memref_squeeze %dma_start3A_23 : memref<1x80x128xi32, #tpu.memory_space<hbm>> -> memref<80x128xi32, #tpu.memory_space<hbm>>
      tpu.enqueue_dma source(%dma_start3A_24 : memref<80x128xi32, #tpu.memory_space<hbm>>) target(%arg7 : memref<80x128xi32, #tpu.memory_space<vmem>>) target_semaphore(%run_scoped3A : memref<!tpu.dma_semaphore, #tpu.memory_space<semaphore_mem>>)
      %dma_wait3A = arith.constant 0 : i32
      %dma_wait3A_25 = arith.constant 0 : i32
      %dma_wait3A_26 = tpu.memref_slice %arg3[%add3A, %dma_wait3A, %dma_wait3A_25] : memref<32x80x128xi32, #tpu.memory_space<hbm>> -> memref<1x80x128xi32, #tpu.memory_space<hbm>>
      %dma_wait3A_27 = tpu.memref_squeeze %dma_wait3A_26 : memref<1x80x128xi32, #tpu.memory_space<hbm>> -> memref<80x128xi32, #tpu.memory_space<hbm>>
      %dma_wait3A_28 = arith.constant 0 : i32
      %dma_wait3A_29 = arith.constant 0 : i32
      %dma_wait3A_30 = tpu.memref_slice %arg3[%add3A, %dma_wait3A_28, %dma_wait3A_29] : memref<32x80x128xi32, #tpu.memory_space<hbm>> -> memref<1x80x128xi32, #tpu.memory_space<hbm>>
      %dma_wait3A_31 = tpu.memref_squeeze %dma_wait3A_30 : memref<1x80x128xi32, #tpu.memory_space<hbm>> -> memref<80x128xi32, #tpu.memory_space<hbm>>
      tpu.wait_dma2 semaphore(%run_scoped3A : memref<!tpu.dma_semaphore, #tpu.memory_space<semaphore_mem>>) src(%dma_wait3A_31 : memref<80x128xi32, #tpu.memory_space<hbm>>) dst(%arg7 : memref<80x128xi32, #tpu.memory_space<vmem>>)
      tpu.yield
    }) : () -> ()
    "tpu.region"() ({
      %run_scoped3A = tpu.sem_alloc : memref<!tpu.dma_semaphore, #tpu.memory_space<semaphore_mem>>
      %dma_start3A = arith.constant 0 : i32
      %dma_start3A_18 = arith.constant 0 : i32
      %dma_start3A_19 = tpu.memref_slice %arg4[%add3A, %dma_start3A, %dma_start3A_18] : memref<32x80x128xi32, #tpu.memory_space<hbm>> -> memref<1x80x128xi32, #tpu.memory_space<hbm>>
      %dma_start3A_20 = tpu.memref_squeeze %dma_start3A_19 : memref<1x80x128xi32, #tpu.memory_space<hbm>> -> memref<80x128xi32, #tpu.memory_space<hbm>>
      %dma_start3A_21 = arith.constant 0 : i32
      %dma_start3A_22 = arith.constant 0 : i32
      %dma_start3A_23 = tpu.memref_slice %arg4[%add3A, %dma_start3A_21, %dma_start3A_22] : memref<32x80x128xi32, #tpu.memory_space<hbm>> -> memref<1x80x128xi32, #tpu.memory_space<hbm>>
      %dma_start3A_24 = tpu.memref_squeeze %dma_start3A_23 : memref<1x80x128xi32, #tpu.memory_space<hbm>> -> memref<80x128xi32, #tpu.memory_space<hbm>>
      tpu.enqueue_dma source(%dma_start3A_24 : memref<80x128xi32, #tpu.memory_space<hbm>>) target(%arg8 : memref<80x128xi32, #tpu.memory_space<vmem>>) target_semaphore(%run_scoped3A : memref<!tpu.dma_semaphore, #tpu.memory_space<semaphore_mem>>)
      %dma_wait3A = arith.constant 0 : i32
      %dma_wait3A_25 = arith.constant 0 : i32
      %dma_wait3A_26 = tpu.memref_slice %arg4[%add3A, %dma_wait3A, %dma_wait3A_25] : memref<32x80x128xi32, #tpu.memory_space<hbm>> -> memref<1x80x128xi32, #tpu.memory_space<hbm>>
      %dma_wait3A_27 = tpu.memref_squeeze %dma_wait3A_26 : memref<1x80x128xi32, #tpu.memory_space<hbm>> -> memref<80x128xi32, #tpu.memory_space<hbm>>
      %dma_wait3A_28 = arith.constant 0 : i32
      %dma_wait3A_29 = arith.constant 0 : i32
      %dma_wait3A_30 = tpu.memref_slice %arg4[%add3A, %dma_wait3A_28, %dma_wait3A_29] : memref<32x80x128xi32, #tpu.memory_space<hbm>> -> memref<1x80x128xi32, #tpu.memory_space<hbm>>
      %dma_wait3A_31 = tpu.memref_squeeze %dma_wait3A_30 : memref<1x80x128xi32, #tpu.memory_space<hbm>> -> memref<80x128xi32, #tpu.memory_space<hbm>>
      tpu.wait_dma2 semaphore(%run_scoped3A : memref<!tpu.dma_semaphore, #tpu.memory_space<semaphore_mem>>) src(%dma_wait3A_31 : memref<80x128xi32, #tpu.memory_space<hbm>>) dst(%arg8 : memref<80x128xi32, #tpu.memory_space<vmem>>)
      tpu.yield
    }) : () -> ()
    %mul3A_1 = arith.constant 640 : i32
    %mul3A_2 = arith.muli %arg1, %mul3A_1 : i32
    %mul3A_3 = arith.constant 640 : i32
    %mul3A_4 = arith.muli %arg1, %mul3A_3 : i32
    "tpu.region"() ({
      %run_scoped3A = tpu.sem_alloc : memref<!tpu.dma_semaphore, #tpu.memory_space<semaphore_mem>>
      %dma_start3A = arith.constant 0 : i32
      %dma_start3A_18 = tpu.memref_slice %arg10[%mul3A_4, %dma_start3A] : memref<10240x128xf32, #tpu.memory_space<vmem_shared>> -> memref<640x128xf32, #tpu.memory_space<vmem_shared>>
      %dma_start3A_19 = arith.constant 0 : i32
      %dma_start3A_20 = tpu.memref_slice %arg5[%mul3A_2, %dma_start3A_19] : memref<10240x128xf32, #tpu.memory_space<hbm>> -> memref<640x128xf32, #tpu.memory_space<hbm>>
      tpu.enqueue_dma source(%dma_start3A_20 : memref<640x128xf32, #tpu.memory_space<hbm>>) target(%dma_start3A_18 : memref<640x128xf32, #tpu.memory_space<vmem_shared>>) target_semaphore(%run_scoped3A : memref<!tpu.dma_semaphore, #tpu.memory_space<semaphore_mem>>)
      %dma_wait3A = arith.constant 0 : i32
      %dma_wait3A_21 = tpu.memref_slice %arg10[%mul3A_4, %dma_wait3A] : memref<10240x128xf32, #tpu.memory_space<vmem_shared>> -> memref<640x128xf32, #tpu.memory_space<vmem_shared>>
      %dma_wait3A_22 = arith.constant 0 : i32
      %dma_wait3A_23 = tpu.memref_slice %arg5[%mul3A_2, %dma_wait3A_22] : memref<10240x128xf32, #tpu.memory_space<hbm>> -> memref<640x128xf32, #tpu.memory_space<hbm>>
      tpu.wait_dma2 semaphore(%run_scoped3A : memref<!tpu.dma_semaphore, #tpu.memory_space<semaphore_mem>>) src(%dma_wait3A_23 : memref<640x128xf32, #tpu.memory_space<hbm>>) dst(%dma_wait3A_21 : memref<640x128xf32, #tpu.memory_space<vmem_shared>>)
      tpu.yield
    }) : () -> ()
    %barrier3A = arith.constant 0 : index
    tpu.barrier barrier_id(%barrier3A)
    %scan3A = arith.constant 0 : i32
    %scan3A_5 = arith.constant 0 : i32
    %scan3A_6 = arith.constant 80 : i32
    %scan3A_7 = arith.addi %scan3A_5, %scan3A_6 : i32
    %scan3A_8 = arith.constant 1 : i32
    scf.for %scan3A_18 = %scan3A_5 to %scan3A_7 step %scan3A_8  : i32 {
      %dma_start3A = arith.constant 0 : i32
      %dma_start3A_19 = tpu.memref_slice %arg7[%scan3A_18, %dma_start3A] : memref<80x128xi32, #tpu.memory_space<vmem>> -> memref<1x128xi32, #tpu.memory_space<vmem>>
      %dma_start3A_20 = tpu.memref_squeeze %dma_start3A_19 : memref<1x128xi32, #tpu.memory_space<vmem>> -> memref<128xi32, #tpu.memory_space<vmem>>
      %dma_start3A_21 = arith.constant 0 : i32
      %dma_start3A_22 = arith.constant 0 : i32
      %dma_start3A_23 = tpu.memref_slice %arg2[%dma_start3A_21, %dma_start3A_22] : memref<10000x128xf32, #tpu.memory_space<hbm>> -> memref<10000x128xf32, #tpu.memory_space<hbm>>
      tpu.enqueue_indirect_dma source(%dma_start3A_23 : memref<10000x128xf32, #tpu.memory_space<hbm>>) target(%arg9 : memref<128x128xf32, #tpu.memory_space<vmem>>) offsets(%dma_start3A_20 : memref<128xi32, #tpu.memory_space<vmem>>) semaphore(%arg11 : memref<!tpu.dma_semaphore, #tpu.memory_space<semaphore_mem>>)
      %dma_wait3A = arith.constant 0 : i32
      %dma_wait3A_24 = tpu.memref_slice %arg7[%scan3A_18, %dma_wait3A] : memref<80x128xi32, #tpu.memory_space<vmem>> -> memref<1x128xi32, #tpu.memory_space<vmem>>
      %dma_wait3A_25 = tpu.memref_squeeze %dma_wait3A_24 : memref<1x128xi32, #tpu.memory_space<vmem>> -> memref<128xi32, #tpu.memory_space<vmem>>
      %dma_wait3A_26 = arith.constant 0 : i32
      %dma_wait3A_27 = arith.constant 0 : i32
      %dma_wait3A_28 = tpu.memref_slice %arg2[%dma_wait3A_26, %dma_wait3A_27] : memref<10000x128xf32, #tpu.memory_space<hbm>> -> memref<10000x128xf32, #tpu.memory_space<hbm>>
      tpu.wait_indirect_dma semaphore(%arg11 : memref<!tpu.dma_semaphore, #tpu.memory_space<semaphore_mem>>) src(%dma_wait3A_28 : memref<10000x128xf32, #tpu.memory_space<hbm>>) dst(%arg9 : memref<128x128xf32, #tpu.memory_space<vmem>>)
      "tpu.region"() ({
        %run_scoped3A = tpu.sem_alloc : memref<!tpu.dma_semaphore, #tpu.memory_space<semaphore_mem>>
        %dma_start3A_29 = arith.constant 0 : i32
        %dma_start3A_30 = tpu.memref_slice %arg8[%scan3A_18, %dma_start3A_29] : memref<80x128xi32, #tpu.memory_space<vmem>> -> memref<1x128xi32, #tpu.memory_space<vmem>>
        %dma_start3A_31 = tpu.memref_squeeze %dma_start3A_30 : memref<1x128xi32, #tpu.memory_space<vmem>> -> memref<128xi32, #tpu.memory_space<vmem>>
        %dma_start3A_32 = arith.constant 0 : i32
        %dma_start3A_33 = arith.constant 0 : i32
        %dma_start3A_34 = tpu.memref_slice %arg10[%dma_start3A_32, %dma_start3A_33] : memref<10240x128xf32, #tpu.memory_space<vmem_shared>> -> memref<10240x128xf32, #tpu.memory_space<vmem_shared>>
        tpu.enqueue_indirect_dma source(%arg9 : memref<128x128xf32, #tpu.memory_space<vmem>>) target(%dma_start3A_34 : memref<10240x128xf32, #tpu.memory_space<vmem_shared>>) offsets(%dma_start3A_31 : memref<128xi32, #tpu.memory_space<vmem>>) semaphore(%run_scoped3A : memref<!tpu.dma_semaphore, #tpu.memory_space<semaphore_mem>>) {add = true}
        %dma_wait3A_35 = arith.constant 0 : i32
        %dma_wait3A_36 = tpu.memref_slice %arg8[%scan3A_18, %dma_wait3A_35] : memref<80x128xi32, #tpu.memory_space<vmem>> -> memref<1x128xi32, #tpu.memory_space<vmem>>
        %dma_wait3A_37 = tpu.memref_squeeze %dma_wait3A_36 : memref<1x128xi32, #tpu.memory_space<vmem>> -> memref<128xi32, #tpu.memory_space<vmem>>
        %dma_wait3A_38 = arith.constant 0 : i32
        %dma_wait3A_39 = arith.constant 0 : i32
        %dma_wait3A_40 = tpu.memref_slice %arg10[%dma_wait3A_38, %dma_wait3A_39] : memref<10240x128xf32, #tpu.memory_space<vmem_shared>> -> memref<10240x128xf32, #tpu.memory_space<vmem_shared>>
        tpu.wait_indirect_dma semaphore(%run_scoped3A : memref<!tpu.dma_semaphore, #tpu.memory_space<semaphore_mem>>) src(%arg9 : memref<128x128xf32, #tpu.memory_space<vmem>>) dst(%dma_wait3A_40 : memref<10240x128xf32, #tpu.memory_space<vmem_shared>>)
        tpu.yield
      }) : () -> ()
    }
    %scan3A_9 = arith.constant 80 : i32
    %barrier3A_10 = arith.constant 0 : index
    tpu.barrier barrier_id(%barrier3A_10)
    %mul3A_11 = arith.constant 640 : i32
    %mul3A_12 = arith.muli %arg1, %mul3A_11 : i32
    %mul3A_13 = arith.constant 10240 : i32
    %mul3A_14 = arith.muli %arg0, %mul3A_13 : i32
    %mul3A_15 = arith.constant 640 : i32
    %mul3A_16 = arith.muli %arg1, %mul3A_15 : i32
    %add3A_17 = arith.addi %mul3A_14, %mul3A_16 : i32
    "tpu.region"() ({
      %run_scoped3A = tpu.sem_alloc : memref<!tpu.dma_semaphore, #tpu.memory_space<semaphore_mem>>
      %dma_start3A = arith.constant 0 : i32
      %dma_start3A_18 = tpu.memref_slice %arg6[%add3A_17, %dma_start3A] : memref<20480x128xf32, #tpu.memory_space<hbm>> -> memref<640x128xf32, #tpu.memory_space<hbm>>
      %dma_start3A_19 = arith.constant 0 : i32
      %dma_start3A_20 = tpu.memref_slice %arg10[%mul3A_12, %dma_start3A_19] : memref<10240x128xf32, #tpu.memory_space<vmem_shared>> -> memref<640x128xf32, #tpu.memory_space<vmem_shared>>
      tpu.enqueue_dma source(%dma_start3A_20 : memref<640x128xf32, #tpu.memory_space<vmem_shared>>) target(%dma_start3A_18 : memref<640x128xf32, #tpu.memory_space<hbm>>) target_semaphore(%run_scoped3A : memref<!tpu.dma_semaphore, #tpu.memory_space<semaphore_mem>>)
      %dma_wait3A = arith.constant 0 : i32
      %dma_wait3A_21 = tpu.memref_slice %arg6[%add3A_17, %dma_wait3A] : memref<20480x128xf32, #tpu.memory_space<hbm>> -> memref<640x128xf32, #tpu.memory_space<hbm>>
      %dma_wait3A_22 = arith.constant 0 : i32
      %dma_wait3A_23 = tpu.memref_slice %arg10[%mul3A_12, %dma_wait3A_22] : memref<10240x128xf32, #tpu.memory_space<vmem_shared>> -> memref<640x128xf32, #tpu.memory_space<vmem_shared>>
      tpu.wait_dma2 semaphore(%run_scoped3A : memref<!tpu.dma_semaphore, #tpu.memory_space<semaphore_mem>>) src(%dma_wait3A_23 : memref<640x128xf32, #tpu.memory_space<vmem_shared>>) dst(%dma_wait3A_21 : memref<640x128xf32, #tpu.memory_space<hbm>>)
      tpu.yield
    }) : () -> ()
    return
  }
}

module attributes {stable_mosaic.version = 14 : i64} {
  func.func @_dense_body(%arg0: i32, %arg1: memref<400x128xf32, #tpu.memory_space<vmem>>, %arg2: memref<400x128xf32, #tpu.memory_space<vmem>>, %arg3: memref<400x2xf32, #tpu.memory_space<vmem>>, %arg4: memref<256x128xf32, #tpu.memory_space<vmem>>, %arg5: memref<128xf32, #tpu.memory_space<vmem>>, %arg6: memref<128xf32, #tpu.memory_space<vmem>>, %arg7: memref<400x128xf32, #tpu.memory_space<vmem>>) attributes {dimension_semantics = [#tpu.dimension_semantics<arbitrary>], iteration_bounds = array<i64: 25>, scalar_prefetch = 0 : i64, scratch_operands = 0 : i64, tpu.core_type = #tpu.core_type<tc>, window_params = [{transform_indices = @transform_0, window_bounds = array<i64: 400, 128>}, {transform_indices = @transform_1, window_bounds = array<i64: 400, 128>}, {transform_indices = @transform_2, window_bounds = array<i64: 400, 2>}, {pipeline_mode = #tpu.pipeline_mode<synchronous>, transform_indices = @transform_3, window_bounds = array<i64: 256, 128>}, {pipeline_mode = #tpu.pipeline_mode<synchronous>, transform_indices = @transform_4, window_bounds = array<i64: 128>}, {pipeline_mode = #tpu.pipeline_mode<synchronous>, transform_indices = @transform_5, window_bounds = array<i64: 128>}, {transform_indices = @transform_6, window_bounds = array<i64: 400, 128>}]} {
    %get3A = arith.constant 0 : index
    %get3A_0 = vector.load %arg5[%get3A] : memref<128xf32, #tpu.memory_space<vmem>>, vector<128xf32>
    %get3A_1 = arith.constant 0 : index
    %get3A_2 = vector.load %arg6[%get3A_1] : memref<128xf32, #tpu.memory_space<vmem>>, vector<128xf32>
    %get3A_3 = arith.constant 0 : index
    %get3A_4 = arith.constant 0 : index
    %get3A_5 = vector.load %arg1[%get3A_3, %get3A_4] : memref<400x128xf32, #tpu.memory_space<vmem>>, vector<400x128xf32>
    %reduce_sum3A = arith.constant dense<0.000000e+00> : vector<400xf32>
    %reduce_sum3A_6 = vector.multi_reduction <add>, %get3A_5, %reduce_sum3A [1] : vector<400x128xf32> to vector<400xf32>
    %broadcast_in_dim3A = vector.shape_cast %reduce_sum3A_6 : vector<400xf32> to vector<400x1xf32>
    %div3A = arith.constant 1.280000e+02 : f32
    %div3A_7 = vector.broadcast %div3A : f32 to vector<400x1xf32>
    %div3A_8 = arith.divf %broadcast_in_dim3A, %div3A_7 : vector<400x1xf32>
    %sub3A = vector.broadcast %div3A_8 : vector<400x1xf32> to vector<400x128xf32>
    %sub3A_9 = arith.subf %get3A_5, %sub3A : vector<400x128xf32>
    %mul3A = arith.mulf %sub3A_9, %sub3A_9 : vector<400x128xf32>
    %reduce_sum3A_10 = arith.constant dense<0.000000e+00> : vector<400xf32>
    %reduce_sum3A_11 = vector.multi_reduction <add>, %mul3A, %reduce_sum3A_10 [1] : vector<400x128xf32> to vector<400xf32>
    %broadcast_in_dim3A_12 = vector.shape_cast %reduce_sum3A_11 : vector<400xf32> to vector<400x1xf32>
    %div3A_13 = arith.constant 1.280000e+02 : f32
    %div3A_14 = vector.broadcast %div3A_13 : f32 to vector<400x1xf32>
    %div3A_15 = arith.divf %broadcast_in_dim3A_12, %div3A_14 : vector<400x1xf32>
    %add3A = arith.constant 9.99999974E-6 : f32
    %add3A_16 = vector.broadcast %add3A : f32 to vector<400x1xf32>
    %add3A_17 = arith.addf %div3A_15, %add3A_16 : vector<400x1xf32>
    %rsqrt3A = math.rsqrt %add3A_17 : vector<400x1xf32>
    %mul3A_18 = vector.broadcast %rsqrt3A : vector<400x1xf32> to vector<400x128xf32>
    %mul3A_19 = arith.mulf %sub3A_9, %mul3A_18 : vector<400x128xf32>
    %broadcast_in_dim3A_20 = vector.shape_cast %get3A_0 : vector<128xf32> to vector<1x128xf32>
    %mul3A_21 = vector.broadcast %broadcast_in_dim3A_20 : vector<1x128xf32> to vector<400x128xf32>
    %mul3A_22 = arith.mulf %mul3A_19, %mul3A_21 : vector<400x128xf32>
    %broadcast_in_dim3A_23 = vector.shape_cast %get3A_2 : vector<128xf32> to vector<1x128xf32>
    %add3A_24 = vector.broadcast %broadcast_in_dim3A_23 : vector<1x128xf32> to vector<400x128xf32>
    %add3A_25 = arith.addf %mul3A_22, %add3A_24 : vector<400x128xf32>
    %get3A_26 = arith.constant 0 : index
    %get3A_27 = arith.constant 0 : index
    %get3A_28 = vector.load %arg2[%get3A_26, %get3A_27] : memref<400x128xf32, #tpu.memory_space<vmem>>, vector<400x128xf32>
    %reduce_sum3A_29 = arith.constant dense<0.000000e+00> : vector<400xf32>
    %reduce_sum3A_30 = vector.multi_reduction <add>, %get3A_28, %reduce_sum3A_29 [1] : vector<400x128xf32> to vector<400xf32>
    %broadcast_in_dim3A_31 = vector.shape_cast %reduce_sum3A_30 : vector<400xf32> to vector<400x1xf32>
    %div3A_32 = arith.constant 1.280000e+02 : f32
    %div3A_33 = vector.broadcast %div3A_32 : f32 to vector<400x1xf32>
    %div3A_34 = arith.divf %broadcast_in_dim3A_31, %div3A_33 : vector<400x1xf32>
    %sub3A_35 = vector.broadcast %div3A_34 : vector<400x1xf32> to vector<400x128xf32>
    %sub3A_36 = arith.subf %get3A_28, %sub3A_35 : vector<400x128xf32>
    %mul3A_37 = arith.mulf %sub3A_36, %sub3A_36 : vector<400x128xf32>
    %reduce_sum3A_38 = arith.constant dense<0.000000e+00> : vector<400xf32>
    %reduce_sum3A_39 = vector.multi_reduction <add>, %mul3A_37, %reduce_sum3A_38 [1] : vector<400x128xf32> to vector<400xf32>
    %broadcast_in_dim3A_40 = vector.shape_cast %reduce_sum3A_39 : vector<400xf32> to vector<400x1xf32>
    %div3A_41 = arith.constant 1.280000e+02 : f32
    %div3A_42 = vector.broadcast %div3A_41 : f32 to vector<400x1xf32>
    %div3A_43 = arith.divf %broadcast_in_dim3A_40, %div3A_42 : vector<400x1xf32>
    %add3A_44 = arith.constant 9.99999974E-6 : f32
    %add3A_45 = vector.broadcast %add3A_44 : f32 to vector<400x1xf32>
    %add3A_46 = arith.addf %div3A_43, %add3A_45 : vector<400x1xf32>
    %rsqrt3A_47 = math.rsqrt %add3A_46 : vector<400x1xf32>
    %mul3A_48 = vector.broadcast %rsqrt3A_47 : vector<400x1xf32> to vector<400x128xf32>
    %mul3A_49 = arith.mulf %sub3A_36, %mul3A_48 : vector<400x128xf32>
    %broadcast_in_dim3A_50 = vector.shape_cast %get3A_0 : vector<128xf32> to vector<1x128xf32>
    %mul3A_51 = vector.broadcast %broadcast_in_dim3A_50 : vector<1x128xf32> to vector<400x128xf32>
    %mul3A_52 = arith.mulf %mul3A_49, %mul3A_51 : vector<400x128xf32>
    %broadcast_in_dim3A_53 = vector.shape_cast %get3A_2 : vector<128xf32> to vector<1x128xf32>
    %add3A_54 = vector.broadcast %broadcast_in_dim3A_53 : vector<1x128xf32> to vector<400x128xf32>
    %add3A_55 = arith.addf %mul3A_52, %add3A_54 : vector<400x128xf32>
    %get3A_56 = arith.constant 0 : index
    %get3A_57 = arith.constant 0 : index
    %get3A_58 = vector.load %arg4[%get3A_56, %get3A_57] : memref<256x128xf32, #tpu.memory_space<vmem>>, vector<128x128xf32>
    %dot_general3A = arith.constant dense<0.000000e+00> : vector<400x128xf32>
    %dot_general3A_59 = tpu.matmul %add3A_25, %get3A_58, %dot_general3A {dimension_numbers = #tpu.dot_dimension_numbers<[1], [0], [0], [1], [0, 0, 1, 1], [], []>, transpose_lhs_hint = false} : vector<400x128xf32>, vector<128x128xf32>, vector<400x128xf32> -> vector<400x128xf32>
    %get3A_60 = arith.constant 128 : index
    %get3A_61 = arith.constant 0 : index
    %get3A_62 = vector.load %arg4[%get3A_60, %get3A_61] : memref<256x128xf32, #tpu.memory_space<vmem>>, vector<128x128xf32>
    %dot_general3A_63 = arith.constant dense<0.000000e+00> : vector<400x128xf32>
    %dot_general3A_64 = tpu.matmul %add3A_55, %get3A_62, %dot_general3A_63 {dimension_numbers = #tpu.dot_dimension_numbers<[1], [0], [0], [1], [0, 0, 1, 1], [], []>, transpose_lhs_hint = false} : vector<400x128xf32>, vector<128x128xf32>, vector<400x128xf32> -> vector<400x128xf32>
    %add3A_65 = arith.addf %dot_general3A_59, %dot_general3A_64 : vector<400x128xf32>
    %get3A_66 = arith.constant 0 : index
    %get3A_67 = arith.constant 0 : index
    %get3A_68 = vector.load %arg3[%get3A_66, %get3A_67] : memref<400x2xf32, #tpu.memory_space<vmem>>, vector<400x2xf32>
    %slice3A = vector.extract_strided_slice %get3A_68 {offsets = [0, 0], sizes = [400, 1], strides = [1, 1]} : vector<400x2xf32> to vector<400x1xf32>
    %squeeze3A = vector.shape_cast %slice3A : vector<400x1xf32> to vector<400xf32>
    %slice3A_69 = vector.extract_strided_slice %get3A_68 {offsets = [0, 1], sizes = [400, 1], strides = [1, 1]} : vector<400x2xf32> to vector<400x1xf32>
    %squeeze3A_70 = vector.shape_cast %slice3A_69 : vector<400x1xf32> to vector<400xf32>
    %add3A_71 = arith.addf %squeeze3A, %squeeze3A_70 : vector<400xf32>
    %add3A_72 = arith.constant 1.000000e+00 : f32
    %add3A_73 = vector.broadcast %add3A_72 : f32 to vector<400xf32>
    %add3A_74 = arith.addf %add3A_71, %add3A_73 : vector<400xf32>
    %rsqrt3A_75 = math.rsqrt %add3A_74 : vector<400xf32>
    %broadcast_in_dim3A_76 = vector.shape_cast %rsqrt3A_75 : vector<400xf32> to vector<400x1xf32>
    %mul3A_77 = vector.broadcast %broadcast_in_dim3A_76 : vector<400x1xf32> to vector<400x128xf32>
    %mul3A_78 = arith.mulf %add3A_65, %mul3A_77 : vector<400x128xf32>
    %swap3A = arith.constant 0 : index
    %swap3A_79 = arith.constant 0 : index
    %swap3A_80 = vector.load %arg7[%swap3A, %swap3A_79] : memref<400x128xf32, #tpu.memory_space<vmem>>, vector<400x128xf32>
    tpu.vector_store %arg7[%swap3A, %swap3A_79], %mul3A_78 {strides = array<i32>} : memref<400x128xf32, #tpu.memory_space<vmem>>, vector<400x128xf32>,
    return
  }
  func.func @transform_0(%arg0: i32) -> (i32, i32) {
    %c0_i32 = arith.constant 0 : i32
    %c0_i32_0 = arith.constant 0 : i32
    return %arg0, %c0_i32 : i32, i32
  }
  func.func @transform_1(%arg0: i32) -> (i32, i32) {
    %c0_i32 = arith.constant 0 : i32
    %c0_i32_0 = arith.constant 0 : i32
    return %arg0, %c0_i32 : i32, i32
  }
  func.func @transform_2(%arg0: i32) -> (i32, i32) {
    %c0_i32 = arith.constant 0 : i32
    %c0_i32_0 = arith.constant 0 : i32
    return %arg0, %c0_i32 : i32, i32
  }
  func.func @transform_3(%arg0: i32) -> (i32, i32) {
    %c0_i32 = arith.constant 0 : i32
    %c0_i32_0 = arith.constant 0 : i32
    %c0_i32_1 = arith.constant 0 : i32
    return %c0_i32, %c0_i32_0 : i32, i32
  }
  func.func @transform_4(%arg0: i32) -> i32 {
    %c0_i32 = arith.constant 0 : i32
    %c0_i32_0 = arith.constant 0 : i32
    return %c0_i32 : i32
  }
  func.func @transform_5(%arg0: i32) -> i32 {
    %c0_i32 = arith.constant 0 : i32
    %c0_i32_0 = arith.constant 0 : i32
    return %c0_i32 : i32
  }
  func.func @transform_6(%arg0: i32) -> (i32, i32) {
    %c0_i32 = arith.constant 0 : i32
    %c0_i32_0 = arith.constant 0 : i32
    return %arg0, %c0_i32 : i32, i32
  }
}

module attributes {stable_mosaic.version = 14 : i64} {
  func.func @_final_body(%arg0: i32, %arg1: memref<2x400x128xf32, #tpu.memory_space<vmem>>, %arg2: memref<400x128xf32, #tpu.memory_space<vmem>>, %arg3: memref<400x2xf32, #tpu.memory_space<vmem>>, %arg4: memref<128xf32, #tpu.memory_space<vmem>>, %arg5: memref<400x128xf32, #tpu.memory_space<vmem>>) attributes {dimension_semantics = [#tpu.dimension_semantics<arbitrary>], iteration_bounds = array<i64: 25>, scalar_prefetch = 0 : i64, scratch_operands = 0 : i64, tpu.core_type = #tpu.core_type<tc>, window_params = [{transform_indices = @transform_0, window_bounds = array<i64: 2, 400, 128>}, {transform_indices = @transform_1, window_bounds = array<i64: 400, 128>}, {transform_indices = @transform_2, window_bounds = array<i64: 400, 2>}, {pipeline_mode = #tpu.pipeline_mode<synchronous>, transform_indices = @transform_3, window_bounds = array<i64: 128>}, {transform_indices = @transform_4, window_bounds = array<i64: 400, 128>}]} {
    %get3A = arith.constant 0 : index
    %get3A_0 = arith.constant 0 : index
    %get3A_1 = arith.constant 0 : index
    %get3A_2 = vector.load %arg1[%get3A, %get3A_0, %get3A_1] : memref<2x400x128xf32, #tpu.memory_space<vmem>>, vector<1x400x128xf32>
    %get3A_3 = vector.shape_cast %get3A_2 : vector<1x400x128xf32> to vector<400x128xf32>
    %get3A_4 = arith.constant 1 : index
    %get3A_5 = arith.constant 0 : index
    %get3A_6 = arith.constant 0 : index
    %get3A_7 = vector.load %arg1[%get3A_4, %get3A_5, %get3A_6] : memref<2x400x128xf32, #tpu.memory_space<vmem>>, vector<1x400x128xf32>
    %get3A_8 = vector.shape_cast %get3A_7 : vector<1x400x128xf32> to vector<400x128xf32>
    %add3A = arith.addf %get3A_3, %get3A_8 : vector<400x128xf32>
    %get3A_9 = arith.constant 0 : index
    %get3A_10 = arith.constant 0 : index
    %get3A_11 = vector.load %arg3[%get3A_9, %get3A_10] : memref<400x2xf32, #tpu.memory_space<vmem>>, vector<400x2xf32>
    %slice3A = vector.extract_strided_slice %get3A_11 {offsets = [0, 0], sizes = [400, 1], strides = [1, 1]} : vector<400x2xf32> to vector<400x1xf32>
    %squeeze3A = vector.shape_cast %slice3A : vector<400x1xf32> to vector<400xf32>
    %slice3A_12 = vector.extract_strided_slice %get3A_11 {offsets = [0, 1], sizes = [400, 1], strides = [1, 1]} : vector<400x2xf32> to vector<400x1xf32>
    %squeeze3A_13 = vector.shape_cast %slice3A_12 : vector<400x1xf32> to vector<400xf32>
    %add3A_14 = arith.addf %squeeze3A, %squeeze3A_13 : vector<400xf32>
    %add3A_15 = arith.constant 1.000000e+00 : f32
    %add3A_16 = vector.broadcast %add3A_15 : f32 to vector<400xf32>
    %add3A_17 = arith.addf %add3A_14, %add3A_16 : vector<400xf32>
    %rsqrt3A = math.rsqrt %add3A_17 : vector<400xf32>
    %get3A_18 = arith.constant 0 : index
    %get3A_19 = arith.constant 0 : index
    %get3A_20 = vector.load %arg2[%get3A_18, %get3A_19] : memref<400x128xf32, #tpu.memory_space<vmem>>, vector<400x128xf32>
    %add3A_21 = arith.addf %add3A, %get3A_20 : vector<400x128xf32>
    %broadcast_in_dim3A = vector.shape_cast %rsqrt3A : vector<400xf32> to vector<400x1xf32>
    %mul3A = vector.broadcast %broadcast_in_dim3A : vector<400x1xf32> to vector<400x128xf32>
    %mul3A_22 = arith.mulf %add3A_21, %mul3A : vector<400x128xf32>
    %get3A_23 = arith.constant 0 : index
    %get3A_24 = vector.load %arg4[%get3A_23] : memref<128xf32, #tpu.memory_space<vmem>>, vector<128xf32>
    %broadcast_in_dim3A_25 = vector.shape_cast %get3A_24 : vector<128xf32> to vector<1x128xf32>
    %add3A_26 = vector.broadcast %broadcast_in_dim3A_25 : vector<1x128xf32> to vector<400x128xf32>
    %add3A_27 = arith.addf %mul3A_22, %add3A_26 : vector<400x128xf32>
    %swap3A = arith.constant 0 : index
    %swap3A_28 = arith.constant 0 : index
    %swap3A_29 = vector.load %arg5[%swap3A, %swap3A_28] : memref<400x128xf32, #tpu.memory_space<vmem>>, vector<400x128xf32>
    tpu.vector_store %arg5[%swap3A, %swap3A_28], %add3A_27 {strides = array<i32>} : memref<400x128xf32, #tpu.memory_space<vmem>>, vector<400x128xf32>,
    return
  }
  func.func @transform_0(%arg0: i32) -> (i32, i32, i32) {
    %c0_i32 = arith.constant 0 : i32
    %c0_i32_0 = arith.constant 0 : i32
    %c0_i32_1 = arith.constant 0 : i32
    return %c0_i32, %arg0, %c0_i32_0 : i32, i32, i32
  }
  func.func @transform_1(%arg0: i32) -> (i32, i32) {
    %c0_i32 = arith.constant 0 : i32
    %c0_i32_0 = arith.constant 0 : i32
    return %arg0, %c0_i32 : i32, i32
  }
  func.func @transform_2(%arg0: i32) -> (i32, i32) {
    %c0_i32 = arith.constant 0 : i32
    %c0_i32_0 = arith.constant 0 : i32
    return %arg0, %c0_i32 : i32, i32
  }
  func.func @transform_3(%arg0: i32) -> i32 {
    %c0_i32 = arith.constant 0 : i32
    %c0_i32_0 = arith.constant 0 : i32
    return %c0_i32 : i32
  }
  func.func @transform_4(%arg0: i32) -> (i32, i32) {
    %c0_i32 = arith.constant 0 : i32
    %c0_i32_0 = arith.constant 0 : i32
    return %arg0, %c0_i32 : i32, i32
  }
}

</mosaic_0001>

<sc_bundles>
// kernel: kernel.6.cloned.1.call-start
scs
__scs_entry_jumppad:
0x0: {  	(pc) =	sbr.rel $0x88, $3  }
0x1: {  	(tag) =	ssettag $0x0;
	lr =	simm.s32 $0x1  }
0x2: {  	[smem:$0x3F9A] =	sst lr;
	_ =	strace $0xD0000000  }
0x3: {  	_ = 	snop  }
0x4: {  	_ = 	snop  }
0x5: {  	_ = 	snop  }
0x6: {  	_ = 	snop  }
0x7: {  	_ = 	snop  }
__scs_overlays_trampoline_lowered:
0x8: {  	[smem:$0x3FA9] =	sst s0  }
0x9: {  	[smem:$0x3FAA] =	sst s1  }
0xa: {  	[smem:$0x3FAB] =	sst s2  }
0xb: {  	[smem:$0x3FAC] =	sst s3  }
0xc: {  	[smem:$0x3FAD] =	sst s4  }
0xd: {  	[smem:$0x3FAE] =	sst s5  }
0xe: {  	[smem:$0x3FAF] =	sst s6  }
0xf: {  	[smem:$0x3FB0] =	sst s7  }
0x10: {  	[smem:$0x3FB1] =	sst s8  }
0x11: {  	[smem:$0x3FB2] =	sst s9;
	s0 =	simm.s32 @!p0 $0x0  }
0x12: {  	s1 =	sld [smem:$0x3F98];
	s0 =	simm.s32 @p0 $0x1  }
0x13: {  	[smem:$0x3FB3] =	sst s0;
	s0 =	simm.s32 @!p1 $0x0  }
0x14: {  	s2 =	sld [smem:$0x3F97];
	s0 =	simm.s32 @p1 $0x1  }
0x15: {  	[smem:$0x3FB4] =	sst s0;
	s0 =	simm.s32 @!p2 $0x0  }
0x16: {  	s3 =	sld [smem:$0x3FDB];
	s0 =	simm.s32 @p2 $0x1  }
0x17: {  	s4 =	simm.s32 $0x1BF5;
	[smem:$0x3FB6] =	sst s0  }
0x18: {  	s0 =	sld [smem:$0x3F99];
	_ =	swait.ge [sflag:s4], $0x0  }
0x19: {  	s7 =	sld [smem:$0x3F9A]  }
0x1a: {  	s8 =	sadd.s32 $0xFFFFE003, lr  }
0x1b: {  	s9 =	sadd.s32 $0xFFFFFEF7, lr;
	s5 =	simm.s32 $0xFFFFFFFF;
	p2 =	slt.u32 s8, $0xFFFFF086  }
0x1c: {  	p1 =	slt.u32 s9, $0xF7A;
	s5 =	simm.s32 @!p2 $0x0  }
0x1d: {  	s5 =	simm.s32 @p1 $0x1;
	p0 =	seq.s32 s7, s2  }
0x1e: {  	s7 =	smul.u32 @!p0 $0xF7A, s2;
	p2 =	seq.s32 @!p0 s5, $0x0  }
0x1f: {  	s9 =	smul.u32 $0xF7A, s1;
	s8 =	simm.s32 @!p0 $0x1BF5;
	p2 =	por !p2, p0  }
0x20: {  	[sflag:s8] =	ssyncset.s32 @!p0 $0xFFFFF086;
	s6 =	sadd.s32 @!p0 s3, s7;
	s7 =	simm.s32 @!p0 $0x108  }
0x21: {  	s3 =	sadd.s32 s3, s9;
	s6 =	sadd.s32 @!p0 $0x88, s6;
	s7 =	simm.s32 @p2 $0x1082  }
0x22: {  	[simem:s7], [sflag:s8] =	dma.local @!p0 [hbm:s6], $0xF7A  }
0x23: {  	s9 =	sor.u32 $0xD0000000, s2;
	s6 =	simm.s32 $0x108;
	_ =	swait.ge @!p0 [sflag:s8], $0x0  }
0x24: {  	s3 =	sadd.s32 $0x88, s3;
	s6 =	simm.s32 @!p1 $0x1082;
	[sflag:s4] =	ssyncset.s32 $0xFFFFF086  }
0x25: {  	[simem:s6], [sflag:s4] =	dma.local [hbm:s3], $0xF7A  }
0x26: {  	[smem:$0x3F9A] =	sst s1;
	(tag) =	ssettag s2;
	_ =	strace s9  }
0x27: {  	s1 =	sld [smem:$0x3FAA]  }
0x28: {  	s2 =	sld [smem:$0x3FAB]  }
0x29: {  	s4 =	sld [smem:$0x3FAD]  }
0x2a: {  	p0 =	seq.s32 s5, $0x0;
	s5 =	sld [smem:$0x3FAE]  }
0x2b: {  	s6 =	sld [smem:$0x3FAF]  }
0x2c: {  	s7 =	sld [smem:$0x3FB0]  }
0x2d: {  	s3 =	simm.s32 $0x108;
	s8 =	sld [smem:$0x3FB1]  }
0x2e: {  	s3 =	simm.s32 @!p0 $0x1082;
	s9 =	sld [smem:$0x3FB2]  }
0x2f: {  	lr =	sadd.s32 s0, s3;
	s0 =	sld [smem:$0x3FA9]  }
0x30: {  	s3 =	sld [smem:$0x3FAC]  }
0x31: {  	[smem:$0x3FB5] =	sst s10  }
0x32: {  	s10 =	sld [smem:$0x3FB3];
	_ =	sdelay $0x3  }
0x33: {  	p0 =	seq.s32 s10, $0x1;
	s10 =	sld [smem:$0x3FB5];
	_ =	sdelay $0x3  }
0x34: {  	[smem:$0x3FB5] =	sst s10  }
0x35: {  	s10 =	sld [smem:$0x3FB4];
	_ =	sdelay $0x3  }
0x36: {  	p1 =	seq.s32 s10, $0x1;
	s10 =	sld [smem:$0x3FB5];
	_ =	sdelay $0x3  }
0x37: {  	[smem:$0x3FB5] =	sst s10  }
0x38: {  	s10 =	sld [smem:$0x3FB6]  }
0x39: {  	_ = 	snop;
	(pc) =	sbr.ind lr, $3  }
0x3a: {  	_ = 	snop  }
0x3b: {  	_ = 	snop  }
0x3c: {  	p2 =	seq.s32 s10, $0x1;
	s10 =	sld [smem:$0x3FB5]  }
0x3d: {  	_ =	shalt  }
0x3e: {  	_ =	shalt  }
0x3f: {  	_ =	shalt  }
0x40: {  	_ =	shalt  }
0x41: {  	_ =	shalt  }
0x42: {  	_ =	shalt  }
0x43: {  	_ =	shalt  }
0x44: {  	_ =	shalt  }
0x45: {  	_ =	shalt  }
0x46: {  	_ =	shalt  }
0x47: {  	_ =	shalt  }
0x48: {  	_ =	shalt  }
0x49: {  	_ =	shalt  }
0x4a: {  	_ =	shalt  }
0x4b: {  	_ =	shalt  }
0x4c: {  	_ =	shalt  }
0x4d: {  	_ =	shalt  }
0x4e: {  	_ =	shalt  }
0x4f: {  	_ =	shalt  }
0x50: {  	_ =	shalt  }
0x51: {  	_ =	shalt  }
0x52: {  	_ =	shalt  }
0x53: {  	_ =	shalt  }
0x54: {  	_ =	shalt  }
0x55: {  	_ =	shalt  }
0x56: {  	_ =	shalt  }
0x57: {  	_ =	shalt  }
0x58: {  	_ =	shalt  }
0x59: {  	_ =	shalt  }
0x5a: {  	_ =	shalt  }
0x5b: {  	_ =	shalt  }
0x5c: {  	_ =	shalt  }
0x5d: {  	_ =	shalt  }
0x5e: {  	_ =	shalt  }
0x5f: {  	_ =	shalt  }
0x60: {  	_ =	shalt  }
0x61: {  	_ =	shalt  }
0x62: {  	_ =	shalt  }
0x63: {  	_ =	shalt  }
0x64: {  	_ =	shalt  }
0x65: {  	_ =	shalt  }
0x66: {  	_ =	shalt  }
0x67: {  	_ =	shalt  }
0x68: {  	_ =	shalt  }
0x69: {  	_ =	shalt  }
0x6a: {  	_ =	shalt  }
0x6b: {  	_ =	shalt  }
0x6c: {  	_ =	shalt  }
0x6d: {  	_ =	shalt  }
0x6e: {  	_ =	shalt  }
0x6f: {  	_ =	shalt  }
0x70: {  	_ =	shalt  }
0x71: {  	_ =	shalt  }
0x72: {  	_ =	shalt  }
0x73: {  	_ =	shalt  }
0x74: {  	_ =	shalt  }
0x75: {  	_ =	shalt  }
0x76: {  	_ =	shalt  }
0x77: {  	_ =	shalt  }
0x78: {  	_ =	shalt  }
0x79: {  	_ =	shalt  }
0x7a: {  	_ =	shalt  }
0x7b: {  	_ =	shalt  }
0x7c: {  	_ =	shalt  }
0x7d: {  	_ =	shalt  }
0x7e: {  	_ =	shalt  }
0x7f: {  	_ =	shalt  }
0x80: {  	_ =	shalt  }
0x81: {  	_ =	shalt  }
0x82: {  	_ =	shalt  }
0x83: {  	_ =	shalt  }
0x84: {  	_ =	shalt  }
0x85: {  	_ =	shalt  }
0x86: {  	_ =	shalt  }
0x87: {  	_ =	shalt  }
.Lfunc_end0:
.L_simem_size_0:
called_computation_lowered:
.L_overlay_start_0:
0x88: {  	s2 =	sld [smem:$0x3FD9]  }
0x89: {  	s3 =	sld [smem:$0x3FFE];
	_ =	sdelay $0x1  }
0x8a: {  	s1 =	srdreg.scid  }
0x8b: {  	s0 =	sand.u32 $0x1, s1  }
0x8c: {  	s17 =	sshll.u32 s0, $0xA;
	s2 =	sadd.s32 s3, s2  }
0x8d: {  	s2 =	sadd.s32 s2, s17  }
0x8e: {  	[smem:$0x3FC1] =	sst s2  }
0x8f: {  	_ = 	snop  }
0x90: {  	s2 =	sld [smem:$0x3FD0];
	(tm) =	ssettm $0x1  }
0x91: {  	s18 =	sld [smem:$0x3FFB];
	_ =	sdelay $0x3  }
0x92: {  	_ =	strace s18  }
0x93: {  	s3 =	sld [smem:$0x3FFC];
	_ =	sdelay $0x3  }
0x94: {  	_ =	strace s3  }
0x95: {  	s3 =	sld [smem:$0x3FFD];
	_ =	sdelay $0x3  }
0x96: {  	_ =	strace s3  }
0x97: {  	_ =	strace $0x8FFFFFFF  }
0x98: {  	s19 =	sld [smem:$0x3FDB];
	_ =	sdelay $0x1  }
0x99: {  	s4 =	simm.s32 $_scs_section_size  }
0x9a: {  	s5 =	simm.s32 $_size__tile_overlayer_lowered;
	s6 =	simm.s32 $_tile_overlayer_lowered  }
0x9b: {  	s22 =	simm.s32 $0x1BFF;
	s21 =	sshll.u32 s6, $0x1;
	s3 =	sadd.s32 s4, s19  }
0x9c: {  	s7 =	simm.s32 $0x0;
	s20 =	sshll.u32 s5, $0x1;
	s5 =	sadd.s32 s21, s3  }
0x9d: {  	[timem:s7], [sflag:s22] =	dma.local [hbm:s5], s20  }
0x9e: {  	_ =	swait.ge [sflag:s22], s20  }
0x9f: {  	s4 =	ssub.s32 $0x0, s20;
	[sflag:s22] =	ssyncset.done $0x0  }
0xa0: {  	[sflag:s22] =	ssyncadd.s32 s4;
	_ =	sdelay $0x1  }
0xa1: {  	s23 =	simm.s32 $0x1B8B  }
0xa2: {  	_ =	swait.ge [sflag:s23], $0x1  }
0xa3: {  	[sflag:s23] =	ssyncset.done $0x0  }
0xa4: {  	s25 =	simm.s32 $0x1B8E;
	s24 =	sld [smem:$0x3FFE];
	[sflag:s23] =	ssyncadd.s32 $0xFFFFFFFF  }
0xa5: {  	s26 =	simm.s32 $execute0_lowered;
	[smem:$0x3FD2] =	sst s25  }
0xa6: {  	s5 =	sshll.u32 s26, $0x1;
	_ =	strace $0x80000046;
	[dreg:$0x1] =	wrdreg $0xFFFFFFFF  }
0xa7: {  	s28 =	simm.s32 $_size_execute0_lowered;
	s3 =	sadd.s32 s3, s5;
	[dreg:$0x0] =	wrdreg $0x0  }
0xa8: {  	s5 =	sshll.u32 s28, $0x1;
	[dreg:$0x2] =	wrdreg s3  }
0xa9: {  	[dreg:$0x3] =	wrdreg s5  }
0xaa: {  	[dreg:$0x4] =	wrdreg $0xC0  }
0xab: {  	_ =	task [dreg:s7], $0x5FFFF  }
0xac: {  	[dreg:$0x1] =	wrdreg $0xFFFFFFFF  }
0xad: {  	[dreg:$0x0] =	wrdreg $0x60  }
0xae: {  	[dreg:$0x2] =	wrdreg s24  }
0xaf: {  	[dreg:$0x3] =	wrdreg s2  }
0xb0: {  	[dreg:$0x4] =	wrdreg $0x2B000  }
0xb1: {  	[dreg:$0x5] =	wrdreg $0x9  }
0xb2: {  	_ =	task.clear_ibuf [dreg:s7], $0x6FFFF;
	_ =	strace $0x90000046  }
0xb3: {  	s29 =	simm.s32 $0x9;
	_ =	strace $0x80000048  }
0xb4: {  	_ =	swait.ge [sflag:s29], $0x1  }
0xb5: {  	[sflag:s29] =	ssyncadd.s32 $0xFFFFFFFF  }
0xb6: {  	_ =	strace $0x90000048  }
0xb7: {  	_ =	sfence  }
0xb8: {  	s30 =	sld [smem:$0x0];
	_ =	sdelay $0x2  }
0xb9: {  	s31 =	sshll.u32 s1, $0xD;
	s1 =	sshrl.u32 s1, $0x2  }
0xba: {  	s3 =	sand.u32 $0x4000, s31;
	s1 =	sadd.s32 s1, s30  }
0xbb: {  	s0 =	sor.u32 s3, s0;
	s1 =	sshll.u32 s1, $0x11  }
0xbc: {  	s0 =	sor.u32 s1, s0  }
0xbd: {  	s0 =	sadd.s32 $0x8F2B, s0  }
0xbe: {  	[sflag:s0] =	ssyncadd.remote.s32 $0x1  }
0xbf: {  	_ =	sfence.sel $0xFFFF  }
0xc0: {  	[dreg:$0x0] =	wrdreg $0xFFFFFFFF;
	(pc) =	sbr.abs _section_cstart, $3  }
0xc1: {  	[dreg:$0x1] =	wrdreg $0xFFFFFFFF  }
0xc2: {  	_ =	task.clear_ibuf [dreg:s7], $0x2FFFF;
	_ =	strace $0x9FFFFFFF  }
0xc3: {  	(tm) =	ssettm $0x7FFFFFFF  }
tec
execute0_lowered:
.L_overlay_start_1:
0x0: {  	(tag) =	ssettag $0x1  }
0x1: {  	s4 =	rddreg [dreg:$0x0]  }
0x2: {  	s7 =	rddreg [dreg:$0x1]  }
0x3: {  	s2 =	rddreg [dreg:$0x2];
	s3 =	simm.s32 $0x0  }
0x4: {  	s9 =	simm.s32 $0x2880;
	[smem:$0x7FF] =	sst s3  }
0x5: {  	s10 =	simm.s32 $0x100;
	_ =	strace $0x80000047;
	[dreg:$0x6] =	wrdreg s9  }
0x6: {  	s11 =	simm.s32 $0x180;
	[dreg:$0x7] =	wrdreg s10  }
0x7: {  	s12 =	simm.s32 $0x200;
	[dreg:$0x8] =	wrdreg s11  }
0x8: {  	s13 =	simm.s32 $0x280;
	[dreg:$0x9] =	wrdreg s12  }
0x9: {  	s14 =	simm.s32 $0x300;
	[dreg:$0xa] =	wrdreg s13  }
0xa: {  	s15 =	simm.s32 $0x380;
	[dreg:$0xb] =	wrdreg s14  }
0xb: {  	s16 =	simm.s32 $0x400;
	[dreg:$0xc] =	wrdreg s15  }
0xc: {  	s17 =	simm.s32 $0x480;
	[dreg:$0xd] =	wrdreg s16  }
0xd: {  	s18 =	simm.s32 $0x500;
	[dreg:$0xe] =	wrdreg s17  }
0xe: {  	s19 =	simm.s32 $0x580;
	[dreg:$0xf] =	wrdreg s18  }
0xf: {  	s20 =	simm.s32 $0x600;
	[dreg:$0x10] =	wrdreg s19  }
0x10: {  	s21 =	simm.s32 $0x680;
	[dreg:$0x11] =	wrdreg s20  }
0x11: {  	s22 =	simm.s32 $0x700;
	[dreg:$0x12] =	wrdreg s21  }
0x12: {  	s1 =	srdreg.scid;
	s23 =	simm.s32 $0x780;
	[dreg:$0x13] =	wrdreg s22  }
0x13: {  	s0 =	stileid.u32;
	s24 =	simm.s32 $0x800;
	[dreg:$0x14] =	wrdreg s23  }
0x14: {  	s25 =	simm.s32 $0x880;
	s26 =	simm.s32 $0x900;
	[dreg:$0x15] =	wrdreg s24  }
0x15: {  	v0 =	vimm.f32 $1.000000000e+00;
	s28 =	sand.u32 $0x1, s1;
	s31 =	sshll.u32 s0, $0x1;
	[dreg:$0x16] =	wrdreg s25  }
0x16: {  	v1 =	vimm.f32 $0.0e+00;
	s1 =	sor.u32 s28, s31;
	[tilespmem:$0x2800] =	vst v0;
	[dreg:$0x17] =	wrdreg s26;
	s31 =	simm.s32 $0x980  }
0x17: {  	[tilespmem:$0x2AF0] =	vst v1;
	s9 =	simm.s32 $0xC00;
	[dreg:$0x18] =	wrdreg s31  }
0x18: {  	[tilespmem:$0x2AE0] =	vst v1;
	s10 =	simm.s32 $0xC80;
	[dreg:$0x1d] =	wrdreg s9  }
0x19: {  	[tilespmem:$0x2AD0] =	vst v1;
	s11 =	simm.s32 $0xD00;
	[dreg:$0x1e] =	wrdreg s10  }
0x1a: {  	[tilespmem:$0x2AC0] =	vst v1;
	s12 =	simm.s32 $0xD80;
	[dreg:$0x1f] =	wrdreg s11  }
0x1b: {  	[tilespmem:$0x2AB0] =	vst v1;
	s13 =	simm.s32 $0xE00;
	[smem:$0x7DB] =	sst s12  }
0x1c: {  	[tilespmem:$0x2AA0] =	vst v1;
	s14 =	simm.s32 $0xE80;
	[smem:$0x7DC] =	sst s13  }
0x1d: {  	[tilespmem:$0x2A90] =	vst v1;
	s15 =	simm.s32 $0xF00;
	[smem:$0x7DD] =	sst s14  }
0x1e: {  	[tilespmem:$0x2A80] =	vst v1;
	s16 =	simm.s32 $0xF80;
	[smem:$0x7DE] =	sst s15  }
0x1f: {  	[tilespmem:$0x2A70] =	vst v1;
	s17 =	simm.s32 $0x1000;
	[smem:$0x7DF] =	sst s16  }
0x20: {  	[tilespmem:$0x2A60] =	vst v1;
	s18 =	simm.s32 $0x1080;
	[smem:$0x7E0] =	sst s17  }
0x21: {  	[tilespmem:$0x2A50] =	vst v1;
	s19 =	simm.s32 $0x1100;
	[smem:$0x7E1] =	sst s18  }
0x22: {  	[tilespmem:$0x2A40] =	vst v1;
	s20 =	simm.s32 $0x1180;
	[smem:$0x7E2] =	sst s19  }
0x23: {  	[tilespmem:$0x2A30] =	vst v1;
	s21 =	simm.s32 $0x1200;
	[smem:$0x7E3] =	sst s20  }
0x24: {  	[tilespmem:$0x2A20] =	vst v1;
	s22 =	simm.s32 $0x1280;
	[smem:$0x7E4] =	sst s21  }
0x25: {  	[tilespmem:$0x2A10] =	vst v1;
	s23 =	simm.s32 $0x1300;
	[smem:$0x7E5] =	sst s22  }
0x26: {  	[tilespmem:$0x2A00] =	vst v1;
	s24 =	simm.s32 $0x1380;
	[smem:$0x7E6] =	sst s23  }
0x27: {  	[tilespmem:$0x29F0] =	vst v1;
	s25 =	simm.s32 $0x1400;
	[smem:$0x7E7] =	sst s24  }
0x28: {  	[tilespmem:$0x29E0] =	vst v1;
	s26 =	simm.s32 $0x1480;
	[smem:$0x7E8] =	sst s25  }
0x29: {  	[tilespmem:$0x29D0] =	vst v1;
	[smem:$0x7E9] =	sst s26;
	s31 =	simm.s32 $0x1500  }
0x2a: {  	[tilespmem:$0x29C0] =	vst v1;
	s9 =	simm.s32 $0x1780;
	[smem:$0x7EA] =	sst s31  }
0x2b: {  	[tilespmem:$0x29B0] =	vst v1;
	s10 =	simm.s32 $0x1800;
	[smem:$0x7EF] =	sst s9  }
0x2c: {  	[tilespmem:$0x29A0] =	vst v1;
	s11 =	simm.s32 $0x1880;
	[smem:$0x7F0] =	sst s10  }
0x2d: {  	[tilespmem:$0x2990] =	vst v1;
	s12 =	simm.s32 $0x1900;
	[smem:$0x7F1] =	sst s11  }
0x2e: {  	[tilespmem:$0x2980] =	vst v1;
	s13 =	simm.s32 $0x1980;
	[smem:$0x7F2] =	sst s12  }
0x2f: {  	[tilespmem:$0x2970] =	vst v1;
	s14 =	simm.s32 $0x1A00;
	[smem:$0x7F3] =	sst s13  }
0x30: {  	[tilespmem:$0x2960] =	vst v1;
	s15 =	simm.s32 $0x1A80;
	[smem:$0x7F4] =	sst s14  }
0x31: {  	[tilespmem:$0x2950] =	vst v1;
	s16 =	simm.s32 $0x1B00;
	[smem:$0x7F5] =	sst s15  }
0x32: {  	[tilespmem:$0x2940] =	vst v1;
	s17 =	simm.s32 $0x1B80;
	[smem:$0x7F6] =	sst s16  }
0x33: {  	[tilespmem:$0x2930] =	vst v1;
	s18 =	simm.s32 $0x1C00;
	[smem:$0x7F7] =	sst s17  }
0x34: {  	[tilespmem:$0x2920] =	vst v1;
	s19 =	simm.s32 $0x1C80;
	[smem:$0x7F8] =	sst s18  }
0x35: {  	[tilespmem:$0x2910] =	vst v1;
	s20 =	simm.s32 $0x1D00;
	[smem:$0x7F9] =	sst s19  }
0x36: {  	s5 =	smul.u32 $0x280, s0;
	[tilespmem:$0x2900] =	vst v1;
	s21 =	simm.s32 $0x1D80;
	[smem:$0x7FA] =	sst s20  }
0x37: {  	s8 =	smul.u32 $0x2800, s28;
	[tilespmem:$0x28F0] =	vst v1;
	s22 =	simm.s32 $0x1E00;
	[smem:$0x7FB] =	sst s21  }
0x38: {  	[tilespmem:$0x28E0] =	vst v1;
	s6 =	smul.u32 $0x500, s1;
	s24 =	simm.s32 $0x1E80;
	[smem:$0x7FC] =	sst s22  }
0x39: {  	[tilespmem:$0x28D0] =	vst v1;
	s1 =	sadd.s32 s5, s8;
	[smem:$0x7FD] =	sst s24  }
0x3a: {  	[tilespmem:$0x28C0] =	vst v1;
	s4 =	sadd.s32 s6, s4;
	s6 =	sshrl.u32 s1, $0x3;
	s1 =	simm.s32 $0xA00  }
0x3b: {  	[tilespmem:$0x28B0] =	vst v1;
	s4 =	sadd.s32 $0x1E00, s4;
	[dreg:$0x19] =	wrdreg s1  }
0x3c: {  	[tilespmem:$0x28A0] =	vst v1;
	s8 =	sadd.s32 s7, s6;
	[dreg:$0x4] =	wrdreg s4  }
0x3d: {  	[tilespmem:$0x2890] =	vst v1;
	s6 =	simm.s32 $0xA80;
	[dreg:$0x5] =	wrdreg s8  }
0x3e: {  	[tilespmem:$0x2880] =	vst v1;
	s7 =	simm.s32 $0xB00;
	[dreg:$0x1a] =	wrdreg s6  }
0x3f: {  	[tilespmem:$0x2870] =	vst v0;
	s1 =	simm.s32 $0x1580;
	[dreg:$0x1b] =	wrdreg s7  }
0x40: {  	[tilespmem:$0x2860] =	vst v0;
	s8 =	simm.s32 $0xB80;
	[smem:$0x7EB] =	sst s1  }
0x41: {  	[tilespmem:$0x2850] =	vst v0;
	s6 =	simm.s32 $0x1600;
	[dreg:$0x1c] =	wrdreg s8  }
0x42: {  	[tilespmem:$0x2840] =	vst v0;
	s7 =	simm.s32 $0x1680;
	[smem:$0x7EC] =	sst s6  }
0x43: {  	[tilespmem:$0x2830] =	vst v0;
	[smem:$0x7ED] =	sst s7  }
0x44: {  	[tilespmem:$0x2820] =	vst v0;
	s8 =	simm.s32 $0x1700;
	s23 =	rddreg [dreg:$0x4]  }
0x45: {  	[tilespmem:$0x2810] =	vst v0;
	s4 =	simm.s32 $0x2;
	[smem:$0x7EE] =	sst s8  }
0x46: {  	[tilespmem:s3], [sflag:$0x2] =	stream.linear.gather [hbm4b:s23+s3], $0x2800, $0x38;
	[tilespmem:$0x2D80] =	vst v63  }
0x47: {  	_ =	swait.ge [sflag:s4], $0x2800  }
0x48: {  	[sflag:s4] =	ssyncset.done $0x0  }
0x49: {  	s5 =	sadd.s32 s5, s2;
	s25 =	rddreg [dreg:$0x6];
	[sflag:s4] =	ssyncadd.s32 $0xFFFFD800  }
0x4a: {  	[spmem:s5] =	stream.linear.scatter [tilespmem:s25], [sflag:$0x2], $0x280, $0x38;
	[tilespmem:$0x2D80] =	vst v63  }
0x4b: {  	_ =	swait.ge [sflag:s4], $0x280  }
0x4c: {  	[sflag:s4] =	ssyncset.done $0x0  }
0x4d: {  	[sflag:s4] =	ssyncadd.s32 $0xFFFFFD80  }
0x4e: {  	s6 =	simm.s32 $0x80;
	s7 =	simm.s32 $0x2800;
	[bflag:$0x0] =	sbarrier.arrive $0xFFFF  }
0x4f: {  	[spmem:s2] =	stream.indirect.scatter.add.f32 [tilespmem:s7], [sflag:$0x1], $0x1, s3, s6, $0xb8;
	[tilespmem:$0x2D80] =	vst v63  }
0x50: {  	s26 =	rddreg [dreg:$0x7]  }
0x51: {  	[spmem:s2] =	stream.indirect.scatter.add.f32 [tilespmem:s7], [sflag:$0x1], $0x1, s6, s6, $0xb8;
	[tilespmem:$0x2D80] =	vst v63  }
0x52: {  	s9 =	rddreg [dreg:$0x8]  }
0x53: {  	[spmem:s2] =	stream.indirect.scatter.add.f32 [tilespmem:s7], [sflag:$0x1], $0x1, s26, s6, $0xb8;
	[tilespmem:$0x2D80] =	vst v63  }
0x54: {  	s31 =	rddreg [dreg:$0x9]  }
0x55: {  	[spmem:s2] =	stream.indirect.scatter.add.f32 [tilespmem:s7], [sflag:$0x1], $0x1, s9, s6, $0xb8;
	[tilespmem:$0x2D80] =	vst v63  }
0x56: {  	s1 =	rddreg [dreg:$0xa]  }
0x57: {  	[spmem:s2] =	stream.indirect.scatter.add.f32 [tilespmem:s7], [sflag:$0x1], $0x1, s31, s6, $0xb8;
	[tilespmem:$0x2D80] =	vst v63  }
0x58: {  	s10 =	rddreg [dreg:$0xb]  }
0x59: {  	[spmem:s2] =	stream.indirect.scatter.add.f32 [tilespmem:s7], [sflag:$0x1], $0x1, s1, s6, $0xb8;
	[tilespmem:$0x2D80] =	vst v63  }
0x5a: {  	s11 =	rddreg [dreg:$0xc]  }
0x5b: {  	[spmem:s2] =	stream.indirect.scatter.add.f32 [tilespmem:s7], [sflag:$0x1], $0x1, s10, s6, $0xb8;
	[tilespmem:$0x2D80] =	vst v63  }
0x5c: {  	s12 =	rddreg [dreg:$0xd]  }
0x5d: {  	[spmem:s2] =	stream.indirect.scatter.add.f32 [tilespmem:s7], [sflag:$0x1], $0x1, s11, s6, $0xb8;
	[tilespmem:$0x2D80] =	vst v63  }
0x5e: {  	s13 =	rddreg [dreg:$0xe]  }
0x5f: {  	[spmem:s2] =	stream.indirect.scatter.add.f32 [tilespmem:s7], [sflag:$0x1], $0x1, s12, s6, $0xb8;
	[tilespmem:$0x2D80] =	vst v63  }
0x60: {  	s14 =	rddreg [dreg:$0xf]  }
0x61: {  	[spmem:s2] =	stream.indirect.scatter.add.f32 [tilespmem:s7], [sflag:$0x1], $0x1, s13, s6, $0xb8;
	[tilespmem:$0x2D80] =	vst v63  }
0x62: {  	s15 =	rddreg [dreg:$0x10]  }
0x63: {  	[spmem:s2] =	stream.indirect.scatter.add.f32 [tilespmem:s7], [sflag:$0x1], $0x1, s14, s6, $0xb8;
	[tilespmem:$0x2D80] =	vst v63  }
0x64: {  	s16 =	rddreg [dreg:$0x11]  }
0x65: {  	[spmem:s2] =	stream.indirect.scatter.add.f32 [tilespmem:s7], [sflag:$0x1], $0x1, s15, s6, $0xb8;
	[tilespmem:$0x2D80] =	vst v63  }
0x66: {  	s17 =	rddreg [dreg:$0x12]  }
0x67: {  	[spmem:s2] =	stream.indirect.scatter.add.f32 [tilespmem:s7], [sflag:$0x1], $0x1, s16, s6, $0xb8;
	[tilespmem:$0x2D80] =	vst v63  }
0x68: {  	s18 =	rddreg [dreg:$0x13]  }
0x69: {  	[spmem:s2] =	stream.indirect.scatter.add.f32 [tilespmem:s7], [sflag:$0x1], $0x1, s17, s6, $0xb8;
	[tilespmem:$0x2D80] =	vst v63  }
0x6a: {  	s19 =	rddreg [dreg:$0x14]  }
0x6b: {  	[spmem:s2] =	stream.indirect.scatter.add.f32 [tilespmem:s7], [sflag:$0x1], $0x1, s18, s6, $0xb8;
	[tilespmem:$0x2D80] =	vst v63  }
0x6c: {  	s20 =	rddreg [dreg:$0x15]  }
0x6d: {  	[spmem:s2] =	stream.indirect.scatter.add.f32 [tilespmem:s7], [sflag:$0x1], $0x1, s19, s6, $0xb8;
	[tilespmem:$0x2D80] =	vst v63  }
0x6e: {  	s21 =	rddreg [dreg:$0x16]  }
0x6f: {  	[spmem:s2] =	stream.indirect.scatter.add.f32 [tilespmem:s7], [sflag:$0x1], $0x1, s20, s6, $0xb8;
	[tilespmem:$0x2D80] =	vst v63  }
0x70: {  	s22 =	rddreg [dreg:$0x17]  }
0x71: {  	[spmem:s2] =	stream.indirect.scatter.add.f32 [tilespmem:s7], [sflag:$0x1], $0x1, s21, s6, $0xb8;
	[tilespmem:$0x2D80] =	vst v63  }
0x72: {  	s23 =	rddreg [dreg:$0x18]  }
0x73: {  	[spmem:s2] =	stream.indirect.scatter.add.f32 [tilespmem:s7], [sflag:$0x1], $0x1, s22, s6, $0xb8;
	[tilespmem:$0x2D80] =	vst v63  }
0x74: {  	s24 =	rddreg [dreg:$0x19]  }
0x75: {  	[spmem:s2] =	stream.indirect.scatter.add.f32 [tilespmem:s7], [sflag:$0x1], $0x1, s23, s6, $0xb8;
	[tilespmem:$0x2D80] =	vst v63  }
0x76: {  	s25 =	rddreg [dreg:$0x1a]  }
0x77: {  	[spmem:s2] =	stream.indirect.scatter.add.f32 [tilespmem:s7], [sflag:$0x1], $0x1, s24, s6, $0xb8;
	[tilespmem:$0x2D80] =	vst v63  }
0x78: {  	s26 =	rddreg [dreg:$0x1b]  }
0x79: {  	[spmem:s2] =	stream.indirect.scatter.add.f32 [tilespmem:s7], [sflag:$0x1], $0x1, s25, s6, $0xb8;
	[tilespmem:$0x2D80] =	vst v63  }
0x7a: {  	s31 =	rddreg [dreg:$0x1c]  }
0x7b: {  	[spmem:s2] =	stream.indirect.scatter.add.f32 [tilespmem:s7], [sflag:$0x1], $0x1, s26, s6, $0xb8;
	[tilespmem:$0x2D80] =	vst v63  }
0x7c: {  	s1 =	rddreg [dreg:$0x1d]  }
0x7d: {  	[spmem:s2] =	stream.indirect.scatter.add.f32 [tilespmem:s7], [sflag:$0x1], $0x1, s31, s6, $0xb8;
	[tilespmem:$0x2D80] =	vst v63  }
0x7e: {  	s10 =	rddreg [dreg:$0x1e]  }
0x7f: {  	[spmem:s2] =	stream.indirect.scatter.add.f32 [tilespmem:s7], [sflag:$0x1], $0x1, s1, s6, $0xb8;
	[tilespmem:$0x2D80] =	vst v63  }
0x80: {  	s11 =	rddreg [dreg:$0x1f]  }
0x81: {  	[spmem:s2] =	stream.indirect.scatter.add.f32 [tilespmem:s7], [sflag:$0x1], $0x1, s10, s6, $0xb8;
	[tilespmem:$0x2D80] =	vst v63  }
0x82: {  	s12 =	sld [smem:$0x7DB]  }
0x83: {  	[spmem:s2] =	stream.indirect.scatter.add.f32 [tilespmem:s7], [sflag:$0x1], $0x1, s11, s6, $0xb8;
	[tilespmem:$0x2D80] =	vst v63  }
0x84: {  	s13 =	sld [smem:$0x7DC]  }
0x85: {  	[spmem:s2] =	stream.indirect.scatter.add.f32 [tilespmem:s7], [sflag:$0x1], $0x1, s12, s6, $0xb8;
	[tilespmem:$0x2D80] =	vst v63  }
0x86: {  	s14 =	sld [smem:$0x7DD]  }
0x87: {  	[spmem:s2] =	stream.indirect.scatter.add.f32 [tilespmem:s7], [sflag:$0x1], $0x1, s13, s6, $0xb8;
	[tilespmem:$0x2D80] =	vst v63  }
0x88: {  	s15 =	sld [smem:$0x7DE]  }
0x89: {  	[spmem:s2] =	stream.indirect.scatter.add.f32 [tilespmem:s7], [sflag:$0x1], $0x1, s14, s6, $0xb8;
	[tilespmem:$0x2D80] =	vst v63  }
0x8a: {  	s16 =	sld [smem:$0x7DF]  }
0x8b: {  	[spmem:s2] =	stream.indirect.scatter.add.f32 [tilespmem:s7], [sflag:$0x1], $0x1, s15, s6, $0xb8;
	[tilespmem:$0x2D80] =	vst v63  }
0x8c: {  	s17 =	sld [smem:$0x7E0]  }
0x8d: {  	[spmem:s2] =	stream.indirect.scatter.add.f32 [tilespmem:s7], [sflag:$0x1], $0x1, s16, s6, $0xb8;
	[tilespmem:$0x2D80] =	vst v63  }
0x8e: {  	s18 =	sld [smem:$0x7E1]  }
0x8f: {  	[spmem:s2] =	stream.indirect.scatter.add.f32 [tilespmem:s7], [sflag:$0x1], $0x1, s17, s6, $0xb8;
	[tilespmem:$0x2D80] =	vst v63  }
0x90: {  	s19 =	sld [smem:$0x7E2]  }
0x91: {  	[spmem:s2] =	stream.indirect.scatter.add.f32 [tilespmem:s7], [sflag:$0x1], $0x1, s18, s6, $0xb8;
	[tilespmem:$0x2D80] =	vst v63  }
0x92: {  	s20 =	sld [smem:$0x7E3]  }
0x93: {  	[spmem:s2] =	stream.indirect.scatter.add.f32 [tilespmem:s7], [sflag:$0x1], $0x1, s19, s6, $0xb8;
	[tilespmem:$0x2D80] =	vst v63  }
0x94: {  	s21 =	sld [smem:$0x7E4]  }
0x95: {  	[spmem:s2] =	stream.indirect.scatter.add.f32 [tilespmem:s7], [sflag:$0x1], $0x1, s20, s6, $0xb8;
	[tilespmem:$0x2D80] =	vst v63  }
0x96: {  	s22 =	sld [smem:$0x7E5]  }
0x97: {  	[spmem:s2] =	stream.indirect.scatter.add.f32 [tilespmem:s7], [sflag:$0x1], $0x1, s21, s6, $0xb8;
	[tilespmem:$0x2D80] =	vst v63  }
0x98: {  	s23 =	sld [smem:$0x7E6]  }
0x99: {  	[spmem:s2] =	stream.indirect.scatter.add.f32 [tilespmem:s7], [sflag:$0x1], $0x1, s22, s6, $0xb8;
	[tilespmem:$0x2D80] =	vst v63  }
0x9a: {  	s24 =	sld [smem:$0x7E7]  }
0x9b: {  	[spmem:s2] =	stream.indirect.scatter.add.f32 [tilespmem:s7], [sflag:$0x1], $0x1, s23, s6, $0xb8;
	[tilespmem:$0x2D80] =	vst v63  }
0x9c: {  	s25 =	sld [smem:$0x7E8]  }
0x9d: {  	[spmem:s2] =	stream.indirect.scatter.add.f32 [tilespmem:s7], [sflag:$0x1], $0x1, s24, s6, $0xb8;
	[tilespmem:$0x2D80] =	vst v63  }
0x9e: {  	s26 =	sld [smem:$0x7E9]  }
0x9f: {  	[spmem:s2] =	stream.indirect.scatter.add.f32 [tilespmem:s7], [sflag:$0x1], $0x1, s25, s6, $0xb8;
	[tilespmem:$0x2D80] =	vst v63  }
0xa0: {  	s31 =	sld [smem:$0x7EA]  }
0xa1: {  	[spmem:s2] =	stream.indirect.scatter.add.f32 [tilespmem:s7], [sflag:$0x1], $0x1, s26, s6, $0xb8;
	[tilespmem:$0x2D80] =	vst v63  }
0xa2: {  	s1 =	sld [smem:$0x7EB]  }
0xa3: {  	[spmem:s2] =	stream.indirect.scatter.add.f32 [tilespmem:s7], [sflag:$0x1], $0x1, s31, s6, $0xb8;
	[tilespmem:$0x2D80] =	vst v63  }
0xa4: {  	s10 =	sld [smem:$0x7EC]  }
0xa5: {  	[spmem:s2] =	stream.indirect.scatter.add.f32 [tilespmem:s7], [sflag:$0x1], $0x1, s1, s6, $0xb8;
	[tilespmem:$0x2D80] =	vst v63  }
0xa6: {  	s11 =	sld [smem:$0x7ED]  }
0xa7: {  	[spmem:s2] =	stream.indirect.scatter.add.f32 [tilespmem:s7], [sflag:$0x1], $0x1, s10, s6, $0xb8;
	[tilespmem:$0x2D80] =	vst v63  }
0xa8: {  	s12 =	sld [smem:$0x7EE]  }
0xa9: {  	[spmem:s2] =	stream.indirect.scatter.add.f32 [tilespmem:s7], [sflag:$0x1], $0x1, s11, s6, $0xb8;
	[tilespmem:$0x2D80] =	vst v63  }
0xaa: {  	s13 =	sld [smem:$0x7EF]  }
0xab: {  	[spmem:s2] =	stream.indirect.scatter.add.f32 [tilespmem:s7], [sflag:$0x1], $0x1, s12, s6, $0xb8;
	[tilespmem:$0x2D80] =	vst v63  }
0xac: {  	s14 =	sld [smem:$0x7F0]  }
0xad: {  	[spmem:s2] =	stream.indirect.scatter.add.f32 [tilespmem:s7], [sflag:$0x1], $0x1, s13, s6, $0xb8;
	[tilespmem:$0x2D80] =	vst v63  }
0xae: {  	s15 =	sld [smem:$0x7F1]  }
0xaf: {  	[spmem:s2] =	stream.indirect.scatter.add.f32 [tilespmem:s7], [sflag:$0x1], $0x1, s14, s6, $0xb8;
	[tilespmem:$0x2D80] =	vst v63  }
0xb0: {  	s16 =	sld [smem:$0x7F2]  }
0xb1: {  	[spmem:s2] =	stream.indirect.scatter.add.f32 [tilespmem:s7], [sflag:$0x1], $0x1, s15, s6, $0xb8;
	[tilespmem:$0x2D80] =	vst v63  }
0xb2: {  	s17 =	sld [smem:$0x7F3]  }
0xb3: {  	[spmem:s2] =	stream.indirect.scatter.add.f32 [tilespmem:s7], [sflag:$0x1], $0x1, s16, s6, $0xb8;
	[tilespmem:$0x2D80] =	vst v63  }
0xb4: {  	s18 =	sld [smem:$0x7F4]  }
0xb5: {  	[spmem:s2] =	stream.indirect.scatter.add.f32 [tilespmem:s7], [sflag:$0x1], $0x1, s17, s6, $0xb8;
	[tilespmem:$0x2D80] =	vst v63  }
0xb6: {  	s19 =	sld [smem:$0x7F5]  }
0xb7: {  	[spmem:s2] =	stream.indirect.scatter.add.f32 [tilespmem:s7], [sflag:$0x1], $0x1, s18, s6, $0xb8;
	[tilespmem:$0x2D80] =	vst v63  }
0xb8: {  	s20 =	sld [smem:$0x7F6]  }
0xb9: {  	[spmem:s2] =	stream.indirect.scatter.add.f32 [tilespmem:s7], [sflag:$0x1], $0x1, s19, s6, $0xb8;
	[tilespmem:$0x2D80] =	vst v63  }
0xba: {  	s21 =	sld [smem:$0x7F7]  }
0xbb: {  	[spmem:s2] =	stream.indirect.scatter.add.f32 [tilespmem:s7], [sflag:$0x1], $0x1, s20, s6, $0xb8;
	[tilespmem:$0x2D80] =	vst v63  }
0xbc: {  	s22 =	sld [smem:$0x7F8]  }
0xbd: {  	[spmem:s2] =	stream.indirect.scatter.add.f32 [tilespmem:s7], [sflag:$0x1], $0x1, s21, s6, $0xb8;
	[tilespmem:$0x2D80] =	vst v63  }
0xbe: {  	s23 =	sld [smem:$0x7F9]  }
0xbf: {  	[spmem:s2] =	stream.indirect.scatter.add.f32 [tilespmem:s7], [sflag:$0x1], $0x1, s22, s6, $0xb8;
	[tilespmem:$0x2D80] =	vst v63  }
0xc0: {  	s24 =	sld [smem:$0x7FA]  }
0xc1: {  	[spmem:s2] =	stream.indirect.scatter.add.f32 [tilespmem:s7], [sflag:$0x1], $0x1, s23, s6, $0xb8;
	[tilespmem:$0x2D80] =	vst v63  }
0xc2: {  	s25 =	sld [smem:$0x7FB]  }
0xc3: {  	[spmem:s2] =	stream.indirect.scatter.add.f32 [tilespmem:s7], [sflag:$0x1], $0x1, s24, s6, $0xb8;
	[tilespmem:$0x2D80] =	vst v63  }
0xc4: {  	s26 =	sld [smem:$0x7FC]  }
0xc5: {  	[spmem:s2] =	stream.indirect.scatter.add.f32 [tilespmem:s7], [sflag:$0x1], $0x1, s25, s6, $0xb8;
	[tilespmem:$0x2D80] =	vst v63  }
0xc6: {  	s31 =	sld [smem:$0x7FD]  }
0xc7: {  	[spmem:s2] =	stream.indirect.scatter.add.f32 [tilespmem:s7], [sflag:$0x1], $0x1, s26, s6, $0xb8;
	[tilespmem:$0x2D80] =	vst v63  }
0xc8: {  	_ = 	snop  }
0xc9: {  	[spmem:s2] =	stream.indirect.scatter.add.f32 [tilespmem:s7], [sflag:$0x1], $0x1, s31, s6, $0xb8;
	[tilespmem:$0x2D80] =	vst v63  }
0xca: {  	s8 =	simm.s32 $0x1F00  }
0xcb: {  	[spmem:s2] =	stream.indirect.scatter.add.f32 [tilespmem:s7], [sflag:$0x1], $0x1, s8, s6, $0xb8;
	[tilespmem:$0x2D80] =	vst v63  }
0xcc: {  	s9 =	simm.s32 $0x1F80  }
0xcd: {  	[spmem:s2] =	stream.indirect.scatter.add.f32 [tilespmem:s7], [sflag:$0x1], $0x1, s9, s6, $0xb8;
	[tilespmem:$0x2D80] =	vst v63  }
0xce: {  	s10 =	simm.s32 $0x2000  }
0xcf: {  	[spmem:s2] =	stream.indirect.scatter.add.f32 [tilespmem:s7], [sflag:$0x1], $0x1, s10, s6, $0xb8;
	[tilespmem:$0x2D80] =	vst v63  }
0xd0: {  	s11 =	simm.s32 $0x2080  }
0xd1: {  	[spmem:s2] =	stream.indirect.scatter.add.f32 [tilespmem:s7], [sflag:$0x1], $0x1, s11, s6, $0xb8;
	[tilespmem:$0x2D80] =	vst v63  }
0xd2: {  	s12 =	simm.s32 $0x2100  }
0xd3: {  	[spmem:s2] =	stream.indirect.scatter.add.f32 [tilespmem:s7], [sflag:$0x1], $0x1, s12, s6, $0xb8;
	[tilespmem:$0x2D80] =	vst v63  }
0xd4: {  	s13 =	simm.s32 $0x2180  }
0xd5: {  	[spmem:s2] =	stream.indirect.scatter.add.f32 [tilespmem:s7], [sflag:$0x1], $0x1, s13, s6, $0xb8;
	[tilespmem:$0x2D80] =	vst v63  }
0xd6: {  	s14 =	simm.s32 $0x2200  }
0xd7: {  	[spmem:s2] =	stream.indirect.scatter.add.f32 [tilespmem:s7], [sflag:$0x1], $0x1, s14, s6, $0xb8;
	[tilespmem:$0x2D80] =	vst v63  }
0xd8: {  	s15 =	simm.s32 $0x2280  }
0xd9: {  	[spmem:s2] =	stream.indirect.scatter.add.f32 [tilespmem:s7], [sflag:$0x1], $0x1, s15, s6, $0xb8;
	[tilespmem:$0x2D80] =	vst v63  }
0xda: {  	s16 =	simm.s32 $0x2300  }
0xdb: {  	[spmem:s2] =	stream.indirect.scatter.add.f32 [tilespmem:s7], [sflag:$0x1], $0x1, s16, s6, $0xb8;
	[tilespmem:$0x2D80] =	vst v63  }
0xdc: {  	s17 =	simm.s32 $0x2380  }
0xdd: {  	[spmem:s2] =	stream.indirect.scatter.add.f32 [tilespmem:s7], [sflag:$0x1], $0x1, s17, s6, $0xb8;
	[tilespmem:$0x2D80] =	vst v63  }
0xde: {  	s18 =	simm.s32 $0x2400  }
0xdf: {  	[spmem:s2] =	stream.indirect.scatter.add.f32 [tilespmem:s7], [sflag:$0x1], $0x1, s18, s6, $0xb8;
	[tilespmem:$0x2D80] =	vst v63  }
0xe0: {  	s19 =	simm.s32 $0x2480  }
0xe1: {  	[spmem:s2] =	stream.indirect.scatter.add.f32 [tilespmem:s7], [sflag:$0x1], $0x1, s19, s6, $0xb8;
	[tilespmem:$0x2D80] =	vst v63  }
0xe2: {  	s20 =	simm.s32 $0x2500  }
0xe3: {  	[spmem:s2] =	stream.indirect.scatter.add.f32 [tilespmem:s7], [sflag:$0x1], $0x1, s20, s6, $0xb8;
	[tilespmem:$0x2D80] =	vst v63  }
0xe4: {  	s21 =	simm.s32 $0x2580  }
0xe5: {  	[spmem:s2] =	stream.indirect.scatter.add.f32 [tilespmem:s7], [sflag:$0x1], $0x1, s21, s6, $0xb8;
	[tilespmem:$0x2D80] =	vst v63  }
0xe6: {  	s22 =	simm.s32 $0x2600  }
0xe7: {  	[spmem:s2] =	stream.indirect.scatter.add.f32 [tilespmem:s7], [sflag:$0x1], $0x1, s22, s6, $0xb8;
	[tilespmem:$0x2D80] =	vst v63  }
0xe8: {  	s23 =	simm.s32 $0x2680  }
0xe9: {  	[spmem:s2] =	stream.indirect.scatter.add.f32 [tilespmem:s7], [sflag:$0x1], $0x1, s23, s6, $0xb8;
	[tilespmem:$0x2D80] =	vst v63  }
0xea: {  	s24 =	simm.s32 $0x2700  }
0xeb: {  	[spmem:s2] =	stream.indirect.scatter.add.f32 [tilespmem:s7], [sflag:$0x1], $0x1, s24, s6, $0xb8;
	[tilespmem:$0x2D80] =	vst v63  }
0xec: {  	s25 =	simm.s32 $0x2780;
	s26 =	simm.s32 $0x1  }
0xed: {  	[spmem:s2] =	stream.indirect.scatter.add.f32 [tilespmem:s7], [sflag:$0x1], $0x1, s25, s6, $0xb8;
	[tilespmem:$0x2D80] =	vst v63  }
0xee: {  	_ =	swait.ge [sflag:s26], $0x80  }
0xef: {  	[sflag:s26] =	ssyncset.done $0x0  }
0xf0: {  	[sflag:s26] =	ssyncadd.s32 $0xFFFFFF80  }
0xf1: {  	_ =	swait.ge [sflag:s26], $0x80  }
0xf2: {  	[sflag:s26] =	ssyncset.done $0x0  }
0xf3: {  	[sflag:s26] =	ssyncadd.s32 $0xFFFFFF80  }
0xf4: {  	_ =	swait.ge [sflag:s26], $0x80  }
0xf5: {  	[sflag:s26] =	ssyncset.done $0x0  }
0xf6: {  	[sflag:s26] =	ssyncadd.s32 $0xFFFFFF80  }
0xf7: {  	_ =	swait.ge [sflag:s26], $0x80  }
0xf8: {  	[sflag:s26] =	ssyncset.done $0x0  }
0xf9: {  	[sflag:s26] =	ssyncadd.s32 $0xFFFFFF80  }
0xfa: {  	_ =	swait.ge [sflag:s26], $0x80  }
0xfb: {  	[sflag:s26] =	ssyncset.done $0x0  }
0xfc: {  	[sflag:s26] =	ssyncadd.s32 $0xFFFFFF80  }
0xfd: {  	_ =	swait.ge [sflag:s26], $0x80  }
0xfe: {  	[sflag:s26] =	ssyncset.done $0x0  }
0xff: {  	[sflag:s26] =	ssyncadd.s32 $0xFFFFFF80  }
0x100: {  	_ =	swait.ge [sflag:s26], $0x80  }
0x101: {  	[sflag:s26] =	ssyncset.done $0x0  }
0x102: {  	[sflag:s26] =	ssyncadd.s32 $0xFFFFFF80  }
0x103: {  	_ =	swait.ge [sflag:s26], $0x80  }
0x104: {  	[sflag:s26] =	ssyncset.done $0x0  }
0x105: {  	[sflag:s26] =	ssyncadd.s32 $0xFFFFFF80  }
0x106: {  	_ =	swait.ge [sflag:s26], $0x80  }
0x107: {  	[sflag:s26] =	ssyncset.done $0x0  }
0x108: {  	[sflag:s26] =	ssyncadd.s32 $0xFFFFFF80  }
0x109: {  	_ =	swait.ge [sflag:s26], $0x80  }
0x10a: {  	[sflag:s26] =	ssyncset.done $0x0  }
0x10b: {  	[sflag:s26] =	ssyncadd.s32 $0xFFFFFF80  }
0x10c: {  	_ =	swait.ge [sflag:s26], $0x80  }
0x10d: {  	[sflag:s26] =	ssyncset.done $0x0  }
0x10e: {  	[sflag:s26] =	ssyncadd.s32 $0xFFFFFF80  }
0x10f: {  	_ =	swait.ge [sflag:s26], $0x80  }
0x110: {  	[sflag:s26] =	ssyncset.done $0x0  }
0x111: {  	[sflag:s26] =	ssyncadd.s32 $0xFFFFFF80  }
0x112: {  	_ =	swait.ge [sflag:s26], $0x80  }
0x113: {  	[sflag:s26] =	ssyncset.done $0x0  }
0x114: {  	[sflag:s26] =	ssyncadd.s32 $0xFFFFFF80  }
0x115: {  	_ =	swait.ge [sflag:s26], $0x80  }
0x116: {  	[sflag:s26] =	ssyncset.done $0x0  }
0x117: {  	[sflag:s26] =	ssyncadd.s32 $0xFFFFFF80  }
0x118: {  	_ =	swait.ge [sflag:s26], $0x80  }
0x119: {  	[sflag:s26] =	ssyncset.done $0x0  }
0x11a: {  	[sflag:s26] =	ssyncadd.s32 $0xFFFFFF80  }
0x11b: {  	_ =	swait.ge [sflag:s26], $0x80  }
0x11c: {  	[sflag:s26] =	ssyncset.done $0x0  }
0x11d: {  	[sflag:s26] =	ssyncadd.s32 $0xFFFFFF80  }
0x11e: {  	_ =	swait.ge [sflag:s26], $0x80  }
0x11f: {  	[sflag:s26] =	ssyncset.done $0x0  }
0x120: {  	[sflag:s26] =	ssyncadd.s32 $0xFFFFFF80  }
0x121: {  	_ =	swait.ge [sflag:s26], $0x80  }
0x122: {  	[sflag:s26] =	ssyncset.done $0x0  }
0x123: {  	[sflag:s26] =	ssyncadd.s32 $0xFFFFFF80  }
0x124: {  	_ =	swait.ge [sflag:s26], $0x80  }
0x125: {  	[sflag:s26] =	ssyncset.done $0x0  }
0x126: {  	[sflag:s26] =	ssyncadd.s32 $0xFFFFFF80  }
0x127: {  	_ =	swait.ge [sflag:s26], $0x80  }
0x128: {  	[sflag:s26] =	ssyncset.done $0x0  }
0x129: {  	[sflag:s26] =	ssyncadd.s32 $0xFFFFFF80  }
0x12a: {  	_ =	swait.ge [sflag:s26], $0x80  }
0x12b: {  	[sflag:s26] =	ssyncset.done $0x0  }
0x12c: {  	[sflag:s26] =	ssyncadd.s32 $0xFFFFFF80  }
0x12d: {  	_ =	swait.ge [sflag:s26], $0x80  }
0x12e: {  	[sflag:s26] =	ssyncset.done $0x0  }
0x12f: {  	[sflag:s26] =	ssyncadd.s32 $0xFFFFFF80  }
0x130: {  	_ =	swait.ge [sflag:s26], $0x80  }
0x131: {  	[sflag:s26] =	ssyncset.done $0x0  }
0x132: {  	[sflag:s26] =	ssyncadd.s32 $0xFFFFFF80  }
0x133: {  	_ =	swait.ge [sflag:s26], $0x80  }
0x134: {  	[sflag:s26] =	ssyncset.done $0x0  }
0x135: {  	[sflag:s26] =	ssyncadd.s32 $0xFFFFFF80  }
0x136: {  	_ =	swait.ge [sflag:s26], $0x80  }
0x137: {  	[sflag:s26] =	ssyncset.done $0x0  }
0x138: {  	[sflag:s26] =	ssyncadd.s32 $0xFFFFFF80  }
0x139: {  	_ =	swait.ge [sflag:s26], $0x80  }
0x13a: {  	[sflag:s26] =	ssyncset.done $0x0  }
0x13b: {  	[sflag:s26] =	ssyncadd.s32 $0xFFFFFF80  }
0x13c: {  	_ =	swait.ge [sflag:s26], $0x80  }
0x13d: {  	[sflag:s26] =	ssyncset.done $0x0  }
0x13e: {  	[sflag:s26] =	ssyncadd.s32 $0xFFFFFF80  }
0x13f: {  	_ =	swait.ge [sflag:s26], $0x80  }
0x140: {  	[sflag:s26] =	ssyncset.done $0x0  }
0x141: {  	[sflag:s26] =	ssyncadd.s32 $0xFFFFFF80  }
0x142: {  	_ =	swait.ge [sflag:s26], $0x80  }
0x143: {  	[sflag:s26] =	ssyncset.done $0x0  }
0x144: {  	[sflag:s26] =	ssyncadd.s32 $0xFFFFFF80  }
0x145: {  	_ =	swait.ge [sflag:s26], $0x80  }
0x146: {  	[sflag:s26] =	ssyncset.done $0x0  }
0x147: {  	[sflag:s26] =	ssyncadd.s32 $0xFFFFFF80  }
0x148: {  	_ =	swait.ge [sflag:s26], $0x80  }
0x149: {  	[sflag:s26] =	ssyncset.done $0x0  }
0x14a: {  	[sflag:s26] =	ssyncadd.s32 $0xFFFFFF80  }
0x14b: {  	_ =	swait.ge [sflag:s26], $0x80  }
0x14c: {  	[sflag:s26] =	ssyncset.done $0x0  }
0x14d: {  	[sflag:s26] =	ssyncadd.s32 $0xFFFFFF80  }
0x14e: {  	_ =	swait.ge [sflag:s26], $0x80  }
0x14f: {  	[sflag:s26] =	ssyncset.done $0x0  }
0x150: {  	[sflag:s26] =	ssyncadd.s32 $0xFFFFFF80  }
0x151: {  	_ =	swait.ge [sflag:s26], $0x80  }
0x152: {  	[sflag:s26] =	ssyncset.done $0x0  }
0x153: {  	[sflag:s26] =	ssyncadd.s32 $0xFFFFFF80  }
0x154: {  	_ =	swait.ge [sflag:s26], $0x80  }
0x155: {  	[sflag:s26] =	ssyncset.done $0x0  }
0x156: {  	[sflag:s26] =	ssyncadd.s32 $0xFFFFFF80  }
0x157: {  	_ =	swait.ge [sflag:s26], $0x80  }
0x158: {  	[sflag:s26] =	ssyncset.done $0x0  }
0x159: {  	[sflag:s26] =	ssyncadd.s32 $0xFFFFFF80  }
0x15a: {  	_ =	swait.ge [sflag:s26], $0x80  }
0x15b: {  	[sflag:s26] =	ssyncset.done $0x0  }
0x15c: {  	[sflag:s26] =	ssyncadd.s32 $0xFFFFFF80  }
0x15d: {  	_ =	swait.ge [sflag:s26], $0x80  }
0x15e: {  	[sflag:s26] =	ssyncset.done $0x0  }
0x15f: {  	[sflag:s26] =	ssyncadd.s32 $0xFFFFFF80  }
0x160: {  	_ =	swait.ge [sflag:s26], $0x80  }
0x161: {  	[sflag:s26] =	ssyncset.done $0x0  }
0x162: {  	[sflag:s26] =	ssyncadd.s32 $0xFFFFFF80  }
0x163: {  	_ =	swait.ge [sflag:s26], $0x80  }
0x164: {  	[sflag:s26] =	ssyncset.done $0x0  }
0x165: {  	[sflag:s26] =	ssyncadd.s32 $0xFFFFFF80  }
0x166: {  	_ =	swait.ge [sflag:s26], $0x80  }
0x167: {  	[sflag:s26] =	ssyncset.done $0x0  }
0x168: {  	[sflag:s26] =	ssyncadd.s32 $0xFFFFFF80  }
0x169: {  	_ =	swait.ge [sflag:s26], $0x80  }
0x16a: {  	[sflag:s26] =	ssyncset.done $0x0  }
0x16b: {  	[sflag:s26] =	ssyncadd.s32 $0xFFFFFF80  }
0x16c: {  	_ =	swait.ge [sflag:s26], $0x80  }
0x16d: {  	[sflag:s26] =	ssyncset.done $0x0  }
0x16e: {  	[sflag:s26] =	ssyncadd.s32 $0xFFFFFF80  }
0x16f: {  	_ =	swait.ge [sflag:s26], $0x80  }
0x170: {  	[sflag:s26] =	ssyncset.done $0x0  }
0x171: {  	[sflag:s26] =	ssyncadd.s32 $0xFFFFFF80  }
0x172: {  	_ =	swait.ge [sflag:s26], $0x80  }
0x173: {  	[sflag:s26] =	ssyncset.done $0x0  }
0x174: {  	[sflag:s26] =	ssyncadd.s32 $0xFFFFFF80  }
0x175: {  	_ =	swait.ge [sflag:s26], $0x80  }
0x176: {  	[sflag:s26] =	ssyncset.done $0x0  }
0x177: {  	[sflag:s26] =	ssyncadd.s32 $0xFFFFFF80  }
0x178: {  	_ =	swait.ge [sflag:s26], $0x80  }
0x179: {  	[sflag:s26] =	ssyncset.done $0x0  }
0x17a: {  	[sflag:s26] =	ssyncadd.s32 $0xFFFFFF80  }
0x17b: {  	_ =	swait.ge [sflag:s26], $0x80  }
0x17c: {  	[sflag:s26] =	ssyncset.done $0x0  }
0x17d: {  	[sflag:s26] =	ssyncadd.s32 $0xFFFFFF80  }
0x17e: {  	_ =	swait.ge [sflag:s26], $0x80  }
0x17f: {  	[sflag:s26] =	ssyncset.done $0x0  }
0x180: {  	[sflag:s26] =	ssyncadd.s32 $0xFFFFFF80  }
0x181: {  	_ =	swait.ge [sflag:s26], $0x80  }
0x182: {  	[sflag:s26] =	ssyncset.done $0x0  }
0x183: {  	[sflag:s26] =	ssyncadd.s32 $0xFFFFFF80  }
0x184: {  	_ =	swait.ge [sflag:s26], $0x80  }
0x185: {  	[sflag:s26] =	ssyncset.done $0x0  }
0x186: {  	[sflag:s26] =	ssyncadd.s32 $0xFFFFFF80  }
0x187: {  	_ =	swait.ge [sflag:s26], $0x80  }
0x188: {  	[sflag:s26] =	ssyncset.done $0x0  }
0x189: {  	[sflag:s26] =	ssyncadd.s32 $0xFFFFFF80  }
0x18a: {  	_ =	swait.ge [sflag:s26], $0x80  }
0x18b: {  	[sflag:s26] =	ssyncset.done $0x0  }
0x18c: {  	[sflag:s26] =	ssyncadd.s32 $0xFFFFFF80  }
0x18d: {  	_ =	swait.ge [sflag:s26], $0x80  }
0x18e: {  	[sflag:s26] =	ssyncset.done $0x0  }
0x18f: {  	[sflag:s26] =	ssyncadd.s32 $0xFFFFFF80  }
0x190: {  	_ =	swait.ge [sflag:s26], $0x80  }
0x191: {  	[sflag:s26] =	ssyncset.done $0x0  }
0x192: {  	[sflag:s26] =	ssyncadd.s32 $0xFFFFFF80  }
0x193: {  	_ =	swait.ge [sflag:s26], $0x80  }
0x194: {  	[sflag:s26] =	ssyncset.done $0x0  }
0x195: {  	[sflag:s26] =	ssyncadd.s32 $0xFFFFFF80  }
0x196: {  	_ =	swait.ge [sflag:s26], $0x80  }
0x197: {  	[sflag:s26] =	ssyncset.done $0x0  }
0x198: {  	[sflag:s26] =	ssyncadd.s32 $0xFFFFFF80  }
0x199: {  	_ =	swait.ge [sflag:s26], $0x80  }
0x19a: {  	[sflag:s26] =	ssyncset.done $0x0  }
0x19b: {  	[sflag:s26] =	ssyncadd.s32 $0xFFFFFF80  }
0x19c: {  	_ =	swait.ge [sflag:s26], $0x80  }
0x19d: {  	[sflag:s26] =	ssyncset.done $0x0  }
0x19e: {  	[sflag:s26] =	ssyncadd.s32 $0xFFFFFF80  }
0x19f: {  	_ =	swait.ge [sflag:s26], $0x80  }
0x1a0: {  	[sflag:s26] =	ssyncset.done $0x0  }
0x1a1: {  	[sflag:s26] =	ssyncadd.s32 $0xFFFFFF80  }
0x1a2: {  	_ =	swait.ge [sflag:s26], $0x80  }
0x1a3: {  	[sflag:s26] =	ssyncset.done $0x0  }
0x1a4: {  	[sflag:s26] =	ssyncadd.s32 $0xFFFFFF80  }
0x1a5: {  	_ =	swait.ge [sflag:s26], $0x80  }
0x1a6: {  	[sflag:s26] =	ssyncset.done $0x0  }
0x1a7: {  	[sflag:s26] =	ssyncadd.s32 $0xFFFFFF80  }
0x1a8: {  	_ =	swait.ge [sflag:s26], $0x80  }
0x1a9: {  	[sflag:s26] =	ssyncset.done $0x0  }
0x1aa: {  	[sflag:s26] =	ssyncadd.s32 $0xFFFFFF80  }
0x1ab: {  	_ =	swait.ge [sflag:s26], $0x80  }
0x1ac: {  	[sflag:s26] =	ssyncset.done $0x0  }
0x1ad: {  	[sflag:s26] =	ssyncadd.s32 $0xFFFFFF80  }
0x1ae: {  	_ =	swait.ge [sflag:s26], $0x80  }
0x1af: {  	[sflag:s26] =	ssyncset.done $0x0  }
0x1b0: {  	[sflag:s26] =	ssyncadd.s32 $0xFFFFFF80  }
0x1b1: {  	_ =	swait.ge [sflag:s26], $0x80  }
0x1b2: {  	[sflag:s26] =	ssyncset.done $0x0  }
0x1b3: {  	[sflag:s26] =	ssyncadd.s32 $0xFFFFFF80  }
0x1b4: {  	_ =	swait.ge [sflag:s26], $0x80  }
0x1b5: {  	[sflag:s26] =	ssyncset.done $0x0  }
0x1b6: {  	[sflag:s26] =	ssyncadd.s32 $0xFFFFFF80  }
0x1b7: {  	_ =	swait.ge [sflag:s26], $0x80  }
0x1b8: {  	[sflag:s26] =	ssyncset.done $0x0  }
0x1b9: {  	[sflag:s26] =	ssyncadd.s32 $0xFFFFFF80  }
0x1ba: {  	_ =	swait.ge [sflag:s26], $0x80  }
0x1bb: {  	[sflag:s26] =	ssyncset.done $0x0  }
0x1bc: {  	[sflag:s26] =	ssyncadd.s32 $0xFFFFFF80  }
0x1bd: {  	_ =	swait.ge [sflag:s26], $0x80  }
0x1be: {  	[sflag:s26] =	ssyncset.done $0x0  }
0x1bf: {  	[sflag:s26] =	ssyncadd.s32 $0xFFFFFF80  }
0x1c0: {  	_ =	swait.ge [sflag:s26], $0x80  }
0x1c1: {  	[sflag:s26] =	ssyncset.done $0x0  }
0x1c2: {  	[sflag:s26] =	ssyncadd.s32 $0xFFFFFF80  }
0x1c3: {  	_ =	swait.ge [sflag:s26], $0x80  }
0x1c4: {  	[sflag:s26] =	ssyncset.done $0x0  }
0x1c5: {  	[sflag:s26] =	ssyncadd.s32 $0xFFFFFF80  }
0x1c6: {  	_ =	swait.ge [sflag:s26], $0x80  }
0x1c7: {  	[sflag:s26] =	ssyncset.done $0x0  }
0x1c8: {  	[sflag:s26] =	ssyncadd.s32 $0xFFFFFF80  }
0x1c9: {  	_ =	swait.ge [sflag:s26], $0x80  }
0x1ca: {  	[sflag:s26] =	ssyncset.done $0x0  }
0x1cb: {  	[sflag:s26] =	ssyncadd.s32 $0xFFFFFF80  }
0x1cc: {  	_ =	swait.ge [sflag:s26], $0x80  }
0x1cd: {  	[sflag:s26] =	ssyncset.done $0x0  }
0x1ce: {  	[sflag:s26] =	ssyncadd.s32 $0xFFFFFF80  }
0x1cf: {  	_ =	swait.ge [sflag:s26], $0x80  }
0x1d0: {  	[sflag:s26] =	ssyncset.done $0x0  }
0x1d1: {  	[sflag:s26] =	ssyncadd.s32 $0xFFFFFF80  }
0x1d2: {  	_ =	swait.ge [sflag:s26], $0x80  }
0x1d3: {  	[sflag:s26] =	ssyncset.done $0x0  }
0x1d4: {  	[sflag:s26] =	ssyncadd.s32 $0xFFFFFF80  }
0x1d5: {  	_ =	swait.ge [sflag:s26], $0x80  }
0x1d6: {  	[sflag:s26] =	ssyncset.done $0x0  }
0x1d7: {  	[sflag:s26] =	ssyncadd.s32 $0xFFFFFF80  }
0x1d8: {  	_ =	swait.ge [sflag:s26], $0x80  }
0x1d9: {  	s28 =	ssub.s32 $0x2, s28;
	[sflag:s26] =	ssyncset.done $0x0  }
0x1da: {  	s29 =	sshrl.u32 s28, $0x1;
	[sflag:s26] =	ssyncadd.s32 $0xFFFFFF80  }
0x1db: {  	s1 =	ssub.s32 s28, s29;
	_ =	swait.ge [sflag:s26], $0x80  }
0x1dc: {  	s1 =	smax.u32 s1, $0x1;
	[sflag:s26] =	ssyncset.done $0x0  }
0x1dd: {  	p0 =	sne.s32 s1, $0x1;
	[sflag:s26] =	ssyncadd.s32 $0xFFFFFF80  }
.Ltmp0:
0x1de: {  	s31 =	sshll.u32 s0, $0x6;
	[bflag:$0x0] =	sbarrier.arrive $0xFFFF;
	(pc) =	sbr.rel @!p0 .LBB2_2-.Ltmp0, $4  }
0x1df: {  	s29 =	sshrl.u32 s5, $0x3;
	s28 =	sor.u32 $0x1C02, s31;
	s30 =	rddreg [dreg:$0x5]  }
0x1e0: {  	[hbm:s30], [sflag:s28] =	dma.local [spmem:s29], $0x50  }
0x1e1: {  	_ =	swait.ge [sflag:s4], $0x50  }
0x1e2: {  	s30 =	sadd.s32 $0xFFFFFFFF, s1;
	[sflag:s4] =	ssyncset.done $0x0  }
.LBB2_1:
0x1e3: {  	[sflag:s4] =	ssyncadd.s32 $0xFFFFFFB0  }
0x1e4: {  	[tilespmem:$0x2800] =	vst v0  }
0x1e5: {  	[tilespmem:$0x2AF0] =	vst v1  }
0x1e6: {  	[tilespmem:$0x2AE0] =	vst v1  }
0x1e7: {  	[tilespmem:$0x2AD0] =	vst v1  }
0x1e8: {  	[tilespmem:$0x2AC0] =	vst v1  }
0x1e9: {  	[tilespmem:$0x2AB0] =	vst v1  }
0x1ea: {  	[tilespmem:$0x2AA0] =	vst v1  }
0x1eb: {  	[tilespmem:$0x2A90] =	vst v1  }
0x1ec: {  	[tilespmem:$0x2A80] =	vst v1  }
0x1ed: {  	[tilespmem:$0x2A70] =	vst v1  }
0x1ee: {  	[tilespmem:$0x2A60] =	vst v1  }
0x1ef: {  	[tilespmem:$0x2A50] =	vst v1  }
0x1f0: {  	[tilespmem:$0x2A40] =	vst v1  }
0x1f1: {  	[tilespmem:$0x2A30] =	vst v1  }
0x1f2: {  	[tilespmem:$0x2A20] =	vst v1  }
0x1f3: {  	[tilespmem:$0x2A10] =	vst v1  }
0x1f4: {  	[tilespmem:$0x2A00] =	vst v1  }
0x1f5: {  	[tilespmem:$0x29F0] =	vst v1  }
0x1f6: {  	[tilespmem:$0x29E0] =	vst v1  }
0x1f7: {  	[tilespmem:$0x29D0] =	vst v1  }
0x1f8: {  	[tilespmem:$0x29C0] =	vst v1  }
0x1f9: {  	[tilespmem:$0x29B0] =	vst v1  }
0x1fa: {  	[tilespmem:$0x29A0] =	vst v1  }
0x1fb: {  	[tilespmem:$0x2990] =	vst v1  }
0x1fc: {  	[tilespmem:$0x2980] =	vst v1  }
0x1fd: {  	[tilespmem:$0x2970] =	vst v1  }
0x1fe: {  	[tilespmem:$0x2960] =	vst v1  }
0x1ff: {  	[tilespmem:$0x2950] =	vst v1  }
0x200: {  	[tilespmem:$0x2940] =	vst v1  }
0x201: {  	[tilespmem:$0x2930] =	vst v1  }
0x202: {  	[tilespmem:$0x2920] =	vst v1  }
0x203: {  	[tilespmem:$0x2910] =	vst v1  }
0x204: {  	[tilespmem:$0x2900] =	vst v1  }
0x205: {  	[tilespmem:$0x28F0] =	vst v1  }
0x206: {  	[tilespmem:$0x28E0] =	vst v1  }
0x207: {  	[tilespmem:$0x28D0] =	vst v1  }
0x208: {  	[tilespmem:$0x28C0] =	vst v1  }
0x209: {  	[tilespmem:$0x28B0] =	vst v1  }
0x20a: {  	[tilespmem:$0x28A0] =	vst v1  }
0x20b: {  	[tilespmem:$0x2890] =	vst v1  }
0x20c: {  	[tilespmem:$0x2880] =	vst v1  }
0x20d: {  	[tilespmem:$0x2870] =	vst v0  }
0x20e: {  	[tilespmem:$0x2860] =	vst v0  }
0x20f: {  	[tilespmem:$0x2850] =	vst v0  }
0x210: {  	[tilespmem:$0x2840] =	vst v0  }
0x211: {  	[tilespmem:$0x2830] =	vst v0  }
0x212: {  	[tilespmem:$0x2820] =	vst v0  }
0x213: {  	s1 =	rddreg [dreg:$0x4];
	[tilespmem:$0x2810] =	vst v0  }
0x214: {  	[tilespmem:s3], [sflag:$0x2] =	stream.linear.gather [hbm4b:s1+s3], $0x2800, $0x38;
	[tilespmem:$0x2D80] =	vst v63  }
0x215: {  	_ =	swait.ge [sflag:s4], $0x2800  }
0x216: {  	[sflag:s4] =	ssyncset.done $0x0  }
0x217: {  	s31 =	rddreg [dreg:$0x6];
	[sflag:s4] =	ssyncadd.s32 $0xFFFFD800  }
0x218: {  	[spmem:s5] =	stream.linear.scatter [tilespmem:s31], [sflag:$0x2], $0x280, $0x38;
	[tilespmem:$0x2D80] =	vst v63  }
0x219: {  	_ =	swait.ge [sflag:s4], $0x280  }
0x21a: {  	[sflag:s4] =	ssyncset.done $0x0  }
0x21b: {  	[sflag:s4] =	ssyncadd.s32 $0xFFFFFD80  }
0x21c: {  	[bflag:$0x0] =	sbarrier.arrive $0xFFFF  }
0x21d: {  	[spmem:s2] =	stream.indirect.scatter.add.f32 [tilespmem:s7], [sflag:$0x1], $0x1, s3, s6, $0xb8;
	[tilespmem:$0x2D80] =	vst v63  }
0x21e: {  	s1 =	rddreg [dreg:$0x7]  }
0x21f: {  	[spmem:s2] =	stream.indirect.scatter.add.f32 [tilespmem:s7], [sflag:$0x1], $0x1, s6, s6, $0xb8;
	[tilespmem:$0x2D80] =	vst v63  }
0x220: {  	s31 =	rddreg [dreg:$0x8]  }
0x221: {  	[spmem:s2] =	stream.indirect.scatter.add.f32 [tilespmem:s7], [sflag:$0x1], $0x1, s1, s6, $0xb8;
	[tilespmem:$0x2D80] =	vst v63  }
0x222: {  	s1 =	rddreg [dreg:$0x9]  }
0x223: {  	[spmem:s2] =	stream.indirect.scatter.add.f32 [tilespmem:s7], [sflag:$0x1], $0x1, s31, s6, $0xb8;
	[tilespmem:$0x2D80] =	vst v63  }
0x224: {  	s31 =	rddreg [dreg:$0xa]  }
0x225: {  	[spmem:s2] =	stream.indirect.scatter.add.f32 [tilespmem:s7], [sflag:$0x1], $0x1, s1, s6, $0xb8;
	[tilespmem:$0x2D80] =	vst v63  }
0x226: {  	s1 =	rddreg [dreg:$0xb]  }
0x227: {  	[spmem:s2] =	stream.indirect.scatter.add.f32 [tilespmem:s7], [sflag:$0x1], $0x1, s31, s6, $0xb8;
	[tilespmem:$0x2D80] =	vst v63  }
0x228: {  	s31 =	rddreg [dreg:$0xc]  }
0x229: {  	[spmem:s2] =	stream.indirect.scatter.add.f32 [tilespmem:s7], [sflag:$0x1], $0x1, s1, s6, $0xb8;
	[tilespmem:$0x2D80] =	vst v63  }
0x22a: {  	s1 =	rddreg [dreg:$0xd]  }
0x22b: {  	[spmem:s2] =	stream.indirect.scatter.add.f32 [tilespmem:s7], [sflag:$0x1], $0x1, s31, s6, $0xb8;
	[tilespmem:$0x2D80] =	vst v63  }
0x22c: {  	s31 =	rddreg [dreg:$0xe]  }
0x22d: {  	[spmem:s2] =	stream.indirect.scatter.add.f32 [tilespmem:s7], [sflag:$0x1], $0x1, s1, s6, $0xb8;
	[tilespmem:$0x2D80] =	vst v63  }
0x22e: {  	s1 =	rddreg [dreg:$0xf]  }
0x22f: {  	[spmem:s2] =	stream.indirect.scatter.add.f32 [tilespmem:s7], [sflag:$0x1], $0x1, s31, s6, $0xb8;
	[tilespmem:$0x2D80] =	vst v63  }
0x230: {  	s31 =	rddreg [dreg:$0x10]  }
0x231: {  	[spmem:s2] =	stream.indirect.scatter.add.f32 [tilespmem:s7], [sflag:$0x1], $0x1, s1, s6, $0xb8;
	[tilespmem:$0x2D80] =	vst v63  }
0x232: {  	s1 =	rddreg [dreg:$0x11]  }
0x233: {  	[spmem:s2] =	stream.indirect.scatter.add.f32 [tilespmem:s7], [sflag:$0x1], $0x1, s31, s6, $0xb8;
	[tilespmem:$0x2D80] =	vst v63  }
0x234: {  	s31 =	rddreg [dreg:$0x12]  }
0x235: {  	[spmem:s2] =	stream.indirect.scatter.add.f32 [tilespmem:s7], [sflag:$0x1], $0x1, s1, s6, $0xb8;
	[tilespmem:$0x2D80] =	vst v63  }
0x236: {  	s1 =	rddreg [dreg:$0x13]  }
0x237: {  	[spmem:s2] =	stream.indirect.scatter.add.f32 [tilespmem:s7], [sflag:$0x1], $0x1, s31, s6, $0xb8;
	[tilespmem:$0x2D80] =	vst v63  }
0x238: {  	s31 =	rddreg [dreg:$0x14]  }
0x239: {  	[spmem:s2] =	stream.indirect.scatter.add.f32 [tilespmem:s7], [sflag:$0x1], $0x1, s1, s6, $0xb8;
	[tilespmem:$0x2D80] =	vst v63  }
0x23a: {  	s1 =	rddreg [dreg:$0x15]  }
0x23b: {  	[spmem:s2] =	stream.indirect.scatter.add.f32 [tilespmem:s7], [sflag:$0x1], $0x1, s31, s6, $0xb8;
	[tilespmem:$0x2D80] =	vst v63  }
0x23c: {  	s31 =	rddreg [dreg:$0x16]  }
0x23d: {  	[spmem:s2] =	stream.indirect.scatter.add.f32 [tilespmem:s7], [sflag:$0x1], $0x1, s1, s6, $0xb8;
	[tilespmem:$0x2D80] =	vst v63  }
0x23e: {  	s1 =	rddreg [dreg:$0x17]  }
0x23f: {  	[spmem:s2] =	stream.indirect.scatter.add.f32 [tilespmem:s7], [sflag:$0x1], $0x1, s31, s6, $0xb8;
	[tilespmem:$0x2D80] =	vst v63  }
0x240: {  	s31 =	rddreg [dreg:$0x18]  }
0x241: {  	[spmem:s2] =	stream.indirect.scatter.add.f32 [tilespmem:s7], [sflag:$0x1], $0x1, s1, s6, $0xb8;
	[tilespmem:$0x2D80] =	vst v63  }
0x242: {  	s1 =	rddreg [dreg:$0x19]  }
0x243: {  	[spmem:s2] =	stream.indirect.scatter.add.f32 [tilespmem:s7], [sflag:$0x1], $0x1, s31, s6, $0xb8;
	[tilespmem:$0x2D80] =	vst v63  }
0x244: {  	s31 =	rddreg [dreg:$0x1a]  }
0x245: {  	[spmem:s2] =	stream.indirect.scatter.add.f32 [tilespmem:s7], [sflag:$0x1], $0x1, s1, s6, $0xb8;
	[tilespmem:$0x2D80] =	vst v63  }
0x246: {  	s1 =	rddreg [dreg:$0x1b]  }
0x247: {  	[spmem:s2] =	stream.indirect.scatter.add.f32 [tilespmem:s7], [sflag:$0x1], $0x1, s31, s6, $0xb8;
	[tilespmem:$0x2D80] =	vst v63  }
0x248: {  	s31 =	rddreg [dreg:$0x1c]  }
0x249: {  	[spmem:s2] =	stream.indirect.scatter.add.f32 [tilespmem:s7], [sflag:$0x1], $0x1, s1, s6, $0xb8;
	[tilespmem:$0x2D80] =	vst v63  }
0x24a: {  	s1 =	rddreg [dreg:$0x1d]  }
0x24b: {  	[spmem:s2] =	stream.indirect.scatter.add.f32 [tilespmem:s7], [sflag:$0x1], $0x1, s31, s6, $0xb8;
	[tilespmem:$0x2D80] =	vst v63  }
0x24c: {  	s31 =	rddreg [dreg:$0x1e]  }
0x24d: {  	[spmem:s2] =	stream.indirect.scatter.add.f32 [tilespmem:s7], [sflag:$0x1], $0x1, s1, s6, $0xb8;
	[tilespmem:$0x2D80] =	vst v63  }
0x24e: {  	s1 =	rddreg [dreg:$0x1f]  }
0x24f: {  	[spmem:s2] =	stream.indirect.scatter.add.f32 [tilespmem:s7], [sflag:$0x1], $0x1, s31, s6, $0xb8;
	[tilespmem:$0x2D80] =	vst v63  }
0x250: {  	s31 =	sld [smem:$0x7DB]  }
0x251: {  	[spmem:s2] =	stream.indirect.scatter.add.f32 [tilespmem:s7], [sflag:$0x1], $0x1, s1, s6, $0xb8;
	[tilespmem:$0x2D80] =	vst v63  }
0x252: {  	s1 =	sld [smem:$0x7DC]  }
0x253: {  	[spmem:s2] =	stream.indirect.scatter.add.f32 [tilespmem:s7], [sflag:$0x1], $0x1, s31, s6, $0xb8;
	[tilespmem:$0x2D80] =	vst v63  }
0x254: {  	s31 =	sld [smem:$0x7DD]  }
0x255: {  	[spmem:s2] =	stream.indirect.scatter.add.f32 [tilespmem:s7], [sflag:$0x1], $0x1, s1, s6, $0xb8;
	[tilespmem:$0x2D80] =	vst v63  }
0x256: {  	s1 =	sld [smem:$0x7DE]  }
0x257: {  	[spmem:s2] =	stream.indirect.scatter.add.f32 [tilespmem:s7], [sflag:$0x1], $0x1, s31, s6, $0xb8;
	[tilespmem:$0x2D80] =	vst v63  }
0x258: {  	s31 =	sld [smem:$0x7DF]  }
0x259: {  	[spmem:s2] =	stream.indirect.scatter.add.f32 [tilespmem:s7], [sflag:$0x1], $0x1, s1, s6, $0xb8;
	[tilespmem:$0x2D80] =	vst v63  }
0x25a: {  	s1 =	sld [smem:$0x7E0]  }
0x25b: {  	[spmem:s2] =	stream.indirect.scatter.add.f32 [tilespmem:s7], [sflag:$0x1], $0x1, s31, s6, $0xb8;
	[tilespmem:$0x2D80] =	vst v63  }
0x25c: {  	s31 =	sld [smem:$0x7E1]  }
0x25d: {  	[spmem:s2] =	stream.indirect.scatter.add.f32 [tilespmem:s7], [sflag:$0x1], $0x1, s1, s6, $0xb8;
	[tilespmem:$0x2D80] =	vst v63  }
0x25e: {  	s1 =	sld [smem:$0x7E2]  }
0x25f: {  	[spmem:s2] =	stream.indirect.scatter.add.f32 [tilespmem:s7], [sflag:$0x1], $0x1, s31, s6, $0xb8;
	[tilespmem:$0x2D80] =	vst v63  }
0x260: {  	s31 =	sld [smem:$0x7E3]  }
0x261: {  	[spmem:s2] =	stream.indirect.scatter.add.f32 [tilespmem:s7], [sflag:$0x1], $0x1, s1, s6, $0xb8;
	[tilespmem:$0x2D80] =	vst v63  }
0x262: {  	s1 =	sld [smem:$0x7E4]  }
0x263: {  	[spmem:s2] =	stream.indirect.scatter.add.f32 [tilespmem:s7], [sflag:$0x1], $0x1, s31, s6, $0xb8;
	[tilespmem:$0x2D80] =	vst v63  }
0x264: {  	s31 =	sld [smem:$0x7E5]  }
0x265: {  	[spmem:s2] =	stream.indirect.scatter.add.f32 [tilespmem:s7], [sflag:$0x1], $0x1, s1, s6, $0xb8;
	[tilespmem:$0x2D80] =	vst v63  }
0x266: {  	s1 =	sld [smem:$0x7E6]  }
0x267: {  	[spmem:s2] =	stream.indirect.scatter.add.f32 [tilespmem:s7], [sflag:$0x1], $0x1, s31, s6, $0xb8;
	[tilespmem:$0x2D80] =	vst v63  }
0x268: {  	s31 =	sld [smem:$0x7E7]  }
0x269: {  	[spmem:s2] =	stream.indirect.scatter.add.f32 [tilespmem:s7], [sflag:$0x1], $0x1, s1, s6, $0xb8;
	[tilespmem:$0x2D80] =	vst v63  }
0x26a: {  	s1 =	sld [smem:$0x7E8]  }
0x26b: {  	[spmem:s2] =	stream.indirect.scatter.add.f32 [tilespmem:s7], [sflag:$0x1], $0x1, s31, s6, $0xb8;
	[tilespmem:$0x2D80] =	vst v63  }
0x26c: {  	s31 =	sld [smem:$0x7E9]  }
0x26d: {  	[spmem:s2] =	stream.indirect.scatter.add.f32 [tilespmem:s7], [sflag:$0x1], $0x1, s1, s6, $0xb8;
	[tilespmem:$0x2D80] =	vst v63  }
0x26e: {  	s1 =	sld [smem:$0x7EA]  }
0x26f: {  	[spmem:s2] =	stream.indirect.scatter.add.f32 [tilespmem:s7], [sflag:$0x1], $0x1, s31, s6, $0xb8;
	[tilespmem:$0x2D80] =	vst v63  }
0x270: {  	s31 =	sld [smem:$0x7EB]  }
0x271: {  	[spmem:s2] =	stream.indirect.scatter.add.f32 [tilespmem:s7], [sflag:$0x1], $0x1, s1, s6, $0xb8;
	[tilespmem:$0x2D80] =	vst v63  }
0x272: {  	s1 =	sld [smem:$0x7EC]  }
0x273: {  	[spmem:s2] =	stream.indirect.scatter.add.f32 [tilespmem:s7], [sflag:$0x1], $0x1, s31, s6, $0xb8;
	[tilespmem:$0x2D80] =	vst v63  }
0x274: {  	s31 =	sld [smem:$0x7ED]  }
0x275: {  	[spmem:s2] =	stream.indirect.scatter.add.f32 [tilespmem:s7], [sflag:$0x1], $0x1, s1, s6, $0xb8;
	[tilespmem:$0x2D80] =	vst v63  }
0x276: {  	s1 =	sld [smem:$0x7EE]  }
0x277: {  	[spmem:s2] =	stream.indirect.scatter.add.f32 [tilespmem:s7], [sflag:$0x1], $0x1, s31, s6, $0xb8;
	[tilespmem:$0x2D80] =	vst v63  }
0x278: {  	s31 =	sld [smem:$0x7EF]  }
0x279: {  	[spmem:s2] =	stream.indirect.scatter.add.f32 [tilespmem:s7], [sflag:$0x1], $0x1, s1, s6, $0xb8;
	[tilespmem:$0x2D80] =	vst v63  }
0x27a: {  	s1 =	sld [smem:$0x7F0]  }
0x27b: {  	[spmem:s2] =	stream.indirect.scatter.add.f32 [tilespmem:s7], [sflag:$0x1], $0x1, s31, s6, $0xb8;
	[tilespmem:$0x2D80] =	vst v63  }
0x27c: {  	s31 =	sld [smem:$0x7F1]  }
0x27d: {  	[spmem:s2] =	stream.indirect.scatter.add.f32 [tilespmem:s7], [sflag:$0x1], $0x1, s1, s6, $0xb8;
	[tilespmem:$0x2D80] =	vst v63  }
0x27e: {  	s1 =	sld [smem:$0x7F2]  }
0x27f: {  	[spmem:s2] =	stream.indirect.scatter.add.f32 [tilespmem:s7], [sflag:$0x1], $0x1, s31, s6, $0xb8;
	[tilespmem:$0x2D80] =	vst v63  }
0x280: {  	s31 =	sld [smem:$0x7F3]  }
0x281: {  	[spmem:s2] =	stream.indirect.scatter.add.f32 [tilespmem:s7], [sflag:$0x1], $0x1, s1, s6, $0xb8;
	[tilespmem:$0x2D80] =	vst v63  }
0x282: {  	s1 =	sld [smem:$0x7F4]  }
0x283: {  	[spmem:s2] =	stream.indirect.scatter.add.f32 [tilespmem:s7], [sflag:$0x1], $0x1, s31, s6, $0xb8;
	[tilespmem:$0x2D80] =	vst v63  }
0x284: {  	s31 =	sld [smem:$0x7F5]  }
0x285: {  	[spmem:s2] =	stream.indirect.scatter.add.f32 [tilespmem:s7], [sflag:$0x1], $0x1, s1, s6, $0xb8;
	[tilespmem:$0x2D80] =	vst v63  }
0x286: {  	s1 =	sld [smem:$0x7F6]  }
0x287: {  	[spmem:s2] =	stream.indirect.scatter.add.f32 [tilespmem:s7], [sflag:$0x1], $0x1, s31, s6, $0xb8;
	[tilespmem:$0x2D80] =	vst v63  }
0x288: {  	s31 =	sld [smem:$0x7F7]  }
0x289: {  	[spmem:s2] =	stream.indirect.scatter.add.f32 [tilespmem:s7], [sflag:$0x1], $0x1, s1, s6, $0xb8;
	[tilespmem:$0x2D80] =	vst v63  }
0x28a: {  	s1 =	sld [smem:$0x7F8]  }
0x28b: {  	[spmem:s2] =	stream.indirect.scatter.add.f32 [tilespmem:s7], [sflag:$0x1], $0x1, s31, s6, $0xb8;
	[tilespmem:$0x2D80] =	vst v63  }
0x28c: {  	s31 =	sld [smem:$0x7F9]  }
0x28d: {  	[spmem:s2] =	stream.indirect.scatter.add.f32 [tilespmem:s7], [sflag:$0x1], $0x1, s1, s6, $0xb8;
	[tilespmem:$0x2D80] =	vst v63  }
0x28e: {  	s1 =	sld [smem:$0x7FA]  }
0x28f: {  	[spmem:s2] =	stream.indirect.scatter.add.f32 [tilespmem:s7], [sflag:$0x1], $0x1, s31, s6, $0xb8;
	[tilespmem:$0x2D80] =	vst v63  }
0x290: {  	s31 =	sld [smem:$0x7FB]  }
0x291: {  	[spmem:s2] =	stream.indirect.scatter.add.f32 [tilespmem:s7], [sflag:$0x1], $0x1, s1, s6, $0xb8;
	[tilespmem:$0x2D80] =	vst v63  }
0x292: {  	s1 =	sld [smem:$0x7FC]  }
0x293: {  	[spmem:s2] =	stream.indirect.scatter.add.f32 [tilespmem:s7], [sflag:$0x1], $0x1, s31, s6, $0xb8;
	[tilespmem:$0x2D80] =	vst v63  }
0x294: {  	s31 =	sld [smem:$0x7FD]  }
0x295: {  	[spmem:s2] =	stream.indirect.scatter.add.f32 [tilespmem:s7], [sflag:$0x1], $0x1, s1, s6, $0xb8;
	[tilespmem:$0x2D80] =	vst v63  }
0x296: {  	_ = 	snop  }
0x297: {  	[spmem:s2] =	stream.indirect.scatter.add.f32 [tilespmem:s7], [sflag:$0x1], $0x1, s31, s6, $0xb8;
	[tilespmem:$0x2D80] =	vst v63  }
0x298: {  	_ = 	snop  }
0x299: {  	[spmem:s2] =	stream.indirect.scatter.add.f32 [tilespmem:s7], [sflag:$0x1], $0x1, s8, s6, $0xb8;
	[tilespmem:$0x2D80] =	vst v63  }
0x29a: {  	_ = 	snop  }
0x29b: {  	[spmem:s2] =	stream.indirect.scatter.add.f32 [tilespmem:s7], [sflag:$0x1], $0x1, s9, s6, $0xb8;
	[tilespmem:$0x2D80] =	vst v63  }
0x29c: {  	_ = 	snop  }
0x29d: {  	[spmem:s2] =	stream.indirect.scatter.add.f32 [tilespmem:s7], [sflag:$0x1], $0x1, s10, s6, $0xb8;
	[tilespmem:$0x2D80] =	vst v63  }
0x29e: {  	_ = 	snop  }
0x29f: {  	[spmem:s2] =	stream.indirect.scatter.add.f32 [tilespmem:s7], [sflag:$0x1], $0x1, s11, s6, $0xb8;
	[tilespmem:$0x2D80] =	vst v63  }
0x2a0: {  	_ = 	snop  }
0x2a1: {  	[spmem:s2] =	stream.indirect.scatter.add.f32 [tilespmem:s7], [sflag:$0x1], $0x1, s12, s6, $0xb8;
	[tilespmem:$0x2D80] =	vst v63  }
0x2a2: {  	_ = 	snop  }
0x2a3: {  	[spmem:s2] =	stream.indirect.scatter.add.f32 [tilespmem:s7], [sflag:$0x1], $0x1, s13, s6, $0xb8;
	[tilespmem:$0x2D80] =	vst v63  }
0x2a4: {  	_ = 	snop  }
0x2a5: {  	[spmem:s2] =	stream.indirect.scatter.add.f32 [tilespmem:s7], [sflag:$0x1], $0x1, s14, s6, $0xb8;
	[tilespmem:$0x2D80] =	vst v63  }
0x2a6: {  	_ = 	snop  }
0x2a7: {  	[spmem:s2] =	stream.indirect.scatter.add.f32 [tilespmem:s7], [sflag:$0x1], $0x1, s15, s6, $0xb8;
	[tilespmem:$0x2D80] =	vst v63  }
0x2a8: {  	_ = 	snop  }
0x2a9: {  	[spmem:s2] =	stream.indirect.scatter.add.f32 [tilespmem:s7], [sflag:$0x1], $0x1, s16, s6, $0xb8;
	[tilespmem:$0x2D80] =	vst v63  }
0x2aa: {  	_ = 	snop  }
0x2ab: {  	[spmem:s2] =	stream.indirect.scatter.add.f32 [tilespmem:s7], [sflag:$0x1], $0x1, s17, s6, $0xb8;
	[tilespmem:$0x2D80] =	vst v63  }
0x2ac: {  	_ = 	snop  }
0x2ad: {  	[spmem:s2] =	stream.indirect.scatter.add.f32 [tilespmem:s7], [sflag:$0x1], $0x1, s18, s6, $0xb8;
	[tilespmem:$0x2D80] =	vst v63  }
0x2ae: {  	_ = 	snop  }
0x2af: {  	[spmem:s2] =	stream.indirect.scatter.add.f32 [tilespmem:s7], [sflag:$0x1], $0x1, s19, s6, $0xb8;
	[tilespmem:$0x2D80] =	vst v63  }
0x2b0: {  	_ = 	snop  }
0x2b1: {  	[spmem:s2] =	stream.indirect.scatter.add.f32 [tilespmem:s7], [sflag:$0x1], $0x1, s20, s6, $0xb8;
	[tilespmem:$0x2D80] =	vst v63  }
0x2b2: {  	_ = 	snop  }
0x2b3: {  	[spmem:s2] =	stream.indirect.scatter.add.f32 [tilespmem:s7], [sflag:$0x1], $0x1, s21, s6, $0xb8;
	[tilespmem:$0x2D80] =	vst v63  }
0x2b4: {  	_ = 	snop  }
0x2b5: {  	[spmem:s2] =	stream.indirect.scatter.add.f32 [tilespmem:s7], [sflag:$0x1], $0x1, s22, s6, $0xb8;
	[tilespmem:$0x2D80] =	vst v63  }
0x2b6: {  	_ = 	snop  }
0x2b7: {  	[spmem:s2] =	stream.indirect.scatter.add.f32 [tilespmem:s7], [sflag:$0x1], $0x1, s23, s6, $0xb8;
	[tilespmem:$0x2D80] =	vst v63  }
0x2b8: {  	_ = 	snop  }
0x2b9: {  	[spmem:s2] =	stream.indirect.scatter.add.f32 [tilespmem:s7], [sflag:$0x1], $0x1, s24, s6, $0xb8;
	[tilespmem:$0x2D80] =	vst v63  }
0x2ba: {  	_ = 	snop  }
0x2bb: {  	[spmem:s2] =	stream.indirect.scatter.add.f32 [tilespmem:s7], [sflag:$0x1], $0x1, s25, s6, $0xb8;
	[tilespmem:$0x2D80] =	vst v63  }
0x2bc: {  	_ =	swait.ge [sflag:s26], $0x80  }
0x2bd: {  	[sflag:s26] =	ssyncset.done $0x0  }
0x2be: {  	[sflag:s26] =	ssyncadd.s32 $0xFFFFFF80  }
0x2bf: {  	_ =	swait.ge [sflag:s26], $0x80  }
0x2c0: {  	[sflag:s26] =	ssyncset.done $0x0  }
0x2c1: {  	[sflag:s26] =	ssyncadd.s32 $0xFFFFFF80  }
0x2c2: {  	_ =	swait.ge [sflag:s26], $0x80  }
0x2c3: {  	[sflag:s26] =	ssyncset.done $0x0  }
0x2c4: {  	[sflag:s26] =	ssyncadd.s32 $0xFFFFFF80  }
0x2c5: {  	_ =	swait.ge [sflag:s26], $0x80  }
0x2c6: {  	[sflag:s26] =	ssyncset.done $0x0  }
0x2c7: {  	[sflag:s26] =	ssyncadd.s32 $0xFFFFFF80  }
0x2c8: {  	_ =	swait.ge [sflag:s26], $0x80  }
0x2c9: {  	[sflag:s26] =	ssyncset.done $0x0  }
0x2ca: {  	[sflag:s26] =	ssyncadd.s32 $0xFFFFFF80  }
0x2cb: {  	_ =	swait.ge [sflag:s26], $0x80  }
0x2cc: {  	[sflag:s26] =	ssyncset.done $0x0  }
0x2cd: {  	[sflag:s26] =	ssyncadd.s32 $0xFFFFFF80  }
0x2ce: {  	_ =	swait.ge [sflag:s26], $0x80  }
0x2cf: {  	[sflag:s26] =	ssyncset.done $0x0  }
0x2d0: {  	[sflag:s26] =	ssyncadd.s32 $0xFFFFFF80  }
0x2d1: {  	_ =	swait.ge [sflag:s26], $0x80  }
0x2d2: {  	[sflag:s26] =	ssyncset.done $0x0  }
0x2d3: {  	[sflag:s26] =	ssyncadd.s32 $0xFFFFFF80  }
0x2d4: {  	_ =	swait.ge [sflag:s26], $0x80  }
0x2d5: {  	[sflag:s26] =	ssyncset.done $0x0  }
0x2d6: {  	[sflag:s26] =	ssyncadd.s32 $0xFFFFFF80  }
0x2d7: {  	_ =	swait.ge [sflag:s26], $0x80  }
0x2d8: {  	[sflag:s26] =	ssyncset.done $0x0  }
0x2d9: {  	[sflag:s26] =	ssyncadd.s32 $0xFFFFFF80  }
0x2da: {  	_ =	swait.ge [sflag:s26], $0x80  }
0x2db: {  	[sflag:s26] =	ssyncset.done $0x0  }
0x2dc: {  	[sflag:s26] =	ssyncadd.s32 $0xFFFFFF80  }
0x2dd: {  	_ =	swait.ge [sflag:s26], $0x80  }
0x2de: {  	[sflag:s26] =	ssyncset.done $0x0  }
0x2df: {  	[sflag:s26] =	ssyncadd.s32 $0xFFFFFF80  }
0x2e0: {  	_ =	swait.ge [sflag:s26], $0x80  }
0x2e1: {  	[sflag:s26] =	ssyncset.done $0x0  }
0x2e2: {  	[sflag:s26] =	ssyncadd.s32 $0xFFFFFF80  }
0x2e3: {  	_ =	swait.ge [sflag:s26], $0x80  }
0x2e4: {  	[sflag:s26] =	ssyncset.done $0x0  }
0x2e5: {  	[sflag:s26] =	ssyncadd.s32 $0xFFFFFF80  }
0x2e6: {  	_ =	swait.ge [sflag:s26], $0x80  }
0x2e7: {  	[sflag:s26] =	ssyncset.done $0x0  }
0x2e8: {  	[sflag:s26] =	ssyncadd.s32 $0xFFFFFF80  }
0x2e9: {  	_ =	swait.ge [sflag:s26], $0x80  }
0x2ea: {  	[sflag:s26] =	ssyncset.done $0x0  }
0x2eb: {  	[sflag:s26] =	ssyncadd.s32 $0xFFFFFF80  }
0x2ec: {  	_ =	swait.ge [sflag:s26], $0x80  }
0x2ed: {  	[sflag:s26] =	ssyncset.done $0x0  }
0x2ee: {  	[sflag:s26] =	ssyncadd.s32 $0xFFFFFF80  }
0x2ef: {  	_ =	swait.ge [sflag:s26], $0x80  }
0x2f0: {  	[sflag:s26] =	ssyncset.done $0x0  }
0x2f1: {  	[sflag:s26] =	ssyncadd.s32 $0xFFFFFF80  }
0x2f2: {  	_ =	swait.ge [sflag:s26], $0x80  }
0x2f3: {  	[sflag:s26] =	ssyncset.done $0x0  }
0x2f4: {  	[sflag:s26] =	ssyncadd.s32 $0xFFFFFF80  }
0x2f5: {  	_ =	swait.ge [sflag:s26], $0x80  }
0x2f6: {  	[sflag:s26] =	ssyncset.done $0x0  }
0x2f7: {  	[sflag:s26] =	ssyncadd.s32 $0xFFFFFF80  }
0x2f8: {  	_ =	swait.ge [sflag:s26], $0x80  }
0x2f9: {  	[sflag:s26] =	ssyncset.done $0x0  }
0x2fa: {  	[sflag:s26] =	ssyncadd.s32 $0xFFFFFF80  }
0x2fb: {  	_ =	swait.ge [sflag:s26], $0x80  }
0x2fc: {  	[sflag:s26] =	ssyncset.done $0x0  }
0x2fd: {  	[sflag:s26] =	ssyncadd.s32 $0xFFFFFF80  }
0x2fe: {  	_ =	swait.ge [sflag:s26], $0x80  }
0x2ff: {  	[sflag:s26] =	ssyncset.done $0x0  }
0x300: {  	[sflag:s26] =	ssyncadd.s32 $0xFFFFFF80  }
0x301: {  	_ =	swait.ge [sflag:s26], $0x80  }
0x302: {  	[sflag:s26] =	ssyncset.done $0x0  }
0x303: {  	[sflag:s26] =	ssyncadd.s32 $0xFFFFFF80  }
0x304: {  	_ =	swait.ge [sflag:s26], $0x80  }
0x305: {  	[sflag:s26] =	ssyncset.done $0x0  }
0x306: {  	[sflag:s26] =	ssyncadd.s32 $0xFFFFFF80  }
0x307: {  	_ =	swait.ge [sflag:s26], $0x80  }
0x308: {  	[sflag:s26] =	ssyncset.done $0x0  }
0x309: {  	[sflag:s26] =	ssyncadd.s32 $0xFFFFFF80  }
0x30a: {  	_ =	swait.ge [sflag:s26], $0x80  }
0x30b: {  	[sflag:s26] =	ssyncset.done $0x0  }
0x30c: {  	[sflag:s26] =	ssyncadd.s32 $0xFFFFFF80  }
0x30d: {  	_ =	swait.ge [sflag:s26], $0x80  }
0x30e: {  	[sflag:s26] =	ssyncset.done $0x0  }
0x30f: {  	[sflag:s26] =	ssyncadd.s32 $0xFFFFFF80  }
0x310: {  	_ =	swait.ge [sflag:s26], $0x80  }
0x311: {  	[sflag:s26] =	ssyncset.done $0x0  }
0x312: {  	[sflag:s26] =	ssyncadd.s32 $0xFFFFFF80  }
0x313: {  	_ =	swait.ge [sflag:s26], $0x80  }
0x314: {  	[sflag:s26] =	ssyncset.done $0x0  }
0x315: {  	[sflag:s26] =	ssyncadd.s32 $0xFFFFFF80  }
0x316: {  	_ =	swait.ge [sflag:s26], $0x80  }
0x317: {  	[sflag:s26] =	ssyncset.done $0x0  }
0x318: {  	[sflag:s26] =	ssyncadd.s32 $0xFFFFFF80  }
0x319: {  	_ =	swait.ge [sflag:s26], $0x80  }
0x31a: {  	[sflag:s26] =	ssyncset.done $0x0  }
0x31b: {  	[sflag:s26] =	ssyncadd.s32 $0xFFFFFF80  }
0x31c: {  	_ =	swait.ge [sflag:s26], $0x80  }
0x31d: {  	[sflag:s26] =	ssyncset.done $0x0  }
0x31e: {  	[sflag:s26] =	ssyncadd.s32 $0xFFFFFF80  }
0x31f: {  	_ =	swait.ge [sflag:s26], $0x80  }
0x320: {  	[sflag:s26] =	ssyncset.done $0x0  }
0x321: {  	[sflag:s26] =	ssyncadd.s32 $0xFFFFFF80  }
0x322: {  	_ =	swait.ge [sflag:s26], $0x80  }
0x323: {  	[sflag:s26] =	ssyncset.done $0x0  }
0x324: {  	[sflag:s26] =	ssyncadd.s32 $0xFFFFFF80  }
0x325: {  	_ =	swait.ge [sflag:s26], $0x80  }
0x326: {  	[sflag:s26] =	ssyncset.done $0x0  }
0x327: {  	[sflag:s26] =	ssyncadd.s32 $0xFFFFFF80  }
0x328: {  	_ =	swait.ge [sflag:s26], $0x80  }
0x329: {  	[sflag:s26] =	ssyncset.done $0x0  }
0x32a: {  	[sflag:s26] =	ssyncadd.s32 $0xFFFFFF80  }
0x32b: {  	_ =	swait.ge [sflag:s26], $0x80  }
0x32c: {  	[sflag:s26] =	ssyncset.done $0x0  }
0x32d: {  	[sflag:s26] =	ssyncadd.s32 $0xFFFFFF80  }
0x32e: {  	_ =	swait.ge [sflag:s26], $0x80  }
0x32f: {  	[sflag:s26] =	ssyncset.done $0x0  }
0x330: {  	[sflag:s26] =	ssyncadd.s32 $0xFFFFFF80  }
0x331: {  	_ =	swait.ge [sflag:s26], $0x80  }
0x332: {  	[sflag:s26] =	ssyncset.done $0x0  }
0x333: {  	[sflag:s26] =	ssyncadd.s32 $0xFFFFFF80  }
0x334: {  	_ =	swait.ge [sflag:s26], $0x80  }
0x335: {  	[sflag:s26] =	ssyncset.done $0x0  }
0x336: {  	[sflag:s26] =	ssyncadd.s32 $0xFFFFFF80  }
0x337: {  	_ =	swait.ge [sflag:s26], $0x80  }
0x338: {  	[sflag:s26] =	ssyncset.done $0x0  }
0x339: {  	[sflag:s26] =	ssyncadd.s32 $0xFFFFFF80  }
0x33a: {  	_ =	swait.ge [sflag:s26], $0x80  }
0x33b: {  	[sflag:s26] =	ssyncset.done $0x0  }
0x33c: {  	[sflag:s26] =	ssyncadd.s32 $0xFFFFFF80  }
0x33d: {  	_ =	swait.ge [sflag:s26], $0x80  }
0x33e: {  	[sflag:s26] =	ssyncset.done $0x0  }
0x33f: {  	[sflag:s26] =	ssyncadd.s32 $0xFFFFFF80  }
0x340: {  	_ =	swait.ge [sflag:s26], $0x80  }
0x341: {  	[sflag:s26] =	ssyncset.done $0x0  }
0x342: {  	[sflag:s26] =	ssyncadd.s32 $0xFFFFFF80  }
0x343: {  	_ =	swait.ge [sflag:s26], $0x80  }
0x344: {  	[sflag:s26] =	ssyncset.done $0x0  }
0x345: {  	[sflag:s26] =	ssyncadd.s32 $0xFFFFFF80  }
0x346: {  	_ =	swait.ge [sflag:s26], $0x80  }
0x347: {  	[sflag:s26] =	ssyncset.done $0x0  }
0x348: {  	[sflag:s26] =	ssyncadd.s32 $0xFFFFFF80  }
0x349: {  	_ =	swait.ge [sflag:s26], $0x80  }
0x34a: {  	[sflag:s26] =	ssyncset.done $0x0  }
0x34b: {  	[sflag:s26] =	ssyncadd.s32 $0xFFFFFF80  }
0x34c: {  	_ =	swait.ge [sflag:s26], $0x80  }
0x34d: {  	[sflag:s26] =	ssyncset.done $0x0  }
0x34e: {  	[sflag:s26] =	ssyncadd.s32 $0xFFFFFF80  }
0x34f: {  	_ =	swait.ge [sflag:s26], $0x80  }
0x350: {  	[sflag:s26] =	ssyncset.done $0x0  }
0x351: {  	[sflag:s26] =	ssyncadd.s32 $0xFFFFFF80  }
0x352: {  	_ =	swait.ge [sflag:s26], $0x80  }
0x353: {  	[sflag:s26] =	ssyncset.done $0x0  }
0x354: {  	[sflag:s26] =	ssyncadd.s32 $0xFFFFFF80  }
0x355: {  	_ =	swait.ge [sflag:s26], $0x80  }
0x356: {  	[sflag:s26] =	ssyncset.done $0x0  }
0x357: {  	[sflag:s26] =	ssyncadd.s32 $0xFFFFFF80  }
0x358: {  	_ =	swait.ge [sflag:s26], $0x80  }
0x359: {  	[sflag:s26] =	ssyncset.done $0x0  }
0x35a: {  	[sflag:s26] =	ssyncadd.s32 $0xFFFFFF80  }
0x35b: {  	_ =	swait.ge [sflag:s26], $0x80  }
0x35c: {  	[sflag:s26] =	ssyncset.done $0x0  }
0x35d: {  	[sflag:s26] =	ssyncadd.s32 $0xFFFFFF80  }
0x35e: {  	_ =	swait.ge [sflag:s26], $0x80  }
0x35f: {  	[sflag:s26] =	ssyncset.done $0x0  }
0x360: {  	[sflag:s26] =	ssyncadd.s32 $0xFFFFFF80  }
0x361: {  	_ =	swait.ge [sflag:s26], $0x80  }
0x362: {  	[sflag:s26] =	ssyncset.done $0x0  }
0x363: {  	[sflag:s26] =	ssyncadd.s32 $0xFFFFFF80  }
0x364: {  	_ =	swait.ge [sflag:s26], $0x80  }
0x365: {  	[sflag:s26] =	ssyncset.done $0x0  }
0x366: {  	[sflag:s26] =	ssyncadd.s32 $0xFFFFFF80  }
0x367: {  	_ =	swait.ge [sflag:s26], $0x80  }
0x368: {  	[sflag:s26] =	ssyncset.done $0x0  }
0x369: {  	[sflag:s26] =	ssyncadd.s32 $0xFFFFFF80  }
0x36a: {  	_ =	swait.ge [sflag:s26], $0x80  }
0x36b: {  	[sflag:s26] =	ssyncset.done $0x0  }
0x36c: {  	[sflag:s26] =	ssyncadd.s32 $0xFFFFFF80  }
0x36d: {  	_ =	swait.ge [sflag:s26], $0x80  }
0x36e: {  	[sflag:s26] =	ssyncset.done $0x0  }
0x36f: {  	[sflag:s26] =	ssyncadd.s32 $0xFFFFFF80  }
0x370: {  	_ =	swait.ge [sflag:s26], $0x80  }
0x371: {  	[sflag:s26] =	ssyncset.done $0x0  }
0x372: {  	[sflag:s26] =	ssyncadd.s32 $0xFFFFFF80  }
0x373: {  	_ =	swait.ge [sflag:s26], $0x80  }
0x374: {  	[sflag:s26] =	ssyncset.done $0x0  }
0x375: {  	[sflag:s26] =	ssyncadd.s32 $0xFFFFFF80  }
0x376: {  	_ =	swait.ge [sflag:s26], $0x80  }
0x377: {  	[sflag:s26] =	ssyncset.done $0x0  }
0x378: {  	[sflag:s26] =	ssyncadd.s32 $0xFFFFFF80  }
0x379: {  	_ =	swait.ge [sflag:s26], $0x80  }
0x37a: {  	[sflag:s26] =	ssyncset.done $0x0  }
0x37b: {  	[sflag:s26] =	ssyncadd.s32 $0xFFFFFF80  }
0x37c: {  	_ =	swait.ge [sflag:s26], $0x80  }
0x37d: {  	[sflag:s26] =	ssyncset.done $0x0  }
0x37e: {  	[sflag:s26] =	ssyncadd.s32 $0xFFFFFF80  }
0x37f: {  	_ =	swait.ge [sflag:s26], $0x80  }
0x380: {  	[sflag:s26] =	ssyncset.done $0x0  }
0x381: {  	[sflag:s26] =	ssyncadd.s32 $0xFFFFFF80  }
0x382: {  	_ =	swait.ge [sflag:s26], $0x80  }
0x383: {  	[sflag:s26] =	ssyncset.done $0x0  }
0x384: {  	[sflag:s26] =	ssyncadd.s32 $0xFFFFFF80  }
0x385: {  	_ =	swait.ge [sflag:s26], $0x80  }
0x386: {  	[sflag:s26] =	ssyncset.done $0x0  }
0x387: {  	[sflag:s26] =	ssyncadd.s32 $0xFFFFFF80  }
0x388: {  	_ =	swait.ge [sflag:s26], $0x80  }
0x389: {  	[sflag:s26] =	ssyncset.done $0x0  }
0x38a: {  	[sflag:s26] =	ssyncadd.s32 $0xFFFFFF80  }
0x38b: {  	_ =	swait.ge [sflag:s26], $0x80  }
0x38c: {  	[sflag:s26] =	ssyncset.done $0x0  }
0x38d: {  	[sflag:s26] =	ssyncadd.s32 $0xFFFFFF80  }
0x38e: {  	_ =	swait.ge [sflag:s26], $0x80  }
0x38f: {  	[sflag:s26] =	ssyncset.done $0x0  }
0x390: {  	[sflag:s26] =	ssyncadd.s32 $0xFFFFFF80  }
0x391: {  	_ =	swait.ge [sflag:s26], $0x80  }
0x392: {  	[sflag:s26] =	ssyncset.done $0x0  }
0x393: {  	[sflag:s26] =	ssyncadd.s32 $0xFFFFFF80  }
0x394: {  	_ =	swait.ge [sflag:s26], $0x80  }
0x395: {  	[sflag:s26] =	ssyncset.done $0x0  }
0x396: {  	[sflag:s26] =	ssyncadd.s32 $0xFFFFFF80  }
0x397: {  	_ =	swait.ge [sflag:s26], $0x80  }
0x398: {  	[sflag:s26] =	ssyncset.done $0x0  }
0x399: {  	[sflag:s26] =	ssyncadd.s32 $0xFFFFFF80  }
0x39a: {  	_ =	swait.ge [sflag:s26], $0x80  }
0x39b: {  	[sflag:s26] =	ssyncset.done $0x0  }
0x39c: {  	[sflag:s26] =	ssyncadd.s32 $0xFFFFFF80  }
0x39d: {  	_ =	swait.ge [sflag:s26], $0x80  }
0x39e: {  	[sflag:s26] =	ssyncset.done $0x0  }
0x39f: {  	[sflag:s26] =	ssyncadd.s32 $0xFFFFFF80  }
0x3a0: {  	_ =	swait.ge [sflag:s26], $0x80  }
0x3a1: {  	[sflag:s26] =	ssyncset.done $0x0  }
0x3a2: {  	[sflag:s26] =	ssyncadd.s32 $0xFFFFFF80  }
0x3a3: {  	_ =	swait.ge [sflag:s26], $0x80  }
0x3a4: {  	[sflag:s26] =	ssyncset.done $0x0  }
0x3a5: {  	[sflag:s26] =	ssyncadd.s32 $0xFFFFFF80  }
0x3a6: {  	_ =	swait.ge [sflag:s26], $0x80  }
0x3a7: {  	[sflag:s26] =	ssyncset.done $0x0  }
0x3a8: {  	[sflag:s26] =	ssyncadd.s32 $0xFFFFFF80  }
0x3a9: {  	_ =	swait.ge [sflag:s26], $0x80  }
0x3aa: {  	[sflag:s26] =	ssyncset.done $0x0  }
0x3ab: {  	p0 =	sne.s32 s30, $0x1;
	[sflag:s26] =	ssyncadd.s32 $0xFFFFFF80  }
.Ltmp1:
0x3ac: {  	[bflag:$0x0] =	sbarrier.arrive $0xFFFF;
	(pc) =	sbr.rel @p0 .LBB2_1-.Ltmp1, $4  }
0x3ad: {  	s31 =	rddreg [dreg:$0x5]  }
0x3ae: {  	[hbm:s31], [sflag:s28] =	dma.local [spmem:s29], $0x50  }
0x3af: {  	_ =	swait.ge [sflag:s4], $0x50  }
0x3b0: {  	s30 =	sadd.s32 $0xFFFFFFFF, s30;
	[sflag:s4] =	ssyncset.done $0x0  }
.LBB2_2:
0x3b1: {  	[sflag:s4] =	ssyncadd.s32 $0xFFFFFFB0  }
0x3b2: {  	_ =	sfence.sel $0x180000  }
0x3b3: {  	[bflag:$0x0] =	sbarrier.arrive $0xFFFF  }
0x3b4: {  	_ =	strace $0x90000047  }
0x3b5: {  	[bflag:$0x2] =	sbarrier.arrive $0xFFFF  }
0x3b6: {  	p0 =	sne.s32 s0, $0x0;
	s0 =	rddreg [dreg:$0x3]  }
0x3b7: {  	s0 =	sadd.s32 @!p0 $0x100000, s0  }
0x3b8: {  	[sflag:s0] =	ssyncadd.tile.s32 @!p0 $0x1;
	_ =	shalt  }
.Lfunc_end2:
_tile_overlayer_lowered:
.L_overlay_start_2:
0x3b9: {  	(tag) =	ssettag $0x2  }
0x3ba: {  	s0 =	rddreg [dreg:$0x0];
	s2 =	stileid.u32  }
0x3bb: {  	s1 =	rddreg [dreg:$0x1];
	p0 =	sne.s32 s2, $0x0  }
0x3bc: {  	s3 =	rddreg [dreg:$0x2];
	[bflag:$0x3] =	sbarrier.arrive $0xFFFF;
	s2 =	simm.s32 @!p0 $0x1C02  }
0x3bd: {  	[timem:s3], [sflag:s2] =	dma.local @!p0 [hbm:s0], s1  }
0x3be: {  	s0 =	simm.s32 @!p0 $0x2  }
0x3bf: {  	_ =	swait.ge @!p0 [sflag:s0], s1  }
0x3c0: {  	s1 =	ssub.s32 @!p0 $0x0, s1;
	[sflag:s0] =	ssyncset.done @!p0 $0x0  }
0x3c1: {  	[sflag:s0] =	ssyncadd.s32 @!p0 s1  }
0x3c2: {  	[bflag:$0x3] =	sbarrier.arrive $0xFFFF  }
0x3c3: {  	_ =	shalt  }

// kernel: kernel.9.cloned.1.call-start
scs
__scs_entry_jumppad:
0x0: {  	(pc) =	sbr.rel $0x88, $3  }
0x1: {  	(tag) =	ssettag $0x0;
	lr =	simm.s32 $0x1  }
0x2: {  	[smem:$0x3F9A] =	sst lr;
	_ =	strace $0xD0000000  }
0x3: {  	_ = 	snop  }
0x4: {  	_ = 	snop  }
0x5: {  	_ = 	snop  }
0x6: {  	_ = 	snop  }
0x7: {  	_ = 	snop  }
__scs_overlays_trampoline_lowered:
0x8: {  	[smem:$0x3FA9] =	sst s0  }
0x9: {  	[smem:$0x3FAA] =	sst s1  }
0xa: {  	[smem:$0x3FAB] =	sst s2  }
0xb: {  	[smem:$0x3FAC] =	sst s3  }
0xc: {  	[smem:$0x3FAD] =	sst s4  }
0xd: {  	[smem:$0x3FAE] =	sst s5  }
0xe: {  	[smem:$0x3FAF] =	sst s6  }
0xf: {  	[smem:$0x3FB0] =	sst s7  }
0x10: {  	[smem:$0x3FB1] =	sst s8  }
0x11: {  	[smem:$0x3FB2] =	sst s9;
	s0 =	simm.s32 @!p0 $0x0  }
0x12: {  	s1 =	sld [smem:$0x3F98];
	s0 =	simm.s32 @p0 $0x1  }
0x13: {  	[smem:$0x3FB3] =	sst s0;
	s0 =	simm.s32 @!p1 $0x0  }
0x14: {  	s2 =	sld [smem:$0x3F97];
	s0 =	simm.s32 @p1 $0x1  }
0x15: {  	[smem:$0x3FB4] =	sst s0;
	s0 =	simm.s32 @!p2 $0x0  }
0x16: {  	s3 =	sld [smem:$0x3FDB];
	s0 =	simm.s32 @p2 $0x1  }
0x17: {  	s4 =	simm.s32 $0x1BF5;
	[smem:$0x3FB6] =	sst s0  }
0x18: {  	s0 =	sld [smem:$0x3F99];
	_ =	swait.ge [sflag:s4], $0x0  }
0x19: {  	s7 =	sld [smem:$0x3F9A]  }
0x1a: {  	s8 =	sadd.s32 $0xFFFFE003, lr  }
0x1b: {  	s9 =	sadd.s32 $0xFFFFFEF7, lr;
	s5 =	simm.s32 $0xFFFFFFFF;
	p2 =	slt.u32 s8, $0xFFFFF086  }
0x1c: {  	p1 =	slt.u32 s9, $0xF7A;
	s5 =	simm.s32 @!p2 $0x0  }
0x1d: {  	s5 =	simm.s32 @p1 $0x1;
	p0 =	seq.s32 s7, s2  }
0x1e: {  	s7 =	smul.u32 @!p0 $0xF7A, s2;
	p2 =	seq.s32 @!p0 s5, $0x0  }
0x1f: {  	s9 =	smul.u32 $0xF7A, s1;
	s8 =	simm.s32 @!p0 $0x1BF5;
	p2 =	por !p2, p0  }
0x20: {  	[sflag:s8] =	ssyncset.s32 @!p0 $0xFFFFF086;
	s6 =	sadd.s32 @!p0 s3, s7;
	s7 =	simm.s32 @!p0 $0x108  }
0x21: {  	s3 =	sadd.s32 s3, s9;
	s6 =	sadd.s32 @!p0 $0x88, s6;
	s7 =	simm.s32 @p2 $0x1082  }
0x22: {  	[simem:s7], [sflag:s8] =	dma.local @!p0 [hbm:s6], $0xF7A  }
0x23: {  	s9 =	sor.u32 $0xD0000000, s2;
	s6 =	simm.s32 $0x108;
	_ =	swait.ge @!p0 [sflag:s8], $0x0  }
0x24: {  	s3 =	sadd.s32 $0x88, s3;
	s6 =	simm.s32 @!p1 $0x1082;
	[sflag:s4] =	ssyncset.s32 $0xFFFFF086  }
0x25: {  	[simem:s6], [sflag:s4] =	dma.local [hbm:s3], $0xF7A  }
0x26: {  	[smem:$0x3F9A] =	sst s1;
	(tag) =	ssettag s2;
	_ =	strace s9  }
0x27: {  	s1 =	sld [smem:$0x3FAA]  }
0x28: {  	s2 =	sld [smem:$0x3FAB]  }
0x29: {  	s4 =	sld [smem:$0x3FAD]  }
0x2a: {  	p0 =	seq.s32 s5, $0x0;
	s5 =	sld [smem:$0x3FAE]  }
0x2b: {  	s6 =	sld [smem:$0x3FAF]  }
0x2c: {  	s7 =	sld [smem:$0x3FB0]  }
0x2d: {  	s3 =	simm.s32 $0x108;
	s8 =	sld [smem:$0x3FB1]  }
0x2e: {  	s3 =	simm.s32 @!p0 $0x1082;
	s9 =	sld [smem:$0x3FB2]  }
0x2f: {  	lr =	sadd.s32 s0, s3;
	s0 =	sld [smem:$0x3FA9]  }
0x30: {  	s3 =	sld [smem:$0x3FAC]  }
0x31: {  	[smem:$0x3FB5] =	sst s10  }
0x32: {  	s10 =	sld [smem:$0x3FB3];
	_ =	sdelay $0x3  }
0x33: {  	p0 =	seq.s32 s10, $0x1;
	s10 =	sld [smem:$0x3FB5];
	_ =	sdelay $0x3  }
0x34: {  	[smem:$0x3FB5] =	sst s10  }
0x35: {  	s10 =	sld [smem:$0x3FB4];
	_ =	sdelay $0x3  }
0x36: {  	p1 =	seq.s32 s10, $0x1;
	s10 =	sld [smem:$0x3FB5];
	_ =	sdelay $0x3  }
0x37: {  	[smem:$0x3FB5] =	sst s10  }
0x38: {  	s10 =	sld [smem:$0x3FB6]  }
0x39: {  	_ = 	snop;
	(pc) =	sbr.ind lr, $3  }
0x3a: {  	_ = 	snop  }
0x3b: {  	_ = 	snop  }
0x3c: {  	p2 =	seq.s32 s10, $0x1;
	s10 =	sld [smem:$0x3FB5]  }
0x3d: {  	_ =	shalt  }
0x3e: {  	_ =	shalt  }
0x3f: {  	_ =	shalt  }
0x40: {  	_ =	shalt  }
0x41: {  	_ =	shalt  }
0x42: {  	_ =	shalt  }
0x43: {  	_ =	shalt  }
0x44: {  	_ =	shalt  }
0x45: {  	_ =	shalt  }
0x46: {  	_ =	shalt  }
0x47: {  	_ =	shalt  }
0x48: {  	_ =	shalt  }
0x49: {  	_ =	shalt  }
0x4a: {  	_ =	shalt  }
0x4b: {  	_ =	shalt  }
0x4c: {  	_ =	shalt  }
0x4d: {  	_ =	shalt  }
0x4e: {  	_ =	shalt  }
0x4f: {  	_ =	shalt  }
0x50: {  	_ =	shalt  }
0x51: {  	_ =	shalt  }
0x52: {  	_ =	shalt  }
0x53: {  	_ =	shalt  }
0x54: {  	_ =	shalt  }
0x55: {  	_ =	shalt  }
0x56: {  	_ =	shalt  }
0x57: {  	_ =	shalt  }
0x58: {  	_ =	shalt  }
0x59: {  	_ =	shalt  }
0x5a: {  	_ =	shalt  }
0x5b: {  	_ =	shalt  }
0x5c: {  	_ =	shalt  }
0x5d: {  	_ =	shalt  }
0x5e: {  	_ =	shalt  }
0x5f: {  	_ =	shalt  }
0x60: {  	_ =	shalt  }
0x61: {  	_ =	shalt  }
0x62: {  	_ =	shalt  }
0x63: {  	_ =	shalt  }
0x64: {  	_ =	shalt  }
0x65: {  	_ =	shalt  }
0x66: {  	_ =	shalt  }
0x67: {  	_ =	shalt  }
0x68: {  	_ =	shalt  }
0x69: {  	_ =	shalt  }
0x6a: {  	_ =	shalt  }
0x6b: {  	_ =	shalt  }
0x6c: {  	_ =	shalt  }
0x6d: {  	_ =	shalt  }
0x6e: {  	_ =	shalt  }
0x6f: {  	_ =	shalt  }
0x70: {  	_ =	shalt  }
0x71: {  	_ =	shalt  }
0x72: {  	_ =	shalt  }
0x73: {  	_ =	shalt  }
0x74: {  	_ =	shalt  }
0x75: {  	_ =	shalt  }
0x76: {  	_ =	shalt  }
0x77: {  	_ =	shalt  }
0x78: {  	_ =	shalt  }
0x79: {  	_ =	shalt  }
0x7a: {  	_ =	shalt  }
0x7b: {  	_ =	shalt  }
0x7c: {  	_ =	shalt  }
0x7d: {  	_ =	shalt  }
0x7e: {  	_ =	shalt  }
0x7f: {  	_ =	shalt  }
0x80: {  	_ =	shalt  }
0x81: {  	_ =	shalt  }
0x82: {  	_ =	shalt  }
0x83: {  	_ =	shalt  }
0x84: {  	_ =	shalt  }
0x85: {  	_ =	shalt  }
0x86: {  	_ =	shalt  }
0x87: {  	_ =	shalt  }
.Lfunc_end0:
.L_simem_size_0:
called_computation.1_lowered:
.L_overlay_start_0:
0x88: {  	s2 =	sld [smem:$0x3FD9]  }
0x89: {  	s3 =	sld [smem:$0x3FFE];
	_ =	sdelay $0x1  }
0x8a: {  	s1 =	srdreg.scid  }
0x8b: {  	s0 =	sand.u32 $0x1, s1  }
0x8c: {  	s17 =	sshll.u32 s0, $0xA;
	s2 =	sadd.s32 s3, s2  }
0x8d: {  	s2 =	sadd.s32 s2, s17  }
0x8e: {  	[smem:$0x3FC1] =	sst s2  }
0x8f: {  	_ = 	snop  }
0x90: {  	s2 =	sld [smem:$0x3FD0];
	(tm) =	ssettm $0x1  }
0x91: {  	s18 =	sld [smem:$0x3FFB];
	_ =	sdelay $0x3  }
0x92: {  	_ =	strace s18  }
0x93: {  	s3 =	sld [smem:$0x3FFC];
	_ =	sdelay $0x3  }
0x94: {  	_ =	strace s3  }
0x95: {  	s3 =	sld [smem:$0x3FFD];
	_ =	sdelay $0x3  }
0x96: {  	_ =	strace s3  }
0x97: {  	_ =	strace $0x8FFFFFFF  }
0x98: {  	s19 =	sld [smem:$0x3FDB];
	_ =	sdelay $0x1  }
0x99: {  	s4 =	simm.s32 $_scs_section_size  }
0x9a: {  	s5 =	simm.s32 $_size__tile_overlayer_lowered;
	s6 =	simm.s32 $_tile_overlayer_lowered  }
0x9b: {  	s22 =	simm.s32 $0x1BFF;
	s21 =	sshll.u32 s6, $0x1;
	s3 =	sadd.s32 s4, s19  }
0x9c: {  	s7 =	simm.s32 $0x0;
	s20 =	sshll.u32 s5, $0x1;
	s5 =	sadd.s32 s21, s3  }
0x9d: {  	[timem:s7], [sflag:s22] =	dma.local [hbm:s5], s20  }
0x9e: {  	_ =	swait.ge [sflag:s22], s20  }
0x9f: {  	s4 =	ssub.s32 $0x0, s20;
	[sflag:s22] =	ssyncset.done $0x0  }
0xa0: {  	[sflag:s22] =	ssyncadd.s32 s4;
	_ =	sdelay $0x1  }
0xa1: {  	s23 =	simm.s32 $0x1B8B  }
0xa2: {  	_ =	swait.ge [sflag:s23], $0x1  }
0xa3: {  	[sflag:s23] =	ssyncset.done $0x0  }
0xa4: {  	s25 =	simm.s32 $0x1B8E;
	s24 =	sld [smem:$0x3FFE];
	[sflag:s23] =	ssyncadd.s32 $0xFFFFFFFF  }
0xa5: {  	s26 =	simm.s32 $execute0_lowered;
	[smem:$0x3FD2] =	sst s25  }
0xa6: {  	s5 =	sshll.u32 s26, $0x1;
	_ =	strace $0x80000049;
	[dreg:$0x1] =	wrdreg $0xFFFFFFFF  }
0xa7: {  	s28 =	simm.s32 $_size_execute0_lowered;
	s3 =	sadd.s32 s3, s5;
	[dreg:$0x0] =	wrdreg $0x0  }
0xa8: {  	s5 =	sshll.u32 s28, $0x1;
	[dreg:$0x2] =	wrdreg s3  }
0xa9: {  	[dreg:$0x3] =	wrdreg s5  }
0xaa: {  	[dreg:$0x4] =	wrdreg $0xC0  }
0xab: {  	_ =	task [dreg:s7], $0x5FFFF  }
0xac: {  	[dreg:$0x1] =	wrdreg $0xFFFFFFFF  }
0xad: {  	[dreg:$0x0] =	wrdreg $0x60  }
0xae: {  	[dreg:$0x2] =	wrdreg s2  }
0xaf: {  	[dreg:$0x3] =	wrdreg s24  }
0xb0: {  	[dreg:$0x4] =	wrdreg $0x90000  }
0xb1: {  	[dreg:$0x5] =	wrdreg $0x9  }
0xb2: {  	_ =	task.clear_ibuf [dreg:s7], $0x6FFFF;
	_ =	strace $0x90000049  }
0xb3: {  	s29 =	simm.s32 $0x9;
	_ =	strace $0x8000004B  }
0xb4: {  	_ =	swait.ge [sflag:s29], $0x1  }
0xb5: {  	[sflag:s29] =	ssyncadd.s32 $0xFFFFFFFF  }
0xb6: {  	_ =	strace $0x9000004B  }
0xb7: {  	_ =	sfence  }
0xb8: {  	s30 =	sld [smem:$0x0];
	_ =	sdelay $0x2  }
0xb9: {  	s31 =	sshll.u32 s1, $0xD;
	s1 =	sshrl.u32 s1, $0x2  }
0xba: {  	s3 =	sand.u32 $0x4000, s31;
	s1 =	sadd.s32 s1, s30  }
0xbb: {  	s0 =	sor.u32 s3, s0;
	s1 =	sshll.u32 s1, $0x11  }
0xbc: {  	s0 =	sor.u32 s1, s0  }
0xbd: {  	s0 =	sadd.s32 $0x8F2B, s0  }
0xbe: {  	[sflag:s0] =	ssyncadd.remote.s32 $0x1  }
0xbf: {  	_ =	sfence.sel $0xFFFF  }
0xc0: {  	[dreg:$0x0] =	wrdreg $0xFFFFFFFF;
	(pc) =	sbr.abs _section_cstart, $3  }
0xc1: {  	[dreg:$0x1] =	wrdreg $0xFFFFFFFF  }
0xc2: {  	_ =	task.clear_ibuf [dreg:s7], $0x2FFFF;
	_ =	strace $0x9FFFFFFF  }
0xc3: {  	(tm) =	ssettm $0x7FFFFFFF  }
tec
execute0_lowered:
.L_overlay_start_1:
0x0: {  	(tag) =	ssettag $0x1  }
0x1: {  	s1 =	rddreg [dreg:$0x0]  }
0x2: {  	s2 =	srdreg.scid;
	s5 =	rddreg [dreg:$0x1]  }
0x3: {  	s0 =	stileid.u32;
	s3 =	rddreg [dreg:$0x2];
	s4 =	simm.s32 $0x0  }
0x4: {  	s14 =	simm.s32 $0x80;
	s15 =	simm.s32 $0x5000;
	s16 =	simm.s32 $0x1  }
0x5: {  	s17 =	simm.s32 $0x0;
	s6 =	sand.u32 $0x1, s2;
	s2 =	rddreg [dreg:$0x3]  }
0x6: {  	s30 =	sshll.u32 s0, $0x1;
	[smem:$0x7FF] =	sst s4;
	s8 =	smul.u32 $0x2800, s0  }
0x7: {  	s10 =	smul.u32 $0x50000, s0;
	s12 =	sshll.u32 s0, $0x6;
	s7 =	sor.u32 s6, s30  }
0x8: {  	_ =	strace $0x8000004A;
	s9 =	smul.u32 $0x28000, s6;
	s6 =	ssub.s32 $0x2, s6  }
0x9: {  	s12 =	sor.u32 $0x1C02, s12;
	s7 =	smul.u32 $0x500, s7;
	s11 =	sadd.s32 s8, s5  }
0xa: {  	s31 =	sshrl.u32 s6, $0x1;
	s10 =	sshrl.u32 s10, $0x2;
	s8 =	sadd.s32 s8, s9  }
0xb: {  	s9 =	ssub.s32 s6, s31;
	s13 =	sadd.s32 s10, s3;
	s10 =	simm.s32 $0x2  }
0xc: {  	s7 =	sadd.s32 s7, s5;
	s8 =	sadd.s32 s8, s5;
	s9 =	smax.u32 s9, $0x1  }
0xd: {  	s13 =	sshrl.u32 s13, $0x3;
	s5 =	sadd.s32 $0xBE00, s7;
	s6 =	sadd.s32 $0x1E00, s7  }
0xe: {  	s7 =	sadd.s32 $0x15E00, s11;
	s8 =	sadd.s32 $0x3DE00, s8;
	s11 =	simm.s32 $0x2800  }
.LBB2_1:
0xf: {  	[tilespmem:s4], [sflag:$0x2] =	stream.linear.gather [hbm4b:s5+s4], $0x2800, $0x38;
	[tilespmem:$0x1D000] =	vst v63  }
0x10: {  	_ =	swait.ge [sflag:s10], $0x2800  }
0x11: {  	[sflag:s10] =	ssyncset.done $0x0  }
0x12: {  	[sflag:s10] =	ssyncadd.s32 $0xFFFFD800  }
0x13: {  	[tilespmem:s11], [sflag:$0x2] =	stream.linear.gather [hbm4b:s6+s4], $0x2800, $0x38;
	[tilespmem:$0x1D000] =	vst v63  }
0x14: {  	_ =	swait.ge [sflag:s10], $0x2800  }
0x15: {  	[sflag:s10] =	ssyncset.done $0x0  }
0x16: {  	[sflag:s10] =	ssyncadd.s32 $0xFFFFD800  }
0x17: {  	[spmem:s13], [sflag:s12] =	dma.local [hbm:s7], $0x2800  }
0x18: {  	_ =	swait.ge [sflag:s10], $0x2800  }
0x19: {  	[sflag:s10] =	ssyncset.done $0x0  }
0x1a: {  	[sflag:s10] =	ssyncadd.s32 $0xFFFFD800  }
0x1b: {  	s18 =	simm.s32 $0x0;
	[bflag:$0x0] =	sbarrier.arrive $0xFFFF  }
0x1c: {  	[tilespmem:s15], [sflag:$0x1] =	stream.indirect.gather [hbm4b:s1+s14], $0x80, s18, s14, $0xb8;
	[tilespmem:$0x1D000] =	vst v63  }
0x1d: {  	_ =	swait.ge [sflag:s16], $0x4000  }
0x1e: {  	[sflag:s16] =	ssyncset.done $0x0  }
0x1f: {  	s31 =	simm.s32 $0x2800;
	[sflag:s16] =	ssyncadd.s32 $0xFFFFC000  }
0x20: {  	[spmem:s3] =	stream.indirect.scatter.add.f32 [tilespmem:s15], [sflag:$0x2], $0x80, s31, s14, $0xb8;
	[tilespmem:$0x1D000] =	vst v63  }
0x21: {  	_ =	swait.ge [sflag:s10], $0x4000  }
0x22: {  	s19 =	simm.s32 $0x400;
	s18 =	simm.s32 $0x200;
	[sflag:s10] =	ssyncset.done $0x0  }
.LBB2_2:
0x23: {  	s20 =	sshra.s32 s18, $0x2  }
0x24: {  	[sflag:s10] =	ssyncadd.s32 $0xFFFFC000;
	s18 =	smov.u32 s19;
	s21 =	sadd.s32 $0x200, s19  }
0x25: {  	[tilespmem:s15], [sflag:$0x1] =	stream.indirect.gather [hbm4b:s1+s14], $0x80, s20, s14, $0xb8;
	[tilespmem:$0x1D000] =	vst v63  }
0x26: {  	p0 =	sne.s32 s19, $0x9E00;
	_ =	swait.ge [sflag:s16], $0x4000  }
.Ltmp0:
0x27: {  	[sflag:s16] =	ssyncset.done $0x0;
	(pc) =	sbr.rel @p0 .LBB2_2-.Ltmp0, $4  }
0x28: {  	s19 =	sadd.s32 $0x2800, s20;
	[sflag:s16] =	ssyncadd.s32 $0xFFFFC000  }
0x29: {  	[spmem:s3] =	stream.indirect.scatter.add.f32 [tilespmem:s15], [sflag:$0x2], $0x80, s19, s14, $0xb8;
	[tilespmem:$0x1D000] =	vst v63  }
0x2a: {  	_ =	swait.ge [sflag:s10], $0x4000  }
0x2b: {  	s19 =	smov.u32 s21;
	[sflag:s10] =	ssyncset.done $0x0  }
0x2c: {  	s18 =	sshra.s32 s18, $0x2;
	[sflag:s10] =	ssyncadd.s32 $0xFFFFC000  }
0x2d: {  	[tilespmem:s15], [sflag:$0x1] =	stream.indirect.gather [hbm4b:s1+s14], $0x80, s18, s14, $0xb8;
	[tilespmem:$0x1D000] =	vst v63  }
0x2e: {  	_ =	swait.ge [sflag:s16], $0x4000  }
0x2f: {  	[sflag:s16] =	ssyncset.done $0x0  }
0x30: {  	s18 =	sadd.s32 $0x2800, s18;
	[sflag:s16] =	ssyncadd.s32 $0xFFFFC000  }
0x31: {  	[spmem:s3] =	stream.indirect.scatter.add.f32 [tilespmem:s15], [sflag:$0x2], $0x80, s18, s14, $0xb8;
	[tilespmem:$0x1D000] =	vst v63  }
0x32: {  	_ =	swait.ge [sflag:s10], $0x4000  }
0x33: {  	s17 =	sadd.s32 $0x1, s17;
	[sflag:s10] =	ssyncset.done $0x0  }
0x34: {  	p0 =	sne.s32 s17, s9;
	[sflag:s10] =	ssyncadd.s32 $0xFFFFC000  }
.Ltmp1:
0x35: {  	[bflag:$0x0] =	sbarrier.arrive $0xFFFF;
	(pc) =	sbr.rel @p0 .LBB2_1-.Ltmp1, $4  }
0x36: {  	[hbm:s8], [sflag:s12] =	dma.local [spmem:s13], $0x2800  }
0x37: {  	_ =	swait.ge [sflag:s10], $0x2800  }
0x38: {  	[sflag:s10] =	ssyncset.done $0x0  }
0x39: {  	[sflag:s10] =	ssyncadd.s32 $0xFFFFD800  }
0x3a: {  	_ =	sfence.sel $0x180000  }
0x3b: {  	[bflag:$0x0] =	sbarrier.arrive $0xFFFF  }
0x3c: {  	p0 =	sne.s32 s0, $0x0;
	_ =	strace $0x9000004A  }
0x3d: {  	s0 =	sadd.s32 @!p0 $0x100000, s2;
	[bflag:$0x2] =	sbarrier.arrive $0xFFFF  }
0x3e: {  	[sflag:s0] =	ssyncadd.tile.s32 @!p0 $0x1;
	_ =	shalt  }
.Lfunc_end2:
_tile_overlayer_lowered:
.L_overlay_start_2:
0x3f: {  	(tag) =	ssettag $0x2  }
0x40: {  	s0 =	rddreg [dreg:$0x0];
	s2 =	stileid.u32  }
0x41: {  	s1 =	rddreg [dreg:$0x1];
	p0 =	sne.s32 s2, $0x0  }
0x42: {  	s3 =	rddreg [dreg:$0x2];
	[bflag:$0x3] =	sbarrier.arrive $0xFFFF;
	s2 =	simm.s32 @!p0 $0x1C02  }
0x43: {  	[timem:s3], [sflag:s2] =	dma.local @!p0 [hbm:s0], s1  }
0x44: {  	s0 =	simm.s32 @!p0 $0x2  }
0x45: {  	_ =	swait.ge @!p0 [sflag:s0], s1  }
0x46: {  	s1 =	ssub.s32 @!p0 $0x0, s1;
	[sflag:s0] =	ssyncset.done @!p0 $0x0  }
0x47: {  	[sflag:s0] =	ssyncadd.s32 @!p0 s1  }
0x48: {  	[bflag:$0x3] =	sbarrier.arrive $0xFFFF  }
0x49: {  	_ =	shalt  }

</sc_bundles>
